<compile_context>
chip_gen: v7x
topology: tpu7x:2x2x1
jax: 0.10.2.dev20260603
libtpu: 0.0.44.dev20260713+nightly
codegen_flags: <defaults>
</compile_context>

<pallas_src>
import functools

import jax
import jax.numpy as jnp
from jax import lax
from jax.experimental import pallas as pl
from jax.experimental.pallas import tpu as pltpu
from jax.experimental.pallas import tpu_sc as plsc

_SELECTION_RATIO = 0.7
_N_BISECT = 30
_SC_ROWS = 2048
_NW = 32
_BLK = 1024


def _dot(a, b, precision=None):
    return jax.lax.dot_general(
        a, b, (((1,), (0,)), ((), ())),
        preferred_element_type=jnp.float32,
        precision=precision,
    )


def _tc_body(k, n_sc_blocks, x_ref, w1_ref, b1_ref, w2_ref, b2_ref, wg1_ref,
             bg1_ref, wg2_ref, bg2_ref, sel_ref, comb_ref, bits_ref,
             mask_ref):
    x = x_ref[...]
    h = jnp.maximum(_dot(x, w1_ref[...]) + b1_ref[...], 0.0)
    att = jax.nn.sigmoid(_dot(h, w2_ref[...]) + b2_ref[...])
    hg = jnp.maximum(_dot(x, wg1_ref[...]) + bg1_ref[...], 0.0)
    gate = jax.nn.sigmoid(_dot(hg, wg2_ref[...]) + bg2_ref[...])
    s = att * gate
    comb_ref[...] = s
    ki = jax.lax.bitcast_convert_type(s, jnp.int32)
    bits_ref[...] = ki

    @pl.when(pl.program_id(0) >= n_sc_blocks)
    def _selection():
        rows = s.shape[0]
        kit = ki.T
        lo_t = jnp.zeros((1, rows), jnp.int32)
        hi_t = jnp.full((1, rows), 0x40000000, jnp.int32)
        for _ in range(_N_BISECT):
            mid = (lo_t + hi_t) >> 1
            cnt = jnp.sum((kit >= mid).astype(jnp.int32), axis=0,
                          keepdims=True)
            big = cnt >= k
            lo_t = jnp.where(big, mid, lo_t)
            hi_t = jnp.where(big, hi_t, mid)
        cgt_t = jnp.sum((kit > lo_t).astype(jnp.int32), axis=0,
                        keepdims=True)
        thr = lo_t.T
        c_gt = cgt_t.T

        gt = ki > thr
        eq = ki == thr
        eq_f = eq.astype(jnp.float32)
        d = s.shape[1]
        tri = (jax.lax.broadcasted_iota(jnp.int32, (d, d), 0)
               < jax.lax.broadcasted_iota(jnp.int32, (d, d), 1)
               ).astype(jnp.float32)
        prefix = _dot(eq_f, tri)
        sel_eq = eq & (prefix < (k - c_gt).astype(jnp.float32))
        mask = (gt | sel_eq).astype(jnp.float32)

        mask_ref[...] = mask
        sel_ref[...] = x * mask


def _sc_mask_body(k, rows_w, x_hbm, bits_hbm, mask_hbm, sel_hbm,
                  xv, cv, mv, sv):
    wid = lax.axis_index("s") * 2 + lax.axis_index("c")
    base = wid * rows_w
    pltpu.sync_copy(bits_hbm.at[pl.ds(base, rows_w)], cv)
    pltpu.sync_copy(x_hbm.at[pl.ds(base, rows_w)], xv)

    kvec = jnp.full((16,), k, jnp.int32)
    one_f = jnp.full((16,), 1.0, jnp.float32)
    zero_f = jnp.zeros((16,), jnp.float32)

    def row_body(r, carry):
        kis = [cv[r, pl.ds(16 * v, 16)] for v in range(8)]
        lo = jnp.zeros((16,), jnp.int32)
        hi = jnp.full((16,), 0x40000000, jnp.int32)
        for _ in range(_N_BISECT):
            mid = (lo + hi) >> 1
            cnt = jnp.zeros((16,), jnp.int32)
            for v in range(8):
                cnt = cnt + plsc.all_reduce_population_count(kis[v] >= mid)
            big = cnt >= kvec
            lo = jnp.where(big, mid, lo)
            hi = jnp.where(big, hi, mid)
        thr = lo
        c_gt = jnp.zeros((16,), jnp.int32)
        for v in range(8):
            c_gt = c_gt + plsc.all_reduce_population_count(kis[v] > thr)
        limit = kvec - c_gt
        run = jnp.zeros((16,), jnp.int32)
        for v in range(8):
            gt = kis[v] > thr
            eq = kis[v] == thr
            eq_i = jnp.where(eq, 1, 0)
            excl = plsc.cumsum(eq_i) - eq_i + run
            sel_eq = eq & (excl < limit)
            m = jnp.where(gt | sel_eq, one_f, zero_f)
            mv[r, pl.ds(16 * v, 16)] = m
            sv[r, pl.ds(16 * v, 16)] = xv[r, pl.ds(16 * v, 16)] * m
            run = run + plsc.all_reduce_population_count(eq)
        return carry

    lax.fori_loop(0, rows_w, row_body, 0)
    pltpu.sync_copy(mv, mask_hbm.at[pl.ds(base, rows_w)])
    pltpu.sync_copy(sv, sel_hbm.at[pl.ds(base, rows_w)])


def _sc_mask(x, bits, sc_rows, k):
    d = x.shape[1]
    rows_w = sc_rows // _NW
    mesh = plsc.VectorSubcoreMesh(core_axis_name="c", subcore_axis_name="s")
    fn = pl.kernel(
        functools.partial(_sc_mask_body, k, rows_w),
        out_type=[jax.ShapeDtypeStruct((sc_rows, d), jnp.float32)] * 2,
        mesh=mesh,
        compiler_params=pltpu.CompilerParams(needs_layout_passes=False),
        scratch_types=[
            pltpu.VMEM((rows_w, d), jnp.float32),
            pltpu.VMEM((rows_w, d), jnp.int32),
            pltpu.VMEM((rows_w, d), jnp.float32),
            pltpu.VMEM((rows_w, d), jnp.float32),
        ],
    )
    mask_sc, sel_sc = fn(x, bits)
    return mask_sc, sel_sc


def kernel(x, W1, b1, W2, b2, Wg1, bg1, Wg2, bg2):
    bsz, d = x.shape
    hdim = W1.shape[1]
    k = int(_SELECTION_RATIO * d)
    blk = min(bsz, _BLK)
    n_blocks = bsz // blk
    sc_rows = _SC_ROWS if bsz % blk == 0 and _SC_ROWS % blk == 0 \
        and _SC_ROWS % _NW == 0 and bsz - _SC_ROWS >= blk else 0
    n_sc_blocks = sc_rows // blk

    b1r = b1.reshape(1, hdim)
    b2r = b2.reshape(1, d)
    bg1r = bg1.reshape(1, hdim)
    bg2r = bg2.reshape(1, 1)

    full = lambda shape: pl.BlockSpec(shape, lambda i: (0, 0))
    rowblk = lambda shape: pl.BlockSpec(shape, lambda i: (i, 0))

    sel_tc, comb, bits, mask_tc = pl.pallas_call(
        functools.partial(_tc_body, k, n_sc_blocks),
        grid=(n_blocks,),
        in_specs=[
            rowblk((blk, d)),
            full((d, hdim)), full((1, hdim)),
            full((hdim, d)), full((1, d)),
            full((d, hdim)), full((1, hdim)),
            full((hdim, 1)), full((1, 1)),
        ],
        out_specs=[rowblk((blk, d))] * 4,
        out_shape=[jax.ShapeDtypeStruct((bsz, d), jnp.float32),
                   jax.ShapeDtypeStruct((bsz, d), jnp.float32),
                   jax.ShapeDtypeStruct((bsz, d), jnp.int32),
                   jax.ShapeDtypeStruct((bsz, d), jnp.float32)],
    )(x, W1, b1r, W2, b2r, Wg1, bg1r, Wg2, bg2r)

    if sc_rows == 0:
        return (sel_tc, comb, mask_tc)

    mask_sc, sel_sc = _sc_mask(x, bits, sc_rows, k)
    mask = lax.dynamic_update_slice(mask_tc, mask_sc, (0, 0))
    sel = lax.dynamic_update_slice(sel_tc, sel_sc, (0, 0))
    return (sel, comb, mask)

# --- scband reference (transcript-rebuilt; emitter-appended) ---
"""Pipeline reference for scband-adaptive-feature-selection-20392504721669 (READ-ONLY COPY).

The authoritative reference and input builder live on the scoring server;
editing this copy changes nothing except your own understanding.
"""

import jax, jax.numpy as jnp
import numpy as np

B, D = 16384, 128
H = D // 2
SELECTION_RATIO = 0.7
TEMPERATURE = 1.0

def _xavier(k, shape):
    fan_in, fan_out = shape[0], shape[1]
    limit = float(np.sqrt(6.0 / (fan_in + fan_out)))
    return jax.random.uniform(k, shape, jnp.float32, -limit, limit)

def setup_inputs(seed: int = 0) -> dict:
    key = jax.random.key(seed)
    ks = jax.random.split(key, 6)
    x = jax.random.normal(ks[0], (B, D), dtype=jnp.float32)
    W1 = _xavier(ks[1], (D, H)); b1 = jnp.zeros((H,), jnp.float32)
    W2 = _xavier(ks[2], (H, D)); b2 = jnp.zeros((D,), jnp.float32)
    Wg1 = _xavier(ks[3], (D, H)); bg1 = jnp.zeros((H,), jnp.float32)
    Wg2 = _xavier(ks[4], (H, 1)); bg2 = jnp.zeros((1,), jnp.float32)
    return {"x": x, "W1": W1, "b1": b1, "W2": W2, "b2": b2,
            "Wg1": Wg1, "bg1": bg1, "Wg2": Wg2, "bg2": bg2}

def reference(x, W1, b1, W2, b2, Wg1, bg1, Wg2, bg2):
    # feature_attention MLP (dropout is identity at inference)
    h = jax.nn.relu(x @ W1 + b1)
    attention_scores = jax.nn.sigmoid(h @ W2 + b2)
    # gate MLP
    hg = jax.nn.relu(x @ Wg1 + bg1)
    gate_scores = jax.nn.sigmoid(hg @ Wg2 + bg2)  # [B, 1], broadcasts
    combined_scores = attention_scores * gate_scores
    k = int(SELECTION_RATIO * x.shape[1])
    top_scores, top_indices = jax.lax.top_k(combined_scores, k)
    rows = jnp.arange(combined_scores.shape[0])[:, None]
    mask = jnp.zeros_like(combined_scores).at[rows, top_indices].set(1.0)
    mask = mask / TEMPERATURE
    selected_features = x * mask
    return (selected_features, combined_scores, mask)

if __name__ == "__main__":
    import jax
    _d = setup_inputs()
    print(jax.jit(kernel)(*tuple(_d.values())))

</pallas_src>

<mosaic_0001>
#map = affine_map<(d0, d1) -> (0, 0)>
module attributes {stable_mosaic.version = 14 : i64} {
  func.func @_sc_mask_body(%arg0: i32, %arg1: i32, %arg2: memref<16384x128xf32, #tpu.memory_space<hbm>>, %arg3: memref<16384x128xi32, #tpu.memory_space<hbm>>, %arg4: memref<2048x128xf32, #tpu.memory_space<hbm>>, %arg5: memref<2048x128xf32, #tpu.memory_space<hbm>>, %arg6: memref<64x128xf32, #tpu.memory_space<vmem>>, %arg7: memref<64x128xi32, #tpu.memory_space<vmem>>, %arg8: memref<64x128xf32, #tpu.memory_space<vmem>>, %arg9: memref<64x128xf32, #tpu.memory_space<vmem>>) attributes {dimension_semantics = [#tpu.dimension_semantics<core_parallel>, #tpu.dimension_semantics<subcore_parallel>], iteration_bounds = array<i64: 2, 16>, scalar_prefetch = 0 : i64, scratch_operands = 4 : i64, tpu.core_type = #tpu.core_type<sc_vector_subcore>, window_params = [{transform_indices = #map}, {transform_indices = #map}, {transform_indices = #map}, {transform_indices = #map}]} {
    %mul3A = arith.constant 2 : i32
    %mul3A_0 = arith.muli %arg1, %mul3A : i32
    %add3A = arith.addi %mul3A_0, %arg0 : i32
    %mul3A_1 = arith.constant 64 : i32
    %mul3A_2 = arith.muli %add3A, %mul3A_1 : i32
    "tpu.region"() ({
      %run_scoped3A = tpu.sem_alloc : memref<!tpu.dma_semaphore, #tpu.memory_space<semaphore_mem>>
      %dma_start3A = arith.constant 0 : i32
      %dma_start3A_13 = tpu.memref_slice %arg3[%mul3A_2, %dma_start3A] : memref<16384x128xi32, #tpu.memory_space<hbm>> -> memref<64x128xi32, #tpu.memory_space<hbm>>
      %dma_start3A_14 = arith.constant 0 : i32
      %dma_start3A_15 = tpu.memref_slice %arg3[%mul3A_2, %dma_start3A_14] : memref<16384x128xi32, #tpu.memory_space<hbm>> -> memref<64x128xi32, #tpu.memory_space<hbm>>
      tpu.enqueue_dma source(%dma_start3A_15 : memref<64x128xi32, #tpu.memory_space<hbm>>) target(%arg7 : memref<64x128xi32, #tpu.memory_space<vmem>>) target_semaphore(%run_scoped3A : memref<!tpu.dma_semaphore, #tpu.memory_space<semaphore_mem>>)
      %dma_wait3A = arith.constant 0 : i32
      %dma_wait3A_16 = tpu.memref_slice %arg3[%mul3A_2, %dma_wait3A] : memref<16384x128xi32, #tpu.memory_space<hbm>> -> memref<64x128xi32, #tpu.memory_space<hbm>>
      %dma_wait3A_17 = arith.constant 0 : i32
      %dma_wait3A_18 = tpu.memref_slice %arg3[%mul3A_2, %dma_wait3A_17] : memref<16384x128xi32, #tpu.memory_space<hbm>> -> memref<64x128xi32, #tpu.memory_space<hbm>>
      tpu.wait_dma2 semaphore(%run_scoped3A : memref<!tpu.dma_semaphore, #tpu.memory_space<semaphore_mem>>) src(%dma_wait3A_18 : memref<64x128xi32, #tpu.memory_space<hbm>>) dst(%arg7 : memref<64x128xi32, #tpu.memory_space<vmem>>)
      tpu.yield
    }) : () -> ()
    "tpu.region"() ({
      %run_scoped3A = tpu.sem_alloc : memref<!tpu.dma_semaphore, #tpu.memory_space<semaphore_mem>>
      %dma_start3A = arith.constant 0 : i32
      %dma_start3A_13 = tpu.memref_slice %arg2[%mul3A_2, %dma_start3A] : memref<16384x128xf32, #tpu.memory_space<hbm>> -> memref<64x128xf32, #tpu.memory_space<hbm>>
      %dma_start3A_14 = arith.constant 0 : i32
      %dma_start3A_15 = tpu.memref_slice %arg2[%mul3A_2, %dma_start3A_14] : memref<16384x128xf32, #tpu.memory_space<hbm>> -> memref<64x128xf32, #tpu.memory_space<hbm>>
      tpu.enqueue_dma source(%dma_start3A_15 : memref<64x128xf32, #tpu.memory_space<hbm>>) target(%arg6 : memref<64x128xf32, #tpu.memory_space<vmem>>) target_semaphore(%run_scoped3A : memref<!tpu.dma_semaphore, #tpu.memory_space<semaphore_mem>>)
      %dma_wait3A = arith.constant 0 : i32
      %dma_wait3A_16 = tpu.memref_slice %arg2[%mul3A_2, %dma_wait3A] : memref<16384x128xf32, #tpu.memory_space<hbm>> -> memref<64x128xf32, #tpu.memory_space<hbm>>
      %dma_wait3A_17 = arith.constant 0 : i32
      %dma_wait3A_18 = tpu.memref_slice %arg2[%mul3A_2, %dma_wait3A_17] : memref<16384x128xf32, #tpu.memory_space<hbm>> -> memref<64x128xf32, #tpu.memory_space<hbm>>
      tpu.wait_dma2 semaphore(%run_scoped3A : memref<!tpu.dma_semaphore, #tpu.memory_space<semaphore_mem>>) src(%dma_wait3A_18 : memref<64x128xf32, #tpu.memory_space<hbm>>) dst(%arg6 : memref<64x128xf32, #tpu.memory_space<vmem>>)
      tpu.yield
    }) : () -> ()
    %broadcast_in_dim3A = arith.constant 89 : i32
    %broadcast_in_dim3A_3 = vector.broadcast %broadcast_in_dim3A : i32 to vector<16xi32>
    %broadcast_in_dim3A_4 = arith.constant 1.000000e+00 : f32
    %broadcast_in_dim3A_5 = vector.broadcast %broadcast_in_dim3A_4 : f32 to vector<16xf32>
    %broadcast_in_dim3A_6 = arith.constant 0.000000e+00 : f32
    %broadcast_in_dim3A_7 = vector.broadcast %broadcast_in_dim3A_6 : f32 to vector<16xf32>
    %scan3A = arith.constant 0 : i32
    %scan3A_8 = arith.constant 0 : i32
    %scan3A_9 = arith.constant 64 : i32
    %scan3A_10 = arith.addi %scan3A_8, %scan3A_9 : i32
    %scan3A_11 = arith.constant 1 : i32
    scf.for %scan3A_13 = %scan3A_8 to %scan3A_10 step %scan3A_11  : i32 {
      %get3A = arith.index_cast %scan3A_13 : i32 to index
      %get3A_14 = arith.constant 0 : index
      %get3A_15 = tpu.vector_load %arg7[%get3A, %get3A_14] {strides = array<i32>} : memref<64x128xi32, #tpu.memory_space<vmem>>, vector<16xi32>,
      %get3A_16 = arith.index_cast %scan3A_13 : i32 to index
      %get3A_17 = arith.constant 16 : index
      %get3A_18 = tpu.vector_load %arg7[%get3A_16, %get3A_17] {strides = array<i32>} : memref<64x128xi32, #tpu.memory_space<vmem>>, vector<16xi32>,
      %get3A_19 = arith.index_cast %scan3A_13 : i32 to index
      %get3A_20 = arith.constant 32 : index
      %get3A_21 = tpu.vector_load %arg7[%get3A_19, %get3A_20] {strides = array<i32>} : memref<64x128xi32, #tpu.memory_space<vmem>>, vector<16xi32>,
      %get3A_22 = arith.index_cast %scan3A_13 : i32 to index
      %get3A_23 = arith.constant 48 : index
      %get3A_24 = tpu.vector_load %arg7[%get3A_22, %get3A_23] {strides = array<i32>} : memref<64x128xi32, #tpu.memory_space<vmem>>, vector<16xi32>,
      %get3A_25 = arith.index_cast %scan3A_13 : i32 to index
      %get3A_26 = arith.constant 64 : index
      %get3A_27 = tpu.vector_load %arg7[%get3A_25, %get3A_26] {strides = array<i32>} : memref<64x128xi32, #tpu.memory_space<vmem>>, vector<16xi32>,
      %get3A_28 = arith.index_cast %scan3A_13 : i32 to index
      %get3A_29 = arith.constant 80 : index
      %get3A_30 = tpu.vector_load %arg7[%get3A_28, %get3A_29] {strides = array<i32>} : memref<64x128xi32, #tpu.memory_space<vmem>>, vector<16xi32>,
      %get3A_31 = arith.index_cast %scan3A_13 : i32 to index
      %get3A_32 = arith.constant 96 : index
      %get3A_33 = tpu.vector_load %arg7[%get3A_31, %get3A_32] {strides = array<i32>} : memref<64x128xi32, #tpu.memory_space<vmem>>, vector<16xi32>,
      %get3A_34 = arith.index_cast %scan3A_13 : i32 to index
      %get3A_35 = arith.constant 112 : index
      %get3A_36 = tpu.vector_load %arg7[%get3A_34, %get3A_35] {strides = array<i32>} : memref<64x128xi32, #tpu.memory_space<vmem>>, vector<16xi32>,
      %broadcast_in_dim3A_37 = arith.constant 0 : i32
      %broadcast_in_dim3A_38 = vector.broadcast %broadcast_in_dim3A_37 : i32 to vector<16xi32>
      %broadcast_in_dim3A_39 = arith.constant 1073741824 : i32
      %broadcast_in_dim3A_40 = vector.broadcast %broadcast_in_dim3A_39 : i32 to vector<16xi32>
      %add3A_41 = arith.addi %broadcast_in_dim3A_38, %broadcast_in_dim3A_40 : vector<16xi32>
      %shift_right_arithmetic3A = arith.constant 1 : i32
      %shift_right_arithmetic3A_42 = vector.broadcast %shift_right_arithmetic3A : i32 to vector<16xi32>
      %shift_right_arithmetic3A_43 = arith.shrsi %add3A_41, %shift_right_arithmetic3A_42 : vector<16xi32>
      %broadcast_in_dim3A_44 = arith.constant 0 : i32
      %broadcast_in_dim3A_45 = vector.broadcast %broadcast_in_dim3A_44 : i32 to vector<16xi32>
      %ge3A = arith.cmpi sge, %get3A_15, %shift_right_arithmetic3A_43 : vector<16xi32>
      %all_reduce_population_count3A = tpu.all_reduce %ge3A {dim = 0 : i64, kind = #tpu.reduction_kind<sum>} : vector<16xi1> -> vector<16xi32>
      %add3A_46 = arith.addi %broadcast_in_dim3A_45, %all_reduce_population_count3A : vector<16xi32>
      %ge3A_47 = arith.cmpi sge, %get3A_18, %shift_right_arithmetic3A_43 : vector<16xi32>
      %all_reduce_population_count3A_48 = tpu.all_reduce %ge3A_47 {dim = 0 : i64, kind = #tpu.reduction_kind<sum>} : vector<16xi1> -> vector<16xi32>
      %add3A_49 = arith.addi %add3A_46, %all_reduce_population_count3A_48 : vector<16xi32>
      %ge3A_50 = arith.cmpi sge, %get3A_21, %shift_right_arithmetic3A_43 : vector<16xi32>
      %all_reduce_population_count3A_51 = tpu.all_reduce %ge3A_50 {dim = 0 : i64, kind = #tpu.reduction_kind<sum>} : vector<16xi1> -> vector<16xi32>
      %add3A_52 = arith.addi %add3A_49, %all_reduce_population_count3A_51 : vector<16xi32>
      %ge3A_53 = arith.cmpi sge, %get3A_24, %shift_right_arithmetic3A_43 : vector<16xi32>
      %all_reduce_population_count3A_54 = tpu.all_reduce %ge3A_53 {dim = 0 : i64, kind = #tpu.reduction_kind<sum>} : vector<16xi1> -> vector<16xi32>
      %add3A_55 = arith.addi %add3A_52, %all_reduce_population_count3A_54 : vector<16xi32>
      %ge3A_56 = arith.cmpi sge, %get3A_27, %shift_right_arithmetic3A_43 : vector<16xi32>
      %all_reduce_population_count3A_57 = tpu.all_reduce %ge3A_56 {dim = 0 : i64, kind = #tpu.reduction_kind<sum>} : vector<16xi1> -> vector<16xi32>
      %add3A_58 = arith.addi %add3A_55, %all_reduce_population_count3A_57 : vector<16xi32>
      %ge3A_59 = arith.cmpi sge, %get3A_30, %shift_right_arithmetic3A_43 : vector<16xi32>
      %all_reduce_population_count3A_60 = tpu.all_reduce %ge3A_59 {dim = 0 : i64, kind = #tpu.reduction_kind<sum>} : vector<16xi1> -> vector<16xi32>
      %add3A_61 = arith.addi %add3A_58, %all_reduce_population_count3A_60 : vector<16xi32>
      %ge3A_62 = arith.cmpi sge, %get3A_33, %shift_right_arithmetic3A_43 : vector<16xi32>
      %all_reduce_population_count3A_63 = tpu.all_reduce %ge3A_62 {dim = 0 : i64, kind = #tpu.reduction_kind<sum>} : vector<16xi1> -> vector<16xi32>
      %add3A_64 = arith.addi %add3A_61, %all_reduce_population_count3A_63 : vector<16xi32>
      %ge3A_65 = arith.cmpi sge, %get3A_36, %shift_right_arithmetic3A_43 : vector<16xi32>
      %all_reduce_population_count3A_66 = tpu.all_reduce %ge3A_65 {dim = 0 : i64, kind = #tpu.reduction_kind<sum>} : vector<16xi1> -> vector<16xi32>
      %add3A_67 = arith.addi %add3A_64, %all_reduce_population_count3A_66 : vector<16xi32>
      %ge3A_68 = arith.cmpi sge, %add3A_67, %broadcast_in_dim3A_3 : vector<16xi32>
      %select_n3A = arith.select %ge3A_68, %shift_right_arithmetic3A_43, %broadcast_in_dim3A_38 : vector<16xi1>, vector<16xi32>
      %select_n3A_69 = arith.select %ge3A_68, %broadcast_in_dim3A_40, %shift_right_arithmetic3A_43 : vector<16xi1>, vector<16xi32>
      %add3A_70 = arith.addi %select_n3A, %select_n3A_69 : vector<16xi32>
      %shift_right_arithmetic3A_71 = arith.constant 1 : i32
      %shift_right_arithmetic3A_72 = vector.broadcast %shift_right_arithmetic3A_71 : i32 to vector<16xi32>
      %shift_right_arithmetic3A_73 = arith.shrsi %add3A_70, %shift_right_arithmetic3A_72 : vector<16xi32>
      %broadcast_in_dim3A_74 = arith.constant 0 : i32
      %broadcast_in_dim3A_75 = vector.broadcast %broadcast_in_dim3A_74 : i32 to vector<16xi32>
      %ge3A_76 = arith.cmpi sge, %get3A_15, %shift_right_arithmetic3A_73 : vector<16xi32>
      %all_reduce_population_count3A_77 = tpu.all_reduce %ge3A_76 {dim = 0 : i64, kind = #tpu.reduction_kind<sum>} : vector<16xi1> -> vector<16xi32>
      %add3A_78 = arith.addi %broadcast_in_dim3A_75, %all_reduce_population_count3A_77 : vector<16xi32>
      %ge3A_79 = arith.cmpi sge, %get3A_18, %shift_right_arithmetic3A_73 : vector<16xi32>
      %all_reduce_population_count3A_80 = tpu.all_reduce %ge3A_79 {dim = 0 : i64, kind = #tpu.reduction_kind<sum>} : vector<16xi1> -> vector<16xi32>
      %add3A_81 = arith.addi %add3A_78, %all_reduce_population_count3A_80 : vector<16xi32>
      %ge3A_82 = arith.cmpi sge, %get3A_21, %shift_right_arithmetic3A_73 : vector<16xi32>
      %all_reduce_population_count3A_83 = tpu.all_reduce %ge3A_82 {dim = 0 : i64, kind = #tpu.reduction_kind<sum>} : vector<16xi1> -> vector<16xi32>
      %add3A_84 = arith.addi %add3A_81, %all_reduce_population_count3A_83 : vector<16xi32>
      %ge3A_85 = arith.cmpi sge, %get3A_24, %shift_right_arithmetic3A_73 : vector<16xi32>
      %all_reduce_population_count3A_86 = tpu.all_reduce %ge3A_85 {dim = 0 : i64, kind = #tpu.reduction_kind<sum>} : vector<16xi1> -> vector<16xi32>
      %add3A_87 = arith.addi %add3A_84, %all_reduce_population_count3A_86 : vector<16xi32>
      %ge3A_88 = arith.cmpi sge, %get3A_27, %shift_right_arithmetic3A_73 : vector<16xi32>
      %all_reduce_population_count3A_89 = tpu.all_reduce %ge3A_88 {dim = 0 : i64, kind = #tpu.reduction_kind<sum>} : vector<16xi1> -> vector<16xi32>
      %add3A_90 = arith.addi %add3A_87, %all_reduce_population_count3A_89 : vector<16xi32>
      %ge3A_91 = arith.cmpi sge, %get3A_30, %shift_right_arithmetic3A_73 : vector<16xi32>
      %all_reduce_population_count3A_92 = tpu.all_reduce %ge3A_91 {dim = 0 : i64, kind = #tpu.reduction_kind<sum>} : vector<16xi1> -> vector<16xi32>
      %add3A_93 = arith.addi %add3A_90, %all_reduce_population_count3A_92 : vector<16xi32>
      %ge3A_94 = arith.cmpi sge, %get3A_33, %shift_right_arithmetic3A_73 : vector<16xi32>
      %all_reduce_population_count3A_95 = tpu.all_reduce %ge3A_94 {dim = 0 : i64, kind = #tpu.reduction_kind<sum>} : vector<16xi1> -> vector<16xi32>
      %add3A_96 = arith.addi %add3A_93, %all_reduce_population_count3A_95 : vector<16xi32>
      %ge3A_97 = arith.cmpi sge, %get3A_36, %shift_right_arithmetic3A_73 : vector<16xi32>
      %all_reduce_population_count3A_98 = tpu.all_reduce %ge3A_97 {dim = 0 : i64, kind = #tpu.reduction_kind<sum>} : vector<16xi1> -> vector<16xi32>
      %add3A_99 = arith.addi %add3A_96, %all_reduce_population_count3A_98 : vector<16xi32>
      %ge3A_100 = arith.cmpi sge, %add3A_99, %broadcast_in_dim3A_3 : vector<16xi32>
      %select_n3A_101 = arith.select %ge3A_100, %shift_right_arithmetic3A_73, %select_n3A : vector<16xi1>, vector<16xi32>
      %select_n3A_102 = arith.select %ge3A_100, %select_n3A_69, %shift_right_arithmetic3A_73 : vector<16xi1>, vector<16xi32>
      %add3A_103 = arith.addi %select_n3A_101, %select_n3A_102 : vector<16xi32>
      %shift_right_arithmetic3A_104 = arith.constant 1 : i32
      %shift_right_arithmetic3A_105 = vector.broadcast %shift_right_arithmetic3A_104 : i32 to vector<16xi32>
      %shift_right_arithmetic3A_106 = arith.shrsi %add3A_103, %shift_right_arithmetic3A_105 : vector<16xi32>
      %broadcast_in_dim3A_107 = arith.constant 0 : i32
      %broadcast_in_dim3A_108 = vector.broadcast %broadcast_in_dim3A_107 : i32 to vector<16xi32>
      %ge3A_109 = arith.cmpi sge, %get3A_15, %shift_right_arithmetic3A_106 : vector<16xi32>
      %all_reduce_population_count3A_110 = tpu.all_reduce %ge3A_109 {dim = 0 : i64, kind = #tpu.reduction_kind<sum>} : vector<16xi1> -> vector<16xi32>
      %add3A_111 = arith.addi %broadcast_in_dim3A_108, %all_reduce_population_count3A_110 : vector<16xi32>
      %ge3A_112 = arith.cmpi sge, %get3A_18, %shift_right_arithmetic3A_106 : vector<16xi32>
      %all_reduce_population_count3A_113 = tpu.all_reduce %ge3A_112 {dim = 0 : i64, kind = #tpu.reduction_kind<sum>} : vector<16xi1> -> vector<16xi32>
      %add3A_114 = arith.addi %add3A_111, %all_reduce_population_count3A_113 : vector<16xi32>
      %ge3A_115 = arith.cmpi sge, %get3A_21, %shift_right_arithmetic3A_106 : vector<16xi32>
      %all_reduce_population_count3A_116 = tpu.all_reduce %ge3A_115 {dim = 0 : i64, kind = #tpu.reduction_kind<sum>} : vector<16xi1> -> vector<16xi32>
      %add3A_117 = arith.addi %add3A_114, %all_reduce_population_count3A_116 : vector<16xi32>
      %ge3A_118 = arith.cmpi sge, %get3A_24, %shift_right_arithmetic3A_106 : vector<16xi32>
      %all_reduce_population_count3A_119 = tpu.all_reduce %ge3A_118 {dim = 0 : i64, kind = #tpu.reduction_kind<sum>} : vector<16xi1> -> vector<16xi32>
      %add3A_120 = arith.addi %add3A_117, %all_reduce_population_count3A_119 : vector<16xi32>
      %ge3A_121 = arith.cmpi sge, %get3A_27, %shift_right_arithmetic3A_106 : vector<16xi32>
      %all_reduce_population_count3A_122 = tpu.all_reduce %ge3A_121 {dim = 0 : i64, kind = #tpu.reduction_kind<sum>} : vector<16xi1> -> vector<16xi32>
      %add3A_123 = arith.addi %add3A_120, %all_reduce_population_count3A_122 : vector<16xi32>
      %ge3A_124 = arith.cmpi sge, %get3A_30, %shift_right_arithmetic3A_106 : vector<16xi32>
      %all_reduce_population_count3A_125 = tpu.all_reduce %ge3A_124 {dim = 0 : i64, kind = #tpu.reduction_kind<sum>} : vector<16xi1> -> vector<16xi32>
      %add3A_126 = arith.addi %add3A_123, %all_reduce_population_count3A_125 : vector<16xi32>
      %ge3A_127 = arith.cmpi sge, %get3A_33, %shift_right_arithmetic3A_106 : vector<16xi32>
      %all_reduce_population_count3A_128 = tpu.all_reduce %ge3A_127 {dim = 0 : i64, kind = #tpu.reduction_kind<sum>} : vector<16xi1> -> vector<16xi32>
      %add3A_129 = arith.addi %add3A_126, %all_reduce_population_count3A_128 : vector<16xi32>
      %ge3A_130 = arith.cmpi sge, %get3A_36, %shift_right_arithmetic3A_106 : vector<16xi32>
      %all_reduce_population_count3A_131 = tpu.all_reduce %ge3A_130 {dim = 0 : i64, kind = #tpu.reduction_kind<sum>} : vector<16xi1> -> vector<16xi32>
      %add3A_132 = arith.addi %add3A_129, %all_reduce_population_count3A_131 : vector<16xi32>
      %ge3A_133 = arith.cmpi sge, %add3A_132, %broadcast_in_dim3A_3 : vector<16xi32>
      %select_n3A_134 = arith.select %ge3A_133, %shift_right_arithmetic3A_106, %select_n3A_101 : vector<16xi1>, vector<16xi32>
      %select_n3A_135 = arith.select %ge3A_133, %select_n3A_102, %shift_right_arithmetic3A_106 : vector<16xi1>, vector<16xi32>
      %add3A_136 = arith.addi %select_n3A_134, %select_n3A_135 : vector<16xi32>
      %shift_right_arithmetic3A_137 = arith.constant 1 : i32
      %shift_right_arithmetic3A_138 = vector.broadcast %shift_right_arithmetic3A_137 : i32 to vector<16xi32>
      %shift_right_arithmetic3A_139 = arith.shrsi %add3A_136, %shift_right_arithmetic3A_138 : vector<16xi32>
      %broadcast_in_dim3A_140 = arith.constant 0 : i32
      %broadcast_in_dim3A_141 = vector.broadcast %broadcast_in_dim3A_140 : i32 to vector<16xi32>
      %ge3A_142 = arith.cmpi sge, %get3A_15, %shift_right_arithmetic3A_139 : vector<16xi32>
      %all_reduce_population_count3A_143 = tpu.all_reduce %ge3A_142 {dim = 0 : i64, kind = #tpu.reduction_kind<sum>} : vector<16xi1> -> vector<16xi32>
      %add3A_144 = arith.addi %broadcast_in_dim3A_141, %all_reduce_population_count3A_143 : vector<16xi32>
      %ge3A_145 = arith.cmpi sge, %get3A_18, %shift_right_arithmetic3A_139 : vector<16xi32>
      %all_reduce_population_count3A_146 = tpu.all_reduce %ge3A_145 {dim = 0 : i64, kind = #tpu.reduction_kind<sum>} : vector<16xi1> -> vector<16xi32>
      %add3A_147 = arith.addi %add3A_144, %all_reduce_population_count3A_146 : vector<16xi32>
      %ge3A_148 = arith.cmpi sge, %get3A_21, %shift_right_arithmetic3A_139 : vector<16xi32>
      %all_reduce_population_count3A_149 = tpu.all_reduce %ge3A_148 {dim = 0 : i64, kind = #tpu.reduction_kind<sum>} : vector<16xi1> -> vector<16xi32>
      %add3A_150 = arith.addi %add3A_147, %all_reduce_population_count3A_149 : vector<16xi32>
      %ge3A_151 = arith.cmpi sge, %get3A_24, %shift_right_arithmetic3A_139 : vector<16xi32>
      %all_reduce_population_count3A_152 = tpu.all_reduce %ge3A_151 {dim = 0 : i64, kind = #tpu.reduction_kind<sum>} : vector<16xi1> -> vector<16xi32>
      %add3A_153 = arith.addi %add3A_150, %all_reduce_population_count3A_152 : vector<16xi32>
      %ge3A_154 = arith.cmpi sge, %get3A_27, %shift_right_arithmetic3A_139 : vector<16xi32>
      %all_reduce_population_count3A_155 = tpu.all_reduce %ge3A_154 {dim = 0 : i64, kind = #tpu.reduction_kind<sum>} : vector<16xi1> -> vector<16xi32>
      %add3A_156 = arith.addi %add3A_153, %all_reduce_population_count3A_155 : vector<16xi32>
      %ge3A_157 = arith.cmpi sge, %get3A_30, %shift_right_arithmetic3A_139 : vector<16xi32>
      %all_reduce_population_count3A_158 = tpu.all_reduce %ge3A_157 {dim = 0 : i64, kind = #tpu.reduction_kind<sum>} : vector<16xi1> -> vector<16xi32>
      %add3A_159 = arith.addi %add3A_156, %all_reduce_population_count3A_158 : vector<16xi32>
      %ge3A_160 = arith.cmpi sge, %get3A_33, %shift_right_arithmetic3A_139 : vector<16xi32>
      %all_reduce_population_count3A_161 = tpu.all_reduce %ge3A_160 {dim = 0 : i64, kind = #tpu.reduction_kind<sum>} : vector<16xi1> -> vector<16xi32>
      %add3A_162 = arith.addi %add3A_159, %all_reduce_population_count3A_161 : vector<16xi32>
      %ge3A_163 = arith.cmpi sge, %get3A_36, %shift_right_arithmetic3A_139 : vector<16xi32>
      %all_reduce_population_count3A_164 = tpu.all_reduce %ge3A_163 {dim = 0 : i64, kind = #tpu.reduction_kind<sum>} : vector<16xi1> -> vector<16xi32>
      %add3A_165 = arith.addi %add3A_162, %all_reduce_population_count3A_164 : vector<16xi32>
      %ge3A_166 = arith.cmpi sge, %add3A_165, %broadcast_in_dim3A_3 : vector<16xi32>
      %select_n3A_167 = arith.select %ge3A_166, %shift_right_arithmetic3A_139, %select_n3A_134 : vector<16xi1>, vector<16xi32>
      %select_n3A_168 = arith.select %ge3A_166, %select_n3A_135, %shift_right_arithmetic3A_139 : vector<16xi1>, vector<16xi32>
      %add3A_169 = arith.addi %select_n3A_167, %select_n3A_168 : vector<16xi32>
      %shift_right_arithmetic3A_170 = arith.constant 1 : i32
      %shift_right_arithmetic3A_171 = vector.broadcast %shift_right_arithmetic3A_170 : i32 to vector<16xi32>
      %shift_right_arithmetic3A_172 = arith.shrsi %add3A_169, %shift_right_arithmetic3A_171 : vector<16xi32>
      %broadcast_in_dim3A_173 = arith.constant 0 : i32
      %broadcast_in_dim3A_174 = vector.broadcast %broadcast_in_dim3A_173 : i32 to vector<16xi32>
      %ge3A_175 = arith.cmpi sge, %get3A_15, %shift_right_arithmetic3A_172 : vector<16xi32>
      %all_reduce_population_count3A_176 = tpu.all_reduce %ge3A_175 {dim = 0 : i64, kind = #tpu.reduction_kind<sum>} : vector<16xi1> -> vector<16xi32>
      %add3A_177 = arith.addi %broadcast_in_dim3A_174, %all_reduce_population_count3A_176 : vector<16xi32>
      %ge3A_178 = arith.cmpi sge, %get3A_18, %shift_right_arithmetic3A_172 : vector<16xi32>
      %all_reduce_population_count3A_179 = tpu.all_reduce %ge3A_178 {dim = 0 : i64, kind = #tpu.reduction_kind<sum>} : vector<16xi1> -> vector<16xi32>
      %add3A_180 = arith.addi %add3A_177, %all_reduce_population_count3A_179 : vector<16xi32>
      %ge3A_181 = arith.cmpi sge, %get3A_21, %shift_right_arithmetic3A_172 : vector<16xi32>
      %all_reduce_population_count3A_182 = tpu.all_reduce %ge3A_181 {dim = 0 : i64, kind = #tpu.reduction_kind<sum>} : vector<16xi1> -> vector<16xi32>
      %add3A_183 = arith.addi %add3A_180, %all_reduce_population_count3A_182 : vector<16xi32>
      %ge3A_184 = arith.cmpi sge, %get3A_24, %shift_right_arithmetic3A_172 : vector<16xi32>
      %all_reduce_population_count3A_185 = tpu.all_reduce %ge3A_184 {dim = 0 : i64, kind = #tpu.reduction_kind<sum>} : vector<16xi1> -> vector<16xi32>
      %add3A_186 = arith.addi %add3A_183, %all_reduce_population_count3A_185 : vector<16xi32>
      %ge3A_187 = arith.cmpi sge, %get3A_27, %shift_right_arithmetic3A_172 : vector<16xi32>
      %all_reduce_population_count3A_188 = tpu.all_reduce %ge3A_187 {dim = 0 : i64, kind = #tpu.reduction_kind<sum>} : vector<16xi1> -> vector<16xi32>
      %add3A_189 = arith.addi %add3A_186, %all_reduce_population_count3A_188 : vector<16xi32>
      %ge3A_190 = arith.cmpi sge, %get3A_30, %shift_right_arithmetic3A_172 : vector<16xi32>
      %all_reduce_population_count3A_191 = tpu.all_reduce %ge3A_190 {dim = 0 : i64, kind = #tpu.reduction_kind<sum>} : vector<16xi1> -> vector<16xi32>
      %add3A_192 = arith.addi %add3A_189, %all_reduce_population_count3A_191 : vector<16xi32>
      %ge3A_193 = arith.cmpi sge, %get3A_33, %shift_right_arithmetic3A_172 : vector<16xi32>
      %all_reduce_population_count3A_194 = tpu.all_reduce %ge3A_193 {dim = 0 : i64, kind = #tpu.reduction_kind<sum>} : vector<16xi1> -> vector<16xi32>
      %add3A_195 = arith.addi %add3A_192, %all_reduce_population_count3A_194 : vector<16xi32>
      %ge3A_196 = arith.cmpi sge, %get3A_36, %shift_right_arithmetic3A_172 : vector<16xi32>
      %all_reduce_population_count3A_197 = tpu.all_reduce %ge3A_196 {dim = 0 : i64, kind = #tpu.reduction_kind<sum>} : vector<16xi1> -> vector<16xi32>
      %add3A_198 = arith.addi %add3A_195, %all_reduce_population_count3A_197 : vector<16xi32>
      %ge3A_199 = arith.cmpi sge, %add3A_198, %broadcast_in_dim3A_3 : vector<16xi32>
      %select_n3A_200 = arith.select %ge3A_199, %shift_right_arithmetic3A_172, %select_n3A_167 : vector<16xi1>, vector<16xi32>
      %select_n3A_201 = arith.select %ge3A_199, %select_n3A_168, %shift_right_arithmetic3A_172 : vector<16xi1>, vector<16xi32>
      %add3A_202 = arith.addi %select_n3A_200, %select_n3A_201 : vector<16xi32>
      %shift_right_arithmetic3A_203 = arith.constant 1 : i32
      %shift_right_arithmetic3A_204 = vector.broadcast %shift_right_arithmetic3A_203 : i32 to vector<16xi32>
      %shift_right_arithmetic3A_205 = arith.shrsi %add3A_202, %shift_right_arithmetic3A_204 : vector<16xi32>
      %broadcast_in_dim3A_206 = arith.constant 0 : i32
      %broadcast_in_dim3A_207 = vector.broadcast %broadcast_in_dim3A_206 : i32 to vector<16xi32>
      %ge3A_208 = arith.cmpi sge, %get3A_15, %shift_right_arithmetic3A_205 : vector<16xi32>
      %all_reduce_population_count3A_209 = tpu.all_reduce %ge3A_208 {dim = 0 : i64, kind = #tpu.reduction_kind<sum>} : vector<16xi1> -> vector<16xi32>
      %add3A_210 = arith.addi %broadcast_in_dim3A_207, %all_reduce_population_count3A_209 : vector<16xi32>
      %ge3A_211 = arith.cmpi sge, %get3A_18, %shift_right_arithmetic3A_205 : vector<16xi32>
      %all_reduce_population_count3A_212 = tpu.all_reduce %ge3A_211 {dim = 0 : i64, kind = #tpu.reduction_kind<sum>} : vector<16xi1> -> vector<16xi32>
      %add3A_213 = arith.addi %add3A_210, %all_reduce_population_count3A_212 : vector<16xi32>
      %ge3A_214 = arith.cmpi sge, %get3A_21, %shift_right_arithmetic3A_205 : vector<16xi32>
      %all_reduce_population_count3A_215 = tpu.all_reduce %ge3A_214 {dim = 0 : i64, kind = #tpu.reduction_kind<sum>} : vector<16xi1> -> vector<16xi32>
      %add3A_216 = arith.addi %add3A_213, %all_reduce_population_count3A_215 : vector<16xi32>
      %ge3A_217 = arith.cmpi sge, %get3A_24, %shift_right_arithmetic3A_205 : vector<16xi32>
      %all_reduce_population_count3A_218 = tpu.all_reduce %ge3A_217 {dim = 0 : i64, kind = #tpu.reduction_kind<sum>} : vector<16xi1> -> vector<16xi32>
      %add3A_219 = arith.addi %add3A_216, %all_reduce_population_count3A_218 : vector<16xi32>
      %ge3A_220 = arith.cmpi sge, %get3A_27, %shift_right_arithmetic3A_205 : vector<16xi32>
      %all_reduce_population_count3A_221 = tpu.all_reduce %ge3A_220 {dim = 0 : i64, kind = #tpu.reduction_kind<sum>} : vector<16xi1> -> vector<16xi32>
      %add3A_222 = arith.addi %add3A_219, %all_reduce_population_count3A_221 : vector<16xi32>
      %ge3A_223 = arith.cmpi sge, %get3A_30, %shift_right_arithmetic3A_205 : vector<16xi32>
      %all_reduce_population_count3A_224 = tpu.all_reduce %ge3A_223 {dim = 0 : i64, kind = #tpu.reduction_kind<sum>} : vector<16xi1> -> vector<16xi32>
      %add3A_225 = arith.addi %add3A_222, %all_reduce_population_count3A_224 : vector<16xi32>
      %ge3A_226 = arith.cmpi sge, %get3A_33, %shift_right_arithmetic3A_205 : vector<16xi32>
      %all_reduce_population_count3A_227 = tpu.all_reduce %ge3A_226 {dim = 0 : i64, kind = #tpu.reduction_kind<sum>} : vector<16xi1> -> vector<16xi32>
      %add3A_228 = arith.addi %add3A_225, %all_reduce_population_count3A_227 : vector<16xi32>
      %ge3A_229 = arith.cmpi sge, %get3A_36, %shift_right_arithmetic3A_205 : vector<16xi32>
      %all_reduce_population_count3A_230 = tpu.all_reduce %ge3A_229 {dim = 0 : i64, kind = #tpu.reduction_kind<sum>} : vector<16xi1> -> vector<16xi32>
      %add3A_231 = arith.addi %add3A_228, %all_reduce_population_count3A_230 : vector<16xi32>
      %ge3A_232 = arith.cmpi sge, %add3A_231, %broadcast_in_dim3A_3 : vector<16xi32>
      %select_n3A_233 = arith.select %ge3A_232, %shift_right_arithmetic3A_205, %select_n3A_200 : vector<16xi1>, vector<16xi32>
      %select_n3A_234 = arith.select %ge3A_232, %select_n3A_201, %shift_right_arithmetic3A_205 : vector<16xi1>, vector<16xi32>
      %add3A_235 = arith.addi %select_n3A_233, %select_n3A_234 : vector<16xi32>
      %shift_right_arithmetic3A_236 = arith.constant 1 : i32
      %shift_right_arithmetic3A_237 = vector.broadcast %shift_right_arithmetic3A_236 : i32 to vector<16xi32>
      %shift_right_arithmetic3A_238 = arith.shrsi %add3A_235, %shift_right_arithmetic3A_237 : vector<16xi32>
      %broadcast_in_dim3A_239 = arith.constant 0 : i32
      %broadcast_in_dim3A_240 = vector.broadcast %broadcast_in_dim3A_239 : i32 to vector<16xi32>
      %ge3A_241 = arith.cmpi sge, %get3A_15, %shift_right_arithmetic3A_238 : vector<16xi32>
      %all_reduce_population_count3A_242 = tpu.all_reduce %ge3A_241 {dim = 0 : i64, kind = #tpu.reduction_kind<sum>} : vector<16xi1> -> vector<16xi32>
      %add3A_243 = arith.addi %broadcast_in_dim3A_240, %all_reduce_population_count3A_242 : vector<16xi32>
      %ge3A_244 = arith.cmpi sge, %get3A_18, %shift_right_arithmetic3A_238 : vector<16xi32>
      %all_reduce_population_count3A_245 = tpu.all_reduce %ge3A_244 {dim = 0 : i64, kind = #tpu.reduction_kind<sum>} : vector<16xi1> -> vector<16xi32>
      %add3A_246 = arith.addi %add3A_243, %all_reduce_population_count3A_245 : vector<16xi32>
      %ge3A_247 = arith.cmpi sge, %get3A_21, %shift_right_arithmetic3A_238 : vector<16xi32>
      %all_reduce_population_count3A_248 = tpu.all_reduce %ge3A_247 {dim = 0 : i64, kind = #tpu.reduction_kind<sum>} : vector<16xi1> -> vector<16xi32>
      %add3A_249 = arith.addi %add3A_246, %all_reduce_population_count3A_248 : vector<16xi32>
      %ge3A_250 = arith.cmpi sge, %get3A_24, %shift_right_arithmetic3A_238 : vector<16xi32>
      %all_reduce_population_count3A_251 = tpu.all_reduce %ge3A_250 {dim = 0 : i64, kind = #tpu.reduction_kind<sum>} : vector<16xi1> -> vector<16xi32>
      %add3A_252 = arith.addi %add3A_249, %all_reduce_population_count3A_251 : vector<16xi32>
      %ge3A_253 = arith.cmpi sge, %get3A_27, %shift_right_arithmetic3A_238 : vector<16xi32>
      %all_reduce_population_count3A_254 = tpu.all_reduce %ge3A_253 {dim = 0 : i64, kind = #tpu.reduction_kind<sum>} : vector<16xi1> -> vector<16xi32>
      %add3A_255 = arith.addi %add3A_252, %all_reduce_population_count3A_254 : vector<16xi32>
      %ge3A_256 = arith.cmpi sge, %get3A_30, %shift_right_arithmetic3A_238 : vector<16xi32>
      %all_reduce_population_count3A_257 = tpu.all_reduce %ge3A_256 {dim = 0 : i64, kind = #tpu.reduction_kind<sum>} : vector<16xi1> -> vector<16xi32>
      %add3A_258 = arith.addi %add3A_255, %all_reduce_population_count3A_257 : vector<16xi32>
      %ge3A_259 = arith.cmpi sge, %get3A_33, %shift_right_arithmetic3A_238 : vector<16xi32>
      %all_reduce_population_count3A_260 = tpu.all_reduce %ge3A_259 {dim = 0 : i64, kind = #tpu.reduction_kind<sum>} : vector<16xi1> -> vector<16xi32>
      %add3A_261 = arith.addi %add3A_258, %all_reduce_population_count3A_260 : vector<16xi32>
      %ge3A_262 = arith.cmpi sge, %get3A_36, %shift_right_arithmetic3A_238 : vector<16xi32>
      %all_reduce_population_count3A_263 = tpu.all_reduce %ge3A_262 {dim = 0 : i64, kind = #tpu.reduction_kind<sum>} : vector<16xi1> -> vector<16xi32>
      %add3A_264 = arith.addi %add3A_261, %all_reduce_population_count3A_263 : vector<16xi32>
      %ge3A_265 = arith.cmpi sge, %add3A_264, %broadcast_in_dim3A_3 : vector<16xi32>
      %select_n3A_266 = arith.select %ge3A_265, %shift_right_arithmetic3A_238, %select_n3A_233 : vector<16xi1>, vector<16xi32>
      %select_n3A_267 = arith.select %ge3A_265, %select_n3A_234, %shift_right_arithmetic3A_238 : vector<16xi1>, vector<16xi32>
      %add3A_268 = arith.addi %select_n3A_266, %select_n3A_267 : vector<16xi32>
      %shift_right_arithmetic3A_269 = arith.constant 1 : i32
      %shift_right_arithmetic3A_270 = vector.broadcast %shift_right_arithmetic3A_269 : i32 to vector<16xi32>
      %shift_right_arithmetic3A_271 = arith.shrsi %add3A_268, %shift_right_arithmetic3A_270 : vector<16xi32>
      %broadcast_in_dim3A_272 = arith.constant 0 : i32
      %broadcast_in_dim3A_273 = vector.broadcast %broadcast_in_dim3A_272 : i32 to vector<16xi32>
      %ge3A_274 = arith.cmpi sge, %get3A_15, %shift_right_arithmetic3A_271 : vector<16xi32>
      %all_reduce_population_count3A_275 = tpu.all_reduce %ge3A_274 {dim = 0 : i64, kind = #tpu.reduction_kind<sum>} : vector<16xi1> -> vector<16xi32>
      %add3A_276 = arith.addi %broadcast_in_dim3A_273, %all_reduce_population_count3A_275 : vector<16xi32>
      %ge3A_277 = arith.cmpi sge, %get3A_18, %shift_right_arithmetic3A_271 : vector<16xi32>
      %all_reduce_population_count3A_278 = tpu.all_reduce %ge3A_277 {dim = 0 : i64, kind = #tpu.reduction_kind<sum>} : vector<16xi1> -> vector<16xi32>
      %add3A_279 = arith.addi %add3A_276, %all_reduce_population_count3A_278 : vector<16xi32>
      %ge3A_280 = arith.cmpi sge, %get3A_21, %shift_right_arithmetic3A_271 : vector<16xi32>
      %all_reduce_population_count3A_281 = tpu.all_reduce %ge3A_280 {dim = 0 : i64, kind = #tpu.reduction_kind<sum>} : vector<16xi1> -> vector<16xi32>
      %add3A_282 = arith.addi %add3A_279, %all_reduce_population_count3A_281 : vector<16xi32>
      %ge3A_283 = arith.cmpi sge, %get3A_24, %shift_right_arithmetic3A_271 : vector<16xi32>
      %all_reduce_population_count3A_284 = tpu.all_reduce %ge3A_283 {dim = 0 : i64, kind = #tpu.reduction_kind<sum>} : vector<16xi1> -> vector<16xi32>
      %add3A_285 = arith.addi %add3A_282, %all_reduce_population_count3A_284 : vector<16xi32>
      %ge3A_286 = arith.cmpi sge, %get3A_27, %shift_right_arithmetic3A_271 : vector<16xi32>
      %all_reduce_population_count3A_287 = tpu.all_reduce %ge3A_286 {dim = 0 : i64, kind = #tpu.reduction_kind<sum>} : vector<16xi1> -> vector<16xi32>
      %add3A_288 = arith.addi %add3A_285, %all_reduce_population_count3A_287 : vector<16xi32>
      %ge3A_289 = arith.cmpi sge, %get3A_30, %shift_right_arithmetic3A_271 : vector<16xi32>
      %all_reduce_population_count3A_290 = tpu.all_reduce %ge3A_289 {dim = 0 : i64, kind = #tpu.reduction_kind<sum>} : vector<16xi1> -> vector<16xi32>
      %add3A_291 = arith.addi %add3A_288, %all_reduce_population_count3A_290 : vector<16xi32>
      %ge3A_292 = arith.cmpi sge, %get3A_33, %shift_right_arithmetic3A_271 : vector<16xi32>
      %all_reduce_population_count3A_293 = tpu.all_reduce %ge3A_292 {dim = 0 : i64, kind = #tpu.reduction_kind<sum>} : vector<16xi1> -> vector<16xi32>
      %add3A_294 = arith.addi %add3A_291, %all_reduce_population_count3A_293 : vector<16xi32>
      %ge3A_295 = arith.cmpi sge, %get3A_36, %shift_right_arithmetic3A_271 : vector<16xi32>
      %all_reduce_population_count3A_296 = tpu.all_reduce %ge3A_295 {dim = 0 : i64, kind = #tpu.reduction_kind<sum>} : vector<16xi1> -> vector<16xi32>
      %add3A_297 = arith.addi %add3A_294, %all_reduce_population_count3A_296 : vector<16xi32>
      %ge3A_298 = arith.cmpi sge, %add3A_297, %broadcast_in_dim3A_3 : vector<16xi32>
      %select_n3A_299 = arith.select %ge3A_298, %shift_right_arithmetic3A_271, %select_n3A_266 : vector<16xi1>, vector<16xi32>
      %select_n3A_300 = arith.select %ge3A_298, %select_n3A_267, %shift_right_arithmetic3A_271 : vector<16xi1>, vector<16xi32>
      %add3A_301 = arith.addi %select_n3A_299, %select_n3A_300 : vector<16xi32>
      %shift_right_arithmetic3A_302 = arith.constant 1 : i32
      %shift_right_arithmetic3A_303 = vector.broadcast %shift_right_arithmetic3A_302 : i32 to vector<16xi32>
      %shift_right_arithmetic3A_304 = arith.shrsi %add3A_301, %shift_right_arithmetic3A_303 : vector<16xi32>
      %broadcast_in_dim3A_305 = arith.constant 0 : i32
      %broadcast_in_dim3A_306 = vector.broadcast %broadcast_in_dim3A_305 : i32 to vector<16xi32>
      %ge3A_307 = arith.cmpi sge, %get3A_15, %shift_right_arithmetic3A_304 : vector<16xi32>
      %all_reduce_population_count3A_308 = tpu.all_reduce %ge3A_307 {dim = 0 : i64, kind = #tpu.reduction_kind<sum>} : vector<16xi1> -> vector<16xi32>
      %add3A_309 = arith.addi %broadcast_in_dim3A_306, %all_reduce_population_count3A_308 : vector<16xi32>
      %ge3A_310 = arith.cmpi sge, %get3A_18, %shift_right_arithmetic3A_304 : vector<16xi32>
      %all_reduce_population_count3A_311 = tpu.all_reduce %ge3A_310 {dim = 0 : i64, kind = #tpu.reduction_kind<sum>} : vector<16xi1> -> vector<16xi32>
      %add3A_312 = arith.addi %add3A_309, %all_reduce_population_count3A_311 : vector<16xi32>
      %ge3A_313 = arith.cmpi sge, %get3A_21, %shift_right_arithmetic3A_304 : vector<16xi32>
      %all_reduce_population_count3A_314 = tpu.all_reduce %ge3A_313 {dim = 0 : i64, kind = #tpu.reduction_kind<sum>} : vector<16xi1> -> vector<16xi32>
      %add3A_315 = arith.addi %add3A_312, %all_reduce_population_count3A_314 : vector<16xi32>
      %ge3A_316 = arith.cmpi sge, %get3A_24, %shift_right_arithmetic3A_304 : vector<16xi32>
      %all_reduce_population_count3A_317 = tpu.all_reduce %ge3A_316 {dim = 0 : i64, kind = #tpu.reduction_kind<sum>} : vector<16xi1> -> vector<16xi32>
      %add3A_318 = arith.addi %add3A_315, %all_reduce_population_count3A_317 : vector<16xi32>
      %ge3A_319 = arith.cmpi sge, %get3A_27, %shift_right_arithmetic3A_304 : vector<16xi32>
      %all_reduce_population_count3A_320 = tpu.all_reduce %ge3A_319 {dim = 0 : i64, kind = #tpu.reduction_kind<sum>} : vector<16xi1> -> vector<16xi32>
      %add3A_321 = arith.addi %add3A_318, %all_reduce_population_count3A_320 : vector<16xi32>
      %ge3A_322 = arith.cmpi sge, %get3A_30, %shift_right_arithmetic3A_304 : vector<16xi32>
      %all_reduce_population_count3A_323 = tpu.all_reduce %ge3A_322 {dim = 0 : i64, kind = #tpu.reduction_kind<sum>} : vector<16xi1> -> vector<16xi32>
      %add3A_324 = arith.addi %add3A_321, %all_reduce_population_count3A_323 : vector<16xi32>
      %ge3A_325 = arith.cmpi sge, %get3A_33, %shift_right_arithmetic3A_304 : vector<16xi32>
      %all_reduce_population_count3A_326 = tpu.all_reduce %ge3A_325 {dim = 0 : i64, kind = #tpu.reduction_kind<sum>} : vector<16xi1> -> vector<16xi32>
      %add3A_327 = arith.addi %add3A_324, %all_reduce_population_count3A_326 : vector<16xi32>
      %ge3A_328 = arith.cmpi sge, %get3A_36, %shift_right_arithmetic3A_304 : vector<16xi32>
      %all_reduce_population_count3A_329 = tpu.all_reduce %ge3A_328 {dim = 0 : i64, kind = #tpu.reduction_kind<sum>} : vector<16xi1> -> vector<16xi32>
      %add3A_330 = arith.addi %add3A_327, %all_reduce_population_count3A_329 : vector<16xi32>
      %ge3A_331 = arith.cmpi sge, %add3A_330, %broadcast_in_dim3A_3 : vector<16xi32>
      %select_n3A_332 = arith.select %ge3A_331, %shift_right_arithmetic3A_304, %select_n3A_299 : vector<16xi1>, vector<16xi32>
      %select_n3A_333 = arith.select %ge3A_331, %select_n3A_300, %shift_right_arithmetic3A_304 : vector<16xi1>, vector<16xi32>
      %add3A_334 = arith.addi %select_n3A_332, %select_n3A_333 : vector<16xi32>
      %shift_right_arithmetic3A_335 = arith.constant 1 : i32
      %shift_right_arithmetic3A_336 = vector.broadcast %shift_right_arithmetic3A_335 : i32 to vector<16xi32>
      %shift_right_arithmetic3A_337 = arith.shrsi %add3A_334, %shift_right_arithmetic3A_336 : vector<16xi32>
      %broadcast_in_dim3A_338 = arith.constant 0 : i32
      %broadcast_in_dim3A_339 = vector.broadcast %broadcast_in_dim3A_338 : i32 to vector<16xi32>
      %ge3A_340 = arith.cmpi sge, %get3A_15, %shift_right_arithmetic3A_337 : vector<16xi32>
      %all_reduce_population_count3A_341 = tpu.all_reduce %ge3A_340 {dim = 0 : i64, kind = #tpu.reduction_kind<sum>} : vector<16xi1> -> vector<16xi32>
      %add3A_342 = arith.addi %broadcast_in_dim3A_339, %all_reduce_population_count3A_341 : vector<16xi32>
      %ge3A_343 = arith.cmpi sge, %get3A_18, %shift_right_arithmetic3A_337 : vector<16xi32>
      %all_reduce_population_count3A_344 = tpu.all_reduce %ge3A_343 {dim = 0 : i64, kind = #tpu.reduction_kind<sum>} : vector<16xi1> -> vector<16xi32>
      %add3A_345 = arith.addi %add3A_342, %all_reduce_population_count3A_344 : vector<16xi32>
      %ge3A_346 = arith.cmpi sge, %get3A_21, %shift_right_arithmetic3A_337 : vector<16xi32>
      %all_reduce_population_count3A_347 = tpu.all_reduce %ge3A_346 {dim = 0 : i64, kind = #tpu.reduction_kind<sum>} : vector<16xi1> -> vector<16xi32>
      %add3A_348 = arith.addi %add3A_345, %all_reduce_population_count3A_347 : vector<16xi32>
      %ge3A_349 = arith.cmpi sge, %get3A_24, %shift_right_arithmetic3A_337 : vector<16xi32>
      %all_reduce_population_count3A_350 = tpu.all_reduce %ge3A_349 {dim = 0 : i64, kind = #tpu.reduction_kind<sum>} : vector<16xi1> -> vector<16xi32>
      %add3A_351 = arith.addi %add3A_348, %all_reduce_population_count3A_350 : vector<16xi32>
      %ge3A_352 = arith.cmpi sge, %get3A_27, %shift_right_arithmetic3A_337 : vector<16xi32>
      %all_reduce_population_count3A_353 = tpu.all_reduce %ge3A_352 {dim = 0 : i64, kind = #tpu.reduction_kind<sum>} : vector<16xi1> -> vector<16xi32>
      %add3A_354 = arith.addi %add3A_351, %all_reduce_population_count3A_353 : vector<16xi32>
      %ge3A_355 = arith.cmpi sge, %get3A_30, %shift_right_arithmetic3A_337 : vector<16xi32>
      %all_reduce_population_count3A_356 = tpu.all_reduce %ge3A_355 {dim = 0 : i64, kind = #tpu.reduction_kind<sum>} : vector<16xi1> -> vector<16xi32>
      %add3A_357 = arith.addi %add3A_354, %all_reduce_population_count3A_356 : vector<16xi32>
      %ge3A_358 = arith.cmpi sge, %get3A_33, %shift_right_arithmetic3A_337 : vector<16xi32>
      %all_reduce_population_count3A_359 = tpu.all_reduce %ge3A_358 {dim = 0 : i64, kind = #tpu.reduction_kind<sum>} : vector<16xi1> -> vector<16xi32>
      %add3A_360 = arith.addi %add3A_357, %all_reduce_population_count3A_359 : vector<16xi32>
      %ge3A_361 = arith.cmpi sge, %get3A_36, %shift_right_arithmetic3A_337 : vector<16xi32>
      %all_reduce_population_count3A_362 = tpu.all_reduce %ge3A_361 {dim = 0 : i64, kind = #tpu.reduction_kind<sum>} : vector<16xi1> -> vector<16xi32>
      %add3A_363 = arith.addi %add3A_360, %all_reduce_population_count3A_362 : vector<16xi32>
      %ge3A_364 = arith.cmpi sge, %add3A_363, %broadcast_in_dim3A_3 : vector<16xi32>
      %select_n3A_365 = arith.select %ge3A_364, %shift_right_arithmetic3A_337, %select_n3A_332 : vector<16xi1>, vector<16xi32>
      %select_n3A_366 = arith.select %ge3A_364, %select_n3A_333, %shift_right_arithmetic3A_337 : vector<16xi1>, vector<16xi32>
      %add3A_367 = arith.addi %select_n3A_365, %select_n3A_366 : vector<16xi32>
      %shift_right_arithmetic3A_368 = arith.constant 1 : i32
      %shift_right_arithmetic3A_369 = vector.broadcast %shift_right_arithmetic3A_368 : i32 to vector<16xi32>
      %shift_right_arithmetic3A_370 = arith.shrsi %add3A_367, %shift_right_arithmetic3A_369 : vector<16xi32>
      %broadcast_in_dim3A_371 = arith.constant 0 : i32
      %broadcast_in_dim3A_372 = vector.broadcast %broadcast_in_dim3A_371 : i32 to vector<16xi32>
      %ge3A_373 = arith.cmpi sge, %get3A_15, %shift_right_arithmetic3A_370 : vector<16xi32>
      %all_reduce_population_count3A_374 = tpu.all_reduce %ge3A_373 {dim = 0 : i64, kind = #tpu.reduction_kind<sum>} : vector<16xi1> -> vector<16xi32>
      %add3A_375 = arith.addi %broadcast_in_dim3A_372, %all_reduce_population_count3A_374 : vector<16xi32>
      %ge3A_376 = arith.cmpi sge, %get3A_18, %shift_right_arithmetic3A_370 : vector<16xi32>
      %all_reduce_population_count3A_377 = tpu.all_reduce %ge3A_376 {dim = 0 : i64, kind = #tpu.reduction_kind<sum>} : vector<16xi1> -> vector<16xi32>
      %add3A_378 = arith.addi %add3A_375, %all_reduce_population_count3A_377 : vector<16xi32>
      %ge3A_379 = arith.cmpi sge, %get3A_21, %shift_right_arithmetic3A_370 : vector<16xi32>
      %all_reduce_population_count3A_380 = tpu.all_reduce %ge3A_379 {dim = 0 : i64, kind = #tpu.reduction_kind<sum>} : vector<16xi1> -> vector<16xi32>
      %add3A_381 = arith.addi %add3A_378, %all_reduce_population_count3A_380 : vector<16xi32>
      %ge3A_382 = arith.cmpi sge, %get3A_24, %shift_right_arithmetic3A_370 : vector<16xi32>
      %all_reduce_population_count3A_383 = tpu.all_reduce %ge3A_382 {dim = 0 : i64, kind = #tpu.reduction_kind<sum>} : vector<16xi1> -> vector<16xi32>
      %add3A_384 = arith.addi %add3A_381, %all_reduce_population_count3A_383 : vector<16xi32>
      %ge3A_385 = arith.cmpi sge, %get3A_27, %shift_right_arithmetic3A_370 : vector<16xi32>
      %all_reduce_population_count3A_386 = tpu.all_reduce %ge3A_385 {dim = 0 : i64, kind = #tpu.reduction_kind<sum>} : vector<16xi1> -> vector<16xi32>
      %add3A_387 = arith.addi %add3A_384, %all_reduce_population_count3A_386 : vector<16xi32>
      %ge3A_388 = arith.cmpi sge, %get3A_30, %shift_right_arithmetic3A_370 : vector<16xi32>
      %all_reduce_population_count3A_389 = tpu.all_reduce %ge3A_388 {dim = 0 : i64, kind = #tpu.reduction_kind<sum>} : vector<16xi1> -> vector<16xi32>
      %add3A_390 = arith.addi %add3A_387, %all_reduce_population_count3A_389 : vector<16xi32>
      %ge3A_391 = arith.cmpi sge, %get3A_33, %shift_right_arithmetic3A_370 : vector<16xi32>
      %all_reduce_population_count3A_392 = tpu.all_reduce %ge3A_391 {dim = 0 : i64, kind = #tpu.reduction_kind<sum>} : vector<16xi1> -> vector<16xi32>
      %add3A_393 = arith.addi %add3A_390, %all_reduce_population_count3A_392 : vector<16xi32>
      %ge3A_394 = arith.cmpi sge, %get3A_36, %shift_right_arithmetic3A_370 : vector<16xi32>
      %all_reduce_population_count3A_395 = tpu.all_reduce %ge3A_394 {dim = 0 : i64, kind = #tpu.reduction_kind<sum>} : vector<16xi1> -> vector<16xi32>
      %add3A_396 = arith.addi %add3A_393, %all_reduce_population_count3A_395 : vector<16xi32>
      %ge3A_397 = arith.cmpi sge, %add3A_396, %broadcast_in_dim3A_3 : vector<16xi32>
      %select_n3A_398 = arith.select %ge3A_397, %shift_right_arithmetic3A_370, %select_n3A_365 : vector<16xi1>, vector<16xi32>
      %select_n3A_399 = arith.select %ge3A_397, %select_n3A_366, %shift_right_arithmetic3A_370 : vector<16xi1>, vector<16xi32>
      %add3A_400 = arith.addi %select_n3A_398, %select_n3A_399 : vector<16xi32>
      %shift_right_arithmetic3A_401 = arith.constant 1 : i32
      %shift_right_arithmetic3A_402 = vector.broadcast %shift_right_arithmetic3A_401 : i32 to vector<16xi32>
      %shift_right_arithmetic3A_403 = arith.shrsi %add3A_400, %shift_right_arithmetic3A_402 : vector<16xi32>
      %broadcast_in_dim3A_404 = arith.constant 0 : i32
      %broadcast_in_dim3A_405 = vector.broadcast %broadcast_in_dim3A_404 : i32 to vector<16xi32>
      %ge3A_406 = arith.cmpi sge, %get3A_15, %shift_right_arithmetic3A_403 : vector<16xi32>
      %all_reduce_population_count3A_407 = tpu.all_reduce %ge3A_406 {dim = 0 : i64, kind = #tpu.reduction_kind<sum>} : vector<16xi1> -> vector<16xi32>
      %add3A_408 = arith.addi %broadcast_in_dim3A_405, %all_reduce_population_count3A_407 : vector<16xi32>
      %ge3A_409 = arith.cmpi sge, %get3A_18, %shift_right_arithmetic3A_403 : vector<16xi32>
      %all_reduce_population_count3A_410 = tpu.all_reduce %ge3A_409 {dim = 0 : i64, kind = #tpu.reduction_kind<sum>} : vector<16xi1> -> vector<16xi32>
      %add3A_411 = arith.addi %add3A_408, %all_reduce_population_count3A_410 : vector<16xi32>
      %ge3A_412 = arith.cmpi sge, %get3A_21, %shift_right_arithmetic3A_403 : vector<16xi32>
      %all_reduce_population_count3A_413 = tpu.all_reduce %ge3A_412 {dim = 0 : i64, kind = #tpu.reduction_kind<sum>} : vector<16xi1> -> vector<16xi32>
      %add3A_414 = arith.addi %add3A_411, %all_reduce_population_count3A_413 : vector<16xi32>
      %ge3A_415 = arith.cmpi sge, %get3A_24, %shift_right_arithmetic3A_403 : vector<16xi32>
      %all_reduce_population_count3A_416 = tpu.all_reduce %ge3A_415 {dim = 0 : i64, kind = #tpu.reduction_kind<sum>} : vector<16xi1> -> vector<16xi32>
      %add3A_417 = arith.addi %add3A_414, %all_reduce_population_count3A_416 : vector<16xi32>
      %ge3A_418 = arith.cmpi sge, %get3A_27, %shift_right_arithmetic3A_403 : vector<16xi32>
      %all_reduce_population_count3A_419 = tpu.all_reduce %ge3A_418 {dim = 0 : i64, kind = #tpu.reduction_kind<sum>} : vector<16xi1> -> vector<16xi32>
      %add3A_420 = arith.addi %add3A_417, %all_reduce_population_count3A_419 : vector<16xi32>
      %ge3A_421 = arith.cmpi sge, %get3A_30, %shift_right_arithmetic3A_403 : vector<16xi32>
      %all_reduce_population_count3A_422 = tpu.all_reduce %ge3A_421 {dim = 0 : i64, kind = #tpu.reduction_kind<sum>} : vector<16xi1> -> vector<16xi32>
      %add3A_423 = arith.addi %add3A_420, %all_reduce_population_count3A_422 : vector<16xi32>
      %ge3A_424 = arith.cmpi sge, %get3A_33, %shift_right_arithmetic3A_403 : vector<16xi32>
      %all_reduce_population_count3A_425 = tpu.all_reduce %ge3A_424 {dim = 0 : i64, kind = #tpu.reduction_kind<sum>} : vector<16xi1> -> vector<16xi32>
      %add3A_426 = arith.addi %add3A_423, %all_reduce_population_count3A_425 : vector<16xi32>
      %ge3A_427 = arith.cmpi sge, %get3A_36, %shift_right_arithmetic3A_403 : vector<16xi32>
      %all_reduce_population_count3A_428 = tpu.all_reduce %ge3A_427 {dim = 0 : i64, kind = #tpu.reduction_kind<sum>} : vector<16xi1> -> vector<16xi32>
      %add3A_429 = arith.addi %add3A_426, %all_reduce_population_count3A_428 : vector<16xi32>
      %ge3A_430 = arith.cmpi sge, %add3A_429, %broadcast_in_dim3A_3 : vector<16xi32>
      %select_n3A_431 = arith.select %ge3A_430, %shift_right_arithmetic3A_403, %select_n3A_398 : vector<16xi1>, vector<16xi32>
      %select_n3A_432 = arith.select %ge3A_430, %select_n3A_399, %shift_right_arithmetic3A_403 : vector<16xi1>, vector<16xi32>
      %add3A_433 = arith.addi %select_n3A_431, %select_n3A_432 : vector<16xi32>
      %shift_right_arithmetic3A_434 = arith.constant 1 : i32
      %shift_right_arithmetic3A_435 = vector.broadcast %shift_right_arithmetic3A_434 : i32 to vector<16xi32>
      %shift_right_arithmetic3A_436 = arith.shrsi %add3A_433, %shift_right_arithmetic3A_435 : vector<16xi32>
      %broadcast_in_dim3A_437 = arith.constant 0 : i32
      %broadcast_in_dim3A_438 = vector.broadcast %broadcast_in_dim3A_437 : i32 to vector<16xi32>
      %ge3A_439 = arith.cmpi sge, %get3A_15, %shift_right_arithmetic3A_436 : vector<16xi32>
      %all_reduce_population_count3A_440 = tpu.all_reduce %ge3A_439 {dim = 0 : i64, kind = #tpu.reduction_kind<sum>} : vector<16xi1> -> vector<16xi32>
      %add3A_441 = arith.addi %broadcast_in_dim3A_438, %all_reduce_population_count3A_440 : vector<16xi32>
      %ge3A_442 = arith.cmpi sge, %get3A_18, %shift_right_arithmetic3A_436 : vector<16xi32>
      %all_reduce_population_count3A_443 = tpu.all_reduce %ge3A_442 {dim = 0 : i64, kind = #tpu.reduction_kind<sum>} : vector<16xi1> -> vector<16xi32>
      %add3A_444 = arith.addi %add3A_441, %all_reduce_population_count3A_443 : vector<16xi32>
      %ge3A_445 = arith.cmpi sge, %get3A_21, %shift_right_arithmetic3A_436 : vector<16xi32>
      %all_reduce_population_count3A_446 = tpu.all_reduce %ge3A_445 {dim = 0 : i64, kind = #tpu.reduction_kind<sum>} : vector<16xi1> -> vector<16xi32>
      %add3A_447 = arith.addi %add3A_444, %all_reduce_population_count3A_446 : vector<16xi32>
      %ge3A_448 = arith.cmpi sge, %get3A_24, %shift_right_arithmetic3A_436 : vector<16xi32>
      %all_reduce_population_count3A_449 = tpu.all_reduce %ge3A_448 {dim = 0 : i64, kind = #tpu.reduction_kind<sum>} : vector<16xi1> -> vector<16xi32>
      %add3A_450 = arith.addi %add3A_447, %all_reduce_population_count3A_449 : vector<16xi32>
      %ge3A_451 = arith.cmpi sge, %get3A_27, %shift_right_arithmetic3A_436 : vector<16xi32>
      %all_reduce_population_count3A_452 = tpu.all_reduce %ge3A_451 {dim = 0 : i64, kind = #tpu.reduction_kind<sum>} : vector<16xi1> -> vector<16xi32>
      %add3A_453 = arith.addi %add3A_450, %all_reduce_population_count3A_452 : vector<16xi32>
      %ge3A_454 = arith.cmpi sge, %get3A_30, %shift_right_arithmetic3A_436 : vector<16xi32>
      %all_reduce_population_count3A_455 = tpu.all_reduce %ge3A_454 {dim = 0 : i64, kind = #tpu.reduction_kind<sum>} : vector<16xi1> -> vector<16xi32>
      %add3A_456 = arith.addi %add3A_453, %all_reduce_population_count3A_455 : vector<16xi32>
      %ge3A_457 = arith.cmpi sge, %get3A_33, %shift_right_arithmetic3A_436 : vector<16xi32>
      %all_reduce_population_count3A_458 = tpu.all_reduce %ge3A_457 {dim = 0 : i64, kind = #tpu.reduction_kind<sum>} : vector<16xi1> -> vector<16xi32>
      %add3A_459 = arith.addi %add3A_456, %all_reduce_population_count3A_458 : vector<16xi32>
      %ge3A_460 = arith.cmpi sge, %get3A_36, %shift_right_arithmetic3A_436 : vector<16xi32>
      %all_reduce_population_count3A_461 = tpu.all_reduce %ge3A_460 {dim = 0 : i64, kind = #tpu.reduction_kind<sum>} : vector<16xi1> -> vector<16xi32>
      %add3A_462 = arith.addi %add3A_459, %all_reduce_population_count3A_461 : vector<16xi32>
      %ge3A_463 = arith.cmpi sge, %add3A_462, %broadcast_in_dim3A_3 : vector<16xi32>
      %select_n3A_464 = arith.select %ge3A_463, %shift_right_arithmetic3A_436, %select_n3A_431 : vector<16xi1>, vector<16xi32>
      %select_n3A_465 = arith.select %ge3A_463, %select_n3A_432, %shift_right_arithmetic3A_436 : vector<16xi1>, vector<16xi32>
      %add3A_466 = arith.addi %select_n3A_464, %select_n3A_465 : vector<16xi32>
      %shift_right_arithmetic3A_467 = arith.constant 1 : i32
      %shift_right_arithmetic3A_468 = vector.broadcast %shift_right_arithmetic3A_467 : i32 to vector<16xi32>
      %shift_right_arithmetic3A_469 = arith.shrsi %add3A_466, %shift_right_arithmetic3A_468 : vector<16xi32>
      %broadcast_in_dim3A_470 = arith.constant 0 : i32
      %broadcast_in_dim3A_471 = vector.broadcast %broadcast_in_dim3A_470 : i32 to vector<16xi32>
      %ge3A_472 = arith.cmpi sge, %get3A_15, %shift_right_arithmetic3A_469 : vector<16xi32>
      %all_reduce_population_count3A_473 = tpu.all_reduce %ge3A_472 {dim = 0 : i64, kind = #tpu.reduction_kind<sum>} : vector<16xi1> -> vector<16xi32>
      %add3A_474 = arith.addi %broadcast_in_dim3A_471, %all_reduce_population_count3A_473 : vector<16xi32>
      %ge3A_475 = arith.cmpi sge, %get3A_18, %shift_right_arithmetic3A_469 : vector<16xi32>
      %all_reduce_population_count3A_476 = tpu.all_reduce %ge3A_475 {dim = 0 : i64, kind = #tpu.reduction_kind<sum>} : vector<16xi1> -> vector<16xi32>
      %add3A_477 = arith.addi %add3A_474, %all_reduce_population_count3A_476 : vector<16xi32>
      %ge3A_478 = arith.cmpi sge, %get3A_21, %shift_right_arithmetic3A_469 : vector<16xi32>
      %all_reduce_population_count3A_479 = tpu.all_reduce %ge3A_478 {dim = 0 : i64, kind = #tpu.reduction_kind<sum>} : vector<16xi1> -> vector<16xi32>
      %add3A_480 = arith.addi %add3A_477, %all_reduce_population_count3A_479 : vector<16xi32>
      %ge3A_481 = arith.cmpi sge, %get3A_24, %shift_right_arithmetic3A_469 : vector<16xi32>
      %all_reduce_population_count3A_482 = tpu.all_reduce %ge3A_481 {dim = 0 : i64, kind = #tpu.reduction_kind<sum>} : vector<16xi1> -> vector<16xi32>
      %add3A_483 = arith.addi %add3A_480, %all_reduce_population_count3A_482 : vector<16xi32>
      %ge3A_484 = arith.cmpi sge, %get3A_27, %shift_right_arithmetic3A_469 : vector<16xi32>
      %all_reduce_population_count3A_485 = tpu.all_reduce %ge3A_484 {dim = 0 : i64, kind = #tpu.reduction_kind<sum>} : vector<16xi1> -> vector<16xi32>
      %add3A_486 = arith.addi %add3A_483, %all_reduce_population_count3A_485 : vector<16xi32>
      %ge3A_487 = arith.cmpi sge, %get3A_30, %shift_right_arithmetic3A_469 : vector<16xi32>
      %all_reduce_population_count3A_488 = tpu.all_reduce %ge3A_487 {dim = 0 : i64, kind = #tpu.reduction_kind<sum>} : vector<16xi1> -> vector<16xi32>
      %add3A_489 = arith.addi %add3A_486, %all_reduce_population_count3A_488 : vector<16xi32>
      %ge3A_490 = arith.cmpi sge, %get3A_33, %shift_right_arithmetic3A_469 : vector<16xi32>
      %all_reduce_population_count3A_491 = tpu.all_reduce %ge3A_490 {dim = 0 : i64, kind = #tpu.reduction_kind<sum>} : vector<16xi1> -> vector<16xi32>
      %add3A_492 = arith.addi %add3A_489, %all_reduce_population_count3A_491 : vector<16xi32>
      %ge3A_493 = arith.cmpi sge, %get3A_36, %shift_right_arithmetic3A_469 : vector<16xi32>
      %all_reduce_population_count3A_494 = tpu.all_reduce %ge3A_493 {dim = 0 : i64, kind = #tpu.reduction_kind<sum>} : vector<16xi1> -> vector<16xi32>
      %add3A_495 = arith.addi %add3A_492, %all_reduce_population_count3A_494 : vector<16xi32>
      %ge3A_496 = arith.cmpi sge, %add3A_495, %broadcast_in_dim3A_3 : vector<16xi32>
      %select_n3A_497 = arith.select %ge3A_496, %shift_right_arithmetic3A_469, %select_n3A_464 : vector<16xi1>, vector<16xi32>
      %select_n3A_498 = arith.select %ge3A_496, %select_n3A_465, %shift_right_arithmetic3A_469 : vector<16xi1>, vector<16xi32>
      %add3A_499 = arith.addi %select_n3A_497, %select_n3A_498 : vector<16xi32>
      %shift_right_arithmetic3A_500 = arith.constant 1 : i32
      %shift_right_arithmetic3A_501 = vector.broadcast %shift_right_arithmetic3A_500 : i32 to vector<16xi32>
      %shift_right_arithmetic3A_502 = arith.shrsi %add3A_499, %shift_right_arithmetic3A_501 : vector<16xi32>
      %broadcast_in_dim3A_503 = arith.constant 0 : i32
      %broadcast_in_dim3A_504 = vector.broadcast %broadcast_in_dim3A_503 : i32 to vector<16xi32>
      %ge3A_505 = arith.cmpi sge, %get3A_15, %shift_right_arithmetic3A_502 : vector<16xi32>
      %all_reduce_population_count3A_506 = tpu.all_reduce %ge3A_505 {dim = 0 : i64, kind = #tpu.reduction_kind<sum>} : vector<16xi1> -> vector<16xi32>
      %add3A_507 = arith.addi %broadcast_in_dim3A_504, %all_reduce_population_count3A_506 : vector<16xi32>
      %ge3A_508 = arith.cmpi sge, %get3A_18, %shift_right_arithmetic3A_502 : vector<16xi32>
      %all_reduce_population_count3A_509 = tpu.all_reduce %ge3A_508 {dim = 0 : i64, kind = #tpu.reduction_kind<sum>} : vector<16xi1> -> vector<16xi32>
      %add3A_510 = arith.addi %add3A_507, %all_reduce_population_count3A_509 : vector<16xi32>
      %ge3A_511 = arith.cmpi sge, %get3A_21, %shift_right_arithmetic3A_502 : vector<16xi32>
      %all_reduce_population_count3A_512 = tpu.all_reduce %ge3A_511 {dim = 0 : i64, kind = #tpu.reduction_kind<sum>} : vector<16xi1> -> vector<16xi32>
      %add3A_513 = arith.addi %add3A_510, %all_reduce_population_count3A_512 : vector<16xi32>
      %ge3A_514 = arith.cmpi sge, %get3A_24, %shift_right_arithmetic3A_502 : vector<16xi32>
      %all_reduce_population_count3A_515 = tpu.all_reduce %ge3A_514 {dim = 0 : i64, kind = #tpu.reduction_kind<sum>} : vector<16xi1> -> vector<16xi32>
      %add3A_516 = arith.addi %add3A_513, %all_reduce_population_count3A_515 : vector<16xi32>
      %ge3A_517 = arith.cmpi sge, %get3A_27, %shift_right_arithmetic3A_502 : vector<16xi32>
      %all_reduce_population_count3A_518 = tpu.all_reduce %ge3A_517 {dim = 0 : i64, kind = #tpu.reduction_kind<sum>} : vector<16xi1> -> vector<16xi32>
      %add3A_519 = arith.addi %add3A_516, %all_reduce_population_count3A_518 : vector<16xi32>
      %ge3A_520 = arith.cmpi sge, %get3A_30, %shift_right_arithmetic3A_502 : vector<16xi32>
      %all_reduce_population_count3A_521 = tpu.all_reduce %ge3A_520 {dim = 0 : i64, kind = #tpu.reduction_kind<sum>} : vector<16xi1> -> vector<16xi32>
      %add3A_522 = arith.addi %add3A_519, %all_reduce_population_count3A_521 : vector<16xi32>
      %ge3A_523 = arith.cmpi sge, %get3A_33, %shift_right_arithmetic3A_502 : vector<16xi32>
      %all_reduce_population_count3A_524 = tpu.all_reduce %ge3A_523 {dim = 0 : i64, kind = #tpu.reduction_kind<sum>} : vector<16xi1> -> vector<16xi32>
      %add3A_525 = arith.addi %add3A_522, %all_reduce_population_count3A_524 : vector<16xi32>
      %ge3A_526 = arith.cmpi sge, %get3A_36, %shift_right_arithmetic3A_502 : vector<16xi32>
      %all_reduce_population_count3A_527 = tpu.all_reduce %ge3A_526 {dim = 0 : i64, kind = #tpu.reduction_kind<sum>} : vector<16xi1> -> vector<16xi32>
      %add3A_528 = arith.addi %add3A_525, %all_reduce_population_count3A_527 : vector<16xi32>
      %ge3A_529 = arith.cmpi sge, %add3A_528, %broadcast_in_dim3A_3 : vector<16xi32>
      %select_n3A_530 = arith.select %ge3A_529, %shift_right_arithmetic3A_502, %select_n3A_497 : vector<16xi1>, vector<16xi32>
      %select_n3A_531 = arith.select %ge3A_529, %select_n3A_498, %shift_right_arithmetic3A_502 : vector<16xi1>, vector<16xi32>
      %add3A_532 = arith.addi %select_n3A_530, %select_n3A_531 : vector<16xi32>
      %shift_right_arithmetic3A_533 = arith.constant 1 : i32
      %shift_right_arithmetic3A_534 = vector.broadcast %shift_right_arithmetic3A_533 : i32 to vector<16xi32>
      %shift_right_arithmetic3A_535 = arith.shrsi %add3A_532, %shift_right_arithmetic3A_534 : vector<16xi32>
      %broadcast_in_dim3A_536 = arith.constant 0 : i32
      %broadcast_in_dim3A_537 = vector.broadcast %broadcast_in_dim3A_536 : i32 to vector<16xi32>
      %ge3A_538 = arith.cmpi sge, %get3A_15, %shift_right_arithmetic3A_535 : vector<16xi32>
      %all_reduce_population_count3A_539 = tpu.all_reduce %ge3A_538 {dim = 0 : i64, kind = #tpu.reduction_kind<sum>} : vector<16xi1> -> vector<16xi32>
      %add3A_540 = arith.addi %broadcast_in_dim3A_537, %all_reduce_population_count3A_539 : vector<16xi32>
      %ge3A_541 = arith.cmpi sge, %get3A_18, %shift_right_arithmetic3A_535 : vector<16xi32>
      %all_reduce_population_count3A_542 = tpu.all_reduce %ge3A_541 {dim = 0 : i64, kind = #tpu.reduction_kind<sum>} : vector<16xi1> -> vector<16xi32>
      %add3A_543 = arith.addi %add3A_540, %all_reduce_population_count3A_542 : vector<16xi32>
      %ge3A_544 = arith.cmpi sge, %get3A_21, %shift_right_arithmetic3A_535 : vector<16xi32>
      %all_reduce_population_count3A_545 = tpu.all_reduce %ge3A_544 {dim = 0 : i64, kind = #tpu.reduction_kind<sum>} : vector<16xi1> -> vector<16xi32>
      %add3A_546 = arith.addi %add3A_543, %all_reduce_population_count3A_545 : vector<16xi32>
      %ge3A_547 = arith.cmpi sge, %get3A_24, %shift_right_arithmetic3A_535 : vector<16xi32>
      %all_reduce_population_count3A_548 = tpu.all_reduce %ge3A_547 {dim = 0 : i64, kind = #tpu.reduction_kind<sum>} : vector<16xi1> -> vector<16xi32>
      %add3A_549 = arith.addi %add3A_546, %all_reduce_population_count3A_548 : vector<16xi32>
      %ge3A_550 = arith.cmpi sge, %get3A_27, %shift_right_arithmetic3A_535 : vector<16xi32>
      %all_reduce_population_count3A_551 = tpu.all_reduce %ge3A_550 {dim = 0 : i64, kind = #tpu.reduction_kind<sum>} : vector<16xi1> -> vector<16xi32>
      %add3A_552 = arith.addi %add3A_549, %all_reduce_population_count3A_551 : vector<16xi32>
      %ge3A_553 = arith.cmpi sge, %get3A_30, %shift_right_arithmetic3A_535 : vector<16xi32>
      %all_reduce_population_count3A_554 = tpu.all_reduce %ge3A_553 {dim = 0 : i64, kind = #tpu.reduction_kind<sum>} : vector<16xi1> -> vector<16xi32>
      %add3A_555 = arith.addi %add3A_552, %all_reduce_population_count3A_554 : vector<16xi32>
      %ge3A_556 = arith.cmpi sge, %get3A_33, %shift_right_arithmetic3A_535 : vector<16xi32>
      %all_reduce_population_count3A_557 = tpu.all_reduce %ge3A_556 {dim = 0 : i64, kind = #tpu.reduction_kind<sum>} : vector<16xi1> -> vector<16xi32>
      %add3A_558 = arith.addi %add3A_555, %all_reduce_population_count3A_557 : vector<16xi32>
      %ge3A_559 = arith.cmpi sge, %get3A_36, %shift_right_arithmetic3A_535 : vector<16xi32>
      %all_reduce_population_count3A_560 = tpu.all_reduce %ge3A_559 {dim = 0 : i64, kind = #tpu.reduction_kind<sum>} : vector<16xi1> -> vector<16xi32>
      %add3A_561 = arith.addi %add3A_558, %all_reduce_population_count3A_560 : vector<16xi32>
      %ge3A_562 = arith.cmpi sge, %add3A_561, %broadcast_in_dim3A_3 : vector<16xi32>
      %select_n3A_563 = arith.select %ge3A_562, %shift_right_arithmetic3A_535, %select_n3A_530 : vector<16xi1>, vector<16xi32>
      %select_n3A_564 = arith.select %ge3A_562, %select_n3A_531, %shift_right_arithmetic3A_535 : vector<16xi1>, vector<16xi32>
      %add3A_565 = arith.addi %select_n3A_563, %select_n3A_564 : vector<16xi32>
      %shift_right_arithmetic3A_566 = arith.constant 1 : i32
      %shift_right_arithmetic3A_567 = vector.broadcast %shift_right_arithmetic3A_566 : i32 to vector<16xi32>
      %shift_right_arithmetic3A_568 = arith.shrsi %add3A_565, %shift_right_arithmetic3A_567 : vector<16xi32>
      %broadcast_in_dim3A_569 = arith.constant 0 : i32
      %broadcast_in_dim3A_570 = vector.broadcast %broadcast_in_dim3A_569 : i32 to vector<16xi32>
      %ge3A_571 = arith.cmpi sge, %get3A_15, %shift_right_arithmetic3A_568 : vector<16xi32>
      %all_reduce_population_count3A_572 = tpu.all_reduce %ge3A_571 {dim = 0 : i64, kind = #tpu.reduction_kind<sum>} : vector<16xi1> -> vector<16xi32>
      %add3A_573 = arith.addi %broadcast_in_dim3A_570, %all_reduce_population_count3A_572 : vector<16xi32>
      %ge3A_574 = arith.cmpi sge, %get3A_18, %shift_right_arithmetic3A_568 : vector<16xi32>
      %all_reduce_population_count3A_575 = tpu.all_reduce %ge3A_574 {dim = 0 : i64, kind = #tpu.reduction_kind<sum>} : vector<16xi1> -> vector<16xi32>
      %add3A_576 = arith.addi %add3A_573, %all_reduce_population_count3A_575 : vector<16xi32>
      %ge3A_577 = arith.cmpi sge, %get3A_21, %shift_right_arithmetic3A_568 : vector<16xi32>
      %all_reduce_population_count3A_578 = tpu.all_reduce %ge3A_577 {dim = 0 : i64, kind = #tpu.reduction_kind<sum>} : vector<16xi1> -> vector<16xi32>
      %add3A_579 = arith.addi %add3A_576, %all_reduce_population_count3A_578 : vector<16xi32>
      %ge3A_580 = arith.cmpi sge, %get3A_24, %shift_right_arithmetic3A_568 : vector<16xi32>
      %all_reduce_population_count3A_581 = tpu.all_reduce %ge3A_580 {dim = 0 : i64, kind = #tpu.reduction_kind<sum>} : vector<16xi1> -> vector<16xi32>
      %add3A_582 = arith.addi %add3A_579, %all_reduce_population_count3A_581 : vector<16xi32>
      %ge3A_583 = arith.cmpi sge, %get3A_27, %shift_right_arithmetic3A_568 : vector<16xi32>
      %all_reduce_population_count3A_584 = tpu.all_reduce %ge3A_583 {dim = 0 : i64, kind = #tpu.reduction_kind<sum>} : vector<16xi1> -> vector<16xi32>
      %add3A_585 = arith.addi %add3A_582, %all_reduce_population_count3A_584 : vector<16xi32>
      %ge3A_586 = arith.cmpi sge, %get3A_30, %shift_right_arithmetic3A_568 : vector<16xi32>
      %all_reduce_population_count3A_587 = tpu.all_reduce %ge3A_586 {dim = 0 : i64, kind = #tpu.reduction_kind<sum>} : vector<16xi1> -> vector<16xi32>
      %add3A_588 = arith.addi %add3A_585, %all_reduce_population_count3A_587 : vector<16xi32>
      %ge3A_589 = arith.cmpi sge, %get3A_33, %shift_right_arithmetic3A_568 : vector<16xi32>
      %all_reduce_population_count3A_590 = tpu.all_reduce %ge3A_589 {dim = 0 : i64, kind = #tpu.reduction_kind<sum>} : vector<16xi1> -> vector<16xi32>
      %add3A_591 = arith.addi %add3A_588, %all_reduce_population_count3A_590 : vector<16xi32>
      %ge3A_592 = arith.cmpi sge, %get3A_36, %shift_right_arithmetic3A_568 : vector<16xi32>
      %all_reduce_population_count3A_593 = tpu.all_reduce %ge3A_592 {dim = 0 : i64, kind = #tpu.reduction_kind<sum>} : vector<16xi1> -> vector<16xi32>
      %add3A_594 = arith.addi %add3A_591, %all_reduce_population_count3A_593 : vector<16xi32>
      %ge3A_595 = arith.cmpi sge, %add3A_594, %broadcast_in_dim3A_3 : vector<16xi32>
      %select_n3A_596 = arith.select %ge3A_595, %shift_right_arithmetic3A_568, %select_n3A_563 : vector<16xi1>, vector<16xi32>
      %select_n3A_597 = arith.select %ge3A_595, %select_n3A_564, %shift_right_arithmetic3A_568 : vector<16xi1>, vector<16xi32>
      %add3A_598 = arith.addi %select_n3A_596, %select_n3A_597 : vector<16xi32>
      %shift_right_arithmetic3A_599 = arith.constant 1 : i32
      %shift_right_arithmetic3A_600 = vector.broadcast %shift_right_arithmetic3A_599 : i32 to vector<16xi32>
      %shift_right_arithmetic3A_601 = arith.shrsi %add3A_598, %shift_right_arithmetic3A_600 : vector<16xi32>
      %broadcast_in_dim3A_602 = arith.constant 0 : i32
      %broadcast_in_dim3A_603 = vector.broadcast %broadcast_in_dim3A_602 : i32 to vector<16xi32>
      %ge3A_604 = arith.cmpi sge, %get3A_15, %shift_right_arithmetic3A_601 : vector<16xi32>
      %all_reduce_population_count3A_605 = tpu.all_reduce %ge3A_604 {dim = 0 : i64, kind = #tpu.reduction_kind<sum>} : vector<16xi1> -> vector<16xi32>
      %add3A_606 = arith.addi %broadcast_in_dim3A_603, %all_reduce_population_count3A_605 : vector<16xi32>
      %ge3A_607 = arith.cmpi sge, %get3A_18, %shift_right_arithmetic3A_601 : vector<16xi32>
      %all_reduce_population_count3A_608 = tpu.all_reduce %ge3A_607 {dim = 0 : i64, kind = #tpu.reduction_kind<sum>} : vector<16xi1> -> vector<16xi32>
      %add3A_609 = arith.addi %add3A_606, %all_reduce_population_count3A_608 : vector<16xi32>
      %ge3A_610 = arith.cmpi sge, %get3A_21, %shift_right_arithmetic3A_601 : vector<16xi32>
      %all_reduce_population_count3A_611 = tpu.all_reduce %ge3A_610 {dim = 0 : i64, kind = #tpu.reduction_kind<sum>} : vector<16xi1> -> vector<16xi32>
      %add3A_612 = arith.addi %add3A_609, %all_reduce_population_count3A_611 : vector<16xi32>
      %ge3A_613 = arith.cmpi sge, %get3A_24, %shift_right_arithmetic3A_601 : vector<16xi32>
      %all_reduce_population_count3A_614 = tpu.all_reduce %ge3A_613 {dim = 0 : i64, kind = #tpu.reduction_kind<sum>} : vector<16xi1> -> vector<16xi32>
      %add3A_615 = arith.addi %add3A_612, %all_reduce_population_count3A_614 : vector<16xi32>
      %ge3A_616 = arith.cmpi sge, %get3A_27, %shift_right_arithmetic3A_601 : vector<16xi32>
      %all_reduce_population_count3A_617 = tpu.all_reduce %ge3A_616 {dim = 0 : i64, kind = #tpu.reduction_kind<sum>} : vector<16xi1> -> vector<16xi32>
      %add3A_618 = arith.addi %add3A_615, %all_reduce_population_count3A_617 : vector<16xi32>
      %ge3A_619 = arith.cmpi sge, %get3A_30, %shift_right_arithmetic3A_601 : vector<16xi32>
      %all_reduce_population_count3A_620 = tpu.all_reduce %ge3A_619 {dim = 0 : i64, kind = #tpu.reduction_kind<sum>} : vector<16xi1> -> vector<16xi32>
      %add3A_621 = arith.addi %add3A_618, %all_reduce_population_count3A_620 : vector<16xi32>
      %ge3A_622 = arith.cmpi sge, %get3A_33, %shift_right_arithmetic3A_601 : vector<16xi32>
      %all_reduce_population_count3A_623 = tpu.all_reduce %ge3A_622 {dim = 0 : i64, kind = #tpu.reduction_kind<sum>} : vector<16xi1> -> vector<16xi32>
      %add3A_624 = arith.addi %add3A_621, %all_reduce_population_count3A_623 : vector<16xi32>
      %ge3A_625 = arith.cmpi sge, %get3A_36, %shift_right_arithmetic3A_601 : vector<16xi32>
      %all_reduce_population_count3A_626 = tpu.all_reduce %ge3A_625 {dim = 0 : i64, kind = #tpu.reduction_kind<sum>} : vector<16xi1> -> vector<16xi32>
      %add3A_627 = arith.addi %add3A_624, %all_reduce_population_count3A_626 : vector<16xi32>
      %ge3A_628 = arith.cmpi sge, %add3A_627, %broadcast_in_dim3A_3 : vector<16xi32>
      %select_n3A_629 = arith.select %ge3A_628, %shift_right_arithmetic3A_601, %select_n3A_596 : vector<16xi1>, vector<16xi32>
      %select_n3A_630 = arith.select %ge3A_628, %select_n3A_597, %shift_right_arithmetic3A_601 : vector<16xi1>, vector<16xi32>
      %add3A_631 = arith.addi %select_n3A_629, %select_n3A_630 : vector<16xi32>
      %shift_right_arithmetic3A_632 = arith.constant 1 : i32
      %shift_right_arithmetic3A_633 = vector.broadcast %shift_right_arithmetic3A_632 : i32 to vector<16xi32>
      %shift_right_arithmetic3A_634 = arith.shrsi %add3A_631, %shift_right_arithmetic3A_633 : vector<16xi32>
      %broadcast_in_dim3A_635 = arith.constant 0 : i32
      %broadcast_in_dim3A_636 = vector.broadcast %broadcast_in_dim3A_635 : i32 to vector<16xi32>
      %ge3A_637 = arith.cmpi sge, %get3A_15, %shift_right_arithmetic3A_634 : vector<16xi32>
      %all_reduce_population_count3A_638 = tpu.all_reduce %ge3A_637 {dim = 0 : i64, kind = #tpu.reduction_kind<sum>} : vector<16xi1> -> vector<16xi32>
      %add3A_639 = arith.addi %broadcast_in_dim3A_636, %all_reduce_population_count3A_638 : vector<16xi32>
      %ge3A_640 = arith.cmpi sge, %get3A_18, %shift_right_arithmetic3A_634 : vector<16xi32>
      %all_reduce_population_count3A_641 = tpu.all_reduce %ge3A_640 {dim = 0 : i64, kind = #tpu.reduction_kind<sum>} : vector<16xi1> -> vector<16xi32>
      %add3A_642 = arith.addi %add3A_639, %all_reduce_population_count3A_641 : vector<16xi32>
      %ge3A_643 = arith.cmpi sge, %get3A_21, %shift_right_arithmetic3A_634 : vector<16xi32>
      %all_reduce_population_count3A_644 = tpu.all_reduce %ge3A_643 {dim = 0 : i64, kind = #tpu.reduction_kind<sum>} : vector<16xi1> -> vector<16xi32>
      %add3A_645 = arith.addi %add3A_642, %all_reduce_population_count3A_644 : vector<16xi32>
      %ge3A_646 = arith.cmpi sge, %get3A_24, %shift_right_arithmetic3A_634 : vector<16xi32>
      %all_reduce_population_count3A_647 = tpu.all_reduce %ge3A_646 {dim = 0 : i64, kind = #tpu.reduction_kind<sum>} : vector<16xi1> -> vector<16xi32>
      %add3A_648 = arith.addi %add3A_645, %all_reduce_population_count3A_647 : vector<16xi32>
      %ge3A_649 = arith.cmpi sge, %get3A_27, %shift_right_arithmetic3A_634 : vector<16xi32>
      %all_reduce_population_count3A_650 = tpu.all_reduce %ge3A_649 {dim = 0 : i64, kind = #tpu.reduction_kind<sum>} : vector<16xi1> -> vector<16xi32>
      %add3A_651 = arith.addi %add3A_648, %all_reduce_population_count3A_650 : vector<16xi32>
      %ge3A_652 = arith.cmpi sge, %get3A_30, %shift_right_arithmetic3A_634 : vector<16xi32>
      %all_reduce_population_count3A_653 = tpu.all_reduce %ge3A_652 {dim = 0 : i64, kind = #tpu.reduction_kind<sum>} : vector<16xi1> -> vector<16xi32>
      %add3A_654 = arith.addi %add3A_651, %all_reduce_population_count3A_653 : vector<16xi32>
      %ge3A_655 = arith.cmpi sge, %get3A_33, %shift_right_arithmetic3A_634 : vector<16xi32>
      %all_reduce_population_count3A_656 = tpu.all_reduce %ge3A_655 {dim = 0 : i64, kind = #tpu.reduction_kind<sum>} : vector<16xi1> -> vector<16xi32>
      %add3A_657 = arith.addi %add3A_654, %all_reduce_population_count3A_656 : vector<16xi32>
      %ge3A_658 = arith.cmpi sge, %get3A_36, %shift_right_arithmetic3A_634 : vector<16xi32>
      %all_reduce_population_count3A_659 = tpu.all_reduce %ge3A_658 {dim = 0 : i64, kind = #tpu.reduction_kind<sum>} : vector<16xi1> -> vector<16xi32>
      %add3A_660 = arith.addi %add3A_657, %all_reduce_population_count3A_659 : vector<16xi32>
      %ge3A_661 = arith.cmpi sge, %add3A_660, %broadcast_in_dim3A_3 : vector<16xi32>
      %select_n3A_662 = arith.select %ge3A_661, %shift_right_arithmetic3A_634, %select_n3A_629 : vector<16xi1>, vector<16xi32>
      %select_n3A_663 = arith.select %ge3A_661, %select_n3A_630, %shift_right_arithmetic3A_634 : vector<16xi1>, vector<16xi32>
      %add3A_664 = arith.addi %select_n3A_662, %select_n3A_663 : vector<16xi32>
      %shift_right_arithmetic3A_665 = arith.constant 1 : i32
      %shift_right_arithmetic3A_666 = vector.broadcast %shift_right_arithmetic3A_665 : i32 to vector<16xi32>
      %shift_right_arithmetic3A_667 = arith.shrsi %add3A_664, %shift_right_arithmetic3A_666 : vector<16xi32>
      %broadcast_in_dim3A_668 = arith.constant 0 : i32
      %broadcast_in_dim3A_669 = vector.broadcast %broadcast_in_dim3A_668 : i32 to vector<16xi32>
      %ge3A_670 = arith.cmpi sge, %get3A_15, %shift_right_arithmetic3A_667 : vector<16xi32>
      %all_reduce_population_count3A_671 = tpu.all_reduce %ge3A_670 {dim = 0 : i64, kind = #tpu.reduction_kind<sum>} : vector<16xi1> -> vector<16xi32>
      %add3A_672 = arith.addi %broadcast_in_dim3A_669, %all_reduce_population_count3A_671 : vector<16xi32>
      %ge3A_673 = arith.cmpi sge, %get3A_18, %shift_right_arithmetic3A_667 : vector<16xi32>
      %all_reduce_population_count3A_674 = tpu.all_reduce %ge3A_673 {dim = 0 : i64, kind = #tpu.reduction_kind<sum>} : vector<16xi1> -> vector<16xi32>
      %add3A_675 = arith.addi %add3A_672, %all_reduce_population_count3A_674 : vector<16xi32>
      %ge3A_676 = arith.cmpi sge, %get3A_21, %shift_right_arithmetic3A_667 : vector<16xi32>
      %all_reduce_population_count3A_677 = tpu.all_reduce %ge3A_676 {dim = 0 : i64, kind = #tpu.reduction_kind<sum>} : vector<16xi1> -> vector<16xi32>
      %add3A_678 = arith.addi %add3A_675, %all_reduce_population_count3A_677 : vector<16xi32>
      %ge3A_679 = arith.cmpi sge, %get3A_24, %shift_right_arithmetic3A_667 : vector<16xi32>
      %all_reduce_population_count3A_680 = tpu.all_reduce %ge3A_679 {dim = 0 : i64, kind = #tpu.reduction_kind<sum>} : vector<16xi1> -> vector<16xi32>
      %add3A_681 = arith.addi %add3A_678, %all_reduce_population_count3A_680 : vector<16xi32>
      %ge3A_682 = arith.cmpi sge, %get3A_27, %shift_right_arithmetic3A_667 : vector<16xi32>
      %all_reduce_population_count3A_683 = tpu.all_reduce %ge3A_682 {dim = 0 : i64, kind = #tpu.reduction_kind<sum>} : vector<16xi1> -> vector<16xi32>
      %add3A_684 = arith.addi %add3A_681, %all_reduce_population_count3A_683 : vector<16xi32>
      %ge3A_685 = arith.cmpi sge, %get3A_30, %shift_right_arithmetic3A_667 : vector<16xi32>
      %all_reduce_population_count3A_686 = tpu.all_reduce %ge3A_685 {dim = 0 : i64, kind = #tpu.reduction_kind<sum>} : vector<16xi1> -> vector<16xi32>
      %add3A_687 = arith.addi %add3A_684, %all_reduce_population_count3A_686 : vector<16xi32>
      %ge3A_688 = arith.cmpi sge, %get3A_33, %shift_right_arithmetic3A_667 : vector<16xi32>
      %all_reduce_population_count3A_689 = tpu.all_reduce %ge3A_688 {dim = 0 : i64, kind = #tpu.reduction_kind<sum>} : vector<16xi1> -> vector<16xi32>
      %add3A_690 = arith.addi %add3A_687, %all_reduce_population_count3A_689 : vector<16xi32>
      %ge3A_691 = arith.cmpi sge, %get3A_36, %shift_right_arithmetic3A_667 : vector<16xi32>
      %all_reduce_population_count3A_692 = tpu.all_reduce %ge3A_691 {dim = 0 : i64, kind = #tpu.reduction_kind<sum>} : vector<16xi1> -> vector<16xi32>
      %add3A_693 = arith.addi %add3A_690, %all_reduce_population_count3A_692 : vector<16xi32>
      %ge3A_694 = arith.cmpi sge, %add3A_693, %broadcast_in_dim3A_3 : vector<16xi32>
      %select_n3A_695 = arith.select %ge3A_694, %shift_right_arithmetic3A_667, %select_n3A_662 : vector<16xi1>, vector<16xi32>
      %select_n3A_696 = arith.select %ge3A_694, %select_n3A_663, %shift_right_arithmetic3A_667 : vector<16xi1>, vector<16xi32>
      %add3A_697 = arith.addi %select_n3A_695, %select_n3A_696 : vector<16xi32>
      %shift_right_arithmetic3A_698 = arith.constant 1 : i32
      %shift_right_arithmetic3A_699 = vector.broadcast %shift_right_arithmetic3A_698 : i32 to vector<16xi32>
      %shift_right_arithmetic3A_700 = arith.shrsi %add3A_697, %shift_right_arithmetic3A_699 : vector<16xi32>
      %broadcast_in_dim3A_701 = arith.constant 0 : i32
      %broadcast_in_dim3A_702 = vector.broadcast %broadcast_in_dim3A_701 : i32 to vector<16xi32>
      %ge3A_703 = arith.cmpi sge, %get3A_15, %shift_right_arithmetic3A_700 : vector<16xi32>
      %all_reduce_population_count3A_704 = tpu.all_reduce %ge3A_703 {dim = 0 : i64, kind = #tpu.reduction_kind<sum>} : vector<16xi1> -> vector<16xi32>
      %add3A_705 = arith.addi %broadcast_in_dim3A_702, %all_reduce_population_count3A_704 : vector<16xi32>
      %ge3A_706 = arith.cmpi sge, %get3A_18, %shift_right_arithmetic3A_700 : vector<16xi32>
      %all_reduce_population_count3A_707 = tpu.all_reduce %ge3A_706 {dim = 0 : i64, kind = #tpu.reduction_kind<sum>} : vector<16xi1> -> vector<16xi32>
      %add3A_708 = arith.addi %add3A_705, %all_reduce_population_count3A_707 : vector<16xi32>
      %ge3A_709 = arith.cmpi sge, %get3A_21, %shift_right_arithmetic3A_700 : vector<16xi32>
      %all_reduce_population_count3A_710 = tpu.all_reduce %ge3A_709 {dim = 0 : i64, kind = #tpu.reduction_kind<sum>} : vector<16xi1> -> vector<16xi32>
      %add3A_711 = arith.addi %add3A_708, %all_reduce_population_count3A_710 : vector<16xi32>
      %ge3A_712 = arith.cmpi sge, %get3A_24, %shift_right_arithmetic3A_700 : vector<16xi32>
      %all_reduce_population_count3A_713 = tpu.all_reduce %ge3A_712 {dim = 0 : i64, kind = #tpu.reduction_kind<sum>} : vector<16xi1> -> vector<16xi32>
      %add3A_714 = arith.addi %add3A_711, %all_reduce_population_count3A_713 : vector<16xi32>
      %ge3A_715 = arith.cmpi sge, %get3A_27, %shift_right_arithmetic3A_700 : vector<16xi32>
      %all_reduce_population_count3A_716 = tpu.all_reduce %ge3A_715 {dim = 0 : i64, kind = #tpu.reduction_kind<sum>} : vector<16xi1> -> vector<16xi32>
      %add3A_717 = arith.addi %add3A_714, %all_reduce_population_count3A_716 : vector<16xi32>
      %ge3A_718 = arith.cmpi sge, %get3A_30, %shift_right_arithmetic3A_700 : vector<16xi32>
      %all_reduce_population_count3A_719 = tpu.all_reduce %ge3A_718 {dim = 0 : i64, kind = #tpu.reduction_kind<sum>} : vector<16xi1> -> vector<16xi32>
      %add3A_720 = arith.addi %add3A_717, %all_reduce_population_count3A_719 : vector<16xi32>
      %ge3A_721 = arith.cmpi sge, %get3A_33, %shift_right_arithmetic3A_700 : vector<16xi32>
      %all_reduce_population_count3A_722 = tpu.all_reduce %ge3A_721 {dim = 0 : i64, kind = #tpu.reduction_kind<sum>} : vector<16xi1> -> vector<16xi32>
      %add3A_723 = arith.addi %add3A_720, %all_reduce_population_count3A_722 : vector<16xi32>
      %ge3A_724 = arith.cmpi sge, %get3A_36, %shift_right_arithmetic3A_700 : vector<16xi32>
      %all_reduce_population_count3A_725 = tpu.all_reduce %ge3A_724 {dim = 0 : i64, kind = #tpu.reduction_kind<sum>} : vector<16xi1> -> vector<16xi32>
      %add3A_726 = arith.addi %add3A_723, %all_reduce_population_count3A_725 : vector<16xi32>
      %ge3A_727 = arith.cmpi sge, %add3A_726, %broadcast_in_dim3A_3 : vector<16xi32>
      %select_n3A_728 = arith.select %ge3A_727, %shift_right_arithmetic3A_700, %select_n3A_695 : vector<16xi1>, vector<16xi32>
      %select_n3A_729 = arith.select %ge3A_727, %select_n3A_696, %shift_right_arithmetic3A_700 : vector<16xi1>, vector<16xi32>
      %add3A_730 = arith.addi %select_n3A_728, %select_n3A_729 : vector<16xi32>
      %shift_right_arithmetic3A_731 = arith.constant 1 : i32
      %shift_right_arithmetic3A_732 = vector.broadcast %shift_right_arithmetic3A_731 : i32 to vector<16xi32>
      %shift_right_arithmetic3A_733 = arith.shrsi %add3A_730, %shift_right_arithmetic3A_732 : vector<16xi32>
      %broadcast_in_dim3A_734 = arith.constant 0 : i32
      %broadcast_in_dim3A_735 = vector.broadcast %broadcast_in_dim3A_734 : i32 to vector<16xi32>
      %ge3A_736 = arith.cmpi sge, %get3A_15, %shift_right_arithmetic3A_733 : vector<16xi32>
      %all_reduce_population_count3A_737 = tpu.all_reduce %ge3A_736 {dim = 0 : i64, kind = #tpu.reduction_kind<sum>} : vector<16xi1> -> vector<16xi32>
      %add3A_738 = arith.addi %broadcast_in_dim3A_735, %all_reduce_population_count3A_737 : vector<16xi32>
      %ge3A_739 = arith.cmpi sge, %get3A_18, %shift_right_arithmetic3A_733 : vector<16xi32>
      %all_reduce_population_count3A_740 = tpu.all_reduce %ge3A_739 {dim = 0 : i64, kind = #tpu.reduction_kind<sum>} : vector<16xi1> -> vector<16xi32>
      %add3A_741 = arith.addi %add3A_738, %all_reduce_population_count3A_740 : vector<16xi32>
      %ge3A_742 = arith.cmpi sge, %get3A_21, %shift_right_arithmetic3A_733 : vector<16xi32>
      %all_reduce_population_count3A_743 = tpu.all_reduce %ge3A_742 {dim = 0 : i64, kind = #tpu.reduction_kind<sum>} : vector<16xi1> -> vector<16xi32>
      %add3A_744 = arith.addi %add3A_741, %all_reduce_population_count3A_743 : vector<16xi32>
      %ge3A_745 = arith.cmpi sge, %get3A_24, %shift_right_arithmetic3A_733 : vector<16xi32>
      %all_reduce_population_count3A_746 = tpu.all_reduce %ge3A_745 {dim = 0 : i64, kind = #tpu.reduction_kind<sum>} : vector<16xi1> -> vector<16xi32>
      %add3A_747 = arith.addi %add3A_744, %all_reduce_population_count3A_746 : vector<16xi32>
      %ge3A_748 = arith.cmpi sge, %get3A_27, %shift_right_arithmetic3A_733 : vector<16xi32>
      %all_reduce_population_count3A_749 = tpu.all_reduce %ge3A_748 {dim = 0 : i64, kind = #tpu.reduction_kind<sum>} : vector<16xi1> -> vector<16xi32>
      %add3A_750 = arith.addi %add3A_747, %all_reduce_population_count3A_749 : vector<16xi32>
      %ge3A_751 = arith.cmpi sge, %get3A_30, %shift_right_arithmetic3A_733 : vector<16xi32>
      %all_reduce_population_count3A_752 = tpu.all_reduce %ge3A_751 {dim = 0 : i64, kind = #tpu.reduction_kind<sum>} : vector<16xi1> -> vector<16xi32>
      %add3A_753 = arith.addi %add3A_750, %all_reduce_population_count3A_752 : vector<16xi32>
      %ge3A_754 = arith.cmpi sge, %get3A_33, %shift_right_arithmetic3A_733 : vector<16xi32>
      %all_reduce_population_count3A_755 = tpu.all_reduce %ge3A_754 {dim = 0 : i64, kind = #tpu.reduction_kind<sum>} : vector<16xi1> -> vector<16xi32>
      %add3A_756 = arith.addi %add3A_753, %all_reduce_population_count3A_755 : vector<16xi32>
      %ge3A_757 = arith.cmpi sge, %get3A_36, %shift_right_arithmetic3A_733 : vector<16xi32>
      %all_reduce_population_count3A_758 = tpu.all_reduce %ge3A_757 {dim = 0 : i64, kind = #tpu.reduction_kind<sum>} : vector<16xi1> -> vector<16xi32>
      %add3A_759 = arith.addi %add3A_756, %all_reduce_population_count3A_758 : vector<16xi32>
      %ge3A_760 = arith.cmpi sge, %add3A_759, %broadcast_in_dim3A_3 : vector<16xi32>
      %select_n3A_761 = arith.select %ge3A_760, %shift_right_arithmetic3A_733, %select_n3A_728 : vector<16xi1>, vector<16xi32>
      %select_n3A_762 = arith.select %ge3A_760, %select_n3A_729, %shift_right_arithmetic3A_733 : vector<16xi1>, vector<16xi32>
      %add3A_763 = arith.addi %select_n3A_761, %select_n3A_762 : vector<16xi32>
      %shift_right_arithmetic3A_764 = arith.constant 1 : i32
      %shift_right_arithmetic3A_765 = vector.broadcast %shift_right_arithmetic3A_764 : i32 to vector<16xi32>
      %shift_right_arithmetic3A_766 = arith.shrsi %add3A_763, %shift_right_arithmetic3A_765 : vector<16xi32>
      %broadcast_in_dim3A_767 = arith.constant 0 : i32
      %broadcast_in_dim3A_768 = vector.broadcast %broadcast_in_dim3A_767 : i32 to vector<16xi32>
      %ge3A_769 = arith.cmpi sge, %get3A_15, %shift_right_arithmetic3A_766 : vector<16xi32>
      %all_reduce_population_count3A_770 = tpu.all_reduce %ge3A_769 {dim = 0 : i64, kind = #tpu.reduction_kind<sum>} : vector<16xi1> -> vector<16xi32>
      %add3A_771 = arith.addi %broadcast_in_dim3A_768, %all_reduce_population_count3A_770 : vector<16xi32>
      %ge3A_772 = arith.cmpi sge, %get3A_18, %shift_right_arithmetic3A_766 : vector<16xi32>
      %all_reduce_population_count3A_773 = tpu.all_reduce %ge3A_772 {dim = 0 : i64, kind = #tpu.reduction_kind<sum>} : vector<16xi1> -> vector<16xi32>
      %add3A_774 = arith.addi %add3A_771, %all_reduce_population_count3A_773 : vector<16xi32>
      %ge3A_775 = arith.cmpi sge, %get3A_21, %shift_right_arithmetic3A_766 : vector<16xi32>
      %all_reduce_population_count3A_776 = tpu.all_reduce %ge3A_775 {dim = 0 : i64, kind = #tpu.reduction_kind<sum>} : vector<16xi1> -> vector<16xi32>
      %add3A_777 = arith.addi %add3A_774, %all_reduce_population_count3A_776 : vector<16xi32>
      %ge3A_778 = arith.cmpi sge, %get3A_24, %shift_right_arithmetic3A_766 : vector<16xi32>
      %all_reduce_population_count3A_779 = tpu.all_reduce %ge3A_778 {dim = 0 : i64, kind = #tpu.reduction_kind<sum>} : vector<16xi1> -> vector<16xi32>
      %add3A_780 = arith.addi %add3A_777, %all_reduce_population_count3A_779 : vector<16xi32>
      %ge3A_781 = arith.cmpi sge, %get3A_27, %shift_right_arithmetic3A_766 : vector<16xi32>
      %all_reduce_population_count3A_782 = tpu.all_reduce %ge3A_781 {dim = 0 : i64, kind = #tpu.reduction_kind<sum>} : vector<16xi1> -> vector<16xi32>
      %add3A_783 = arith.addi %add3A_780, %all_reduce_population_count3A_782 : vector<16xi32>
      %ge3A_784 = arith.cmpi sge, %get3A_30, %shift_right_arithmetic3A_766 : vector<16xi32>
      %all_reduce_population_count3A_785 = tpu.all_reduce %ge3A_784 {dim = 0 : i64, kind = #tpu.reduction_kind<sum>} : vector<16xi1> -> vector<16xi32>
      %add3A_786 = arith.addi %add3A_783, %all_reduce_population_count3A_785 : vector<16xi32>
      %ge3A_787 = arith.cmpi sge, %get3A_33, %shift_right_arithmetic3A_766 : vector<16xi32>
      %all_reduce_population_count3A_788 = tpu.all_reduce %ge3A_787 {dim = 0 : i64, kind = #tpu.reduction_kind<sum>} : vector<16xi1> -> vector<16xi32>
      %add3A_789 = arith.addi %add3A_786, %all_reduce_population_count3A_788 : vector<16xi32>
      %ge3A_790 = arith.cmpi sge, %get3A_36, %shift_right_arithmetic3A_766 : vector<16xi32>
      %all_reduce_population_count3A_791 = tpu.all_reduce %ge3A_790 {dim = 0 : i64, kind = #tpu.reduction_kind<sum>} : vector<16xi1> -> vector<16xi32>
      %add3A_792 = arith.addi %add3A_789, %all_reduce_population_count3A_791 : vector<16xi32>
      %ge3A_793 = arith.cmpi sge, %add3A_792, %broadcast_in_dim3A_3 : vector<16xi32>
      %select_n3A_794 = arith.select %ge3A_793, %shift_right_arithmetic3A_766, %select_n3A_761 : vector<16xi1>, vector<16xi32>
      %select_n3A_795 = arith.select %ge3A_793, %select_n3A_762, %shift_right_arithmetic3A_766 : vector<16xi1>, vector<16xi32>
      %add3A_796 = arith.addi %select_n3A_794, %select_n3A_795 : vector<16xi32>
      %shift_right_arithmetic3A_797 = arith.constant 1 : i32
      %shift_right_arithmetic3A_798 = vector.broadcast %shift_right_arithmetic3A_797 : i32 to vector<16xi32>
      %shift_right_arithmetic3A_799 = arith.shrsi %add3A_796, %shift_right_arithmetic3A_798 : vector<16xi32>
      %broadcast_in_dim3A_800 = arith.constant 0 : i32
      %broadcast_in_dim3A_801 = vector.broadcast %broadcast_in_dim3A_800 : i32 to vector<16xi32>
      %ge3A_802 = arith.cmpi sge, %get3A_15, %shift_right_arithmetic3A_799 : vector<16xi32>
      %all_reduce_population_count3A_803 = tpu.all_reduce %ge3A_802 {dim = 0 : i64, kind = #tpu.reduction_kind<sum>} : vector<16xi1> -> vector<16xi32>
      %add3A_804 = arith.addi %broadcast_in_dim3A_801, %all_reduce_population_count3A_803 : vector<16xi32>
      %ge3A_805 = arith.cmpi sge, %get3A_18, %shift_right_arithmetic3A_799 : vector<16xi32>
      %all_reduce_population_count3A_806 = tpu.all_reduce %ge3A_805 {dim = 0 : i64, kind = #tpu.reduction_kind<sum>} : vector<16xi1> -> vector<16xi32>
      %add3A_807 = arith.addi %add3A_804, %all_reduce_population_count3A_806 : vector<16xi32>
      %ge3A_808 = arith.cmpi sge, %get3A_21, %shift_right_arithmetic3A_799 : vector<16xi32>
      %all_reduce_population_count3A_809 = tpu.all_reduce %ge3A_808 {dim = 0 : i64, kind = #tpu.reduction_kind<sum>} : vector<16xi1> -> vector<16xi32>
      %add3A_810 = arith.addi %add3A_807, %all_reduce_population_count3A_809 : vector<16xi32>
      %ge3A_811 = arith.cmpi sge, %get3A_24, %shift_right_arithmetic3A_799 : vector<16xi32>
      %all_reduce_population_count3A_812 = tpu.all_reduce %ge3A_811 {dim = 0 : i64, kind = #tpu.reduction_kind<sum>} : vector<16xi1> -> vector<16xi32>
      %add3A_813 = arith.addi %add3A_810, %all_reduce_population_count3A_812 : vector<16xi32>
      %ge3A_814 = arith.cmpi sge, %get3A_27, %shift_right_arithmetic3A_799 : vector<16xi32>
      %all_reduce_population_count3A_815 = tpu.all_reduce %ge3A_814 {dim = 0 : i64, kind = #tpu.reduction_kind<sum>} : vector<16xi1> -> vector<16xi32>
      %add3A_816 = arith.addi %add3A_813, %all_reduce_population_count3A_815 : vector<16xi32>
      %ge3A_817 = arith.cmpi sge, %get3A_30, %shift_right_arithmetic3A_799 : vector<16xi32>
      %all_reduce_population_count3A_818 = tpu.all_reduce %ge3A_817 {dim = 0 : i64, kind = #tpu.reduction_kind<sum>} : vector<16xi1> -> vector<16xi32>
      %add3A_819 = arith.addi %add3A_816, %all_reduce_population_count3A_818 : vector<16xi32>
      %ge3A_820 = arith.cmpi sge, %get3A_33, %shift_right_arithmetic3A_799 : vector<16xi32>
      %all_reduce_population_count3A_821 = tpu.all_reduce %ge3A_820 {dim = 0 : i64, kind = #tpu.reduction_kind<sum>} : vector<16xi1> -> vector<16xi32>
      %add3A_822 = arith.addi %add3A_819, %all_reduce_population_count3A_821 : vector<16xi32>
      %ge3A_823 = arith.cmpi sge, %get3A_36, %shift_right_arithmetic3A_799 : vector<16xi32>
      %all_reduce_population_count3A_824 = tpu.all_reduce %ge3A_823 {dim = 0 : i64, kind = #tpu.reduction_kind<sum>} : vector<16xi1> -> vector<16xi32>
      %add3A_825 = arith.addi %add3A_822, %all_reduce_population_count3A_824 : vector<16xi32>
      %ge3A_826 = arith.cmpi sge, %add3A_825, %broadcast_in_dim3A_3 : vector<16xi32>
      %select_n3A_827 = arith.select %ge3A_826, %shift_right_arithmetic3A_799, %select_n3A_794 : vector<16xi1>, vector<16xi32>
      %select_n3A_828 = arith.select %ge3A_826, %select_n3A_795, %shift_right_arithmetic3A_799 : vector<16xi1>, vector<16xi32>
      %add3A_829 = arith.addi %select_n3A_827, %select_n3A_828 : vector<16xi32>
      %shift_right_arithmetic3A_830 = arith.constant 1 : i32
      %shift_right_arithmetic3A_831 = vector.broadcast %shift_right_arithmetic3A_830 : i32 to vector<16xi32>
      %shift_right_arithmetic3A_832 = arith.shrsi %add3A_829, %shift_right_arithmetic3A_831 : vector<16xi32>
      %broadcast_in_dim3A_833 = arith.constant 0 : i32
      %broadcast_in_dim3A_834 = vector.broadcast %broadcast_in_dim3A_833 : i32 to vector<16xi32>
      %ge3A_835 = arith.cmpi sge, %get3A_15, %shift_right_arithmetic3A_832 : vector<16xi32>
      %all_reduce_population_count3A_836 = tpu.all_reduce %ge3A_835 {dim = 0 : i64, kind = #tpu.reduction_kind<sum>} : vector<16xi1> -> vector<16xi32>
      %add3A_837 = arith.addi %broadcast_in_dim3A_834, %all_reduce_population_count3A_836 : vector<16xi32>
      %ge3A_838 = arith.cmpi sge, %get3A_18, %shift_right_arithmetic3A_832 : vector<16xi32>
      %all_reduce_population_count3A_839 = tpu.all_reduce %ge3A_838 {dim = 0 : i64, kind = #tpu.reduction_kind<sum>} : vector<16xi1> -> vector<16xi32>
      %add3A_840 = arith.addi %add3A_837, %all_reduce_population_count3A_839 : vector<16xi32>
      %ge3A_841 = arith.cmpi sge, %get3A_21, %shift_right_arithmetic3A_832 : vector<16xi32>
      %all_reduce_population_count3A_842 = tpu.all_reduce %ge3A_841 {dim = 0 : i64, kind = #tpu.reduction_kind<sum>} : vector<16xi1> -> vector<16xi32>
      %add3A_843 = arith.addi %add3A_840, %all_reduce_population_count3A_842 : vector<16xi32>
      %ge3A_844 = arith.cmpi sge, %get3A_24, %shift_right_arithmetic3A_832 : vector<16xi32>
      %all_reduce_population_count3A_845 = tpu.all_reduce %ge3A_844 {dim = 0 : i64, kind = #tpu.reduction_kind<sum>} : vector<16xi1> -> vector<16xi32>
      %add3A_846 = arith.addi %add3A_843, %all_reduce_population_count3A_845 : vector<16xi32>
      %ge3A_847 = arith.cmpi sge, %get3A_27, %shift_right_arithmetic3A_832 : vector<16xi32>
      %all_reduce_population_count3A_848 = tpu.all_reduce %ge3A_847 {dim = 0 : i64, kind = #tpu.reduction_kind<sum>} : vector<16xi1> -> vector<16xi32>
      %add3A_849 = arith.addi %add3A_846, %all_reduce_population_count3A_848 : vector<16xi32>
      %ge3A_850 = arith.cmpi sge, %get3A_30, %shift_right_arithmetic3A_832 : vector<16xi32>
      %all_reduce_population_count3A_851 = tpu.all_reduce %ge3A_850 {dim = 0 : i64, kind = #tpu.reduction_kind<sum>} : vector<16xi1> -> vector<16xi32>
      %add3A_852 = arith.addi %add3A_849, %all_reduce_population_count3A_851 : vector<16xi32>
      %ge3A_853 = arith.cmpi sge, %get3A_33, %shift_right_arithmetic3A_832 : vector<16xi32>
      %all_reduce_population_count3A_854 = tpu.all_reduce %ge3A_853 {dim = 0 : i64, kind = #tpu.reduction_kind<sum>} : vector<16xi1> -> vector<16xi32>
      %add3A_855 = arith.addi %add3A_852, %all_reduce_population_count3A_854 : vector<16xi32>
      %ge3A_856 = arith.cmpi sge, %get3A_36, %shift_right_arithmetic3A_832 : vector<16xi32>
      %all_reduce_population_count3A_857 = tpu.all_reduce %ge3A_856 {dim = 0 : i64, kind = #tpu.reduction_kind<sum>} : vector<16xi1> -> vector<16xi32>
      %add3A_858 = arith.addi %add3A_855, %all_reduce_population_count3A_857 : vector<16xi32>
      %ge3A_859 = arith.cmpi sge, %add3A_858, %broadcast_in_dim3A_3 : vector<16xi32>
      %select_n3A_860 = arith.select %ge3A_859, %shift_right_arithmetic3A_832, %select_n3A_827 : vector<16xi1>, vector<16xi32>
      %select_n3A_861 = arith.select %ge3A_859, %select_n3A_828, %shift_right_arithmetic3A_832 : vector<16xi1>, vector<16xi32>
      %add3A_862 = arith.addi %select_n3A_860, %select_n3A_861 : vector<16xi32>
      %shift_right_arithmetic3A_863 = arith.constant 1 : i32
      %shift_right_arithmetic3A_864 = vector.broadcast %shift_right_arithmetic3A_863 : i32 to vector<16xi32>
      %shift_right_arithmetic3A_865 = arith.shrsi %add3A_862, %shift_right_arithmetic3A_864 : vector<16xi32>
      %broadcast_in_dim3A_866 = arith.constant 0 : i32
      %broadcast_in_dim3A_867 = vector.broadcast %broadcast_in_dim3A_866 : i32 to vector<16xi32>
      %ge3A_868 = arith.cmpi sge, %get3A_15, %shift_right_arithmetic3A_865 : vector<16xi32>
      %all_reduce_population_count3A_869 = tpu.all_reduce %ge3A_868 {dim = 0 : i64, kind = #tpu.reduction_kind<sum>} : vector<16xi1> -> vector<16xi32>
      %add3A_870 = arith.addi %broadcast_in_dim3A_867, %all_reduce_population_count3A_869 : vector<16xi32>
      %ge3A_871 = arith.cmpi sge, %get3A_18, %shift_right_arithmetic3A_865 : vector<16xi32>
      %all_reduce_population_count3A_872 = tpu.all_reduce %ge3A_871 {dim = 0 : i64, kind = #tpu.reduction_kind<sum>} : vector<16xi1> -> vector<16xi32>
      %add3A_873 = arith.addi %add3A_870, %all_reduce_population_count3A_872 : vector<16xi32>
      %ge3A_874 = arith.cmpi sge, %get3A_21, %shift_right_arithmetic3A_865 : vector<16xi32>
      %all_reduce_population_count3A_875 = tpu.all_reduce %ge3A_874 {dim = 0 : i64, kind = #tpu.reduction_kind<sum>} : vector<16xi1> -> vector<16xi32>
      %add3A_876 = arith.addi %add3A_873, %all_reduce_population_count3A_875 : vector<16xi32>
      %ge3A_877 = arith.cmpi sge, %get3A_24, %shift_right_arithmetic3A_865 : vector<16xi32>
      %all_reduce_population_count3A_878 = tpu.all_reduce %ge3A_877 {dim = 0 : i64, kind = #tpu.reduction_kind<sum>} : vector<16xi1> -> vector<16xi32>
      %add3A_879 = arith.addi %add3A_876, %all_reduce_population_count3A_878 : vector<16xi32>
      %ge3A_880 = arith.cmpi sge, %get3A_27, %shift_right_arithmetic3A_865 : vector<16xi32>
      %all_reduce_population_count3A_881 = tpu.all_reduce %ge3A_880 {dim = 0 : i64, kind = #tpu.reduction_kind<sum>} : vector<16xi1> -> vector<16xi32>
      %add3A_882 = arith.addi %add3A_879, %all_reduce_population_count3A_881 : vector<16xi32>
      %ge3A_883 = arith.cmpi sge, %get3A_30, %shift_right_arithmetic3A_865 : vector<16xi32>
      %all_reduce_population_count3A_884 = tpu.all_reduce %ge3A_883 {dim = 0 : i64, kind = #tpu.reduction_kind<sum>} : vector<16xi1> -> vector<16xi32>
      %add3A_885 = arith.addi %add3A_882, %all_reduce_population_count3A_884 : vector<16xi32>
      %ge3A_886 = arith.cmpi sge, %get3A_33, %shift_right_arithmetic3A_865 : vector<16xi32>
      %all_reduce_population_count3A_887 = tpu.all_reduce %ge3A_886 {dim = 0 : i64, kind = #tpu.reduction_kind<sum>} : vector<16xi1> -> vector<16xi32>
      %add3A_888 = arith.addi %add3A_885, %all_reduce_population_count3A_887 : vector<16xi32>
      %ge3A_889 = arith.cmpi sge, %get3A_36, %shift_right_arithmetic3A_865 : vector<16xi32>
      %all_reduce_population_count3A_890 = tpu.all_reduce %ge3A_889 {dim = 0 : i64, kind = #tpu.reduction_kind<sum>} : vector<16xi1> -> vector<16xi32>
      %add3A_891 = arith.addi %add3A_888, %all_reduce_population_count3A_890 : vector<16xi32>
      %ge3A_892 = arith.cmpi sge, %add3A_891, %broadcast_in_dim3A_3 : vector<16xi32>
      %select_n3A_893 = arith.select %ge3A_892, %shift_right_arithmetic3A_865, %select_n3A_860 : vector<16xi1>, vector<16xi32>
      %select_n3A_894 = arith.select %ge3A_892, %select_n3A_861, %shift_right_arithmetic3A_865 : vector<16xi1>, vector<16xi32>
      %add3A_895 = arith.addi %select_n3A_893, %select_n3A_894 : vector<16xi32>
      %shift_right_arithmetic3A_896 = arith.constant 1 : i32
      %shift_right_arithmetic3A_897 = vector.broadcast %shift_right_arithmetic3A_896 : i32 to vector<16xi32>
      %shift_right_arithmetic3A_898 = arith.shrsi %add3A_895, %shift_right_arithmetic3A_897 : vector<16xi32>
      %broadcast_in_dim3A_899 = arith.constant 0 : i32
      %broadcast_in_dim3A_900 = vector.broadcast %broadcast_in_dim3A_899 : i32 to vector<16xi32>
      %ge3A_901 = arith.cmpi sge, %get3A_15, %shift_right_arithmetic3A_898 : vector<16xi32>
      %all_reduce_population_count3A_902 = tpu.all_reduce %ge3A_901 {dim = 0 : i64, kind = #tpu.reduction_kind<sum>} : vector<16xi1> -> vector<16xi32>
      %add3A_903 = arith.addi %broadcast_in_dim3A_900, %all_reduce_population_count3A_902 : vector<16xi32>
      %ge3A_904 = arith.cmpi sge, %get3A_18, %shift_right_arithmetic3A_898 : vector<16xi32>
      %all_reduce_population_count3A_905 = tpu.all_reduce %ge3A_904 {dim = 0 : i64, kind = #tpu.reduction_kind<sum>} : vector<16xi1> -> vector<16xi32>
      %add3A_906 = arith.addi %add3A_903, %all_reduce_population_count3A_905 : vector<16xi32>
      %ge3A_907 = arith.cmpi sge, %get3A_21, %shift_right_arithmetic3A_898 : vector<16xi32>
      %all_reduce_population_count3A_908 = tpu.all_reduce %ge3A_907 {dim = 0 : i64, kind = #tpu.reduction_kind<sum>} : vector<16xi1> -> vector<16xi32>
      %add3A_909 = arith.addi %add3A_906, %all_reduce_population_count3A_908 : vector<16xi32>
      %ge3A_910 = arith.cmpi sge, %get3A_24, %shift_right_arithmetic3A_898 : vector<16xi32>
      %all_reduce_population_count3A_911 = tpu.all_reduce %ge3A_910 {dim = 0 : i64, kind = #tpu.reduction_kind<sum>} : vector<16xi1> -> vector<16xi32>
      %add3A_912 = arith.addi %add3A_909, %all_reduce_population_count3A_911 : vector<16xi32>
      %ge3A_913 = arith.cmpi sge, %get3A_27, %shift_right_arithmetic3A_898 : vector<16xi32>
      %all_reduce_population_count3A_914 = tpu.all_reduce %ge3A_913 {dim = 0 : i64, kind = #tpu.reduction_kind<sum>} : vector<16xi1> -> vector<16xi32>
      %add3A_915 = arith.addi %add3A_912, %all_reduce_population_count3A_914 : vector<16xi32>
      %ge3A_916 = arith.cmpi sge, %get3A_30, %shift_right_arithmetic3A_898 : vector<16xi32>
      %all_reduce_population_count3A_917 = tpu.all_reduce %ge3A_916 {dim = 0 : i64, kind = #tpu.reduction_kind<sum>} : vector<16xi1> -> vector<16xi32>
      %add3A_918 = arith.addi %add3A_915, %all_reduce_population_count3A_917 : vector<16xi32>
      %ge3A_919 = arith.cmpi sge, %get3A_33, %shift_right_arithmetic3A_898 : vector<16xi32>
      %all_reduce_population_count3A_920 = tpu.all_reduce %ge3A_919 {dim = 0 : i64, kind = #tpu.reduction_kind<sum>} : vector<16xi1> -> vector<16xi32>
      %add3A_921 = arith.addi %add3A_918, %all_reduce_population_count3A_920 : vector<16xi32>
      %ge3A_922 = arith.cmpi sge, %get3A_36, %shift_right_arithmetic3A_898 : vector<16xi32>
      %all_reduce_population_count3A_923 = tpu.all_reduce %ge3A_922 {dim = 0 : i64, kind = #tpu.reduction_kind<sum>} : vector<16xi1> -> vector<16xi32>
      %add3A_924 = arith.addi %add3A_921, %all_reduce_population_count3A_923 : vector<16xi32>
      %ge3A_925 = arith.cmpi sge, %add3A_924, %broadcast_in_dim3A_3 : vector<16xi32>
      %select_n3A_926 = arith.select %ge3A_925, %shift_right_arithmetic3A_898, %select_n3A_893 : vector<16xi1>, vector<16xi32>
      %select_n3A_927 = arith.select %ge3A_925, %select_n3A_894, %shift_right_arithmetic3A_898 : vector<16xi1>, vector<16xi32>
      %add3A_928 = arith.addi %select_n3A_926, %select_n3A_927 : vector<16xi32>
      %shift_right_arithmetic3A_929 = arith.constant 1 : i32
      %shift_right_arithmetic3A_930 = vector.broadcast %shift_right_arithmetic3A_929 : i32 to vector<16xi32>
      %shift_right_arithmetic3A_931 = arith.shrsi %add3A_928, %shift_right_arithmetic3A_930 : vector<16xi32>
      %broadcast_in_dim3A_932 = arith.constant 0 : i32
      %broadcast_in_dim3A_933 = vector.broadcast %broadcast_in_dim3A_932 : i32 to vector<16xi32>
      %ge3A_934 = arith.cmpi sge, %get3A_15, %shift_right_arithmetic3A_931 : vector<16xi32>
      %all_reduce_population_count3A_935 = tpu.all_reduce %ge3A_934 {dim = 0 : i64, kind = #tpu.reduction_kind<sum>} : vector<16xi1> -> vector<16xi32>
      %add3A_936 = arith.addi %broadcast_in_dim3A_933, %all_reduce_population_count3A_935 : vector<16xi32>
      %ge3A_937 = arith.cmpi sge, %get3A_18, %shift_right_arithmetic3A_931 : vector<16xi32>
      %all_reduce_population_count3A_938 = tpu.all_reduce %ge3A_937 {dim = 0 : i64, kind = #tpu.reduction_kind<sum>} : vector<16xi1> -> vector<16xi32>
      %add3A_939 = arith.addi %add3A_936, %all_reduce_population_count3A_938 : vector<16xi32>
      %ge3A_940 = arith.cmpi sge, %get3A_21, %shift_right_arithmetic3A_931 : vector<16xi32>
      %all_reduce_population_count3A_941 = tpu.all_reduce %ge3A_940 {dim = 0 : i64, kind = #tpu.reduction_kind<sum>} : vector<16xi1> -> vector<16xi32>
      %add3A_942 = arith.addi %add3A_939, %all_reduce_population_count3A_941 : vector<16xi32>
      %ge3A_943 = arith.cmpi sge, %get3A_24, %shift_right_arithmetic3A_931 : vector<16xi32>
      %all_reduce_population_count3A_944 = tpu.all_reduce %ge3A_943 {dim = 0 : i64, kind = #tpu.reduction_kind<sum>} : vector<16xi1> -> vector<16xi32>
      %add3A_945 = arith.addi %add3A_942, %all_reduce_population_count3A_944 : vector<16xi32>
      %ge3A_946 = arith.cmpi sge, %get3A_27, %shift_right_arithmetic3A_931 : vector<16xi32>
      %all_reduce_population_count3A_947 = tpu.all_reduce %ge3A_946 {dim = 0 : i64, kind = #tpu.reduction_kind<sum>} : vector<16xi1> -> vector<16xi32>
      %add3A_948 = arith.addi %add3A_945, %all_reduce_population_count3A_947 : vector<16xi32>
      %ge3A_949 = arith.cmpi sge, %get3A_30, %shift_right_arithmetic3A_931 : vector<16xi32>
      %all_reduce_population_count3A_950 = tpu.all_reduce %ge3A_949 {dim = 0 : i64, kind = #tpu.reduction_kind<sum>} : vector<16xi1> -> vector<16xi32>
      %add3A_951 = arith.addi %add3A_948, %all_reduce_population_count3A_950 : vector<16xi32>
      %ge3A_952 = arith.cmpi sge, %get3A_33, %shift_right_arithmetic3A_931 : vector<16xi32>
      %all_reduce_population_count3A_953 = tpu.all_reduce %ge3A_952 {dim = 0 : i64, kind = #tpu.reduction_kind<sum>} : vector<16xi1> -> vector<16xi32>
      %add3A_954 = arith.addi %add3A_951, %all_reduce_population_count3A_953 : vector<16xi32>
      %ge3A_955 = arith.cmpi sge, %get3A_36, %shift_right_arithmetic3A_931 : vector<16xi32>
      %all_reduce_population_count3A_956 = tpu.all_reduce %ge3A_955 {dim = 0 : i64, kind = #tpu.reduction_kind<sum>} : vector<16xi1> -> vector<16xi32>
      %add3A_957 = arith.addi %add3A_954, %all_reduce_population_count3A_956 : vector<16xi32>
      %ge3A_958 = arith.cmpi sge, %add3A_957, %broadcast_in_dim3A_3 : vector<16xi32>
      %select_n3A_959 = arith.select %ge3A_958, %shift_right_arithmetic3A_931, %select_n3A_926 : vector<16xi1>, vector<16xi32>
      %select_n3A_960 = arith.select %ge3A_958, %select_n3A_927, %shift_right_arithmetic3A_931 : vector<16xi1>, vector<16xi32>
      %add3A_961 = arith.addi %select_n3A_959, %select_n3A_960 : vector<16xi32>
      %shift_right_arithmetic3A_962 = arith.constant 1 : i32
      %shift_right_arithmetic3A_963 = vector.broadcast %shift_right_arithmetic3A_962 : i32 to vector<16xi32>
      %shift_right_arithmetic3A_964 = arith.shrsi %add3A_961, %shift_right_arithmetic3A_963 : vector<16xi32>
      %broadcast_in_dim3A_965 = arith.constant 0 : i32
      %broadcast_in_dim3A_966 = vector.broadcast %broadcast_in_dim3A_965 : i32 to vector<16xi32>
      %ge3A_967 = arith.cmpi sge, %get3A_15, %shift_right_arithmetic3A_964 : vector<16xi32>
      %all_reduce_population_count3A_968 = tpu.all_reduce %ge3A_967 {dim = 0 : i64, kind = #tpu.reduction_kind<sum>} : vector<16xi1> -> vector<16xi32>
      %add3A_969 = arith.addi %broadcast_in_dim3A_966, %all_reduce_population_count3A_968 : vector<16xi32>
      %ge3A_970 = arith.cmpi sge, %get3A_18, %shift_right_arithmetic3A_964 : vector<16xi32>
      %all_reduce_population_count3A_971 = tpu.all_reduce %ge3A_970 {dim = 0 : i64, kind = #tpu.reduction_kind<sum>} : vector<16xi1> -> vector<16xi32>
      %add3A_972 = arith.addi %add3A_969, %all_reduce_population_count3A_971 : vector<16xi32>
      %ge3A_973 = arith.cmpi sge, %get3A_21, %shift_right_arithmetic3A_964 : vector<16xi32>
      %all_reduce_population_count3A_974 = tpu.all_reduce %ge3A_973 {dim = 0 : i64, kind = #tpu.reduction_kind<sum>} : vector<16xi1> -> vector<16xi32>
      %add3A_975 = arith.addi %add3A_972, %all_reduce_population_count3A_974 : vector<16xi32>
      %ge3A_976 = arith.cmpi sge, %get3A_24, %shift_right_arithmetic3A_964 : vector<16xi32>
      %all_reduce_population_count3A_977 = tpu.all_reduce %ge3A_976 {dim = 0 : i64, kind = #tpu.reduction_kind<sum>} : vector<16xi1> -> vector<16xi32>
      %add3A_978 = arith.addi %add3A_975, %all_reduce_population_count3A_977 : vector<16xi32>
      %ge3A_979 = arith.cmpi sge, %get3A_27, %shift_right_arithmetic3A_964 : vector<16xi32>
      %all_reduce_population_count3A_980 = tpu.all_reduce %ge3A_979 {dim = 0 : i64, kind = #tpu.reduction_kind<sum>} : vector<16xi1> -> vector<16xi32>
      %add3A_981 = arith.addi %add3A_978, %all_reduce_population_count3A_980 : vector<16xi32>
      %ge3A_982 = arith.cmpi sge, %get3A_30, %shift_right_arithmetic3A_964 : vector<16xi32>
      %all_reduce_population_count3A_983 = tpu.all_reduce %ge3A_982 {dim = 0 : i64, kind = #tpu.reduction_kind<sum>} : vector<16xi1> -> vector<16xi32>
      %add3A_984 = arith.addi %add3A_981, %all_reduce_population_count3A_983 : vector<16xi32>
      %ge3A_985 = arith.cmpi sge, %get3A_33, %shift_right_arithmetic3A_964 : vector<16xi32>
      %all_reduce_population_count3A_986 = tpu.all_reduce %ge3A_985 {dim = 0 : i64, kind = #tpu.reduction_kind<sum>} : vector<16xi1> -> vector<16xi32>
      %add3A_987 = arith.addi %add3A_984, %all_reduce_population_count3A_986 : vector<16xi32>
      %ge3A_988 = arith.cmpi sge, %get3A_36, %shift_right_arithmetic3A_964 : vector<16xi32>
      %all_reduce_population_count3A_989 = tpu.all_reduce %ge3A_988 {dim = 0 : i64, kind = #tpu.reduction_kind<sum>} : vector<16xi1> -> vector<16xi32>
      %add3A_990 = arith.addi %add3A_987, %all_reduce_population_count3A_989 : vector<16xi32>
      %ge3A_991 = arith.cmpi sge, %add3A_990, %broadcast_in_dim3A_3 : vector<16xi32>
      %select_n3A_992 = arith.select %ge3A_991, %shift_right_arithmetic3A_964, %select_n3A_959 : vector<16xi1>, vector<16xi32>
      %select_n3A_993 = arith.select %ge3A_991, %select_n3A_960, %shift_right_arithmetic3A_964 : vector<16xi1>, vector<16xi32>
      %add3A_994 = arith.addi %select_n3A_992, %select_n3A_993 : vector<16xi32>
      %shift_right_arithmetic3A_995 = arith.constant 1 : i32
      %shift_right_arithmetic3A_996 = vector.broadcast %shift_right_arithmetic3A_995 : i32 to vector<16xi32>
      %shift_right_arithmetic3A_997 = arith.shrsi %add3A_994, %shift_right_arithmetic3A_996 : vector<16xi32>
      %broadcast_in_dim3A_998 = arith.constant 0 : i32
      %broadcast_in_dim3A_999 = vector.broadcast %broadcast_in_dim3A_998 : i32 to vector<16xi32>
      %ge3A_1000 = arith.cmpi sge, %get3A_15, %shift_right_arithmetic3A_997 : vector<16xi32>
      %all_reduce_population_count3A_1001 = tpu.all_reduce %ge3A_1000 {dim = 0 : i64, kind = #tpu.reduction_kind<sum>} : vector<16xi1> -> vector<16xi32>
      %add3A_1002 = arith.addi %broadcast_in_dim3A_999, %all_reduce_population_count3A_1001 : vector<16xi32>
      %ge3A_1003 = arith.cmpi sge, %get3A_18, %shift_right_arithmetic3A_997 : vector<16xi32>
      %all_reduce_population_count3A_1004 = tpu.all_reduce %ge3A_1003 {dim = 0 : i64, kind = #tpu.reduction_kind<sum>} : vector<16xi1> -> vector<16xi32>
      %add3A_1005 = arith.addi %add3A_1002, %all_reduce_population_count3A_1004 : vector<16xi32>
      %ge3A_1006 = arith.cmpi sge, %get3A_21, %shift_right_arithmetic3A_997 : vector<16xi32>
      %all_reduce_population_count3A_1007 = tpu.all_reduce %ge3A_1006 {dim = 0 : i64, kind = #tpu.reduction_kind<sum>} : vector<16xi1> -> vector<16xi32>
      %add3A_1008 = arith.addi %add3A_1005, %all_reduce_population_count3A_1007 : vector<16xi32>
      %ge3A_1009 = arith.cmpi sge, %get3A_24, %shift_right_arithmetic3A_997 : vector<16xi32>
      %all_reduce_population_count3A_1010 = tpu.all_reduce %ge3A_1009 {dim = 0 : i64, kind = #tpu.reduction_kind<sum>} : vector<16xi1> -> vector<16xi32>
      %add3A_1011 = arith.addi %add3A_1008, %all_reduce_population_count3A_1010 : vector<16xi32>
      %ge3A_1012 = arith.cmpi sge, %get3A_27, %shift_right_arithmetic3A_997 : vector<16xi32>
      %all_reduce_population_count3A_1013 = tpu.all_reduce %ge3A_1012 {dim = 0 : i64, kind = #tpu.reduction_kind<sum>} : vector<16xi1> -> vector<16xi32>
      %add3A_1014 = arith.addi %add3A_1011, %all_reduce_population_count3A_1013 : vector<16xi32>
      %ge3A_1015 = arith.cmpi sge, %get3A_30, %shift_right_arithmetic3A_997 : vector<16xi32>
      %all_reduce_population_count3A_1016 = tpu.all_reduce %ge3A_1015 {dim = 0 : i64, kind = #tpu.reduction_kind<sum>} : vector<16xi1> -> vector<16xi32>
      %add3A_1017 = arith.addi %add3A_1014, %all_reduce_population_count3A_1016 : vector<16xi32>
      %ge3A_1018 = arith.cmpi sge, %get3A_33, %shift_right_arithmetic3A_997 : vector<16xi32>
      %all_reduce_population_count3A_1019 = tpu.all_reduce %ge3A_1018 {dim = 0 : i64, kind = #tpu.reduction_kind<sum>} : vector<16xi1> -> vector<16xi32>
      %add3A_1020 = arith.addi %add3A_1017, %all_reduce_population_count3A_1019 : vector<16xi32>
      %ge3A_1021 = arith.cmpi sge, %get3A_36, %shift_right_arithmetic3A_997 : vector<16xi32>
      %all_reduce_population_count3A_1022 = tpu.all_reduce %ge3A_1021 {dim = 0 : i64, kind = #tpu.reduction_kind<sum>} : vector<16xi1> -> vector<16xi32>
      %add3A_1023 = arith.addi %add3A_1020, %all_reduce_population_count3A_1022 : vector<16xi32>
      %ge3A_1024 = arith.cmpi sge, %add3A_1023, %broadcast_in_dim3A_3 : vector<16xi32>
      %select_n3A_1025 = arith.select %ge3A_1024, %shift_right_arithmetic3A_997, %select_n3A_992 : vector<16xi1>, vector<16xi32>
      %select_n3A_1026 = arith.select %ge3A_1024, %select_n3A_993, %shift_right_arithmetic3A_997 : vector<16xi1>, vector<16xi32>
      %broadcast_in_dim3A_1027 = arith.constant 0 : i32
      %broadcast_in_dim3A_1028 = vector.broadcast %broadcast_in_dim3A_1027 : i32 to vector<16xi32>
      %gt3A = arith.cmpi sgt, %get3A_15, %select_n3A_1025 : vector<16xi32>
      %all_reduce_population_count3A_1029 = tpu.all_reduce %gt3A {dim = 0 : i64, kind = #tpu.reduction_kind<sum>} : vector<16xi1> -> vector<16xi32>
      %add3A_1030 = arith.addi %broadcast_in_dim3A_1028, %all_reduce_population_count3A_1029 : vector<16xi32>
      %gt3A_1031 = arith.cmpi sgt, %get3A_18, %select_n3A_1025 : vector<16xi32>
      %all_reduce_population_count3A_1032 = tpu.all_reduce %gt3A_1031 {dim = 0 : i64, kind = #tpu.reduction_kind<sum>} : vector<16xi1> -> vector<16xi32>
      %add3A_1033 = arith.addi %add3A_1030, %all_reduce_population_count3A_1032 : vector<16xi32>
      %gt3A_1034 = arith.cmpi sgt, %get3A_21, %select_n3A_1025 : vector<16xi32>
      %all_reduce_population_count3A_1035 = tpu.all_reduce %gt3A_1034 {dim = 0 : i64, kind = #tpu.reduction_kind<sum>} : vector<16xi1> -> vector<16xi32>
      %add3A_1036 = arith.addi %add3A_1033, %all_reduce_population_count3A_1035 : vector<16xi32>
      %gt3A_1037 = arith.cmpi sgt, %get3A_24, %select_n3A_1025 : vector<16xi32>
      %all_reduce_population_count3A_1038 = tpu.all_reduce %gt3A_1037 {dim = 0 : i64, kind = #tpu.reduction_kind<sum>} : vector<16xi1> -> vector<16xi32>
      %add3A_1039 = arith.addi %add3A_1036, %all_reduce_population_count3A_1038 : vector<16xi32>
      %gt3A_1040 = arith.cmpi sgt, %get3A_27, %select_n3A_1025 : vector<16xi32>
      %all_reduce_population_count3A_1041 = tpu.all_reduce %gt3A_1040 {dim = 0 : i64, kind = #tpu.reduction_kind<sum>} : vector<16xi1> -> vector<16xi32>
      %add3A_1042 = arith.addi %add3A_1039, %all_reduce_population_count3A_1041 : vector<16xi32>
      %gt3A_1043 = arith.cmpi sgt, %get3A_30, %select_n3A_1025 : vector<16xi32>
      %all_reduce_population_count3A_1044 = tpu.all_reduce %gt3A_1043 {dim = 0 : i64, kind = #tpu.reduction_kind<sum>} : vector<16xi1> -> vector<16xi32>
      %add3A_1045 = arith.addi %add3A_1042, %all_reduce_population_count3A_1044 : vector<16xi32>
      %gt3A_1046 = arith.cmpi sgt, %get3A_33, %select_n3A_1025 : vector<16xi32>
      %all_reduce_population_count3A_1047 = tpu.all_reduce %gt3A_1046 {dim = 0 : i64, kind = #tpu.reduction_kind<sum>} : vector<16xi1> -> vector<16xi32>
      %add3A_1048 = arith.addi %add3A_1045, %all_reduce_population_count3A_1047 : vector<16xi32>
      %gt3A_1049 = arith.cmpi sgt, %get3A_36, %select_n3A_1025 : vector<16xi32>
      %all_reduce_population_count3A_1050 = tpu.all_reduce %gt3A_1049 {dim = 0 : i64, kind = #tpu.reduction_kind<sum>} : vector<16xi1> -> vector<16xi32>
      %add3A_1051 = arith.addi %add3A_1048, %all_reduce_population_count3A_1050 : vector<16xi32>
      %sub3A = arith.subi %broadcast_in_dim3A_3, %add3A_1051 : vector<16xi32>
      %broadcast_in_dim3A_1052 = arith.constant 0 : i32
      %broadcast_in_dim3A_1053 = vector.broadcast %broadcast_in_dim3A_1052 : i32 to vector<16xi32>
      %gt3A_1054 = arith.cmpi sgt, %get3A_15, %select_n3A_1025 : vector<16xi32>
      %eq3A = arith.cmpi eq, %get3A_15, %select_n3A_1025 : vector<16xi32>
      %jit3A = arith.constant 1 : i32
      %jit3A_1055 = arith.constant 0 : i32
      %broadcast_in_dim3A_1056 = vector.broadcast %jit3A : i32 to vector<16xi32>
      %broadcast_in_dim3A_1057 = vector.broadcast %jit3A_1055 : i32 to vector<16xi32>
      %select_n3A_1058 = arith.select %eq3A, %broadcast_in_dim3A_1056, %broadcast_in_dim3A_1057 : vector<16xi1>, vector<16xi32>
      %broadcast_in_dim3A_1059 = arith.constant true
      %broadcast_in_dim3A_1060 = vector.broadcast %broadcast_in_dim3A_1059 : i1 to vector<16xi1>
      %masked_cumsum3A = tpu.scan <sum>, %select_n3A_1058 masked %broadcast_in_dim3A_1060 : vector<16xi32>, vector<16xi1> -> vector<16xi32>
      %sub3A_1061 = arith.subi %masked_cumsum3A, %select_n3A_1058 : vector<16xi32>
      %add3A_1062 = arith.addi %sub3A_1061, %broadcast_in_dim3A_1053 : vector<16xi32>
      %lt3A = arith.cmpi slt, %add3A_1062, %sub3A : vector<16xi32>
      %and3A = arith.andi %eq3A, %lt3A : vector<16xi1>
      %or3A = arith.ori %gt3A_1054, %and3A : vector<16xi1>
      %select_n3A_1063 = arith.select %or3A, %broadcast_in_dim3A_5, %broadcast_in_dim3A_7 : vector<16xi1>, vector<16xf32>
      %swap3A = arith.index_cast %scan3A_13 : i32 to index
      %swap3A_1064 = arith.constant 0 : index
      %swap3A_1065 = tpu.vector_load %arg8[%swap3A, %swap3A_1064] {strides = array<i32>} : memref<64x128xf32, #tpu.memory_space<vmem>>, vector<16xf32>,
      tpu.vector_store %arg8[%swap3A, %swap3A_1064], %select_n3A_1063 {strides = array<i32>} : memref<64x128xf32, #tpu.memory_space<vmem>>, vector<16xf32>,
      %get3A_1066 = arith.index_cast %scan3A_13 : i32 to index
      %get3A_1067 = arith.constant 0 : index
      %get3A_1068 = tpu.vector_load %arg6[%get3A_1066, %get3A_1067] {strides = array<i32>} : memref<64x128xf32, #tpu.memory_space<vmem>>, vector<16xf32>,
      %mul3A_1069 = arith.mulf %get3A_1068, %select_n3A_1063 : vector<16xf32>
      %swap3A_1070 = arith.index_cast %scan3A_13 : i32 to index
      %swap3A_1071 = arith.constant 0 : index
      %swap3A_1072 = tpu.vector_load %arg9[%swap3A_1070, %swap3A_1071] {strides = array<i32>} : memref<64x128xf32, #tpu.memory_space<vmem>>, vector<16xf32>,
      tpu.vector_store %arg9[%swap3A_1070, %swap3A_1071], %mul3A_1069 {strides = array<i32>} : memref<64x128xf32, #tpu.memory_space<vmem>>, vector<16xf32>,
      %all_reduce_population_count3A_1073 = tpu.all_reduce %eq3A {dim = 0 : i64, kind = #tpu.reduction_kind<sum>} : vector<16xi1> -> vector<16xi32>
      %add3A_1074 = arith.addi %broadcast_in_dim3A_1053, %all_reduce_population_count3A_1073 : vector<16xi32>
      %gt3A_1075 = arith.cmpi sgt, %get3A_18, %select_n3A_1025 : vector<16xi32>
      %eq3A_1076 = arith.cmpi eq, %get3A_18, %select_n3A_1025 : vector<16xi32>
      %jit3A_1077 = arith.constant 1 : i32
      %jit3A_1078 = arith.constant 0 : i32
      %broadcast_in_dim3A_1079 = vector.broadcast %jit3A_1077 : i32 to vector<16xi32>
      %broadcast_in_dim3A_1080 = vector.broadcast %jit3A_1078 : i32 to vector<16xi32>
      %select_n3A_1081 = arith.select %eq3A_1076, %broadcast_in_dim3A_1079, %broadcast_in_dim3A_1080 : vector<16xi1>, vector<16xi32>
      %broadcast_in_dim3A_1082 = arith.constant true
      %broadcast_in_dim3A_1083 = vector.broadcast %broadcast_in_dim3A_1082 : i1 to vector<16xi1>
      %masked_cumsum3A_1084 = tpu.scan <sum>, %select_n3A_1081 masked %broadcast_in_dim3A_1083 : vector<16xi32>, vector<16xi1> -> vector<16xi32>
      %sub3A_1085 = arith.subi %masked_cumsum3A_1084, %select_n3A_1081 : vector<16xi32>
      %add3A_1086 = arith.addi %sub3A_1085, %add3A_1074 : vector<16xi32>
      %lt3A_1087 = arith.cmpi slt, %add3A_1086, %sub3A : vector<16xi32>
      %and3A_1088 = arith.andi %eq3A_1076, %lt3A_1087 : vector<16xi1>
      %or3A_1089 = arith.ori %gt3A_1075, %and3A_1088 : vector<16xi1>
      %select_n3A_1090 = arith.select %or3A_1089, %broadcast_in_dim3A_5, %broadcast_in_dim3A_7 : vector<16xi1>, vector<16xf32>
      %swap3A_1091 = arith.index_cast %scan3A_13 : i32 to index
      %swap3A_1092 = arith.constant 16 : index
      %swap3A_1093 = tpu.vector_load %arg8[%swap3A_1091, %swap3A_1092] {strides = array<i32>} : memref<64x128xf32, #tpu.memory_space<vmem>>, vector<16xf32>,
      tpu.vector_store %arg8[%swap3A_1091, %swap3A_1092], %select_n3A_1090 {strides = array<i32>} : memref<64x128xf32, #tpu.memory_space<vmem>>, vector<16xf32>,
      %get3A_1094 = arith.index_cast %scan3A_13 : i32 to index
      %get3A_1095 = arith.constant 16 : index
      %get3A_1096 = tpu.vector_load %arg6[%get3A_1094, %get3A_1095] {strides = array<i32>} : memref<64x128xf32, #tpu.memory_space<vmem>>, vector<16xf32>,
      %mul3A_1097 = arith.mulf %get3A_1096, %select_n3A_1090 : vector<16xf32>
      %swap3A_1098 = arith.index_cast %scan3A_13 : i32 to index
      %swap3A_1099 = arith.constant 16 : index
      %swap3A_1100 = tpu.vector_load %arg9[%swap3A_1098, %swap3A_1099] {strides = array<i32>} : memref<64x128xf32, #tpu.memory_space<vmem>>, vector<16xf32>,
      tpu.vector_store %arg9[%swap3A_1098, %swap3A_1099], %mul3A_1097 {strides = array<i32>} : memref<64x128xf32, #tpu.memory_space<vmem>>, vector<16xf32>,
      %all_reduce_population_count3A_1101 = tpu.all_reduce %eq3A_1076 {dim = 0 : i64, kind = #tpu.reduction_kind<sum>} : vector<16xi1> -> vector<16xi32>
      %add3A_1102 = arith.addi %add3A_1074, %all_reduce_population_count3A_1101 : vector<16xi32>
      %gt3A_1103 = arith.cmpi sgt, %get3A_21, %select_n3A_1025 : vector<16xi32>
      %eq3A_1104 = arith.cmpi eq, %get3A_21, %select_n3A_1025 : vector<16xi32>
      %jit3A_1105 = arith.constant 1 : i32
      %jit3A_1106 = arith.constant 0 : i32
      %broadcast_in_dim3A_1107 = vector.broadcast %jit3A_1105 : i32 to vector<16xi32>
      %broadcast_in_dim3A_1108 = vector.broadcast %jit3A_1106 : i32 to vector<16xi32>
      %select_n3A_1109 = arith.select %eq3A_1104, %broadcast_in_dim3A_1107, %broadcast_in_dim3A_1108 : vector<16xi1>, vector<16xi32>
      %broadcast_in_dim3A_1110 = arith.constant true
      %broadcast_in_dim3A_1111 = vector.broadcast %broadcast_in_dim3A_1110 : i1 to vector<16xi1>
      %masked_cumsum3A_1112 = tpu.scan <sum>, %select_n3A_1109 masked %broadcast_in_dim3A_1111 : vector<16xi32>, vector<16xi1> -> vector<16xi32>
      %sub3A_1113 = arith.subi %masked_cumsum3A_1112, %select_n3A_1109 : vector<16xi32>
      %add3A_1114 = arith.addi %sub3A_1113, %add3A_1102 : vector<16xi32>
      %lt3A_1115 = arith.cmpi slt, %add3A_1114, %sub3A : vector<16xi32>
      %and3A_1116 = arith.andi %eq3A_1104, %lt3A_1115 : vector<16xi1>
      %or3A_1117 = arith.ori %gt3A_1103, %and3A_1116 : vector<16xi1>
      %select_n3A_1118 = arith.select %or3A_1117, %broadcast_in_dim3A_5, %broadcast_in_dim3A_7 : vector<16xi1>, vector<16xf32>
      %swap3A_1119 = arith.index_cast %scan3A_13 : i32 to index
      %swap3A_1120 = arith.constant 32 : index
      %swap3A_1121 = tpu.vector_load %arg8[%swap3A_1119, %swap3A_1120] {strides = array<i32>} : memref<64x128xf32, #tpu.memory_space<vmem>>, vector<16xf32>,
      tpu.vector_store %arg8[%swap3A_1119, %swap3A_1120], %select_n3A_1118 {strides = array<i32>} : memref<64x128xf32, #tpu.memory_space<vmem>>, vector<16xf32>,
      %get3A_1122 = arith.index_cast %scan3A_13 : i32 to index
      %get3A_1123 = arith.constant 32 : index
      %get3A_1124 = tpu.vector_load %arg6[%get3A_1122, %get3A_1123] {strides = array<i32>} : memref<64x128xf32, #tpu.memory_space<vmem>>, vector<16xf32>,
      %mul3A_1125 = arith.mulf %get3A_1124, %select_n3A_1118 : vector<16xf32>
      %swap3A_1126 = arith.index_cast %scan3A_13 : i32 to index
      %swap3A_1127 = arith.constant 32 : index
      %swap3A_1128 = tpu.vector_load %arg9[%swap3A_1126, %swap3A_1127] {strides = array<i32>} : memref<64x128xf32, #tpu.memory_space<vmem>>, vector<16xf32>,
      tpu.vector_store %arg9[%swap3A_1126, %swap3A_1127], %mul3A_1125 {strides = array<i32>} : memref<64x128xf32, #tpu.memory_space<vmem>>, vector<16xf32>,
      %all_reduce_population_count3A_1129 = tpu.all_reduce %eq3A_1104 {dim = 0 : i64, kind = #tpu.reduction_kind<sum>} : vector<16xi1> -> vector<16xi32>
      %add3A_1130 = arith.addi %add3A_1102, %all_reduce_population_count3A_1129 : vector<16xi32>
      %gt3A_1131 = arith.cmpi sgt, %get3A_24, %select_n3A_1025 : vector<16xi32>
      %eq3A_1132 = arith.cmpi eq, %get3A_24, %select_n3A_1025 : vector<16xi32>
      %jit3A_1133 = arith.constant 1 : i32
      %jit3A_1134 = arith.constant 0 : i32
      %broadcast_in_dim3A_1135 = vector.broadcast %jit3A_1133 : i32 to vector<16xi32>
      %broadcast_in_dim3A_1136 = vector.broadcast %jit3A_1134 : i32 to vector<16xi32>
      %select_n3A_1137 = arith.select %eq3A_1132, %broadcast_in_dim3A_1135, %broadcast_in_dim3A_1136 : vector<16xi1>, vector<16xi32>
      %broadcast_in_dim3A_1138 = arith.constant true
      %broadcast_in_dim3A_1139 = vector.broadcast %broadcast_in_dim3A_1138 : i1 to vector<16xi1>
      %masked_cumsum3A_1140 = tpu.scan <sum>, %select_n3A_1137 masked %broadcast_in_dim3A_1139 : vector<16xi32>, vector<16xi1> -> vector<16xi32>
      %sub3A_1141 = arith.subi %masked_cumsum3A_1140, %select_n3A_1137 : vector<16xi32>
      %add3A_1142 = arith.addi %sub3A_1141, %add3A_1130 : vector<16xi32>
      %lt3A_1143 = arith.cmpi slt, %add3A_1142, %sub3A : vector<16xi32>
      %and3A_1144 = arith.andi %eq3A_1132, %lt3A_1143 : vector<16xi1>
      %or3A_1145 = arith.ori %gt3A_1131, %and3A_1144 : vector<16xi1>
      %select_n3A_1146 = arith.select %or3A_1145, %broadcast_in_dim3A_5, %broadcast_in_dim3A_7 : vector<16xi1>, vector<16xf32>
      %swap3A_1147 = arith.index_cast %scan3A_13 : i32 to index
      %swap3A_1148 = arith.constant 48 : index
      %swap3A_1149 = tpu.vector_load %arg8[%swap3A_1147, %swap3A_1148] {strides = array<i32>} : memref<64x128xf32, #tpu.memory_space<vmem>>, vector<16xf32>,
      tpu.vector_store %arg8[%swap3A_1147, %swap3A_1148], %select_n3A_1146 {strides = array<i32>} : memref<64x128xf32, #tpu.memory_space<vmem>>, vector<16xf32>,
      %get3A_1150 = arith.index_cast %scan3A_13 : i32 to index
      %get3A_1151 = arith.constant 48 : index
      %get3A_1152 = tpu.vector_load %arg6[%get3A_1150, %get3A_1151] {strides = array<i32>} : memref<64x128xf32, #tpu.memory_space<vmem>>, vector<16xf32>,
      %mul3A_1153 = arith.mulf %get3A_1152, %select_n3A_1146 : vector<16xf32>
      %swap3A_1154 = arith.index_cast %scan3A_13 : i32 to index
      %swap3A_1155 = arith.constant 48 : index
      %swap3A_1156 = tpu.vector_load %arg9[%swap3A_1154, %swap3A_1155] {strides = array<i32>} : memref<64x128xf32, #tpu.memory_space<vmem>>, vector<16xf32>,
      tpu.vector_store %arg9[%swap3A_1154, %swap3A_1155], %mul3A_1153 {strides = array<i32>} : memref<64x128xf32, #tpu.memory_space<vmem>>, vector<16xf32>,
      %all_reduce_population_count3A_1157 = tpu.all_reduce %eq3A_1132 {dim = 0 : i64, kind = #tpu.reduction_kind<sum>} : vector<16xi1> -> vector<16xi32>
      %add3A_1158 = arith.addi %add3A_1130, %all_reduce_population_count3A_1157 : vector<16xi32>
      %gt3A_1159 = arith.cmpi sgt, %get3A_27, %select_n3A_1025 : vector<16xi32>
      %eq3A_1160 = arith.cmpi eq, %get3A_27, %select_n3A_1025 : vector<16xi32>
      %jit3A_1161 = arith.constant 1 : i32
      %jit3A_1162 = arith.constant 0 : i32
      %broadcast_in_dim3A_1163 = vector.broadcast %jit3A_1161 : i32 to vector<16xi32>
      %broadcast_in_dim3A_1164 = vector.broadcast %jit3A_1162 : i32 to vector<16xi32>
      %select_n3A_1165 = arith.select %eq3A_1160, %broadcast_in_dim3A_1163, %broadcast_in_dim3A_1164 : vector<16xi1>, vector<16xi32>
      %broadcast_in_dim3A_1166 = arith.constant true
      %broadcast_in_dim3A_1167 = vector.broadcast %broadcast_in_dim3A_1166 : i1 to vector<16xi1>
      %masked_cumsum3A_1168 = tpu.scan <sum>, %select_n3A_1165 masked %broadcast_in_dim3A_1167 : vector<16xi32>, vector<16xi1> -> vector<16xi32>
      %sub3A_1169 = arith.subi %masked_cumsum3A_1168, %select_n3A_1165 : vector<16xi32>
      %add3A_1170 = arith.addi %sub3A_1169, %add3A_1158 : vector<16xi32>
      %lt3A_1171 = arith.cmpi slt, %add3A_1170, %sub3A : vector<16xi32>
      %and3A_1172 = arith.andi %eq3A_1160, %lt3A_1171 : vector<16xi1>
      %or3A_1173 = arith.ori %gt3A_1159, %and3A_1172 : vector<16xi1>
      %select_n3A_1174 = arith.select %or3A_1173, %broadcast_in_dim3A_5, %broadcast_in_dim3A_7 : vector<16xi1>, vector<16xf32>
      %swap3A_1175 = arith.index_cast %scan3A_13 : i32 to index
      %swap3A_1176 = arith.constant 64 : index
      %swap3A_1177 = tpu.vector_load %arg8[%swap3A_1175, %swap3A_1176] {strides = array<i32>} : memref<64x128xf32, #tpu.memory_space<vmem>>, vector<16xf32>,
      tpu.vector_store %arg8[%swap3A_1175, %swap3A_1176], %select_n3A_1174 {strides = array<i32>} : memref<64x128xf32, #tpu.memory_space<vmem>>, vector<16xf32>,
      %get3A_1178 = arith.index_cast %scan3A_13 : i32 to index
      %get3A_1179 = arith.constant 64 : index
      %get3A_1180 = tpu.vector_load %arg6[%get3A_1178, %get3A_1179] {strides = array<i32>} : memref<64x128xf32, #tpu.memory_space<vmem>>, vector<16xf32>,
      %mul3A_1181 = arith.mulf %get3A_1180, %select_n3A_1174 : vector<16xf32>
      %swap3A_1182 = arith.index_cast %scan3A_13 : i32 to index
      %swap3A_1183 = arith.constant 64 : index
      %swap3A_1184 = tpu.vector_load %arg9[%swap3A_1182, %swap3A_1183] {strides = array<i32>} : memref<64x128xf32, #tpu.memory_space<vmem>>, vector<16xf32>,
      tpu.vector_store %arg9[%swap3A_1182, %swap3A_1183], %mul3A_1181 {strides = array<i32>} : memref<64x128xf32, #tpu.memory_space<vmem>>, vector<16xf32>,
      %all_reduce_population_count3A_1185 = tpu.all_reduce %eq3A_1160 {dim = 0 : i64, kind = #tpu.reduction_kind<sum>} : vector<16xi1> -> vector<16xi32>
      %add3A_1186 = arith.addi %add3A_1158, %all_reduce_population_count3A_1185 : vector<16xi32>
      %gt3A_1187 = arith.cmpi sgt, %get3A_30, %select_n3A_1025 : vector<16xi32>
      %eq3A_1188 = arith.cmpi eq, %get3A_30, %select_n3A_1025 : vector<16xi32>
      %jit3A_1189 = arith.constant 1 : i32
      %jit3A_1190 = arith.constant 0 : i32
      %broadcast_in_dim3A_1191 = vector.broadcast %jit3A_1189 : i32 to vector<16xi32>
      %broadcast_in_dim3A_1192 = vector.broadcast %jit3A_1190 : i32 to vector<16xi32>
      %select_n3A_1193 = arith.select %eq3A_1188, %broadcast_in_dim3A_1191, %broadcast_in_dim3A_1192 : vector<16xi1>, vector<16xi32>
      %broadcast_in_dim3A_1194 = arith.constant true
      %broadcast_in_dim3A_1195 = vector.broadcast %broadcast_in_dim3A_1194 : i1 to vector<16xi1>
      %masked_cumsum3A_1196 = tpu.scan <sum>, %select_n3A_1193 masked %broadcast_in_dim3A_1195 : vector<16xi32>, vector<16xi1> -> vector<16xi32>
      %sub3A_1197 = arith.subi %masked_cumsum3A_1196, %select_n3A_1193 : vector<16xi32>
      %add3A_1198 = arith.addi %sub3A_1197, %add3A_1186 : vector<16xi32>
      %lt3A_1199 = arith.cmpi slt, %add3A_1198, %sub3A : vector<16xi32>
      %and3A_1200 = arith.andi %eq3A_1188, %lt3A_1199 : vector<16xi1>
      %or3A_1201 = arith.ori %gt3A_1187, %and3A_1200 : vector<16xi1>
      %select_n3A_1202 = arith.select %or3A_1201, %broadcast_in_dim3A_5, %broadcast_in_dim3A_7 : vector<16xi1>, vector<16xf32>
      %swap3A_1203 = arith.index_cast %scan3A_13 : i32 to index
      %swap3A_1204 = arith.constant 80 : index
      %swap3A_1205 = tpu.vector_load %arg8[%swap3A_1203, %swap3A_1204] {strides = array<i32>} : memref<64x128xf32, #tpu.memory_space<vmem>>, vector<16xf32>,
      tpu.vector_store %arg8[%swap3A_1203, %swap3A_1204], %select_n3A_1202 {strides = array<i32>} : memref<64x128xf32, #tpu.memory_space<vmem>>, vector<16xf32>,
      %get3A_1206 = arith.index_cast %scan3A_13 : i32 to index
      %get3A_1207 = arith.constant 80 : index
      %get3A_1208 = tpu.vector_load %arg6[%get3A_1206, %get3A_1207] {strides = array<i32>} : memref<64x128xf32, #tpu.memory_space<vmem>>, vector<16xf32>,
      %mul3A_1209 = arith.mulf %get3A_1208, %select_n3A_1202 : vector<16xf32>
      %swap3A_1210 = arith.index_cast %scan3A_13 : i32 to index
      %swap3A_1211 = arith.constant 80 : index
      %swap3A_1212 = tpu.vector_load %arg9[%swap3A_1210, %swap3A_1211] {strides = array<i32>} : memref<64x128xf32, #tpu.memory_space<vmem>>, vector<16xf32>,
      tpu.vector_store %arg9[%swap3A_1210, %swap3A_1211], %mul3A_1209 {strides = array<i32>} : memref<64x128xf32, #tpu.memory_space<vmem>>, vector<16xf32>,
      %all_reduce_population_count3A_1213 = tpu.all_reduce %eq3A_1188 {dim = 0 : i64, kind = #tpu.reduction_kind<sum>} : vector<16xi1> -> vector<16xi32>
      %add3A_1214 = arith.addi %add3A_1186, %all_reduce_population_count3A_1213 : vector<16xi32>
      %gt3A_1215 = arith.cmpi sgt, %get3A_33, %select_n3A_1025 : vector<16xi32>
      %eq3A_1216 = arith.cmpi eq, %get3A_33, %select_n3A_1025 : vector<16xi32>
      %jit3A_1217 = arith.constant 1 : i32
      %jit3A_1218 = arith.constant 0 : i32
      %broadcast_in_dim3A_1219 = vector.broadcast %jit3A_1217 : i32 to vector<16xi32>
      %broadcast_in_dim3A_1220 = vector.broadcast %jit3A_1218 : i32 to vector<16xi32>
      %select_n3A_1221 = arith.select %eq3A_1216, %broadcast_in_dim3A_1219, %broadcast_in_dim3A_1220 : vector<16xi1>, vector<16xi32>
      %broadcast_in_dim3A_1222 = arith.constant true
      %broadcast_in_dim3A_1223 = vector.broadcast %broadcast_in_dim3A_1222 : i1 to vector<16xi1>
      %masked_cumsum3A_1224 = tpu.scan <sum>, %select_n3A_1221 masked %broadcast_in_dim3A_1223 : vector<16xi32>, vector<16xi1> -> vector<16xi32>
      %sub3A_1225 = arith.subi %masked_cumsum3A_1224, %select_n3A_1221 : vector<16xi32>
      %add3A_1226 = arith.addi %sub3A_1225, %add3A_1214 : vector<16xi32>
      %lt3A_1227 = arith.cmpi slt, %add3A_1226, %sub3A : vector<16xi32>
      %and3A_1228 = arith.andi %eq3A_1216, %lt3A_1227 : vector<16xi1>
      %or3A_1229 = arith.ori %gt3A_1215, %and3A_1228 : vector<16xi1>
      %select_n3A_1230 = arith.select %or3A_1229, %broadcast_in_dim3A_5, %broadcast_in_dim3A_7 : vector<16xi1>, vector<16xf32>
      %swap3A_1231 = arith.index_cast %scan3A_13 : i32 to index
      %swap3A_1232 = arith.constant 96 : index
      %swap3A_1233 = tpu.vector_load %arg8[%swap3A_1231, %swap3A_1232] {strides = array<i32>} : memref<64x128xf32, #tpu.memory_space<vmem>>, vector<16xf32>,
      tpu.vector_store %arg8[%swap3A_1231, %swap3A_1232], %select_n3A_1230 {strides = array<i32>} : memref<64x128xf32, #tpu.memory_space<vmem>>, vector<16xf32>,
      %get3A_1234 = arith.index_cast %scan3A_13 : i32 to index
      %get3A_1235 = arith.constant 96 : index
      %get3A_1236 = tpu.vector_load %arg6[%get3A_1234, %get3A_1235] {strides = array<i32>} : memref<64x128xf32, #tpu.memory_space<vmem>>, vector<16xf32>,
      %mul3A_1237 = arith.mulf %get3A_1236, %select_n3A_1230 : vector<16xf32>
      %swap3A_1238 = arith.index_cast %scan3A_13 : i32 to index
      %swap3A_1239 = arith.constant 96 : index
      %swap3A_1240 = tpu.vector_load %arg9[%swap3A_1238, %swap3A_1239] {strides = array<i32>} : memref<64x128xf32, #tpu.memory_space<vmem>>, vector<16xf32>,
      tpu.vector_store %arg9[%swap3A_1238, %swap3A_1239], %mul3A_1237 {strides = array<i32>} : memref<64x128xf32, #tpu.memory_space<vmem>>, vector<16xf32>,
      %all_reduce_population_count3A_1241 = tpu.all_reduce %eq3A_1216 {dim = 0 : i64, kind = #tpu.reduction_kind<sum>} : vector<16xi1> -> vector<16xi32>
      %add3A_1242 = arith.addi %add3A_1214, %all_reduce_population_count3A_1241 : vector<16xi32>
      %gt3A_1243 = arith.cmpi sgt, %get3A_36, %select_n3A_1025 : vector<16xi32>
      %eq3A_1244 = arith.cmpi eq, %get3A_36, %select_n3A_1025 : vector<16xi32>
      %jit3A_1245 = arith.constant 1 : i32
      %jit3A_1246 = arith.constant 0 : i32
      %broadcast_in_dim3A_1247 = vector.broadcast %jit3A_1245 : i32 to vector<16xi32>
      %broadcast_in_dim3A_1248 = vector.broadcast %jit3A_1246 : i32 to vector<16xi32>
      %select_n3A_1249 = arith.select %eq3A_1244, %broadcast_in_dim3A_1247, %broadcast_in_dim3A_1248 : vector<16xi1>, vector<16xi32>
      %broadcast_in_dim3A_1250 = arith.constant true
      %broadcast_in_dim3A_1251 = vector.broadcast %broadcast_in_dim3A_1250 : i1 to vector<16xi1>
      %masked_cumsum3A_1252 = tpu.scan <sum>, %select_n3A_1249 masked %broadcast_in_dim3A_1251 : vector<16xi32>, vector<16xi1> -> vector<16xi32>
      %sub3A_1253 = arith.subi %masked_cumsum3A_1252, %select_n3A_1249 : vector<16xi32>
      %add3A_1254 = arith.addi %sub3A_1253, %add3A_1242 : vector<16xi32>
      %lt3A_1255 = arith.cmpi slt, %add3A_1254, %sub3A : vector<16xi32>
      %and3A_1256 = arith.andi %eq3A_1244, %lt3A_1255 : vector<16xi1>
      %or3A_1257 = arith.ori %gt3A_1243, %and3A_1256 : vector<16xi1>
      %select_n3A_1258 = arith.select %or3A_1257, %broadcast_in_dim3A_5, %broadcast_in_dim3A_7 : vector<16xi1>, vector<16xf32>
      %swap3A_1259 = arith.index_cast %scan3A_13 : i32 to index
      %swap3A_1260 = arith.constant 112 : index
      %swap3A_1261 = tpu.vector_load %arg8[%swap3A_1259, %swap3A_1260] {strides = array<i32>} : memref<64x128xf32, #tpu.memory_space<vmem>>, vector<16xf32>,
      tpu.vector_store %arg8[%swap3A_1259, %swap3A_1260], %select_n3A_1258 {strides = array<i32>} : memref<64x128xf32, #tpu.memory_space<vmem>>, vector<16xf32>,
      %get3A_1262 = arith.index_cast %scan3A_13 : i32 to index
      %get3A_1263 = arith.constant 112 : index
      %get3A_1264 = tpu.vector_load %arg6[%get3A_1262, %get3A_1263] {strides = array<i32>} : memref<64x128xf32, #tpu.memory_space<vmem>>, vector<16xf32>,
      %mul3A_1265 = arith.mulf %get3A_1264, %select_n3A_1258 : vector<16xf32>
      %swap3A_1266 = arith.index_cast %scan3A_13 : i32 to index
      %swap3A_1267 = arith.constant 112 : index
      %swap3A_1268 = tpu.vector_load %arg9[%swap3A_1266, %swap3A_1267] {strides = array<i32>} : memref<64x128xf32, #tpu.memory_space<vmem>>, vector<16xf32>,
      tpu.vector_store %arg9[%swap3A_1266, %swap3A_1267], %mul3A_1265 {strides = array<i32>} : memref<64x128xf32, #tpu.memory_space<vmem>>, vector<16xf32>,
      %all_reduce_population_count3A_1269 = tpu.all_reduce %eq3A_1244 {dim = 0 : i64, kind = #tpu.reduction_kind<sum>} : vector<16xi1> -> vector<16xi32>
      %add3A_1270 = arith.addi %add3A_1242, %all_reduce_population_count3A_1269 : vector<16xi32>
    }
    %scan3A_12 = arith.constant 64 : i32
    "tpu.region"() ({
      %run_scoped3A = tpu.sem_alloc : memref<!tpu.dma_semaphore, #tpu.memory_space<semaphore_mem>>
      %dma_start3A = arith.constant 0 : i32
      %dma_start3A_13 = tpu.memref_slice %arg4[%mul3A_2, %dma_start3A] : memref<2048x128xf32, #tpu.memory_space<hbm>> -> memref<64x128xf32, #tpu.memory_space<hbm>>
      %dma_start3A_14 = arith.constant 0 : i32
      %dma_start3A_15 = tpu.memref_slice %arg4[%mul3A_2, %dma_start3A_14] : memref<2048x128xf32, #tpu.memory_space<hbm>> -> memref<64x128xf32, #tpu.memory_space<hbm>>
      tpu.enqueue_dma source(%arg8 : memref<64x128xf32, #tpu.memory_space<vmem>>) target(%dma_start3A_15 : memref<64x128xf32, #tpu.memory_space<hbm>>) target_semaphore(%run_scoped3A : memref<!tpu.dma_semaphore, #tpu.memory_space<semaphore_mem>>)
      %dma_wait3A = arith.constant 0 : i32
      %dma_wait3A_16 = tpu.memref_slice %arg4[%mul3A_2, %dma_wait3A] : memref<2048x128xf32, #tpu.memory_space<hbm>> -> memref<64x128xf32, #tpu.memory_space<hbm>>
      %dma_wait3A_17 = arith.constant 0 : i32
      %dma_wait3A_18 = tpu.memref_slice %arg4[%mul3A_2, %dma_wait3A_17] : memref<2048x128xf32, #tpu.memory_space<hbm>> -> memref<64x128xf32, #tpu.memory_space<hbm>>
      tpu.wait_dma2 semaphore(%run_scoped3A : memref<!tpu.dma_semaphore, #tpu.memory_space<semaphore_mem>>) src(%arg8 : memref<64x128xf32, #tpu.memory_space<vmem>>) dst(%dma_wait3A_18 : memref<64x128xf32, #tpu.memory_space<hbm>>)
      tpu.yield
    }) : () -> ()
    "tpu.region"() ({
      %run_scoped3A = tpu.sem_alloc : memref<!tpu.dma_semaphore, #tpu.memory_space<semaphore_mem>>
      %dma_start3A = arith.constant 0 : i32
      %dma_start3A_13 = tpu.memref_slice %arg5[%mul3A_2, %dma_start3A] : memref<2048x128xf32, #tpu.memory_space<hbm>> -> memref<64x128xf32, #tpu.memory_space<hbm>>
      %dma_start3A_14 = arith.constant 0 : i32
      %dma_start3A_15 = tpu.memref_slice %arg5[%mul3A_2, %dma_start3A_14] : memref<2048x128xf32, #tpu.memory_space<hbm>> -> memref<64x128xf32, #tpu.memory_space<hbm>>
      tpu.enqueue_dma source(%arg9 : memref<64x128xf32, #tpu.memory_space<vmem>>) target(%dma_start3A_15 : memref<64x128xf32, #tpu.memory_space<hbm>>) target_semaphore(%run_scoped3A : memref<!tpu.dma_semaphore, #tpu.memory_space<semaphore_mem>>)
      %dma_wait3A = arith.constant 0 : i32
      %dma_wait3A_16 = tpu.memref_slice %arg5[%mul3A_2, %dma_wait3A] : memref<2048x128xf32, #tpu.memory_space<hbm>> -> memref<64x128xf32, #tpu.memory_space<hbm>>
      %dma_wait3A_17 = arith.constant 0 : i32
      %dma_wait3A_18 = tpu.memref_slice %arg5[%mul3A_2, %dma_wait3A_17] : memref<2048x128xf32, #tpu.memory_space<hbm>> -> memref<64x128xf32, #tpu.memory_space<hbm>>
      tpu.wait_dma2 semaphore(%run_scoped3A : memref<!tpu.dma_semaphore, #tpu.memory_space<semaphore_mem>>) src(%arg9 : memref<64x128xf32, #tpu.memory_space<vmem>>) dst(%dma_wait3A_18 : memref<64x128xf32, #tpu.memory_space<hbm>>)
      tpu.yield
    }) : () -> ()
    return
  }
}

module attributes {stable_mosaic.version = 14 : i64} {
  func.func @_tc_body(%arg0: i32, %arg1: memref<1024x128xf32, #tpu.memory_space<vmem>>, %arg2: memref<128x64xf32, #tpu.memory_space<vmem>>, %arg3: memref<1x64xf32, #tpu.memory_space<vmem>>, %arg4: memref<64x128xf32, #tpu.memory_space<vmem>>, %arg5: memref<1x128xf32, #tpu.memory_space<vmem>>, %arg6: memref<128x64xf32, #tpu.memory_space<vmem>>, %arg7: memref<1x64xf32, #tpu.memory_space<vmem>>, %arg8: memref<64x1xf32, #tpu.memory_space<vmem>>, %arg9: memref<1x1xf32, #tpu.memory_space<vmem>>, %arg10: memref<1024x128xf32, #tpu.memory_space<vmem>>, %arg11: memref<1024x128xf32, #tpu.memory_space<vmem>>, %arg12: memref<1024x128xi32, #tpu.memory_space<vmem>>, %arg13: memref<1024x128xf32, #tpu.memory_space<vmem>>) attributes {dimension_semantics = [#tpu.dimension_semantics<arbitrary>], iteration_bounds = array<i64: 16>, scalar_prefetch = 0 : i64, scratch_operands = 0 : i64, tpu.core_type = #tpu.core_type<tc>, window_params = [{transform_indices = @transform_0, window_bounds = array<i64: 1024, 128>}, {pipeline_mode = #tpu.pipeline_mode<synchronous>, transform_indices = @transform_1, window_bounds = array<i64: 128, 64>}, {pipeline_mode = #tpu.pipeline_mode<synchronous>, transform_indices = @transform_2, window_bounds = array<i64: 1, 64>}, {pipeline_mode = #tpu.pipeline_mode<synchronous>, transform_indices = @transform_3, window_bounds = array<i64: 64, 128>}, {pipeline_mode = #tpu.pipeline_mode<synchronous>, transform_indices = @transform_4, window_bounds = array<i64: 1, 128>}, {pipeline_mode = #tpu.pipeline_mode<synchronous>, transform_indices = @transform_5, window_bounds = array<i64: 128, 64>}, {pipeline_mode = #tpu.pipeline_mode<synchronous>, transform_indices = @transform_6, window_bounds = array<i64: 1, 64>}, {pipeline_mode = #tpu.pipeline_mode<synchronous>, transform_indices = @transform_7, window_bounds = array<i64: 64, 1>}, {pipeline_mode = #tpu.pipeline_mode<synchronous>, transform_indices = @transform_8, window_bounds = array<i64: 1, 1>}, {transform_indices = @transform_9, window_bounds = array<i64: 1024, 128>}, {transform_indices = @transform_10, window_bounds = array<i64: 1024, 128>}, {transform_indices = @transform_11, window_bounds = array<i64: 1024, 128>}, {transform_indices = @transform_12, window_bounds = array<i64: 1024, 128>}]} {
    %get3A = arith.constant 0 : index
    %get3A_0 = arith.constant 0 : index
    %get3A_1 = vector.load %arg1[%get3A, %get3A_0] : memref<1024x128xf32, #tpu.memory_space<vmem>>, vector<1024x128xf32>
    %get3A_2 = arith.constant 0 : index
    %get3A_3 = arith.constant 0 : index
    %get3A_4 = vector.load %arg2[%get3A_2, %get3A_3] : memref<128x64xf32, #tpu.memory_space<vmem>>, vector<128x64xf32>
    %dot_general3A = arith.constant dense<0.000000e+00> : vector<1024x64xf32>
    %dot_general3A_5 = tpu.matmul %get3A_1, %get3A_4, %dot_general3A {dimension_numbers = #tpu.dot_dimension_numbers<[1], [0], [0], [1], [0, 0, 1, 1], [], []>, transpose_lhs_hint = false} : vector<1024x128xf32>, vector<128x64xf32>, vector<1024x64xf32> -> vector<1024x64xf32>
    %get3A_6 = arith.constant 0 : index
    %get3A_7 = arith.constant 0 : index
    %get3A_8 = vector.load %arg3[%get3A_6, %get3A_7] : memref<1x64xf32, #tpu.memory_space<vmem>>, vector<1x64xf32>
    %add3A = vector.broadcast %get3A_8 : vector<1x64xf32> to vector<1024x64xf32>
    %add3A_9 = arith.addf %dot_general3A_5, %add3A : vector<1024x64xf32>
    %max3A = arith.constant 0.000000e+00 : f32
    %max3A_10 = vector.broadcast %max3A : f32 to vector<1024x64xf32>
    %max3A_11 = arith.maximumf %add3A_9, %max3A_10 : vector<1024x64xf32>
    %get3A_12 = arith.constant 0 : index
    %get3A_13 = arith.constant 0 : index
    %get3A_14 = vector.load %arg4[%get3A_12, %get3A_13] : memref<64x128xf32, #tpu.memory_space<vmem>>, vector<64x128xf32>
    %dot_general3A_15 = arith.constant dense<0.000000e+00> : vector<1024x128xf32>
    %dot_general3A_16 = tpu.matmul %max3A_11, %get3A_14, %dot_general3A_15 {dimension_numbers = #tpu.dot_dimension_numbers<[1], [0], [0], [1], [0, 0, 1, 1], [], []>, transpose_lhs_hint = false} : vector<1024x64xf32>, vector<64x128xf32>, vector<1024x128xf32> -> vector<1024x128xf32>
    %get3A_17 = arith.constant 0 : index
    %get3A_18 = arith.constant 0 : index
    %get3A_19 = vector.load %arg5[%get3A_17, %get3A_18] : memref<1x128xf32, #tpu.memory_space<vmem>>, vector<1x128xf32>
    %add3A_20 = vector.broadcast %get3A_19 : vector<1x128xf32> to vector<1024x128xf32>
    %add3A_21 = arith.addf %dot_general3A_16, %add3A_20 : vector<1024x128xf32>
    %logistic3A = arith.negf %add3A_21 : vector<1024x128xf32>
    %logistic3A_22 = math.exp %logistic3A : vector<1024x128xf32>
    %logistic3A_23 = arith.constant 1.000000e+00 : f32
    %logistic3A_24 = vector.broadcast %logistic3A_23 : f32 to vector<1024x128xf32>
    %logistic3A_25 = arith.addf %logistic3A_24, %logistic3A_22 : vector<1024x128xf32>
    %logistic3A_26 = arith.divf %logistic3A_24, %logistic3A_25 : vector<1024x128xf32>
    %get3A_27 = arith.constant 0 : index
    %get3A_28 = arith.constant 0 : index
    %get3A_29 = vector.load %arg6[%get3A_27, %get3A_28] : memref<128x64xf32, #tpu.memory_space<vmem>>, vector<128x64xf32>
    %dot_general3A_30 = arith.constant dense<0.000000e+00> : vector<1024x64xf32>
    %dot_general3A_31 = tpu.matmul %get3A_1, %get3A_29, %dot_general3A_30 {dimension_numbers = #tpu.dot_dimension_numbers<[1], [0], [0], [1], [0, 0, 1, 1], [], []>, transpose_lhs_hint = false} : vector<1024x128xf32>, vector<128x64xf32>, vector<1024x64xf32> -> vector<1024x64xf32>
    %get3A_32 = arith.constant 0 : index
    %get3A_33 = arith.constant 0 : index
    %get3A_34 = vector.load %arg7[%get3A_32, %get3A_33] : memref<1x64xf32, #tpu.memory_space<vmem>>, vector<1x64xf32>
    %add3A_35 = vector.broadcast %get3A_34 : vector<1x64xf32> to vector<1024x64xf32>
    %add3A_36 = arith.addf %dot_general3A_31, %add3A_35 : vector<1024x64xf32>
    %max3A_37 = arith.constant 0.000000e+00 : f32
    %max3A_38 = vector.broadcast %max3A_37 : f32 to vector<1024x64xf32>
    %max3A_39 = arith.maximumf %add3A_36, %max3A_38 : vector<1024x64xf32>
    %get3A_40 = arith.constant 0 : index
    %get3A_41 = arith.constant 0 : index
    %get3A_42 = vector.load %arg8[%get3A_40, %get3A_41] : memref<64x1xf32, #tpu.memory_space<vmem>>, vector<64x1xf32>
    %dot_general3A_43 = arith.constant dense<0.000000e+00> : vector<1024x1xf32>
    %dot_general3A_44 = tpu.matmul %max3A_39, %get3A_42, %dot_general3A_43 {dimension_numbers = #tpu.dot_dimension_numbers<[1], [0], [0], [1], [0, 0, 1, 1], [], []>, transpose_lhs_hint = false} : vector<1024x64xf32>, vector<64x1xf32>, vector<1024x1xf32> -> vector<1024x1xf32>
    %get3A_45 = arith.constant 0 : index
    %get3A_46 = arith.constant 0 : index
    %get3A_47 = vector.load %arg9[%get3A_45, %get3A_46] : memref<1x1xf32, #tpu.memory_space<vmem>>, vector<1x1xf32>
    %add3A_48 = vector.broadcast %get3A_47 : vector<1x1xf32> to vector<1024x1xf32>
    %add3A_49 = arith.addf %dot_general3A_44, %add3A_48 : vector<1024x1xf32>
    %logistic3A_50 = arith.negf %add3A_49 : vector<1024x1xf32>
    %logistic3A_51 = math.exp %logistic3A_50 : vector<1024x1xf32>
    %logistic3A_52 = arith.constant 1.000000e+00 : f32
    %logistic3A_53 = vector.broadcast %logistic3A_52 : f32 to vector<1024x1xf32>
    %logistic3A_54 = arith.addf %logistic3A_53, %logistic3A_51 : vector<1024x1xf32>
    %logistic3A_55 = arith.divf %logistic3A_53, %logistic3A_54 : vector<1024x1xf32>
    %mul3A = vector.broadcast %logistic3A_55 : vector<1024x1xf32> to vector<1024x128xf32>
    %mul3A_56 = arith.mulf %logistic3A_26, %mul3A : vector<1024x128xf32>
    %swap3A = arith.constant 0 : index
    %swap3A_57 = arith.constant 0 : index
    %swap3A_58 = vector.load %arg11[%swap3A, %swap3A_57] : memref<1024x128xf32, #tpu.memory_space<vmem>>, vector<1024x128xf32>
    tpu.vector_store %arg11[%swap3A, %swap3A_57], %mul3A_56 {strides = array<i32>} : memref<1024x128xf32, #tpu.memory_space<vmem>>, vector<1024x128xf32>,
    %bitcast_convert_type3A = tpu.bitcast %mul3A_56 : vector<1024x128xf32> -> vector<1024x128xi32>
    %swap3A_59 = arith.constant 0 : index
    %swap3A_60 = arith.constant 0 : index
    %swap3A_61 = vector.load %arg12[%swap3A_59, %swap3A_60] : memref<1024x128xi32, #tpu.memory_space<vmem>>, vector<1024x128xi32>
    tpu.vector_store %arg12[%swap3A_59, %swap3A_60], %bitcast_convert_type3A {strides = array<i32>} : memref<1024x128xi32, #tpu.memory_space<vmem>>, vector<1024x128xi32>,
    %ge3A = arith.constant 2 : i32
    %ge3A_62 = arith.cmpi sge, %arg0, %ge3A : i32
    %convert_element_type3A = arith.extui %ge3A_62 : i1 to i32
    %cond3A = arith.constant 0 : i32
    %cond3A_63 = arith.cmpi ne, %convert_element_type3A, %cond3A : i32
    scf.if %cond3A_63 {
      %transpose3A = tpu.transpose %bitcast_convert_type3A, [1, 0] : vector<1024x128xi32> -> vector<128x1024xi32>
      %broadcast_in_dim3A = arith.constant 0 : i32
      %broadcast_in_dim3A_64 = vector.broadcast %broadcast_in_dim3A : i32 to vector<1x1024xi32>
      %broadcast_in_dim3A_65 = arith.constant 1073741824 : i32
      %broadcast_in_dim3A_66 = vector.broadcast %broadcast_in_dim3A_65 : i32 to vector<1x1024xi32>
      %add3A_67 = arith.addi %broadcast_in_dim3A_64, %broadcast_in_dim3A_66 : vector<1x1024xi32>
      %shift_right_arithmetic3A = arith.constant 1 : i32
      %shift_right_arithmetic3A_68 = vector.broadcast %shift_right_arithmetic3A : i32 to vector<1x1024xi32>
      %shift_right_arithmetic3A_69 = arith.shrsi %add3A_67, %shift_right_arithmetic3A_68 : vector<1x1024xi32>
      %ge3A_70 = vector.broadcast %shift_right_arithmetic3A_69 : vector<1x1024xi32> to vector<128x1024xi32>
      %ge3A_71 = arith.cmpi sge, %transpose3A, %ge3A_70 : vector<128x1024xi32>
      %convert_element_type3A_72 = arith.extui %ge3A_71 : vector<128x1024xi1> to vector<128x1024xi32>
      %reduce_sum3A = arith.constant dense<0> : vector<1024xi32>
      %reduce_sum3A_73 = vector.multi_reduction <add>, %convert_element_type3A_72, %reduce_sum3A [0] : vector<128x1024xi32> to vector<1024xi32>
      %broadcast_in_dim3A_74 = vector.shape_cast %reduce_sum3A_73 : vector<1024xi32> to vector<1x1024xi32>
      %ge3A_75 = arith.constant 89 : i32
      %ge3A_76 = vector.broadcast %ge3A_75 : i32 to vector<1x1024xi32>
      %ge3A_77 = arith.cmpi sge, %broadcast_in_dim3A_74, %ge3A_76 : vector<1x1024xi32>
      %select_n3A = arith.select %ge3A_77, %shift_right_arithmetic3A_69, %broadcast_in_dim3A_64 : vector<1x1024xi1>, vector<1x1024xi32>
      %select_n3A_78 = arith.select %ge3A_77, %broadcast_in_dim3A_66, %shift_right_arithmetic3A_69 : vector<1x1024xi1>, vector<1x1024xi32>
      %add3A_79 = arith.addi %select_n3A, %select_n3A_78 : vector<1x1024xi32>
      %shift_right_arithmetic3A_80 = arith.constant 1 : i32
      %shift_right_arithmetic3A_81 = vector.broadcast %shift_right_arithmetic3A_80 : i32 to vector<1x1024xi32>
      %shift_right_arithmetic3A_82 = arith.shrsi %add3A_79, %shift_right_arithmetic3A_81 : vector<1x1024xi32>
      %ge3A_83 = vector.broadcast %shift_right_arithmetic3A_82 : vector<1x1024xi32> to vector<128x1024xi32>
      %ge3A_84 = arith.cmpi sge, %transpose3A, %ge3A_83 : vector<128x1024xi32>
      %convert_element_type3A_85 = arith.extui %ge3A_84 : vector<128x1024xi1> to vector<128x1024xi32>
      %reduce_sum3A_86 = arith.constant dense<0> : vector<1024xi32>
      %reduce_sum3A_87 = vector.multi_reduction <add>, %convert_element_type3A_85, %reduce_sum3A_86 [0] : vector<128x1024xi32> to vector<1024xi32>
      %broadcast_in_dim3A_88 = vector.shape_cast %reduce_sum3A_87 : vector<1024xi32> to vector<1x1024xi32>
      %ge3A_89 = arith.constant 89 : i32
      %ge3A_90 = vector.broadcast %ge3A_89 : i32 to vector<1x1024xi32>
      %ge3A_91 = arith.cmpi sge, %broadcast_in_dim3A_88, %ge3A_90 : vector<1x1024xi32>
      %select_n3A_92 = arith.select %ge3A_91, %shift_right_arithmetic3A_82, %select_n3A : vector<1x1024xi1>, vector<1x1024xi32>
      %select_n3A_93 = arith.select %ge3A_91, %select_n3A_78, %shift_right_arithmetic3A_82 : vector<1x1024xi1>, vector<1x1024xi32>
      %add3A_94 = arith.addi %select_n3A_92, %select_n3A_93 : vector<1x1024xi32>
      %shift_right_arithmetic3A_95 = arith.constant 1 : i32
      %shift_right_arithmetic3A_96 = vector.broadcast %shift_right_arithmetic3A_95 : i32 to vector<1x1024xi32>
      %shift_right_arithmetic3A_97 = arith.shrsi %add3A_94, %shift_right_arithmetic3A_96 : vector<1x1024xi32>
      %ge3A_98 = vector.broadcast %shift_right_arithmetic3A_97 : vector<1x1024xi32> to vector<128x1024xi32>
      %ge3A_99 = arith.cmpi sge, %transpose3A, %ge3A_98 : vector<128x1024xi32>
      %convert_element_type3A_100 = arith.extui %ge3A_99 : vector<128x1024xi1> to vector<128x1024xi32>
      %reduce_sum3A_101 = arith.constant dense<0> : vector<1024xi32>
      %reduce_sum3A_102 = vector.multi_reduction <add>, %convert_element_type3A_100, %reduce_sum3A_101 [0] : vector<128x1024xi32> to vector<1024xi32>
      %broadcast_in_dim3A_103 = vector.shape_cast %reduce_sum3A_102 : vector<1024xi32> to vector<1x1024xi32>
      %ge3A_104 = arith.constant 89 : i32
      %ge3A_105 = vector.broadcast %ge3A_104 : i32 to vector<1x1024xi32>
      %ge3A_106 = arith.cmpi sge, %broadcast_in_dim3A_103, %ge3A_105 : vector<1x1024xi32>
      %select_n3A_107 = arith.select %ge3A_106, %shift_right_arithmetic3A_97, %select_n3A_92 : vector<1x1024xi1>, vector<1x1024xi32>
      %select_n3A_108 = arith.select %ge3A_106, %select_n3A_93, %shift_right_arithmetic3A_97 : vector<1x1024xi1>, vector<1x1024xi32>
      %add3A_109 = arith.addi %select_n3A_107, %select_n3A_108 : vector<1x1024xi32>
      %shift_right_arithmetic3A_110 = arith.constant 1 : i32
      %shift_right_arithmetic3A_111 = vector.broadcast %shift_right_arithmetic3A_110 : i32 to vector<1x1024xi32>
      %shift_right_arithmetic3A_112 = arith.shrsi %add3A_109, %shift_right_arithmetic3A_111 : vector<1x1024xi32>
      %ge3A_113 = vector.broadcast %shift_right_arithmetic3A_112 : vector<1x1024xi32> to vector<128x1024xi32>
      %ge3A_114 = arith.cmpi sge, %transpose3A, %ge3A_113 : vector<128x1024xi32>
      %convert_element_type3A_115 = arith.extui %ge3A_114 : vector<128x1024xi1> to vector<128x1024xi32>
      %reduce_sum3A_116 = arith.constant dense<0> : vector<1024xi32>
      %reduce_sum3A_117 = vector.multi_reduction <add>, %convert_element_type3A_115, %reduce_sum3A_116 [0] : vector<128x1024xi32> to vector<1024xi32>
      %broadcast_in_dim3A_118 = vector.shape_cast %reduce_sum3A_117 : vector<1024xi32> to vector<1x1024xi32>
      %ge3A_119 = arith.constant 89 : i32
      %ge3A_120 = vector.broadcast %ge3A_119 : i32 to vector<1x1024xi32>
      %ge3A_121 = arith.cmpi sge, %broadcast_in_dim3A_118, %ge3A_120 : vector<1x1024xi32>
      %select_n3A_122 = arith.select %ge3A_121, %shift_right_arithmetic3A_112, %select_n3A_107 : vector<1x1024xi1>, vector<1x1024xi32>
      %select_n3A_123 = arith.select %ge3A_121, %select_n3A_108, %shift_right_arithmetic3A_112 : vector<1x1024xi1>, vector<1x1024xi32>
      %add3A_124 = arith.addi %select_n3A_122, %select_n3A_123 : vector<1x1024xi32>
      %shift_right_arithmetic3A_125 = arith.constant 1 : i32
      %shift_right_arithmetic3A_126 = vector.broadcast %shift_right_arithmetic3A_125 : i32 to vector<1x1024xi32>
      %shift_right_arithmetic3A_127 = arith.shrsi %add3A_124, %shift_right_arithmetic3A_126 : vector<1x1024xi32>
      %ge3A_128 = vector.broadcast %shift_right_arithmetic3A_127 : vector<1x1024xi32> to vector<128x1024xi32>
      %ge3A_129 = arith.cmpi sge, %transpose3A, %ge3A_128 : vector<128x1024xi32>
      %convert_element_type3A_130 = arith.extui %ge3A_129 : vector<128x1024xi1> to vector<128x1024xi32>
      %reduce_sum3A_131 = arith.constant dense<0> : vector<1024xi32>
      %reduce_sum3A_132 = vector.multi_reduction <add>, %convert_element_type3A_130, %reduce_sum3A_131 [0] : vector<128x1024xi32> to vector<1024xi32>
      %broadcast_in_dim3A_133 = vector.shape_cast %reduce_sum3A_132 : vector<1024xi32> to vector<1x1024xi32>
      %ge3A_134 = arith.constant 89 : i32
      %ge3A_135 = vector.broadcast %ge3A_134 : i32 to vector<1x1024xi32>
      %ge3A_136 = arith.cmpi sge, %broadcast_in_dim3A_133, %ge3A_135 : vector<1x1024xi32>
      %select_n3A_137 = arith.select %ge3A_136, %shift_right_arithmetic3A_127, %select_n3A_122 : vector<1x1024xi1>, vector<1x1024xi32>
      %select_n3A_138 = arith.select %ge3A_136, %select_n3A_123, %shift_right_arithmetic3A_127 : vector<1x1024xi1>, vector<1x1024xi32>
      %add3A_139 = arith.addi %select_n3A_137, %select_n3A_138 : vector<1x1024xi32>
      %shift_right_arithmetic3A_140 = arith.constant 1 : i32
      %shift_right_arithmetic3A_141 = vector.broadcast %shift_right_arithmetic3A_140 : i32 to vector<1x1024xi32>
      %shift_right_arithmetic3A_142 = arith.shrsi %add3A_139, %shift_right_arithmetic3A_141 : vector<1x1024xi32>
      %ge3A_143 = vector.broadcast %shift_right_arithmetic3A_142 : vector<1x1024xi32> to vector<128x1024xi32>
      %ge3A_144 = arith.cmpi sge, %transpose3A, %ge3A_143 : vector<128x1024xi32>
      %convert_element_type3A_145 = arith.extui %ge3A_144 : vector<128x1024xi1> to vector<128x1024xi32>
      %reduce_sum3A_146 = arith.constant dense<0> : vector<1024xi32>
      %reduce_sum3A_147 = vector.multi_reduction <add>, %convert_element_type3A_145, %reduce_sum3A_146 [0] : vector<128x1024xi32> to vector<1024xi32>
      %broadcast_in_dim3A_148 = vector.shape_cast %reduce_sum3A_147 : vector<1024xi32> to vector<1x1024xi32>
      %ge3A_149 = arith.constant 89 : i32
      %ge3A_150 = vector.broadcast %ge3A_149 : i32 to vector<1x1024xi32>
      %ge3A_151 = arith.cmpi sge, %broadcast_in_dim3A_148, %ge3A_150 : vector<1x1024xi32>
      %select_n3A_152 = arith.select %ge3A_151, %shift_right_arithmetic3A_142, %select_n3A_137 : vector<1x1024xi1>, vector<1x1024xi32>
      %select_n3A_153 = arith.select %ge3A_151, %select_n3A_138, %shift_right_arithmetic3A_142 : vector<1x1024xi1>, vector<1x1024xi32>
      %add3A_154 = arith.addi %select_n3A_152, %select_n3A_153 : vector<1x1024xi32>
      %shift_right_arithmetic3A_155 = arith.constant 1 : i32
      %shift_right_arithmetic3A_156 = vector.broadcast %shift_right_arithmetic3A_155 : i32 to vector<1x1024xi32>
      %shift_right_arithmetic3A_157 = arith.shrsi %add3A_154, %shift_right_arithmetic3A_156 : vector<1x1024xi32>
      %ge3A_158 = vector.broadcast %shift_right_arithmetic3A_157 : vector<1x1024xi32> to vector<128x1024xi32>
      %ge3A_159 = arith.cmpi sge, %transpose3A, %ge3A_158 : vector<128x1024xi32>
      %convert_element_type3A_160 = arith.extui %ge3A_159 : vector<128x1024xi1> to vector<128x1024xi32>
      %reduce_sum3A_161 = arith.constant dense<0> : vector<1024xi32>
      %reduce_sum3A_162 = vector.multi_reduction <add>, %convert_element_type3A_160, %reduce_sum3A_161 [0] : vector<128x1024xi32> to vector<1024xi32>
      %broadcast_in_dim3A_163 = vector.shape_cast %reduce_sum3A_162 : vector<1024xi32> to vector<1x1024xi32>
      %ge3A_164 = arith.constant 89 : i32
      %ge3A_165 = vector.broadcast %ge3A_164 : i32 to vector<1x1024xi32>
      %ge3A_166 = arith.cmpi sge, %broadcast_in_dim3A_163, %ge3A_165 : vector<1x1024xi32>
      %select_n3A_167 = arith.select %ge3A_166, %shift_right_arithmetic3A_157, %select_n3A_152 : vector<1x1024xi1>, vector<1x1024xi32>
      %select_n3A_168 = arith.select %ge3A_166, %select_n3A_153, %shift_right_arithmetic3A_157 : vector<1x1024xi1>, vector<1x1024xi32>
      %add3A_169 = arith.addi %select_n3A_167, %select_n3A_168 : vector<1x1024xi32>
      %shift_right_arithmetic3A_170 = arith.constant 1 : i32
      %shift_right_arithmetic3A_171 = vector.broadcast %shift_right_arithmetic3A_170 : i32 to vector<1x1024xi32>
      %shift_right_arithmetic3A_172 = arith.shrsi %add3A_169, %shift_right_arithmetic3A_171 : vector<1x1024xi32>
      %ge3A_173 = vector.broadcast %shift_right_arithmetic3A_172 : vector<1x1024xi32> to vector<128x1024xi32>
      %ge3A_174 = arith.cmpi sge, %transpose3A, %ge3A_173 : vector<128x1024xi32>
      %convert_element_type3A_175 = arith.extui %ge3A_174 : vector<128x1024xi1> to vector<128x1024xi32>
      %reduce_sum3A_176 = arith.constant dense<0> : vector<1024xi32>
      %reduce_sum3A_177 = vector.multi_reduction <add>, %convert_element_type3A_175, %reduce_sum3A_176 [0] : vector<128x1024xi32> to vector<1024xi32>
      %broadcast_in_dim3A_178 = vector.shape_cast %reduce_sum3A_177 : vector<1024xi32> to vector<1x1024xi32>
      %ge3A_179 = arith.constant 89 : i32
      %ge3A_180 = vector.broadcast %ge3A_179 : i32 to vector<1x1024xi32>
      %ge3A_181 = arith.cmpi sge, %broadcast_in_dim3A_178, %ge3A_180 : vector<1x1024xi32>
      %select_n3A_182 = arith.select %ge3A_181, %shift_right_arithmetic3A_172, %select_n3A_167 : vector<1x1024xi1>, vector<1x1024xi32>
      %select_n3A_183 = arith.select %ge3A_181, %select_n3A_168, %shift_right_arithmetic3A_172 : vector<1x1024xi1>, vector<1x1024xi32>
      %add3A_184 = arith.addi %select_n3A_182, %select_n3A_183 : vector<1x1024xi32>
      %shift_right_arithmetic3A_185 = arith.constant 1 : i32
      %shift_right_arithmetic3A_186 = vector.broadcast %shift_right_arithmetic3A_185 : i32 to vector<1x1024xi32>
      %shift_right_arithmetic3A_187 = arith.shrsi %add3A_184, %shift_right_arithmetic3A_186 : vector<1x1024xi32>
      %ge3A_188 = vector.broadcast %shift_right_arithmetic3A_187 : vector<1x1024xi32> to vector<128x1024xi32>
      %ge3A_189 = arith.cmpi sge, %transpose3A, %ge3A_188 : vector<128x1024xi32>
      %convert_element_type3A_190 = arith.extui %ge3A_189 : vector<128x1024xi1> to vector<128x1024xi32>
      %reduce_sum3A_191 = arith.constant dense<0> : vector<1024xi32>
      %reduce_sum3A_192 = vector.multi_reduction <add>, %convert_element_type3A_190, %reduce_sum3A_191 [0] : vector<128x1024xi32> to vector<1024xi32>
      %broadcast_in_dim3A_193 = vector.shape_cast %reduce_sum3A_192 : vector<1024xi32> to vector<1x1024xi32>
      %ge3A_194 = arith.constant 89 : i32
      %ge3A_195 = vector.broadcast %ge3A_194 : i32 to vector<1x1024xi32>
      %ge3A_196 = arith.cmpi sge, %broadcast_in_dim3A_193, %ge3A_195 : vector<1x1024xi32>
      %select_n3A_197 = arith.select %ge3A_196, %shift_right_arithmetic3A_187, %select_n3A_182 : vector<1x1024xi1>, vector<1x1024xi32>
      %select_n3A_198 = arith.select %ge3A_196, %select_n3A_183, %shift_right_arithmetic3A_187 : vector<1x1024xi1>, vector<1x1024xi32>
      %add3A_199 = arith.addi %select_n3A_197, %select_n3A_198 : vector<1x1024xi32>
      %shift_right_arithmetic3A_200 = arith.constant 1 : i32
      %shift_right_arithmetic3A_201 = vector.broadcast %shift_right_arithmetic3A_200 : i32 to vector<1x1024xi32>
      %shift_right_arithmetic3A_202 = arith.shrsi %add3A_199, %shift_right_arithmetic3A_201 : vector<1x1024xi32>
      %ge3A_203 = vector.broadcast %shift_right_arithmetic3A_202 : vector<1x1024xi32> to vector<128x1024xi32>
      %ge3A_204 = arith.cmpi sge, %transpose3A, %ge3A_203 : vector<128x1024xi32>
      %convert_element_type3A_205 = arith.extui %ge3A_204 : vector<128x1024xi1> to vector<128x1024xi32>
      %reduce_sum3A_206 = arith.constant dense<0> : vector<1024xi32>
      %reduce_sum3A_207 = vector.multi_reduction <add>, %convert_element_type3A_205, %reduce_sum3A_206 [0] : vector<128x1024xi32> to vector<1024xi32>
      %broadcast_in_dim3A_208 = vector.shape_cast %reduce_sum3A_207 : vector<1024xi32> to vector<1x1024xi32>
      %ge3A_209 = arith.constant 89 : i32
      %ge3A_210 = vector.broadcast %ge3A_209 : i32 to vector<1x1024xi32>
      %ge3A_211 = arith.cmpi sge, %broadcast_in_dim3A_208, %ge3A_210 : vector<1x1024xi32>
      %select_n3A_212 = arith.select %ge3A_211, %shift_right_arithmetic3A_202, %select_n3A_197 : vector<1x1024xi1>, vector<1x1024xi32>
      %select_n3A_213 = arith.select %ge3A_211, %select_n3A_198, %shift_right_arithmetic3A_202 : vector<1x1024xi1>, vector<1x1024xi32>
      %add3A_214 = arith.addi %select_n3A_212, %select_n3A_213 : vector<1x1024xi32>
      %shift_right_arithmetic3A_215 = arith.constant 1 : i32
      %shift_right_arithmetic3A_216 = vector.broadcast %shift_right_arithmetic3A_215 : i32 to vector<1x1024xi32>
      %shift_right_arithmetic3A_217 = arith.shrsi %add3A_214, %shift_right_arithmetic3A_216 : vector<1x1024xi32>
      %ge3A_218 = vector.broadcast %shift_right_arithmetic3A_217 : vector<1x1024xi32> to vector<128x1024xi32>
      %ge3A_219 = arith.cmpi sge, %transpose3A, %ge3A_218 : vector<128x1024xi32>
      %convert_element_type3A_220 = arith.extui %ge3A_219 : vector<128x1024xi1> to vector<128x1024xi32>
      %reduce_sum3A_221 = arith.constant dense<0> : vector<1024xi32>
      %reduce_sum3A_222 = vector.multi_reduction <add>, %convert_element_type3A_220, %reduce_sum3A_221 [0] : vector<128x1024xi32> to vector<1024xi32>
      %broadcast_in_dim3A_223 = vector.shape_cast %reduce_sum3A_222 : vector<1024xi32> to vector<1x1024xi32>
      %ge3A_224 = arith.constant 89 : i32
      %ge3A_225 = vector.broadcast %ge3A_224 : i32 to vector<1x1024xi32>
      %ge3A_226 = arith.cmpi sge, %broadcast_in_dim3A_223, %ge3A_225 : vector<1x1024xi32>
      %select_n3A_227 = arith.select %ge3A_226, %shift_right_arithmetic3A_217, %select_n3A_212 : vector<1x1024xi1>, vector<1x1024xi32>
      %select_n3A_228 = arith.select %ge3A_226, %select_n3A_213, %shift_right_arithmetic3A_217 : vector<1x1024xi1>, vector<1x1024xi32>
      %add3A_229 = arith.addi %select_n3A_227, %select_n3A_228 : vector<1x1024xi32>
      %shift_right_arithmetic3A_230 = arith.constant 1 : i32
      %shift_right_arithmetic3A_231 = vector.broadcast %shift_right_arithmetic3A_230 : i32 to vector<1x1024xi32>
      %shift_right_arithmetic3A_232 = arith.shrsi %add3A_229, %shift_right_arithmetic3A_231 : vector<1x1024xi32>
      %ge3A_233 = vector.broadcast %shift_right_arithmetic3A_232 : vector<1x1024xi32> to vector<128x1024xi32>
      %ge3A_234 = arith.cmpi sge, %transpose3A, %ge3A_233 : vector<128x1024xi32>
      %convert_element_type3A_235 = arith.extui %ge3A_234 : vector<128x1024xi1> to vector<128x1024xi32>
      %reduce_sum3A_236 = arith.constant dense<0> : vector<1024xi32>
      %reduce_sum3A_237 = vector.multi_reduction <add>, %convert_element_type3A_235, %reduce_sum3A_236 [0] : vector<128x1024xi32> to vector<1024xi32>
      %broadcast_in_dim3A_238 = vector.shape_cast %reduce_sum3A_237 : vector<1024xi32> to vector<1x1024xi32>
      %ge3A_239 = arith.constant 89 : i32
      %ge3A_240 = vector.broadcast %ge3A_239 : i32 to vector<1x1024xi32>
      %ge3A_241 = arith.cmpi sge, %broadcast_in_dim3A_238, %ge3A_240 : vector<1x1024xi32>
      %select_n3A_242 = arith.select %ge3A_241, %shift_right_arithmetic3A_232, %select_n3A_227 : vector<1x1024xi1>, vector<1x1024xi32>
      %select_n3A_243 = arith.select %ge3A_241, %select_n3A_228, %shift_right_arithmetic3A_232 : vector<1x1024xi1>, vector<1x1024xi32>
      %add3A_244 = arith.addi %select_n3A_242, %select_n3A_243 : vector<1x1024xi32>
      %shift_right_arithmetic3A_245 = arith.constant 1 : i32
      %shift_right_arithmetic3A_246 = vector.broadcast %shift_right_arithmetic3A_245 : i32 to vector<1x1024xi32>
      %shift_right_arithmetic3A_247 = arith.shrsi %add3A_244, %shift_right_arithmetic3A_246 : vector<1x1024xi32>
      %ge3A_248 = vector.broadcast %shift_right_arithmetic3A_247 : vector<1x1024xi32> to vector<128x1024xi32>
      %ge3A_249 = arith.cmpi sge, %transpose3A, %ge3A_248 : vector<128x1024xi32>
      %convert_element_type3A_250 = arith.extui %ge3A_249 : vector<128x1024xi1> to vector<128x1024xi32>
      %reduce_sum3A_251 = arith.constant dense<0> : vector<1024xi32>
      %reduce_sum3A_252 = vector.multi_reduction <add>, %convert_element_type3A_250, %reduce_sum3A_251 [0] : vector<128x1024xi32> to vector<1024xi32>
      %broadcast_in_dim3A_253 = vector.shape_cast %reduce_sum3A_252 : vector<1024xi32> to vector<1x1024xi32>
      %ge3A_254 = arith.constant 89 : i32
      %ge3A_255 = vector.broadcast %ge3A_254 : i32 to vector<1x1024xi32>
      %ge3A_256 = arith.cmpi sge, %broadcast_in_dim3A_253, %ge3A_255 : vector<1x1024xi32>
      %select_n3A_257 = arith.select %ge3A_256, %shift_right_arithmetic3A_247, %select_n3A_242 : vector<1x1024xi1>, vector<1x1024xi32>
      %select_n3A_258 = arith.select %ge3A_256, %select_n3A_243, %shift_right_arithmetic3A_247 : vector<1x1024xi1>, vector<1x1024xi32>
      %add3A_259 = arith.addi %select_n3A_257, %select_n3A_258 : vector<1x1024xi32>
      %shift_right_arithmetic3A_260 = arith.constant 1 : i32
      %shift_right_arithmetic3A_261 = vector.broadcast %shift_right_arithmetic3A_260 : i32 to vector<1x1024xi32>
      %shift_right_arithmetic3A_262 = arith.shrsi %add3A_259, %shift_right_arithmetic3A_261 : vector<1x1024xi32>
      %ge3A_263 = vector.broadcast %shift_right_arithmetic3A_262 : vector<1x1024xi32> to vector<128x1024xi32>
      %ge3A_264 = arith.cmpi sge, %transpose3A, %ge3A_263 : vector<128x1024xi32>
      %convert_element_type3A_265 = arith.extui %ge3A_264 : vector<128x1024xi1> to vector<128x1024xi32>
      %reduce_sum3A_266 = arith.constant dense<0> : vector<1024xi32>
      %reduce_sum3A_267 = vector.multi_reduction <add>, %convert_element_type3A_265, %reduce_sum3A_266 [0] : vector<128x1024xi32> to vector<1024xi32>
      %broadcast_in_dim3A_268 = vector.shape_cast %reduce_sum3A_267 : vector<1024xi32> to vector<1x1024xi32>
      %ge3A_269 = arith.constant 89 : i32
      %ge3A_270 = vector.broadcast %ge3A_269 : i32 to vector<1x1024xi32>
      %ge3A_271 = arith.cmpi sge, %broadcast_in_dim3A_268, %ge3A_270 : vector<1x1024xi32>
      %select_n3A_272 = arith.select %ge3A_271, %shift_right_arithmetic3A_262, %select_n3A_257 : vector<1x1024xi1>, vector<1x1024xi32>
      %select_n3A_273 = arith.select %ge3A_271, %select_n3A_258, %shift_right_arithmetic3A_262 : vector<1x1024xi1>, vector<1x1024xi32>
      %add3A_274 = arith.addi %select_n3A_272, %select_n3A_273 : vector<1x1024xi32>
      %shift_right_arithmetic3A_275 = arith.constant 1 : i32
      %shift_right_arithmetic3A_276 = vector.broadcast %shift_right_arithmetic3A_275 : i32 to vector<1x1024xi32>
      %shift_right_arithmetic3A_277 = arith.shrsi %add3A_274, %shift_right_arithmetic3A_276 : vector<1x1024xi32>
      %ge3A_278 = vector.broadcast %shift_right_arithmetic3A_277 : vector<1x1024xi32> to vector<128x1024xi32>
      %ge3A_279 = arith.cmpi sge, %transpose3A, %ge3A_278 : vector<128x1024xi32>
      %convert_element_type3A_280 = arith.extui %ge3A_279 : vector<128x1024xi1> to vector<128x1024xi32>
      %reduce_sum3A_281 = arith.constant dense<0> : vector<1024xi32>
      %reduce_sum3A_282 = vector.multi_reduction <add>, %convert_element_type3A_280, %reduce_sum3A_281 [0] : vector<128x1024xi32> to vector<1024xi32>
      %broadcast_in_dim3A_283 = vector.shape_cast %reduce_sum3A_282 : vector<1024xi32> to vector<1x1024xi32>
      %ge3A_284 = arith.constant 89 : i32
      %ge3A_285 = vector.broadcast %ge3A_284 : i32 to vector<1x1024xi32>
      %ge3A_286 = arith.cmpi sge, %broadcast_in_dim3A_283, %ge3A_285 : vector<1x1024xi32>
      %select_n3A_287 = arith.select %ge3A_286, %shift_right_arithmetic3A_277, %select_n3A_272 : vector<1x1024xi1>, vector<1x1024xi32>
      %select_n3A_288 = arith.select %ge3A_286, %select_n3A_273, %shift_right_arithmetic3A_277 : vector<1x1024xi1>, vector<1x1024xi32>
      %add3A_289 = arith.addi %select_n3A_287, %select_n3A_288 : vector<1x1024xi32>
      %shift_right_arithmetic3A_290 = arith.constant 1 : i32
      %shift_right_arithmetic3A_291 = vector.broadcast %shift_right_arithmetic3A_290 : i32 to vector<1x1024xi32>
      %shift_right_arithmetic3A_292 = arith.shrsi %add3A_289, %shift_right_arithmetic3A_291 : vector<1x1024xi32>
      %ge3A_293 = vector.broadcast %shift_right_arithmetic3A_292 : vector<1x1024xi32> to vector<128x1024xi32>
      %ge3A_294 = arith.cmpi sge, %transpose3A, %ge3A_293 : vector<128x1024xi32>
      %convert_element_type3A_295 = arith.extui %ge3A_294 : vector<128x1024xi1> to vector<128x1024xi32>
      %reduce_sum3A_296 = arith.constant dense<0> : vector<1024xi32>
      %reduce_sum3A_297 = vector.multi_reduction <add>, %convert_element_type3A_295, %reduce_sum3A_296 [0] : vector<128x1024xi32> to vector<1024xi32>
      %broadcast_in_dim3A_298 = vector.shape_cast %reduce_sum3A_297 : vector<1024xi32> to vector<1x1024xi32>
      %ge3A_299 = arith.constant 89 : i32
      %ge3A_300 = vector.broadcast %ge3A_299 : i32 to vector<1x1024xi32>
      %ge3A_301 = arith.cmpi sge, %broadcast_in_dim3A_298, %ge3A_300 : vector<1x1024xi32>
      %select_n3A_302 = arith.select %ge3A_301, %shift_right_arithmetic3A_292, %select_n3A_287 : vector<1x1024xi1>, vector<1x1024xi32>
      %select_n3A_303 = arith.select %ge3A_301, %select_n3A_288, %shift_right_arithmetic3A_292 : vector<1x1024xi1>, vector<1x1024xi32>
      %add3A_304 = arith.addi %select_n3A_302, %select_n3A_303 : vector<1x1024xi32>
      %shift_right_arithmetic3A_305 = arith.constant 1 : i32
      %shift_right_arithmetic3A_306 = vector.broadcast %shift_right_arithmetic3A_305 : i32 to vector<1x1024xi32>
      %shift_right_arithmetic3A_307 = arith.shrsi %add3A_304, %shift_right_arithmetic3A_306 : vector<1x1024xi32>
      %ge3A_308 = vector.broadcast %shift_right_arithmetic3A_307 : vector<1x1024xi32> to vector<128x1024xi32>
      %ge3A_309 = arith.cmpi sge, %transpose3A, %ge3A_308 : vector<128x1024xi32>
      %convert_element_type3A_310 = arith.extui %ge3A_309 : vector<128x1024xi1> to vector<128x1024xi32>
      %reduce_sum3A_311 = arith.constant dense<0> : vector<1024xi32>
      %reduce_sum3A_312 = vector.multi_reduction <add>, %convert_element_type3A_310, %reduce_sum3A_311 [0] : vector<128x1024xi32> to vector<1024xi32>
      %broadcast_in_dim3A_313 = vector.shape_cast %reduce_sum3A_312 : vector<1024xi32> to vector<1x1024xi32>
      %ge3A_314 = arith.constant 89 : i32
      %ge3A_315 = vector.broadcast %ge3A_314 : i32 to vector<1x1024xi32>
      %ge3A_316 = arith.cmpi sge, %broadcast_in_dim3A_313, %ge3A_315 : vector<1x1024xi32>
      %select_n3A_317 = arith.select %ge3A_316, %shift_right_arithmetic3A_307, %select_n3A_302 : vector<1x1024xi1>, vector<1x1024xi32>
      %select_n3A_318 = arith.select %ge3A_316, %select_n3A_303, %shift_right_arithmetic3A_307 : vector<1x1024xi1>, vector<1x1024xi32>
      %add3A_319 = arith.addi %select_n3A_317, %select_n3A_318 : vector<1x1024xi32>
      %shift_right_arithmetic3A_320 = arith.constant 1 : i32
      %shift_right_arithmetic3A_321 = vector.broadcast %shift_right_arithmetic3A_320 : i32 to vector<1x1024xi32>
      %shift_right_arithmetic3A_322 = arith.shrsi %add3A_319, %shift_right_arithmetic3A_321 : vector<1x1024xi32>
      %ge3A_323 = vector.broadcast %shift_right_arithmetic3A_322 : vector<1x1024xi32> to vector<128x1024xi32>
      %ge3A_324 = arith.cmpi sge, %transpose3A, %ge3A_323 : vector<128x1024xi32>
      %convert_element_type3A_325 = arith.extui %ge3A_324 : vector<128x1024xi1> to vector<128x1024xi32>
      %reduce_sum3A_326 = arith.constant dense<0> : vector<1024xi32>
      %reduce_sum3A_327 = vector.multi_reduction <add>, %convert_element_type3A_325, %reduce_sum3A_326 [0] : vector<128x1024xi32> to vector<1024xi32>
      %broadcast_in_dim3A_328 = vector.shape_cast %reduce_sum3A_327 : vector<1024xi32> to vector<1x1024xi32>
      %ge3A_329 = arith.constant 89 : i32
      %ge3A_330 = vector.broadcast %ge3A_329 : i32 to vector<1x1024xi32>
      %ge3A_331 = arith.cmpi sge, %broadcast_in_dim3A_328, %ge3A_330 : vector<1x1024xi32>
      %select_n3A_332 = arith.select %ge3A_331, %shift_right_arithmetic3A_322, %select_n3A_317 : vector<1x1024xi1>, vector<1x1024xi32>
      %select_n3A_333 = arith.select %ge3A_331, %select_n3A_318, %shift_right_arithmetic3A_322 : vector<1x1024xi1>, vector<1x1024xi32>
      %add3A_334 = arith.addi %select_n3A_332, %select_n3A_333 : vector<1x1024xi32>
      %shift_right_arithmetic3A_335 = arith.constant 1 : i32
      %shift_right_arithmetic3A_336 = vector.broadcast %shift_right_arithmetic3A_335 : i32 to vector<1x1024xi32>
      %shift_right_arithmetic3A_337 = arith.shrsi %add3A_334, %shift_right_arithmetic3A_336 : vector<1x1024xi32>
      %ge3A_338 = vector.broadcast %shift_right_arithmetic3A_337 : vector<1x1024xi32> to vector<128x1024xi32>
      %ge3A_339 = arith.cmpi sge, %transpose3A, %ge3A_338 : vector<128x1024xi32>
      %convert_element_type3A_340 = arith.extui %ge3A_339 : vector<128x1024xi1> to vector<128x1024xi32>
      %reduce_sum3A_341 = arith.constant dense<0> : vector<1024xi32>
      %reduce_sum3A_342 = vector.multi_reduction <add>, %convert_element_type3A_340, %reduce_sum3A_341 [0] : vector<128x1024xi32> to vector<1024xi32>
      %broadcast_in_dim3A_343 = vector.shape_cast %reduce_sum3A_342 : vector<1024xi32> to vector<1x1024xi32>
      %ge3A_344 = arith.constant 89 : i32
      %ge3A_345 = vector.broadcast %ge3A_344 : i32 to vector<1x1024xi32>
      %ge3A_346 = arith.cmpi sge, %broadcast_in_dim3A_343, %ge3A_345 : vector<1x1024xi32>
      %select_n3A_347 = arith.select %ge3A_346, %shift_right_arithmetic3A_337, %select_n3A_332 : vector<1x1024xi1>, vector<1x1024xi32>
      %select_n3A_348 = arith.select %ge3A_346, %select_n3A_333, %shift_right_arithmetic3A_337 : vector<1x1024xi1>, vector<1x1024xi32>
      %add3A_349 = arith.addi %select_n3A_347, %select_n3A_348 : vector<1x1024xi32>
      %shift_right_arithmetic3A_350 = arith.constant 1 : i32
      %shift_right_arithmetic3A_351 = vector.broadcast %shift_right_arithmetic3A_350 : i32 to vector<1x1024xi32>
      %shift_right_arithmetic3A_352 = arith.shrsi %add3A_349, %shift_right_arithmetic3A_351 : vector<1x1024xi32>
      %ge3A_353 = vector.broadcast %shift_right_arithmetic3A_352 : vector<1x1024xi32> to vector<128x1024xi32>
      %ge3A_354 = arith.cmpi sge, %transpose3A, %ge3A_353 : vector<128x1024xi32>
      %convert_element_type3A_355 = arith.extui %ge3A_354 : vector<128x1024xi1> to vector<128x1024xi32>
      %reduce_sum3A_356 = arith.constant dense<0> : vector<1024xi32>
      %reduce_sum3A_357 = vector.multi_reduction <add>, %convert_element_type3A_355, %reduce_sum3A_356 [0] : vector<128x1024xi32> to vector<1024xi32>
      %broadcast_in_dim3A_358 = vector.shape_cast %reduce_sum3A_357 : vector<1024xi32> to vector<1x1024xi32>
      %ge3A_359 = arith.constant 89 : i32
      %ge3A_360 = vector.broadcast %ge3A_359 : i32 to vector<1x1024xi32>
      %ge3A_361 = arith.cmpi sge, %broadcast_in_dim3A_358, %ge3A_360 : vector<1x1024xi32>
      %select_n3A_362 = arith.select %ge3A_361, %shift_right_arithmetic3A_352, %select_n3A_347 : vector<1x1024xi1>, vector<1x1024xi32>
      %select_n3A_363 = arith.select %ge3A_361, %select_n3A_348, %shift_right_arithmetic3A_352 : vector<1x1024xi1>, vector<1x1024xi32>
      %add3A_364 = arith.addi %select_n3A_362, %select_n3A_363 : vector<1x1024xi32>
      %shift_right_arithmetic3A_365 = arith.constant 1 : i32
      %shift_right_arithmetic3A_366 = vector.broadcast %shift_right_arithmetic3A_365 : i32 to vector<1x1024xi32>
      %shift_right_arithmetic3A_367 = arith.shrsi %add3A_364, %shift_right_arithmetic3A_366 : vector<1x1024xi32>
      %ge3A_368 = vector.broadcast %shift_right_arithmetic3A_367 : vector<1x1024xi32> to vector<128x1024xi32>
      %ge3A_369 = arith.cmpi sge, %transpose3A, %ge3A_368 : vector<128x1024xi32>
      %convert_element_type3A_370 = arith.extui %ge3A_369 : vector<128x1024xi1> to vector<128x1024xi32>
      %reduce_sum3A_371 = arith.constant dense<0> : vector<1024xi32>
      %reduce_sum3A_372 = vector.multi_reduction <add>, %convert_element_type3A_370, %reduce_sum3A_371 [0] : vector<128x1024xi32> to vector<1024xi32>
      %broadcast_in_dim3A_373 = vector.shape_cast %reduce_sum3A_372 : vector<1024xi32> to vector<1x1024xi32>
      %ge3A_374 = arith.constant 89 : i32
      %ge3A_375 = vector.broadcast %ge3A_374 : i32 to vector<1x1024xi32>
      %ge3A_376 = arith.cmpi sge, %broadcast_in_dim3A_373, %ge3A_375 : vector<1x1024xi32>
      %select_n3A_377 = arith.select %ge3A_376, %shift_right_arithmetic3A_367, %select_n3A_362 : vector<1x1024xi1>, vector<1x1024xi32>
      %select_n3A_378 = arith.select %ge3A_376, %select_n3A_363, %shift_right_arithmetic3A_367 : vector<1x1024xi1>, vector<1x1024xi32>
      %add3A_379 = arith.addi %select_n3A_377, %select_n3A_378 : vector<1x1024xi32>
      %shift_right_arithmetic3A_380 = arith.constant 1 : i32
      %shift_right_arithmetic3A_381 = vector.broadcast %shift_right_arithmetic3A_380 : i32 to vector<1x1024xi32>
      %shift_right_arithmetic3A_382 = arith.shrsi %add3A_379, %shift_right_arithmetic3A_381 : vector<1x1024xi32>
      %ge3A_383 = vector.broadcast %shift_right_arithmetic3A_382 : vector<1x1024xi32> to vector<128x1024xi32>
      %ge3A_384 = arith.cmpi sge, %transpose3A, %ge3A_383 : vector<128x1024xi32>
      %convert_element_type3A_385 = arith.extui %ge3A_384 : vector<128x1024xi1> to vector<128x1024xi32>
      %reduce_sum3A_386 = arith.constant dense<0> : vector<1024xi32>
      %reduce_sum3A_387 = vector.multi_reduction <add>, %convert_element_type3A_385, %reduce_sum3A_386 [0] : vector<128x1024xi32> to vector<1024xi32>
      %broadcast_in_dim3A_388 = vector.shape_cast %reduce_sum3A_387 : vector<1024xi32> to vector<1x1024xi32>
      %ge3A_389 = arith.constant 89 : i32
      %ge3A_390 = vector.broadcast %ge3A_389 : i32 to vector<1x1024xi32>
      %ge3A_391 = arith.cmpi sge, %broadcast_in_dim3A_388, %ge3A_390 : vector<1x1024xi32>
      %select_n3A_392 = arith.select %ge3A_391, %shift_right_arithmetic3A_382, %select_n3A_377 : vector<1x1024xi1>, vector<1x1024xi32>
      %select_n3A_393 = arith.select %ge3A_391, %select_n3A_378, %shift_right_arithmetic3A_382 : vector<1x1024xi1>, vector<1x1024xi32>
      %add3A_394 = arith.addi %select_n3A_392, %select_n3A_393 : vector<1x1024xi32>
      %shift_right_arithmetic3A_395 = arith.constant 1 : i32
      %shift_right_arithmetic3A_396 = vector.broadcast %shift_right_arithmetic3A_395 : i32 to vector<1x1024xi32>
      %shift_right_arithmetic3A_397 = arith.shrsi %add3A_394, %shift_right_arithmetic3A_396 : vector<1x1024xi32>
      %ge3A_398 = vector.broadcast %shift_right_arithmetic3A_397 : vector<1x1024xi32> to vector<128x1024xi32>
      %ge3A_399 = arith.cmpi sge, %transpose3A, %ge3A_398 : vector<128x1024xi32>
      %convert_element_type3A_400 = arith.extui %ge3A_399 : vector<128x1024xi1> to vector<128x1024xi32>
      %reduce_sum3A_401 = arith.constant dense<0> : vector<1024xi32>
      %reduce_sum3A_402 = vector.multi_reduction <add>, %convert_element_type3A_400, %reduce_sum3A_401 [0] : vector<128x1024xi32> to vector<1024xi32>
      %broadcast_in_dim3A_403 = vector.shape_cast %reduce_sum3A_402 : vector<1024xi32> to vector<1x1024xi32>
      %ge3A_404 = arith.constant 89 : i32
      %ge3A_405 = vector.broadcast %ge3A_404 : i32 to vector<1x1024xi32>
      %ge3A_406 = arith.cmpi sge, %broadcast_in_dim3A_403, %ge3A_405 : vector<1x1024xi32>
      %select_n3A_407 = arith.select %ge3A_406, %shift_right_arithmetic3A_397, %select_n3A_392 : vector<1x1024xi1>, vector<1x1024xi32>
      %select_n3A_408 = arith.select %ge3A_406, %select_n3A_393, %shift_right_arithmetic3A_397 : vector<1x1024xi1>, vector<1x1024xi32>
      %add3A_409 = arith.addi %select_n3A_407, %select_n3A_408 : vector<1x1024xi32>
      %shift_right_arithmetic3A_410 = arith.constant 1 : i32
      %shift_right_arithmetic3A_411 = vector.broadcast %shift_right_arithmetic3A_410 : i32 to vector<1x1024xi32>
      %shift_right_arithmetic3A_412 = arith.shrsi %add3A_409, %shift_right_arithmetic3A_411 : vector<1x1024xi32>
      %ge3A_413 = vector.broadcast %shift_right_arithmetic3A_412 : vector<1x1024xi32> to vector<128x1024xi32>
      %ge3A_414 = arith.cmpi sge, %transpose3A, %ge3A_413 : vector<128x1024xi32>
      %convert_element_type3A_415 = arith.extui %ge3A_414 : vector<128x1024xi1> to vector<128x1024xi32>
      %reduce_sum3A_416 = arith.constant dense<0> : vector<1024xi32>
      %reduce_sum3A_417 = vector.multi_reduction <add>, %convert_element_type3A_415, %reduce_sum3A_416 [0] : vector<128x1024xi32> to vector<1024xi32>
      %broadcast_in_dim3A_418 = vector.shape_cast %reduce_sum3A_417 : vector<1024xi32> to vector<1x1024xi32>
      %ge3A_419 = arith.constant 89 : i32
      %ge3A_420 = vector.broadcast %ge3A_419 : i32 to vector<1x1024xi32>
      %ge3A_421 = arith.cmpi sge, %broadcast_in_dim3A_418, %ge3A_420 : vector<1x1024xi32>
      %select_n3A_422 = arith.select %ge3A_421, %shift_right_arithmetic3A_412, %select_n3A_407 : vector<1x1024xi1>, vector<1x1024xi32>
      %select_n3A_423 = arith.select %ge3A_421, %select_n3A_408, %shift_right_arithmetic3A_412 : vector<1x1024xi1>, vector<1x1024xi32>
      %add3A_424 = arith.addi %select_n3A_422, %select_n3A_423 : vector<1x1024xi32>
      %shift_right_arithmetic3A_425 = arith.constant 1 : i32
      %shift_right_arithmetic3A_426 = vector.broadcast %shift_right_arithmetic3A_425 : i32 to vector<1x1024xi32>
      %shift_right_arithmetic3A_427 = arith.shrsi %add3A_424, %shift_right_arithmetic3A_426 : vector<1x1024xi32>
      %ge3A_428 = vector.broadcast %shift_right_arithmetic3A_427 : vector<1x1024xi32> to vector<128x1024xi32>
      %ge3A_429 = arith.cmpi sge, %transpose3A, %ge3A_428 : vector<128x1024xi32>
      %convert_element_type3A_430 = arith.extui %ge3A_429 : vector<128x1024xi1> to vector<128x1024xi32>
      %reduce_sum3A_431 = arith.constant dense<0> : vector<1024xi32>
      %reduce_sum3A_432 = vector.multi_reduction <add>, %convert_element_type3A_430, %reduce_sum3A_431 [0] : vector<128x1024xi32> to vector<1024xi32>
      %broadcast_in_dim3A_433 = vector.shape_cast %reduce_sum3A_432 : vector<1024xi32> to vector<1x1024xi32>
      %ge3A_434 = arith.constant 89 : i32
      %ge3A_435 = vector.broadcast %ge3A_434 : i32 to vector<1x1024xi32>
      %ge3A_436 = arith.cmpi sge, %broadcast_in_dim3A_433, %ge3A_435 : vector<1x1024xi32>
      %select_n3A_437 = arith.select %ge3A_436, %shift_right_arithmetic3A_427, %select_n3A_422 : vector<1x1024xi1>, vector<1x1024xi32>
      %select_n3A_438 = arith.select %ge3A_436, %select_n3A_423, %shift_right_arithmetic3A_427 : vector<1x1024xi1>, vector<1x1024xi32>
      %add3A_439 = arith.addi %select_n3A_437, %select_n3A_438 : vector<1x1024xi32>
      %shift_right_arithmetic3A_440 = arith.constant 1 : i32
      %shift_right_arithmetic3A_441 = vector.broadcast %shift_right_arithmetic3A_440 : i32 to vector<1x1024xi32>
      %shift_right_arithmetic3A_442 = arith.shrsi %add3A_439, %shift_right_arithmetic3A_441 : vector<1x1024xi32>
      %ge3A_443 = vector.broadcast %shift_right_arithmetic3A_442 : vector<1x1024xi32> to vector<128x1024xi32>
      %ge3A_444 = arith.cmpi sge, %transpose3A, %ge3A_443 : vector<128x1024xi32>
      %convert_element_type3A_445 = arith.extui %ge3A_444 : vector<128x1024xi1> to vector<128x1024xi32>
      %reduce_sum3A_446 = arith.constant dense<0> : vector<1024xi32>
      %reduce_sum3A_447 = vector.multi_reduction <add>, %convert_element_type3A_445, %reduce_sum3A_446 [0] : vector<128x1024xi32> to vector<1024xi32>
      %broadcast_in_dim3A_448 = vector.shape_cast %reduce_sum3A_447 : vector<1024xi32> to vector<1x1024xi32>
      %ge3A_449 = arith.constant 89 : i32
      %ge3A_450 = vector.broadcast %ge3A_449 : i32 to vector<1x1024xi32>
      %ge3A_451 = arith.cmpi sge, %broadcast_in_dim3A_448, %ge3A_450 : vector<1x1024xi32>
      %select_n3A_452 = arith.select %ge3A_451, %shift_right_arithmetic3A_442, %select_n3A_437 : vector<1x1024xi1>, vector<1x1024xi32>
      %select_n3A_453 = arith.select %ge3A_451, %select_n3A_438, %shift_right_arithmetic3A_442 : vector<1x1024xi1>, vector<1x1024xi32>
      %add3A_454 = arith.addi %select_n3A_452, %select_n3A_453 : vector<1x1024xi32>
      %shift_right_arithmetic3A_455 = arith.constant 1 : i32
      %shift_right_arithmetic3A_456 = vector.broadcast %shift_right_arithmetic3A_455 : i32 to vector<1x1024xi32>
      %shift_right_arithmetic3A_457 = arith.shrsi %add3A_454, %shift_right_arithmetic3A_456 : vector<1x1024xi32>
      %ge3A_458 = vector.broadcast %shift_right_arithmetic3A_457 : vector<1x1024xi32> to vector<128x1024xi32>
      %ge3A_459 = arith.cmpi sge, %transpose3A, %ge3A_458 : vector<128x1024xi32>
      %convert_element_type3A_460 = arith.extui %ge3A_459 : vector<128x1024xi1> to vector<128x1024xi32>
      %reduce_sum3A_461 = arith.constant dense<0> : vector<1024xi32>
      %reduce_sum3A_462 = vector.multi_reduction <add>, %convert_element_type3A_460, %reduce_sum3A_461 [0] : vector<128x1024xi32> to vector<1024xi32>
      %broadcast_in_dim3A_463 = vector.shape_cast %reduce_sum3A_462 : vector<1024xi32> to vector<1x1024xi32>
      %ge3A_464 = arith.constant 89 : i32
      %ge3A_465 = vector.broadcast %ge3A_464 : i32 to vector<1x1024xi32>
      %ge3A_466 = arith.cmpi sge, %broadcast_in_dim3A_463, %ge3A_465 : vector<1x1024xi32>
      %select_n3A_467 = arith.select %ge3A_466, %shift_right_arithmetic3A_457, %select_n3A_452 : vector<1x1024xi1>, vector<1x1024xi32>
      %select_n3A_468 = arith.select %ge3A_466, %select_n3A_453, %shift_right_arithmetic3A_457 : vector<1x1024xi1>, vector<1x1024xi32>
      %add3A_469 = arith.addi %select_n3A_467, %select_n3A_468 : vector<1x1024xi32>
      %shift_right_arithmetic3A_470 = arith.constant 1 : i32
      %shift_right_arithmetic3A_471 = vector.broadcast %shift_right_arithmetic3A_470 : i32 to vector<1x1024xi32>
      %shift_right_arithmetic3A_472 = arith.shrsi %add3A_469, %shift_right_arithmetic3A_471 : vector<1x1024xi32>
      %ge3A_473 = vector.broadcast %shift_right_arithmetic3A_472 : vector<1x1024xi32> to vector<128x1024xi32>
      %ge3A_474 = arith.cmpi sge, %transpose3A, %ge3A_473 : vector<128x1024xi32>
      %convert_element_type3A_475 = arith.extui %ge3A_474 : vector<128x1024xi1> to vector<128x1024xi32>
      %reduce_sum3A_476 = arith.constant dense<0> : vector<1024xi32>
      %reduce_sum3A_477 = vector.multi_reduction <add>, %convert_element_type3A_475, %reduce_sum3A_476 [0] : vector<128x1024xi32> to vector<1024xi32>
      %broadcast_in_dim3A_478 = vector.shape_cast %reduce_sum3A_477 : vector<1024xi32> to vector<1x1024xi32>
      %ge3A_479 = arith.constant 89 : i32
      %ge3A_480 = vector.broadcast %ge3A_479 : i32 to vector<1x1024xi32>
      %ge3A_481 = arith.cmpi sge, %broadcast_in_dim3A_478, %ge3A_480 : vector<1x1024xi32>
      %select_n3A_482 = arith.select %ge3A_481, %shift_right_arithmetic3A_472, %select_n3A_467 : vector<1x1024xi1>, vector<1x1024xi32>
      %select_n3A_483 = arith.select %ge3A_481, %select_n3A_468, %shift_right_arithmetic3A_472 : vector<1x1024xi1>, vector<1x1024xi32>
      %add3A_484 = arith.addi %select_n3A_482, %select_n3A_483 : vector<1x1024xi32>
      %shift_right_arithmetic3A_485 = arith.constant 1 : i32
      %shift_right_arithmetic3A_486 = vector.broadcast %shift_right_arithmetic3A_485 : i32 to vector<1x1024xi32>
      %shift_right_arithmetic3A_487 = arith.shrsi %add3A_484, %shift_right_arithmetic3A_486 : vector<1x1024xi32>
      %ge3A_488 = vector.broadcast %shift_right_arithmetic3A_487 : vector<1x1024xi32> to vector<128x1024xi32>
      %ge3A_489 = arith.cmpi sge, %transpose3A, %ge3A_488 : vector<128x1024xi32>
      %convert_element_type3A_490 = arith.extui %ge3A_489 : vector<128x1024xi1> to vector<128x1024xi32>
      %reduce_sum3A_491 = arith.constant dense<0> : vector<1024xi32>
      %reduce_sum3A_492 = vector.multi_reduction <add>, %convert_element_type3A_490, %reduce_sum3A_491 [0] : vector<128x1024xi32> to vector<1024xi32>
      %broadcast_in_dim3A_493 = vector.shape_cast %reduce_sum3A_492 : vector<1024xi32> to vector<1x1024xi32>
      %ge3A_494 = arith.constant 89 : i32
      %ge3A_495 = vector.broadcast %ge3A_494 : i32 to vector<1x1024xi32>
      %ge3A_496 = arith.cmpi sge, %broadcast_in_dim3A_493, %ge3A_495 : vector<1x1024xi32>
      %select_n3A_497 = arith.select %ge3A_496, %shift_right_arithmetic3A_487, %select_n3A_482 : vector<1x1024xi1>, vector<1x1024xi32>
      %select_n3A_498 = arith.select %ge3A_496, %select_n3A_483, %shift_right_arithmetic3A_487 : vector<1x1024xi1>, vector<1x1024xi32>
      %add3A_499 = arith.addi %select_n3A_497, %select_n3A_498 : vector<1x1024xi32>
      %shift_right_arithmetic3A_500 = arith.constant 1 : i32
      %shift_right_arithmetic3A_501 = vector.broadcast %shift_right_arithmetic3A_500 : i32 to vector<1x1024xi32>
      %shift_right_arithmetic3A_502 = arith.shrsi %add3A_499, %shift_right_arithmetic3A_501 : vector<1x1024xi32>
      %ge3A_503 = vector.broadcast %shift_right_arithmetic3A_502 : vector<1x1024xi32> to vector<128x1024xi32>
      %ge3A_504 = arith.cmpi sge, %transpose3A, %ge3A_503 : vector<128x1024xi32>
      %convert_element_type3A_505 = arith.extui %ge3A_504 : vector<128x1024xi1> to vector<128x1024xi32>
      %reduce_sum3A_506 = arith.constant dense<0> : vector<1024xi32>
      %reduce_sum3A_507 = vector.multi_reduction <add>, %convert_element_type3A_505, %reduce_sum3A_506 [0] : vector<128x1024xi32> to vector<1024xi32>
      %broadcast_in_dim3A_508 = vector.shape_cast %reduce_sum3A_507 : vector<1024xi32> to vector<1x1024xi32>
      %ge3A_509 = arith.constant 89 : i32
      %ge3A_510 = vector.broadcast %ge3A_509 : i32 to vector<1x1024xi32>
      %ge3A_511 = arith.cmpi sge, %broadcast_in_dim3A_508, %ge3A_510 : vector<1x1024xi32>
      %select_n3A_512 = arith.select %ge3A_511, %shift_right_arithmetic3A_502, %select_n3A_497 : vector<1x1024xi1>, vector<1x1024xi32>
      %gt3A = vector.broadcast %select_n3A_512 : vector<1x1024xi32> to vector<128x1024xi32>
      %gt3A_513 = arith.cmpi sgt, %transpose3A, %gt3A : vector<128x1024xi32>
      %convert_element_type3A_514 = arith.extui %gt3A_513 : vector<128x1024xi1> to vector<128x1024xi32>
      %reduce_sum3A_515 = arith.constant dense<0> : vector<1024xi32>
      %reduce_sum3A_516 = vector.multi_reduction <add>, %convert_element_type3A_514, %reduce_sum3A_515 [0] : vector<128x1024xi32> to vector<1024xi32>
      %broadcast_in_dim3A_517 = vector.shape_cast %reduce_sum3A_516 : vector<1024xi32> to vector<1x1024xi32>
      %transpose3A_518 = tpu.transpose %select_n3A_512, [1, 0] : vector<1x1024xi32> -> vector<1024x1xi32>
      %transpose3A_519 = tpu.transpose %broadcast_in_dim3A_517, [1, 0] : vector<1x1024xi32> -> vector<1024x1xi32>
      %gt3A_520 = vector.broadcast %transpose3A_518 : vector<1024x1xi32> to vector<1024x128xi32>
      %gt3A_521 = arith.cmpi sgt, %bitcast_convert_type3A, %gt3A_520 : vector<1024x128xi32>
      %eq3A = vector.broadcast %transpose3A_518 : vector<1024x1xi32> to vector<1024x128xi32>
      %eq3A_522 = arith.cmpi eq, %bitcast_convert_type3A, %eq3A : vector<1024x128xi32>
      %convert_element_type3A_523 = arith.extui %eq3A_522 : vector<1024x128xi1> to vector<1024x128xi32>
      %convert_element_type3A_524 = arith.sitofp %convert_element_type3A_523 : vector<1024x128xi32> to vector<1024x128xf32>
      %iota3A = tpu.iota {dimensions = array<i32: 0>} : vector<128x128xi32>
      %iota3A_525 = tpu.iota {dimensions = array<i32: 1>} : vector<128x128xi32>
      %lt3A = arith.cmpi slt, %iota3A, %iota3A_525 : vector<128x128xi32>
      %convert_element_type3A_526 = arith.extui %lt3A : vector<128x128xi1> to vector<128x128xi32>
      %convert_element_type3A_527 = arith.sitofp %convert_element_type3A_526 : vector<128x128xi32> to vector<128x128xf32>
      %dot_general3A_528 = arith.constant dense<0.000000e+00> : vector<1024x128xf32>
      %dot_general3A_529 = tpu.matmul %convert_element_type3A_524, %convert_element_type3A_527, %dot_general3A_528 {dimension_numbers = #tpu.dot_dimension_numbers<[1], [0], [0], [1], [0, 0, 1, 1], [], []>, transpose_lhs_hint = false} : vector<1024x128xf32>, vector<128x128xf32>, vector<1024x128xf32> -> vector<1024x128xf32>
      %sub3A = arith.constant 89 : i32
      %sub3A_530 = vector.broadcast %sub3A : i32 to vector<1024x1xi32>
      %sub3A_531 = arith.subi %sub3A_530, %transpose3A_519 : vector<1024x1xi32>
      %convert_element_type3A_532 = arith.sitofp %sub3A_531 : vector<1024x1xi32> to vector<1024x1xf32>
      %lt3A_533 = vector.broadcast %convert_element_type3A_532 : vector<1024x1xf32> to vector<1024x128xf32>
      %lt3A_534 = arith.cmpf olt, %dot_general3A_529, %lt3A_533 : vector<1024x128xf32>
      %and3A = arith.andi %eq3A_522, %lt3A_534 : vector<1024x128xi1>
      %or3A = arith.ori %gt3A_521, %and3A : vector<1024x128xi1>
      %convert_element_type3A_535 = arith.extui %or3A : vector<1024x128xi1> to vector<1024x128xi32>
      %convert_element_type3A_536 = arith.sitofp %convert_element_type3A_535 : vector<1024x128xi32> to vector<1024x128xf32>
      %swap3A_537 = arith.constant 0 : index
      %swap3A_538 = arith.constant 0 : index
      %swap3A_539 = vector.load %arg13[%swap3A_537, %swap3A_538] : memref<1024x128xf32, #tpu.memory_space<vmem>>, vector<1024x128xf32>
      tpu.vector_store %arg13[%swap3A_537, %swap3A_538], %convert_element_type3A_536 {strides = array<i32>} : memref<1024x128xf32, #tpu.memory_space<vmem>>, vector<1024x128xf32>,
      %mul3A_540 = arith.mulf %get3A_1, %convert_element_type3A_536 : vector<1024x128xf32>
      %swap3A_541 = arith.constant 0 : index
      %swap3A_542 = arith.constant 0 : index
      %swap3A_543 = vector.load %arg10[%swap3A_541, %swap3A_542] : memref<1024x128xf32, #tpu.memory_space<vmem>>, vector<1024x128xf32>
      tpu.vector_store %arg10[%swap3A_541, %swap3A_542], %mul3A_540 {strides = array<i32>} : memref<1024x128xf32, #tpu.memory_space<vmem>>, vector<1024x128xf32>,
    } else {
    }
    return
  }
  func.func @transform_0(%arg0: i32) -> (i32, i32) {
    %c0_i32 = arith.constant 0 : i32
    %c0_i32_0 = arith.constant 0 : i32
    return %arg0, %c0_i32 : i32, i32
  }
  func.func @transform_1(%arg0: i32) -> (i32, i32) {
    %c0_i32 = arith.constant 0 : i32
    %c0_i32_0 = arith.constant 0 : i32
    %c0_i32_1 = arith.constant 0 : i32
    return %c0_i32, %c0_i32_0 : i32, i32
  }
  func.func @transform_2(%arg0: i32) -> (i32, i32) {
    %c0_i32 = arith.constant 0 : i32
    %c0_i32_0 = arith.constant 0 : i32
    %c0_i32_1 = arith.constant 0 : i32
    return %c0_i32, %c0_i32_0 : i32, i32
  }
  func.func @transform_3(%arg0: i32) -> (i32, i32) {
    %c0_i32 = arith.constant 0 : i32
    %c0_i32_0 = arith.constant 0 : i32
    %c0_i32_1 = arith.constant 0 : i32
    return %c0_i32, %c0_i32_0 : i32, i32
  }
  func.func @transform_4(%arg0: i32) -> (i32, i32) {
    %c0_i32 = arith.constant 0 : i32
    %c0_i32_0 = arith.constant 0 : i32
    %c0_i32_1 = arith.constant 0 : i32
    return %c0_i32, %c0_i32_0 : i32, i32
  }
  func.func @transform_5(%arg0: i32) -> (i32, i32) {
    %c0_i32 = arith.constant 0 : i32
    %c0_i32_0 = arith.constant 0 : i32
    %c0_i32_1 = arith.constant 0 : i32
    return %c0_i32, %c0_i32_0 : i32, i32
  }
  func.func @transform_6(%arg0: i32) -> (i32, i32) {
    %c0_i32 = arith.constant 0 : i32
    %c0_i32_0 = arith.constant 0 : i32
    %c0_i32_1 = arith.constant 0 : i32
    return %c0_i32, %c0_i32_0 : i32, i32
  }
  func.func @transform_7(%arg0: i32) -> (i32, i32) {
    %c0_i32 = arith.constant 0 : i32
    %c0_i32_0 = arith.constant 0 : i32
    %c0_i32_1 = arith.constant 0 : i32
    return %c0_i32, %c0_i32_0 : i32, i32
  }
  func.func @transform_8(%arg0: i32) -> (i32, i32) {
    %c0_i32 = arith.constant 0 : i32
    %c0_i32_0 = arith.constant 0 : i32
    %c0_i32_1 = arith.constant 0 : i32
    return %c0_i32, %c0_i32_0 : i32, i32
  }
  func.func @transform_9(%arg0: i32) -> (i32, i32) {
    %c0_i32 = arith.constant 0 : i32
    %c0_i32_0 = arith.constant 0 : i32
    return %arg0, %c0_i32 : i32, i32
  }
  func.func @transform_10(%arg0: i32) -> (i32, i32) {
    %c0_i32 = arith.constant 0 : i32
    %c0_i32_0 = arith.constant 0 : i32
    return %arg0, %c0_i32 : i32, i32
  }
  func.func @transform_11(%arg0: i32) -> (i32, i32) {
    %c0_i32 = arith.constant 0 : i32
    %c0_i32_0 = arith.constant 0 : i32
    return %arg0, %c0_i32 : i32, i32
  }
  func.func @transform_12(%arg0: i32) -> (i32, i32) {
    %c0_i32 = arith.constant 0 : i32
    %c0_i32_0 = arith.constant 0 : i32
    return %arg0, %c0_i32 : i32, i32
  }
}

</mosaic_0001>

<sc_bundles>
// kernel: kernel.4.cloned.1.call-start
scs
__scs_entry_jumppad:
0x0: {  	(pc) =	sbr.rel $0x88, $3  }
0x1: {  	(tag) =	ssettag $0x0;
	lr =	simm.s32 $0x1  }
0x2: {  	[smem:$0x3F98] =	sst lr;
	_ =	strace $0xD0000000  }
0x3: {  	_ = 	snop  }
0x4: {  	_ = 	snop  }
0x5: {  	_ = 	snop  }
0x6: {  	_ = 	snop  }
0x7: {  	_ = 	snop  }
__scs_overlays_trampoline_lowered:
0x8: {  	[smem:$0x3FA7] =	sst s0  }
0x9: {  	[smem:$0x3FA8] =	sst s1  }
0xa: {  	[smem:$0x3FA9] =	sst s2  }
0xb: {  	[smem:$0x3FAA] =	sst s3  }
0xc: {  	[smem:$0x3FAB] =	sst s4  }
0xd: {  	[smem:$0x3FAC] =	sst s5  }
0xe: {  	[smem:$0x3FAD] =	sst s6  }
0xf: {  	[smem:$0x3FAE] =	sst s7  }
0x10: {  	[smem:$0x3FAF] =	sst s8  }
0x11: {  	[smem:$0x3FB0] =	sst s9;
	s0 =	simm.s32 @!p0 $0x0  }
0x12: {  	s1 =	sld [smem:$0x3F96];
	s0 =	simm.s32 @p0 $0x1  }
0x13: {  	[smem:$0x3FB1] =	sst s0;
	s0 =	simm.s32 @!p1 $0x0  }
0x14: {  	s2 =	sld [smem:$0x3F95];
	s0 =	simm.s32 @p1 $0x1  }
0x15: {  	[smem:$0x3FB2] =	sst s0;
	s0 =	simm.s32 @!p2 $0x0  }
0x16: {  	s3 =	sld [smem:$0x3FDB];
	s0 =	simm.s32 @p2 $0x1  }
0x17: {  	s4 =	simm.s32 $0x1BF5;
	[smem:$0x3FB4] =	sst s0  }
0x18: {  	s0 =	sld [smem:$0x3F97];
	_ =	swait.ge [sflag:s4], $0x0  }
0x19: {  	s7 =	sld [smem:$0x3F98]  }
0x1a: {  	s8 =	sadd.s32 $0xFFFFE003, lr  }
0x1b: {  	s9 =	sadd.s32 $0xFFFFFEF7, lr;
	s5 =	simm.s32 $0xFFFFFFFF;
	p2 =	slt.u32 s8, $0xFFFFF086  }
0x1c: {  	p1 =	slt.u32 s9, $0xF7A;
	s5 =	simm.s32 @!p2 $0x0  }
0x1d: {  	s5 =	simm.s32 @p1 $0x1;
	p0 =	seq.s32 s7, s2  }
0x1e: {  	s7 =	smul.u32 @!p0 $0xF7A, s2;
	p2 =	seq.s32 @!p0 s5, $0x0  }
0x1f: {  	s9 =	smul.u32 $0xF7A, s1;
	s8 =	simm.s32 @!p0 $0x1BF5;
	p2 =	por !p2, p0  }
0x20: {  	[sflag:s8] =	ssyncset.s32 @!p0 $0xFFFFF086;
	s6 =	sadd.s32 @!p0 s3, s7;
	s7 =	simm.s32 @!p0 $0x108  }
0x21: {  	s3 =	sadd.s32 s3, s9;
	s6 =	sadd.s32 @!p0 $0x88, s6;
	s7 =	simm.s32 @p2 $0x1082  }
0x22: {  	[simem:s7], [sflag:s8] =	dma.local @!p0 [hbm:s6], $0xF7A  }
0x23: {  	s9 =	sor.u32 $0xD0000000, s2;
	s6 =	simm.s32 $0x108;
	_ =	swait.ge @!p0 [sflag:s8], $0x0  }
0x24: {  	s3 =	sadd.s32 $0x88, s3;
	s6 =	simm.s32 @!p1 $0x1082;
	[sflag:s4] =	ssyncset.s32 $0xFFFFF086  }
0x25: {  	[simem:s6], [sflag:s4] =	dma.local [hbm:s3], $0xF7A  }
0x26: {  	[smem:$0x3F98] =	sst s1;
	(tag) =	ssettag s2;
	_ =	strace s9  }
0x27: {  	s1 =	sld [smem:$0x3FA8]  }
0x28: {  	s2 =	sld [smem:$0x3FA9]  }
0x29: {  	s4 =	sld [smem:$0x3FAB]  }
0x2a: {  	p0 =	seq.s32 s5, $0x0;
	s5 =	sld [smem:$0x3FAC]  }
0x2b: {  	s6 =	sld [smem:$0x3FAD]  }
0x2c: {  	s7 =	sld [smem:$0x3FAE]  }
0x2d: {  	s3 =	simm.s32 $0x108;
	s8 =	sld [smem:$0x3FAF]  }
0x2e: {  	s3 =	simm.s32 @!p0 $0x1082;
	s9 =	sld [smem:$0x3FB0]  }
0x2f: {  	lr =	sadd.s32 s0, s3;
	s0 =	sld [smem:$0x3FA7]  }
0x30: {  	s3 =	sld [smem:$0x3FAA]  }
0x31: {  	[smem:$0x3FB3] =	sst s10  }
0x32: {  	s10 =	sld [smem:$0x3FB1];
	_ =	sdelay $0x3  }
0x33: {  	p0 =	seq.s32 s10, $0x1;
	s10 =	sld [smem:$0x3FB3];
	_ =	sdelay $0x3  }
0x34: {  	[smem:$0x3FB3] =	sst s10  }
0x35: {  	s10 =	sld [smem:$0x3FB2];
	_ =	sdelay $0x3  }
0x36: {  	p1 =	seq.s32 s10, $0x1;
	s10 =	sld [smem:$0x3FB3];
	_ =	sdelay $0x3  }
0x37: {  	[smem:$0x3FB3] =	sst s10  }
0x38: {  	s10 =	sld [smem:$0x3FB4]  }
0x39: {  	_ = 	snop;
	(pc) =	sbr.ind lr, $3  }
0x3a: {  	_ = 	snop  }
0x3b: {  	_ = 	snop  }
0x3c: {  	p2 =	seq.s32 s10, $0x1;
	s10 =	sld [smem:$0x3FB3]  }
0x3d: {  	_ =	shalt  }
0x3e: {  	_ =	shalt  }
0x3f: {  	_ =	shalt  }
0x40: {  	_ =	shalt  }
0x41: {  	_ =	shalt  }
0x42: {  	_ =	shalt  }
0x43: {  	_ =	shalt  }
0x44: {  	_ =	shalt  }
0x45: {  	_ =	shalt  }
0x46: {  	_ =	shalt  }
0x47: {  	_ =	shalt  }
0x48: {  	_ =	shalt  }
0x49: {  	_ =	shalt  }
0x4a: {  	_ =	shalt  }
0x4b: {  	_ =	shalt  }
0x4c: {  	_ =	shalt  }
0x4d: {  	_ =	shalt  }
0x4e: {  	_ =	shalt  }
0x4f: {  	_ =	shalt  }
0x50: {  	_ =	shalt  }
0x51: {  	_ =	shalt  }
0x52: {  	_ =	shalt  }
0x53: {  	_ =	shalt  }
0x54: {  	_ =	shalt  }
0x55: {  	_ =	shalt  }
0x56: {  	_ =	shalt  }
0x57: {  	_ =	shalt  }
0x58: {  	_ =	shalt  }
0x59: {  	_ =	shalt  }
0x5a: {  	_ =	shalt  }
0x5b: {  	_ =	shalt  }
0x5c: {  	_ =	shalt  }
0x5d: {  	_ =	shalt  }
0x5e: {  	_ =	shalt  }
0x5f: {  	_ =	shalt  }
0x60: {  	_ =	shalt  }
0x61: {  	_ =	shalt  }
0x62: {  	_ =	shalt  }
0x63: {  	_ =	shalt  }
0x64: {  	_ =	shalt  }
0x65: {  	_ =	shalt  }
0x66: {  	_ =	shalt  }
0x67: {  	_ =	shalt  }
0x68: {  	_ =	shalt  }
0x69: {  	_ =	shalt  }
0x6a: {  	_ =	shalt  }
0x6b: {  	_ =	shalt  }
0x6c: {  	_ =	shalt  }
0x6d: {  	_ =	shalt  }
0x6e: {  	_ =	shalt  }
0x6f: {  	_ =	shalt  }
0x70: {  	_ =	shalt  }
0x71: {  	_ =	shalt  }
0x72: {  	_ =	shalt  }
0x73: {  	_ =	shalt  }
0x74: {  	_ =	shalt  }
0x75: {  	_ =	shalt  }
0x76: {  	_ =	shalt  }
0x77: {  	_ =	shalt  }
0x78: {  	_ =	shalt  }
0x79: {  	_ =	shalt  }
0x7a: {  	_ =	shalt  }
0x7b: {  	_ =	shalt  }
0x7c: {  	_ =	shalt  }
0x7d: {  	_ =	shalt  }
0x7e: {  	_ =	shalt  }
0x7f: {  	_ =	shalt  }
0x80: {  	_ =	shalt  }
0x81: {  	_ =	shalt  }
0x82: {  	_ =	shalt  }
0x83: {  	_ =	shalt  }
0x84: {  	_ =	shalt  }
0x85: {  	_ =	shalt  }
0x86: {  	_ =	shalt  }
0x87: {  	_ =	shalt  }
.Lfunc_end0:
.L_simem_size_0:
called_computation_lowered:
.L_overlay_start_0:
0x88: {  	s2 =	sld [smem:$0x3FD9]  }
0x89: {  	s3 =	sld [smem:$0x3FFE];
	_ =	sdelay $0x1  }
0x8a: {  	s1 =	srdreg.scid  }
0x8b: {  	s0 =	sand.u32 $0x1, s1  }
0x8c: {  	s17 =	sshll.u32 s0, $0xA;
	s2 =	sadd.s32 s3, s2  }
0x8d: {  	s2 =	sadd.s32 s2, s17  }
0x8e: {  	[smem:$0x3FBF] =	sst s2  }
0x8f: {  	_ = 	snop  }
0x90: {  	s2 =	sld [smem:$0x3FC9];
	(tm) =	ssettm $0x1  }
0x91: {  	s18 =	sld [smem:$0x3FFB];
	_ =	sdelay $0x3  }
0x92: {  	_ =	strace s18  }
0x93: {  	s3 =	sld [smem:$0x3FFC];
	_ =	sdelay $0x3  }
0x94: {  	_ =	strace s3  }
0x95: {  	s3 =	sld [smem:$0x3FFD];
	_ =	sdelay $0x3  }
0x96: {  	_ =	strace s3  }
0x97: {  	_ =	strace $0x8FFFFFFF  }
0x98: {  	s19 =	sld [smem:$0x3FDB];
	_ =	sdelay $0x1  }
0x99: {  	s4 =	simm.s32 $_scs_section_size  }
0x9a: {  	s5 =	simm.s32 $_size__tile_overlayer_lowered;
	s6 =	simm.s32 $_tile_overlayer_lowered  }
0x9b: {  	s22 =	simm.s32 $0x1BFF;
	s21 =	sshll.u32 s6, $0x1;
	s3 =	sadd.s32 s4, s19  }
0x9c: {  	s7 =	simm.s32 $0x0;
	s20 =	sshll.u32 s5, $0x1;
	s5 =	sadd.s32 s21, s3  }
0x9d: {  	[timem:s7], [sflag:s22] =	dma.local [hbm:s5], s20  }
0x9e: {  	_ =	swait.ge [sflag:s22], s20  }
0x9f: {  	s4 =	ssub.s32 $0x0, s20;
	[sflag:s22] =	ssyncset.done $0x0  }
0xa0: {  	[sflag:s22] =	ssyncadd.s32 s4;
	_ =	sdelay $0x1  }
0xa1: {  	s23 =	simm.s32 $0x1B8B  }
0xa2: {  	_ =	swait.ge [sflag:s23], $0x1  }
0xa3: {  	[sflag:s23] =	ssyncset.done $0x0  }
0xa4: {  	s25 =	simm.s32 $0x1B8E;
	s24 =	sld [smem:$0x3FFE];
	[sflag:s23] =	ssyncadd.s32 $0xFFFFFFFF  }
0xa5: {  	s26 =	simm.s32 $execute0_lowered;
	[smem:$0x3FD2] =	sst s25  }
0xa6: {  	s5 =	sshll.u32 s26, $0x1;
	_ =	strace $0x80000046;
	[dreg:$0x1] =	wrdreg $0xFFFFFFFF  }
0xa7: {  	s28 =	simm.s32 $_size_execute0_lowered;
	s3 =	sadd.s32 s3, s5;
	[dreg:$0x0] =	wrdreg $0x0  }
0xa8: {  	s5 =	sshll.u32 s28, $0x1;
	[dreg:$0x2] =	wrdreg s3  }
0xa9: {  	[dreg:$0x3] =	wrdreg s5  }
0xaa: {  	[dreg:$0x4] =	wrdreg $0xC0  }
0xab: {  	_ =	task [dreg:s7], $0x5FFFF  }
0xac: {  	[dreg:$0x1] =	wrdreg $0xFFFFFFFF  }
0xad: {  	[dreg:$0x0] =	wrdreg $0x60  }
0xae: {  	[dreg:$0x2] =	wrdreg s2  }
0xaf: {  	[dreg:$0x3] =	wrdreg s24  }
0xb0: {  	[dreg:$0x4] =	wrdreg $0x9  }
0xb1: {  	_ =	task.clear_ibuf [dreg:s7], $0x5FFFF;
	_ =	strace $0x90000046  }
0xb2: {  	s29 =	simm.s32 $0x9;
	_ =	strace $0x80000048  }
0xb3: {  	_ =	swait.ge [sflag:s29], $0x1  }
0xb4: {  	[sflag:s29] =	ssyncadd.s32 $0xFFFFFFFF  }
0xb5: {  	_ =	strace $0x90000048  }
0xb6: {  	_ =	sfence  }
0xb7: {  	s30 =	sld [smem:$0x0];
	_ =	sdelay $0x2  }
0xb8: {  	s31 =	sshll.u32 s1, $0xD;
	s1 =	sshrl.u32 s1, $0x2  }
0xb9: {  	s3 =	sand.u32 $0x4000, s31;
	s1 =	sadd.s32 s1, s30  }
0xba: {  	s0 =	sor.u32 s3, s0;
	s1 =	sshll.u32 s1, $0x11  }
0xbb: {  	s0 =	sor.u32 s1, s0  }
0xbc: {  	s0 =	sadd.s32 $0x8F2B, s0  }
0xbd: {  	[sflag:s0] =	ssyncadd.remote.s32 $0x1  }
0xbe: {  	_ =	sfence.sel $0xFFFF  }
0xbf: {  	[dreg:$0x0] =	wrdreg $0xFFFFFFFF;
	(pc) =	sbr.abs _section_cstart, $3  }
0xc0: {  	[dreg:$0x1] =	wrdreg $0xFFFFFFFF  }
0xc1: {  	_ =	task.clear_ibuf [dreg:s7], $0x2FFFF;
	_ =	strace $0x9FFFFFFF  }
0xc2: {  	(tm) =	ssettm $0x7FFFFFFF  }
0xc3: {  	_ =	shalt  }
tec
execute0_lowered:
.L_overlay_start_1:
0x0: {  	(tag) =	ssettag $0x1  }
0x1: {  	s4 =	rddreg [dreg:$0x0];
	s0 =	srdreg.scid  }
0x2: {  	s3 =	rddreg [dreg:$0x1];
	s1 =	stileid.u32;
	s2 =	simm.s32 $0x0  }
0x3: {  	s9 =	simm.s32 $0x1;
	s10 =	simm.s32 $0x4000;
	s11 =	simm.s32 $0x6000  }
0x4: {  	s12 =	simm.s32 $0x0;
	s5 =	sand.u32 $0x1, s0;
	s0 =	rddreg [dreg:$0x2]  }
0x5: {  	s6 =	sshll.u32 s1, $0xB;
	s7 =	sshll.u32 s5, $0xA;
	s5 =	ssub.s32 $0x2, s5  }
0x6: {  	[smem:$0x7FF] =	sst s2;
	s6 =	sor.u32 s7, s6;
	s31 =	sshrl.u32 s5, $0x1  }
0x7: {  	_ =	strace $0x80000047;
	s7 =	sadd.s32 s6, s3;
	s8 =	ssub.s32 s5, s31  }
0x8: {  	v0 =	vimm.s32 $0x58;
	v1 =	vimm.s32 $0x0;
	v2 =	vimm.s32 $0x20000000;
	s4 =	sadd.s32 s4, s6;
	s3 =	sadd.s32 $0x1800, s7;
	s5 =	sadd.s32 $0x41800, s7  }
0x9: {  	v3 =	vimm.s32 $0x10000000;
	v4 =	vimm.s32 $0xFFFFFFFF;
	v5 =	vimm.f32 $0.0e+00;
	s6 =	sadd.s32 $0x49800, s7;
	s7 =	smax.u32 s8, $0x1;
	s8 =	simm.s32 $0x2000  }
.LBB2_1:
0xa: {  	[tilespmem:s8], [sflag:$0x1] =	stream.linear.gather [hbm4b:s3+s2], $0x2000, $0x38;
	[tilespmem:$0x8000] =	vst v63  }
0xb: {  	_ =	swait.ge [sflag:s9], $0x2000  }
0xc: {  	[sflag:s9] =	ssyncset.done $0x0  }
0xd: {  	[sflag:s9] =	ssyncadd.s32 $0xFFFFE000  }
0xe: {  	[tilespmem:s2], [sflag:$0x1] =	stream.linear.gather [hbm4b:s4+s2], $0x2000, $0x38;
	[tilespmem:$0x8000] =	vst v63  }
0xf: {  	_ =	swait.ge [sflag:s9], $0x2000  }
0x10: {  	[sflag:s9] =	ssyncset.done $0x0  }
0x11: {  	s13 =	simm.s32 $0x0;
	[sflag:s9] =	ssyncadd.s32 $0xFFFFE000  }
0x12: {  	v21 =	vld [tilespmem:s13+$0x2000]  }
0x13: {  	v20 =	vld [tilespmem:s13+$0x2010]  }
0x14: {  	v18 =	vld [tilespmem:s13+$0x2020]  }
0x15: {  	v17 =	vld [tilespmem:s13+$0x2030]  }
0x16: {  	v15 =	vld [tilespmem:s13+$0x2040]  }
0x17: {  	v14 =	vld [tilespmem:s13+$0x2050]  }
0x18: {  	v19 =	vld [tilespmem:s13+$0x2060];
	vm0 =	vgt.s32 v21, $0x1FFFFFFF;
	vm1 =	vgt.s32 v20, $0x1FFFFFFF  }
0x19: {  	v16 =	vld [tilespmem:s13+$0x2070];
	vm2 =	vgt.s32 v18, $0x1FFFFFFF;
	v6 =	vmpcnt.ones.xlane vm0;
	v7 =	vmpcnt.ones.xlane vm1  }
0x1a: {  	vm0 =	vgt.s32 v17, $0x1FFFFFFF;
	v8 =	vmpcnt.ones.xlane vm2  }
0x1b: {  	vm1 =	vgt.s32 v15, $0x1FFFFFFF;
	v9 =	vmpcnt.ones.xlane vm0;
	v6 =	vadd.s32 v6, v7  }
0x1c: {  	vm0 =	vgt.s32 v14, $0x1FFFFFFF;
	v7 =	vmpcnt.ones.xlane vm1;
	v6 =	vadd.s32 v8, v6  }
0x1d: {  	vm1 =	vgt.s32 v19, $0x1FFFFFFF;
	v8 =	vmpcnt.ones.xlane vm0;
	v6 =	vadd.s32 v9, v6  }
0x1e: {  	vm0 =	vgt.s32 v16, $0x1FFFFFFF;
	v6 =	vadd.s32 v7, v6;
	v7 =	vmpcnt.ones.xlane vm1  }
0x1f: {  	v6 =	vadd.s32 v8, v6;
	v8 =	vmpcnt.ones.xlane vm0  }
0x20: {  	v6 =	vadd.s32 v7, v6  }
0x21: {  	v6 =	vadd.s32 v8, v6  }
0x22: {  	vm0 =	vgt.s32 v6, v0  }
0x23: {  	v6 =	vsel vm0, $0x30000000, v3  }
0x24: {  	vm1 =	vge.s32 v21, v6;
	vm2 =	vge.s32 v20, v6  }
0x25: {  	vm3 =	vge.s32 v18, v6;
	v7 =	vmpcnt.ones.xlane vm1;
	v8 =	vmpcnt.ones.xlane vm2  }
0x26: {  	vm1 =	vge.s32 v17, v6;
	v9 =	vmpcnt.ones.xlane vm3  }
0x27: {  	vm2 =	vge.s32 v15, v6;
	v10 =	vmpcnt.ones.xlane vm1;
	v7 =	vadd.s32 v7, v8  }
0x28: {  	vm1 =	vge.s32 v14, v6;
	v8 =	vmpcnt.ones.xlane vm2;
	v7 =	vadd.s32 v9, v7  }
0x29: {  	vm2 =	vge.s32 v19, v6;
	v9 =	vmpcnt.ones.xlane vm1;
	v7 =	vadd.s32 v10, v7  }
0x2a: {  	vm1 =	vge.s32 v16, v6;
	v7 =	vadd.s32 v8, v7;
	v8 =	vmpcnt.ones.xlane vm2  }
0x2b: {  	v7 =	vadd.s32 v9, v7;
	v9 =	vmpcnt.ones.xlane vm1  }
0x2c: {  	v7 =	vadd.s32 v8, v7  }
0x2d: {  	v7 =	vadd.s32 v9, v7  }
0x2e: {  	vm1 =	vgt.s32 v7, v0;
	v7 =	vsel vm0, $0x40000000, v2  }
0x2f: {  	v8 =	vsel vm0, $0x20000000, v1;
	v7 =	vsel vm1, v7, v6  }
0x30: {  	v6 =	vsel vm1, v6, v8;
	v8 =	vadd.s32 v4, v7  }
0x31: {  	v9 =	vxor.u32 v8, v6  }
0x32: {  	v8 =	vor.u32 v8, v6;
	v9 =	vshrl.u32 v9, $0x1  }
0x33: {  	v8 =	vsub.s32 v8, v9  }
0x34: {  	vm0 =	vge.s32 v21, v8;
	vm1 =	vge.s32 v20, v8  }
0x35: {  	vm2 =	vge.s32 v18, v8;
	v9 =	vmpcnt.ones.xlane vm0;
	v10 =	vmpcnt.ones.xlane vm1  }
0x36: {  	vm0 =	vge.s32 v17, v8;
	v11 =	vmpcnt.ones.xlane vm2  }
0x37: {  	vm1 =	vge.s32 v15, v8;
	v9 =	vadd.s32 v9, v10;
	v10 =	vmpcnt.ones.xlane vm0  }
0x38: {  	vm0 =	vge.s32 v14, v8;
	v9 =	vadd.s32 v11, v9;
	v11 =	vmpcnt.ones.xlane vm1  }
0x39: {  	vm1 =	vge.s32 v19, v8;
	v12 =	vmpcnt.ones.xlane vm0;
	v9 =	vadd.s32 v10, v9  }
0x3a: {  	vm0 =	vge.s32 v16, v8;
	v10 =	vmpcnt.ones.xlane vm1;
	v9 =	vadd.s32 v11, v9  }
0x3b: {  	v11 =	vmpcnt.ones.xlane vm0;
	v9 =	vadd.s32 v12, v9  }
0x3c: {  	v9 =	vadd.s32 v10, v9  }
0x3d: {  	v9 =	vadd.s32 v11, v9  }
0x3e: {  	vm0 =	vgt.s32 v9, v0  }
0x3f: {  	v7 =	vsel vm0, v7, v8  }
0x40: {  	v6 =	vsel vm0, v8, v6;
	v8 =	vadd.s32 v4, v7  }
0x41: {  	v9 =	vxor.u32 v8, v6  }
0x42: {  	v8 =	vor.u32 v8, v6;
	v9 =	vshrl.u32 v9, $0x1  }
0x43: {  	v8 =	vsub.s32 v8, v9  }
0x44: {  	vm0 =	vge.s32 v21, v8;
	vm1 =	vge.s32 v20, v8  }
0x45: {  	vm2 =	vge.s32 v18, v8;
	v9 =	vmpcnt.ones.xlane vm0;
	v10 =	vmpcnt.ones.xlane vm1  }
0x46: {  	vm0 =	vge.s32 v17, v8;
	v11 =	vmpcnt.ones.xlane vm2  }
0x47: {  	vm1 =	vge.s32 v15, v8;
	v9 =	vadd.s32 v9, v10;
	v10 =	vmpcnt.ones.xlane vm0  }
0x48: {  	v12 =	vmpcnt.ones.xlane vm1;
	vm0 =	vge.s32 v14, v8;
	v9 =	vadd.s32 v11, v9  }
0x49: {  	vm1 =	vge.s32 v19, v8;
	v11 =	vmpcnt.ones.xlane vm0;
	v9 =	vadd.s32 v10, v9  }
0x4a: {  	vm0 =	vge.s32 v16, v8;
	v10 =	vmpcnt.ones.xlane vm1;
	v9 =	vadd.s32 v12, v9  }
0x4b: {  	v9 =	vadd.s32 v11, v9;
	v11 =	vmpcnt.ones.xlane vm0  }
0x4c: {  	v9 =	vadd.s32 v10, v9  }
0x4d: {  	v9 =	vadd.s32 v11, v9  }
0x4e: {  	vm0 =	vgt.s32 v9, v0  }
0x4f: {  	v6 =	vsel vm0, v8, v6;
	v7 =	vsel vm0, v7, v8  }
0x50: {  	v8 =	vxor.u32 v7, v6  }
0x51: {  	v9 =	vand.u32 v7, v6;
	v8 =	vshrl.u32 v8, $0x1  }
0x52: {  	v8 =	vadd.s32 v8, v9  }
0x53: {  	vm0 =	vge.s32 v21, v8;
	vm1 =	vge.s32 v20, v8  }
0x54: {  	vm2 =	vge.s32 v18, v8;
	v9 =	vmpcnt.ones.xlane vm0;
	v10 =	vmpcnt.ones.xlane vm1  }
0x55: {  	vm0 =	vge.s32 v17, v8;
	v11 =	vmpcnt.ones.xlane vm2  }
0x56: {  	vm1 =	vge.s32 v15, v8;
	v12 =	vmpcnt.ones.xlane vm0;
	v9 =	vadd.s32 v9, v10  }
0x57: {  	vm0 =	vge.s32 v14, v8;
	v10 =	vmpcnt.ones.xlane vm1;
	v9 =	vadd.s32 v11, v9  }
0x58: {  	vm1 =	vge.s32 v19, v8;
	v11 =	vmpcnt.ones.xlane vm0;
	v9 =	vadd.s32 v12, v9  }
0x59: {  	vm0 =	vge.s32 v16, v8;
	v9 =	vadd.s32 v10, v9;
	v10 =	vmpcnt.ones.xlane vm1  }
0x5a: {  	v12 =	vmpcnt.ones.xlane vm0;
	v9 =	vadd.s32 v11, v9  }
0x5b: {  	v9 =	vadd.s32 v10, v9  }
0x5c: {  	v9 =	vadd.s32 v12, v9  }
0x5d: {  	vm0 =	vgt.s32 v9, v0  }
0x5e: {  	v6 =	vsel vm0, v8, v6;
	v7 =	vsel vm0, v7, v8  }
0x5f: {  	v8 =	vadd.s32 v7, v6  }
0x60: {  	v8 =	vshrl.u32 v8, $0x1  }
0x61: {  	vm0 =	vge.s32 v21, v8;
	vm1 =	vge.s32 v20, v8  }
0x62: {  	vm2 =	vge.s32 v18, v8;
	v9 =	vmpcnt.ones.xlane vm0;
	v10 =	vmpcnt.ones.xlane vm1  }
0x63: {  	vm0 =	vge.s32 v17, v8;
	v11 =	vmpcnt.ones.xlane vm2  }
0x64: {  	vm1 =	vge.s32 v15, v8;
	v9 =	vadd.s32 v9, v10;
	v10 =	vmpcnt.ones.xlane vm0  }
0x65: {  	vm0 =	vge.s32 v14, v8;
	v9 =	vadd.s32 v11, v9;
	v11 =	vmpcnt.ones.xlane vm1  }
0x66: {  	vm1 =	vge.s32 v19, v8;
	v12 =	vmpcnt.ones.xlane vm0;
	v9 =	vadd.s32 v10, v9  }
0x67: {  	vm0 =	vge.s32 v16, v8;
	v10 =	vmpcnt.ones.xlane vm1;
	v9 =	vadd.s32 v11, v9  }
0x68: {  	v11 =	vmpcnt.ones.xlane vm0;
	v9 =	vadd.s32 v12, v9  }
0x69: {  	v9 =	vadd.s32 v10, v9  }
0x6a: {  	v9 =	vadd.s32 v11, v9  }
0x6b: {  	vm0 =	vgt.s32 v9, v0  }
0x6c: {  	v6 =	vsel vm0, v8, v6;
	v7 =	vsel vm0, v7, v8  }
0x6d: {  	v8 =	vadd.s32 v7, v6  }
0x6e: {  	v8 =	vshrl.u32 v8, $0x1  }
0x6f: {  	vm0 =	vge.s32 v21, v8;
	vm1 =	vge.s32 v20, v8  }
0x70: {  	vm2 =	vge.s32 v18, v8;
	v9 =	vmpcnt.ones.xlane vm0;
	v10 =	vmpcnt.ones.xlane vm1  }
0x71: {  	vm0 =	vge.s32 v17, v8;
	v11 =	vmpcnt.ones.xlane vm2  }
0x72: {  	vm1 =	vge.s32 v15, v8;
	v12 =	vmpcnt.ones.xlane vm0;
	v9 =	vadd.s32 v9, v10  }
0x73: {  	vm0 =	vge.s32 v14, v8;
	v10 =	vmpcnt.ones.xlane vm1;
	v9 =	vadd.s32 v11, v9  }
0x74: {  	vm1 =	vge.s32 v19, v8;
	v11 =	vmpcnt.ones.xlane vm0;
	v9 =	vadd.s32 v12, v9  }
0x75: {  	vm0 =	vge.s32 v16, v8;
	v12 =	vmpcnt.ones.xlane vm1;
	v9 =	vadd.s32 v10, v9  }
0x76: {  	v10 =	vmpcnt.ones.xlane vm0;
	v9 =	vadd.s32 v11, v9  }
0x77: {  	v9 =	vadd.s32 v12, v9  }
0x78: {  	v9 =	vadd.s32 v10, v9  }
0x79: {  	vm0 =	vgt.s32 v9, v0  }
0x7a: {  	v6 =	vsel vm0, v8, v6;
	v7 =	vsel vm0, v7, v8  }
0x7b: {  	v8 =	vadd.s32 v7, v6  }
0x7c: {  	v8 =	vshrl.u32 v8, $0x1  }
0x7d: {  	vm0 =	vge.s32 v21, v8;
	vm1 =	vge.s32 v20, v8  }
0x7e: {  	vm2 =	vge.s32 v18, v8;
	v9 =	vmpcnt.ones.xlane vm0;
	v10 =	vmpcnt.ones.xlane vm1  }
0x7f: {  	vm0 =	vge.s32 v17, v8;
	v11 =	vmpcnt.ones.xlane vm2  }
0x80: {  	vm1 =	vge.s32 v15, v8;
	v12 =	vmpcnt.ones.xlane vm0;
	v9 =	vadd.s32 v9, v10  }
0x81: {  	vm0 =	vge.s32 v14, v8;
	v10 =	vmpcnt.ones.xlane vm1;
	v9 =	vadd.s32 v11, v9  }
0x82: {  	vm1 =	vge.s32 v19, v8;
	v11 =	vmpcnt.ones.xlane vm0;
	v9 =	vadd.s32 v12, v9  }
0x83: {  	vm0 =	vge.s32 v16, v8;
	v9 =	vadd.s32 v10, v9;
	v10 =	vmpcnt.ones.xlane vm1  }
0x84: {  	v9 =	vadd.s32 v11, v9;
	v11 =	vmpcnt.ones.xlane vm0  }
0x85: {  	v9 =	vadd.s32 v10, v9  }
0x86: {  	v9 =	vadd.s32 v11, v9  }
0x87: {  	vm0 =	vgt.s32 v9, v0  }
0x88: {  	v6 =	vsel vm0, v8, v6;
	v7 =	vsel vm0, v7, v8  }
0x89: {  	v8 =	vadd.s32 v7, v6  }
0x8a: {  	v8 =	vshrl.u32 v8, $0x1  }
0x8b: {  	vm0 =	vge.s32 v21, v8;
	vm1 =	vge.s32 v20, v8  }
0x8c: {  	vm2 =	vge.s32 v18, v8;
	v9 =	vmpcnt.ones.xlane vm0;
	v10 =	vmpcnt.ones.xlane vm1  }
0x8d: {  	vm0 =	vge.s32 v17, v8;
	v11 =	vmpcnt.ones.xlane vm2  }
0x8e: {  	vm1 =	vge.s32 v15, v8;
	v9 =	vadd.s32 v9, v10;
	v10 =	vmpcnt.ones.xlane vm0  }
0x8f: {  	vm0 =	vge.s32 v14, v8;
	v9 =	vadd.s32 v11, v9;
	v11 =	vmpcnt.ones.xlane vm1  }
0x90: {  	vm1 =	vge.s32 v19, v8;
	v9 =	vadd.s32 v10, v9;
	v10 =	vmpcnt.ones.xlane vm0  }
0x91: {  	vm0 =	vge.s32 v16, v8;
	v9 =	vadd.s32 v11, v9;
	v11 =	vmpcnt.ones.xlane vm1  }
0x92: {  	v9 =	vadd.s32 v10, v9;
	v10 =	vmpcnt.ones.xlane vm0  }
0x93: {  	v9 =	vadd.s32 v11, v9  }
0x94: {  	v9 =	vadd.s32 v10, v9  }
0x95: {  	vm0 =	vgt.s32 v9, v0  }
0x96: {  	v6 =	vsel vm0, v8, v6;
	v7 =	vsel vm0, v7, v8  }
0x97: {  	v8 =	vadd.s32 v7, v6  }
0x98: {  	v8 =	vshrl.u32 v8, $0x1  }
0x99: {  	vm0 =	vge.s32 v21, v8;
	vm1 =	vge.s32 v20, v8  }
0x9a: {  	v9 =	vmpcnt.ones.xlane vm0;
	v10 =	vmpcnt.ones.xlane vm1;
	vm0 =	vge.s32 v18, v8  }
0x9b: {  	v11 =	vmpcnt.ones.xlane vm0;
	vm0 =	vge.s32 v17, v8  }
0x9c: {  	v9 =	vadd.s32 v9, v10;
	v10 =	vmpcnt.ones.xlane vm0;
	vm0 =	vge.s32 v15, v8  }
0x9d: {  	v9 =	vadd.s32 v11, v9;
	v11 =	vmpcnt.ones.xlane vm0;
	vm0 =	vge.s32 v14, v8  }
0x9e: {  	v9 =	vadd.s32 v10, v9;
	v10 =	vmpcnt.ones.xlane vm0;
	vm0 =	vge.s32 v19, v8  }
0x9f: {  	v9 =	vadd.s32 v11, v9;
	v11 =	vmpcnt.ones.xlane vm0;
	vm0 =	vge.s32 v16, v8  }
0xa0: {  	v9 =	vadd.s32 v10, v9;
	v10 =	vmpcnt.ones.xlane vm0  }
0xa1: {  	v9 =	vadd.s32 v11, v9  }
0xa2: {  	v9 =	vadd.s32 v10, v9  }
0xa3: {  	vm0 =	vgt.s32 v9, v0  }
0xa4: {  	v6 =	vsel vm0, v8, v6;
	v7 =	vsel vm0, v7, v8  }
0xa5: {  	v8 =	vadd.s32 v7, v6  }
0xa6: {  	v10 =	vshrl.u32 v8, $0x1  }
0xa7: {  	vm0 =	vge.s32 v21, v10;
	vm1 =	vge.s32 v20, v10  }
0xa8: {  	v8 =	vmpcnt.ones.xlane vm0;
	v9 =	vmpcnt.ones.xlane vm1;
	vm0 =	vge.s32 v18, v10  }
0xa9: {  	v11 =	vmpcnt.ones.xlane vm0;
	vm0 =	vge.s32 v17, v10  }
0xaa: {  	v8 =	vadd.s32 v8, v9;
	v9 =	vmpcnt.ones.xlane vm0;
	vm0 =	vge.s32 v15, v10  }
0xab: {  	v8 =	vadd.s32 v11, v8;
	v11 =	vmpcnt.ones.xlane vm0;
	vm0 =	vge.s32 v14, v10  }
0xac: {  	v8 =	vadd.s32 v9, v8;
	v9 =	vmpcnt.ones.xlane vm0;
	vm0 =	vge.s32 v19, v10  }
0xad: {  	v8 =	vadd.s32 v11, v8;
	v11 =	vmpcnt.ones.xlane vm0;
	vm0 =	vge.s32 v16, v10  }
0xae: {  	v8 =	vadd.s32 v9, v8;
	v9 =	vmpcnt.ones.xlane vm0  }
0xaf: {  	s14 =	simm.s32 $0x80;
	v11 =	vadd.s32 v11, v8  }
0xb0: {  	v12 =	vld [tilespmem:s14+$0x2020];
	v9 =	vadd.s32 v9, v11  }
0xb1: {  	vm0 =	vgt.s32 v9, v0  }
0xb2: {  	v22 =	vsel vm0, v10, v6;
	v23 =	vsel vm0, v7, v10  }
0xb3: {  	v6 =	vadd.s32 v23, v22  }
0xb4: {  	v24 =	vshrl.u32 v6, $0x1  }
0xb5: {  	vm6 =	vgt.s32 v12, $0x1FFFFFFF;
	v8 =	vld [tilespmem:s14+$0x2070];
	vm1 =	vge.s32 v21, v24;
	vm2 =	vge.s32 v20, v24  }
0xb6: {  	v9 =	vld [tilespmem:s14+$0x2060];
	v11 =	vmpcnt.ones.xlane vm1;
	v13 =	vmpcnt.ones.xlane vm2;
	vm2 =	vge.s32 v18, v24  }
0xb7: {  	v29 =	vmpcnt.ones.xlane vm6;
	v7 =	vld [tilespmem:s14+$0x2040];
	v25 =	vmpcnt.ones.xlane vm2;
	vm2 =	vge.s32 v17, v24  }
0xb8: {  	v10 =	vld [tilespmem:s14+$0x2030];
	v13 =	vadd.s32 v11, v13;
	v26 =	vmpcnt.ones.xlane vm2;
	vm2 =	vge.s32 v15, v24  }
0xb9: {  	v6 =	vld [tilespmem:s14+$0x2050];
	v25 =	vadd.s32 v25, v13;
	v27 =	vmpcnt.ones.xlane vm2;
	vm2 =	vge.s32 v14, v24  }
0xba: {  	v11 =	vld [tilespmem:s14+$0x2000];
	v25 =	vadd.s32 v26, v25;
	v26 =	vmpcnt.ones.xlane vm2;
	vm2 =	vge.s32 v19, v24  }
0xbb: {  	v13 =	vld [tilespmem:s14+$0x2010];
	v25 =	vadd.s32 v27, v25;
	v27 =	vmpcnt.ones.xlane vm2;
	vm2 =	vge.s32 v16, v24  }
0xbc: {  	vm0 =	vgt.s32 v8, $0x1FFFFFFF;
	v25 =	vadd.s32 v26, v25;
	v26 =	vmpcnt.ones.xlane vm2  }
0xbd: {  	vm1 =	vgt.s32 v9, $0x1FFFFFFF;
	vm4 =	vgt.s32 v7, $0x1FFFFFFF;
	v25 =	vadd.s32 v27, v25  }
0xbe: {  	vm3 =	vgt.s32 v6, $0x1FFFFFFF;
	vm2 =	vgt.s32 v10, $0x1FFFFFFF;
	v25 =	vadd.s32 v26, v25  }
0xbf: {  	vm5 =	vgt.s32 v11, $0x1FFFFFFF;
	v26 =	vmpcnt.ones.xlane vm3;
	vm3 =	vgt.s32 v25, v0  }
0xc0: {  	vm7 =	vgt.s32 v13, $0x1FFFFFFF;
	v22 =	vsel vm3, v24, v22;
	v23 =	vsel vm3, v23, v24  }
0xc1: {  	v27 =	vmpcnt.ones.xlane vm7;
	v24 =	vmpcnt.ones.xlane vm5;
	v28 =	vadd.s32 v23, v22  }
0xc2: {  	v30 =	vmpcnt.ones.xlane vm2;
	v25 =	vmpcnt.ones.xlane vm4;
	v28 =	vshrl.u32 v28, $0x1  }
0xc3: {  	v24 =	vadd.s32 v24, v27;
	vm2 =	vge.s32 v21, v28;
	vm3 =	vge.s32 v20, v28  }
0xc4: {  	v27 =	vmpcnt.ones.xlane vm2;
	v31 =	vmpcnt.ones.xlane vm3;
	vm2 =	vge.s32 v18, v28  }
0xc5: {  	v24 =	vadd.s32 v29, v24;
	v29 =	vmpcnt.ones.xlane vm2;
	vm2 =	vge.s32 v17, v28  }
0xc6: {  	v27 =	vadd.s32 v27, v31;
	v31 =	vmpcnt.ones.xlane vm2;
	vm2 =	vge.s32 v15, v28  }
0xc7: {  	v27 =	vadd.s32 v29, v27;
	v29 =	vmpcnt.ones.xlane vm2;
	vm2 =	vge.s32 v14, v28  }
0xc8: {  	v27 =	vadd.s32 v31, v27;
	v31 =	vmpcnt.ones.xlane vm2;
	vm2 =	vge.s32 v19, v28  }
0xc9: {  	v27 =	vadd.s32 v29, v27;
	v29 =	vmpcnt.ones.xlane vm2;
	vm2 =	vge.s32 v16, v28  }
0xca: {  	v24 =	vadd.s32 v30, v24;
	v27 =	vadd.s32 v31, v27;
	v30 =	vmpcnt.ones.xlane vm2  }
0xcb: {  	v24 =	vadd.s32 v25, v24;
	v25 =	vmpcnt.ones.xlane vm1;
	v27 =	vadd.s32 v29, v27  }
0xcc: {  	v24 =	vadd.s32 v26, v24;
	v26 =	vmpcnt.ones.xlane vm0;
	v27 =	vadd.s32 v30, v27  }
0xcd: {  	v24 =	vadd.s32 v25, v24;
	vm0 =	vgt.s32 v27, v0  }
0xce: {  	v24 =	vadd.s32 v26, v24;
	v22 =	vsel vm0, v28, v22;
	v23 =	vsel vm0, v23, v28  }
0xcf: {  	vm0 =	vgt.s32 v24, v0;
	v24 =	vadd.s32 v23, v22  }
0xd0: {  	v25 =	vsel vm0, $0x30000000, v3;
	v24 =	vshrl.u32 v24, $0x1  }
0xd1: {  	vm1 =	vge.s32 v8, v25;
	vm2 =	vge.s32 v21, v24;
	vm3 =	vge.s32 v20, v24  }
0xd2: {  	v26 =	vmpcnt.ones.xlane vm2;
	v27 =	vmpcnt.ones.xlane vm3;
	vm3 =	vge.s32 v18, v24  }
0xd3: {  	vm13 =	vge.s32 v6, v25;
	v28 =	vmpcnt.ones.xlane vm3;
	vm3 =	vge.s32 v17, v24  }
0xd4: {  	v26 =	vadd.s32 v26, v27;
	v27 =	vmpcnt.ones.xlane vm3;
	vm3 =	vge.s32 v15, v24  }
0xd5: {  	v26 =	vadd.s32 v28, v26;
	v28 =	vmpcnt.ones.xlane vm3;
	vm3 =	vge.s32 v14, v24  }
0xd6: {  	v26 =	vadd.s32 v27, v26;
	v27 =	vmpcnt.ones.xlane vm3;
	vm3 =	vge.s32 v19, v24  }
0xd7: {  	v26 =	vadd.s32 v28, v26;
	v28 =	vmpcnt.ones.xlane vm3;
	vm3 =	vge.s32 v16, v24  }
0xd8: {  	vm14 =	vge.s32 v7, v25;
	v26 =	vadd.s32 v27, v26;
	v27 =	vmpcnt.ones.xlane vm3  }
0xd9: {  	vm15 =	vge.s32 v11, v25;
	vm12 =	vge.s32 v12, v25;
	v26 =	vadd.s32 v28, v26  }
0xda: {  	vm8 =	vge.s32 v13, v25;
	v30 =	vmpcnt.ones.xlane vm12;
	v26 =	vadd.s32 v27, v26  }
0xdb: {  	vm2 =	vge.s32 v9, v25;
	v27 =	vmpcnt.ones.xlane vm13;
	vm13 =	vgt.s32 v26, v0  }
0xdc: {  	vm3 =	vge.s32 v10, v25;
	v22 =	vsel vm13, v24, v22;
	v23 =	vsel vm13, v23, v24  }
0xdd: {  	v28 =	vmpcnt.ones.xlane vm8;
	v24 =	vmpcnt.ones.xlane vm15;
	v29 =	vadd.s32 v23, v22  }
0xde: {  	v31 =	vmpcnt.ones.xlane vm3;
	v26 =	vmpcnt.ones.xlane vm14;
	v29 =	vshrl.u32 v29, $0x1  }
0xdf: {  	v24 =	vadd.s32 v24, v28;
	vm3 =	vge.s32 v21, v29;
	vm14 =	vge.s32 v20, v29  }
0xe0: {  	v28 =	vmpcnt.ones.xlane vm3;
	v32 =	vmpcnt.ones.xlane vm14;
	vm3 =	vge.s32 v18, v29  }
0xe1: {  	v24 =	vadd.s32 v30, v24;
	v30 =	vmpcnt.ones.xlane vm3;
	vm3 =	vge.s32 v17, v29  }
0xe2: {  	v28 =	vadd.s32 v28, v32;
	v46 =	vmpcnt.ones.xlane vm3;
	vm3 =	vge.s32 v15, v29  }
0xe3: {  	v28 =	vadd.s32 v30, v28;
	v30 =	vmpcnt.ones.xlane vm3;
	vm3 =	vge.s32 v14, v29  }
0xe4: {  	v28 =	vadd.s32 v46, v28;
	v47 =	vmpcnt.ones.xlane vm3;
	vm3 =	vge.s32 v19, v29  }
0xe5: {  	v28 =	vadd.s32 v30, v28;
	v30 =	vmpcnt.ones.xlane vm3;
	vm3 =	vge.s32 v16, v29  }
0xe6: {  	v24 =	vadd.s32 v31, v24;
	v28 =	vadd.s32 v47, v28;
	v31 =	vmpcnt.ones.xlane vm3  }
0xe7: {  	v24 =	vadd.s32 v26, v24;
	v26 =	vmpcnt.ones.xlane vm2;
	v28 =	vadd.s32 v30, v28  }
0xe8: {  	v24 =	vadd.s32 v27, v24;
	v27 =	vmpcnt.ones.xlane vm1;
	v28 =	vadd.s32 v31, v28  }
0xe9: {  	v24 =	vadd.s32 v26, v24;
	vm1 =	vgt.s32 v28, v0  }
0xea: {  	v24 =	vadd.s32 v27, v24;
	v22 =	vsel vm1, v29, v22;
	v23 =	vsel vm1, v23, v29  }
0xeb: {  	v26 =	vsel vm0, $0x20000000, v1;
	vm1 =	vgt.s32 v24, v0;
	v24 =	vadd.s32 v23, v22  }
0xec: {  	v27 =	vsel vm0, $0x40000000, v2;
	v26 =	vsel vm1, v25, v26;
	v24 =	vshrl.u32 v24, $0x1  }
0xed: {  	v25 =	vsel vm1, v27, v25;
	vm0 =	vge.s32 v21, v24;
	vm1 =	vge.s32 v20, v24  }
0xee: {  	v27 =	vmpcnt.ones.xlane vm0;
	v28 =	vmpcnt.ones.xlane vm1;
	vm0 =	vge.s32 v18, v24  }
0xef: {  	v29 =	vadd.s32 v4, v25;
	v30 =	vmpcnt.ones.xlane vm0;
	vm0 =	vge.s32 v17, v24  }
0xf0: {  	v27 =	vadd.s32 v27, v28;
	v28 =	vmpcnt.ones.xlane vm0;
	vm0 =	vge.s32 v15, v24  }
0xf1: {  	v27 =	vadd.s32 v30, v27;
	v30 =	vmpcnt.ones.xlane vm0;
	vm0 =	vge.s32 v14, v24  }
0xf2: {  	v27 =	vadd.s32 v28, v27;
	v28 =	vmpcnt.ones.xlane vm0;
	vm0 =	vge.s32 v19, v24  }
0xf3: {  	v27 =	vadd.s32 v30, v27;
	v30 =	vmpcnt.ones.xlane vm0;
	vm0 =	vge.s32 v16, v24  }
0xf4: {  	v31 =	vxor.u32 v29, v26;
	v27 =	vadd.s32 v28, v27;
	v28 =	vmpcnt.ones.xlane vm0  }
0xf5: {  	v29 =	vor.u32 v29, v26;
	v31 =	vshrl.u32 v31, $0x1;
	v27 =	vadd.s32 v30, v27  }
0xf6: {  	v29 =	vsub.s32 v29, v31;
	v27 =	vadd.s32 v28, v27  }
0xf7: {  	vm1 =	vge.s32 v9, v29;
	vm3 =	vge.s32 v6, v29;
	vm2 =	vgt.s32 v27, v0  }
0xf8: {  	vm4 =	vge.s32 v10, v29;
	v22 =	vsel vm2, v24, v22;
	v23 =	vsel vm2, v23, v24  }
0xf9: {  	vm15 =	vge.s32 v11, v29;
	vm7 =	vge.s32 v13, v29;
	v24 =	vadd.s32 v23, v22  }
0xfa: {  	vm6 =	vge.s32 v12, v29;
	v48 =	vmpcnt.ones.xlane vm7;
	v24 =	vshrl.u32 v24, $0x1  }
0xfb: {  	v33 =	vmpcnt.ones.xlane vm6;
	vm12 =	vge.s32 v21, v24;
	vm9 =	vge.s32 v20, v24  }
0xfc: {  	vm13 =	vge.s32 v18, v24;
	v27 =	vmpcnt.ones.xlane vm12;
	v28 =	vmpcnt.ones.xlane vm9  }
0xfd: {  	v30 =	vmpcnt.ones.xlane vm15;
	vm14 =	vge.s32 v17, v24;
	v31 =	vmpcnt.ones.xlane vm13  }
0xfe: {  	vm15 =	vge.s32 v15, v24;
	v27 =	vadd.s32 v27, v28;
	v28 =	vmpcnt.ones.xlane vm14  }
0xff: {  	vm8 =	vge.s32 v14, v24;
	v27 =	vadd.s32 v31, v27;
	v31 =	vmpcnt.ones.xlane vm15  }
0x100: {  	vm9 =	vge.s32 v19, v24;
	v27 =	vadd.s32 v28, v27;
	v28 =	vmpcnt.ones.xlane vm8  }
0x101: {  	vm10 =	vge.s32 v16, v24;
	v27 =	vadd.s32 v31, v27;
	v31 =	vmpcnt.ones.xlane vm9  }
0x102: {  	v34 =	vmpcnt.ones.xlane vm3;
	v27 =	vadd.s32 v28, v27;
	v28 =	vmpcnt.ones.xlane vm10  }
0x103: {  	vm0 =	vge.s32 v8, v29;
	v30 =	vadd.s32 v30, v48;
	v27 =	vadd.s32 v31, v27  }
0x104: {  	vm2 =	vge.s32 v7, v29;
	v31 =	vmpcnt.ones.xlane vm4;
	v27 =	vadd.s32 v28, v27  }
0x105: {  	v28 =	vadd.s32 v33, v30;
	v30 =	vmpcnt.ones.xlane vm2;
	vm2 =	vgt.s32 v27, v0  }
0x106: {  	v27 =	vadd.s32 v31, v28;
	v22 =	vsel vm2, v24, v22;
	v23 =	vsel vm2, v23, v24  }
0x107: {  	v24 =	vadd.s32 v30, v27;
	v27 =	vmpcnt.ones.xlane vm1;
	v28 =	vadd.s32 v23, v22  }
0x108: {  	v30 =	vmpcnt.ones.xlane vm0;
	v24 =	vadd.s32 v34, v24;
	v28 =	vshrl.u32 v28, $0x1  }
0x109: {  	v24 =	vadd.s32 v27, v24;
	vm0 =	vge.s32 v21, v28;
	vm1 =	vge.s32 v20, v28  }
0x10a: {  	v27 =	vmpcnt.ones.xlane vm0;
	v31 =	vmpcnt.ones.xlane vm1;
	vm0 =	vge.s32 v18, v28  }
0x10b: {  	v24 =	vadd.s32 v30, v24;
	v30 =	vmpcnt.ones.xlane vm0;
	vm0 =	vge.s32 v17, v28  }
0x10c: {  	v27 =	vadd.s32 v27, v31;
	v31 =	vmpcnt.ones.xlane vm0;
	vm0 =	vge.s32 v15, v28  }
0x10d: {  	v27 =	vadd.s32 v30, v27;
	v30 =	vmpcnt.ones.xlane vm0;
	vm0 =	vge.s32 v14, v28  }
0x10e: {  	v27 =	vadd.s32 v31, v27;
	v31 =	vmpcnt.ones.xlane vm0;
	vm0 =	vge.s32 v19, v28  }
0x10f: {  	v27 =	vadd.s32 v30, v27;
	v30 =	vmpcnt.ones.xlane vm0;
	vm0 =	vge.s32 v16, v28  }
0x110: {  	vm1 =	vgt.s32 v24, v0;
	v24 =	vadd.s32 v31, v27;
	v27 =	vmpcnt.ones.xlane vm0  }
0x111: {  	v25 =	vsel vm1, v25, v29;
	v24 =	vadd.s32 v30, v24  }
0x112: {  	v26 =	vsel vm1, v29, v26;
	v29 =	vadd.s32 v4, v25;
	v24 =	vadd.s32 v27, v24  }
0x113: {  	v27 =	vor.u32 v29, v26;
	v29 =	vxor.u32 v29, v26;
	vm0 =	vgt.s32 v24, v0  }
0x114: {  	v24 =	vshrl.u32 v29, $0x1;
	v22 =	vsel vm0, v28, v22;
	v23 =	vsel vm0, v23, v28  }
0x115: {  	v24 =	vsub.s32 v27, v24;
	v27 =	vadd.s32 v23, v22  }
0x116: {  	vm1 =	vge.s32 v9, v24;
	vm0 =	vge.s32 v8, v24;
	v27 =	vshrl.u32 v27, $0x1  }
0x117: {  	vm2 =	vge.s32 v6, v24;
	vm3 =	vge.s32 v21, v27;
	vm11 =	vge.s32 v20, v27  }
0x118: {  	v28 =	vmpcnt.ones.xlane vm3;
	v29 =	vmpcnt.ones.xlane vm11;
	vm3 =	vge.s32 v18, v27  }
0x119: {  	vm12 =	vge.s32 v7, v24;
	v30 =	vmpcnt.ones.xlane vm3;
	vm3 =	vge.s32 v17, v27  }
0x11a: {  	v28 =	vadd.s32 v28, v29;
	v29 =	vmpcnt.ones.xlane vm3;
	vm3 =	vge.s32 v15, v27  }
0x11b: {  	v28 =	vadd.s32 v30, v28;
	v30 =	vmpcnt.ones.xlane vm3;
	vm3 =	vge.s32 v14, v27  }
0x11c: {  	v28 =	vadd.s32 v29, v28;
	v29 =	vmpcnt.ones.xlane vm3;
	vm3 =	vge.s32 v19, v27  }
0x11d: {  	v28 =	vadd.s32 v30, v28;
	v30 =	vmpcnt.ones.xlane vm3;
	vm3 =	vge.s32 v16, v27  }
0x11e: {  	vm13 =	vge.s32 v10, v24;
	v28 =	vadd.s32 v29, v28;
	v29 =	vmpcnt.ones.xlane vm3  }
0x11f: {  	vm14 =	vge.s32 v12, v24;
	vm15 =	vge.s32 v13, v24;
	v28 =	vadd.s32 v30, v28  }
0x120: {  	v31 =	vmpcnt.ones.xlane vm2;
	vm3 =	vge.s32 v11, v24;
	v28 =	vadd.s32 v29, v28  }
0x121: {  	v30 =	vmpcnt.ones.xlane vm1;
	v29 =	vmpcnt.ones.xlane vm3;
	vm1 =	vgt.s32 v28, v0  }
0x122: {  	v28 =	vmpcnt.ones.xlane vm15;
	v22 =	vsel vm1, v27, v22;
	v23 =	vsel vm1, v23, v27  }
0x123: {  	v49 =	vmpcnt.ones.xlane vm12;
	v27 =	vmpcnt.ones.xlane vm14;
	v50 =	vadd.s32 v23, v22  }
0x124: {  	v28 =	vadd.s32 v29, v28;
	v29 =	vmpcnt.ones.xlane vm13;
	v33 =	vshrl.u32 v50, $0x1  }
0x125: {  	v27 =	vadd.s32 v27, v28;
	vm1 =	vge.s32 v21, v33;
	vm2 =	vge.s32 v20, v33  }
0x126: {  	v28 =	vmpcnt.ones.xlane vm1;
	v51 =	vmpcnt.ones.xlane vm2;
	vm1 =	vge.s32 v18, v33  }
0x127: {  	v27 =	vadd.s32 v29, v27;
	v29 =	vmpcnt.ones.xlane vm1;
	vm1 =	vge.s32 v17, v33  }
0x128: {  	v28 =	vadd.s32 v28, v51;
	v52 =	vmpcnt.ones.xlane vm1;
	vm1 =	vge.s32 v15, v33  }
0x129: {  	v28 =	vadd.s32 v29, v28;
	v29 =	vmpcnt.ones.xlane vm1;
	vm1 =	vge.s32 v14, v33  }
0x12a: {  	v28 =	vadd.s32 v52, v28;
	v53 =	vmpcnt.ones.xlane vm1;
	vm1 =	vge.s32 v19, v33  }
0x12b: {  	v28 =	vadd.s32 v29, v28;
	v29 =	vmpcnt.ones.xlane vm1;
	vm1 =	vge.s32 v16, v33  }
0x12c: {  	v27 =	vadd.s32 v49, v27;
	v28 =	vadd.s32 v53, v28;
	v54 =	vmpcnt.ones.xlane vm1  }
0x12d: {  	v27 =	vadd.s32 v31, v27;
	v31 =	vmpcnt.ones.xlane vm0;
	v28 =	vadd.s32 v29, v28  }
0x12e: {  	v27 =	vadd.s32 v30, v27;
	v28 =	vadd.s32 v54, v28  }
0x12f: {  	v27 =	vadd.s32 v31, v27;
	vm0 =	vgt.s32 v28, v0  }
0x130: {  	vm1 =	vgt.s32 v27, v0;
	v22 =	vsel vm0, v33, v22;
	v23 =	vsel vm0, v23, v33  }
0x131: {  	v26 =	vsel vm1, v24, v26;
	v24 =	vsel vm1, v25, v24;
	v25 =	vadd.s32 v23, v22  }
0x132: {  	v27 =	vand.u32 v24, v26;
	v25 =	vshrl.u32 v25, $0x1  }
0x133: {  	v28 =	vxor.u32 v24, v26;
	vm0 =	vge.s32 v21, v25;
	vm1 =	vge.s32 v20, v25  }
0x134: {  	v29 =	vmpcnt.ones.xlane vm0;
	v30 =	vmpcnt.ones.xlane vm1;
	vm0 =	vge.s32 v18, v25  }
0x135: {  	v28 =	vshrl.u32 v28, $0x1;
	v31 =	vmpcnt.ones.xlane vm0;
	vm0 =	vge.s32 v17, v25  }
0x136: {  	v29 =	vadd.s32 v29, v30;
	v30 =	vmpcnt.ones.xlane vm0;
	vm0 =	vge.s32 v15, v25  }
0x137: {  	v29 =	vadd.s32 v31, v29;
	v31 =	vmpcnt.ones.xlane vm0;
	vm0 =	vge.s32 v14, v25  }
0x138: {  	v29 =	vadd.s32 v30, v29;
	v30 =	vmpcnt.ones.xlane vm0;
	vm0 =	vge.s32 v19, v25  }
0x139: {  	v29 =	vadd.s32 v31, v29;
	v31 =	vmpcnt.ones.xlane vm0;
	vm0 =	vge.s32 v16, v25  }
0x13a: {  	v27 =	vadd.s32 v28, v27;
	v28 =	vadd.s32 v30, v29;
	v29 =	vmpcnt.ones.xlane vm0  }
0x13b: {  	vm3 =	vge.s32 v8, v27;
	vm2 =	vge.s32 v7, v27;
	v28 =	vadd.s32 v31, v28  }
0x13c: {  	vm9 =	vge.s32 v12, v27;
	vm10 =	vge.s32 v10, v27;
	v28 =	vadd.s32 v29, v28  }
0x13d: {  	vm12 =	vge.s32 v11, v27;
	vm13 =	vge.s32 v13, v27;
	vm11 =	vgt.s32 v28, v0  }
0x13e: {  	v57 =	vmpcnt.ones.xlane vm13;
	v22 =	vsel vm11, v25, v22;
	v23 =	vsel vm11, v23, v25  }
0x13f: {  	vm1 =	vge.s32 v6, v27;
	vm0 =	vge.s32 v9, v27;
	v28 =	vadd.s32 v23, v22  }
0x140: {  	v30 =	vmpcnt.ones.xlane vm10;
	v31 =	vmpcnt.ones.xlane vm12;
	v28 =	vshrl.u32 v28, $0x1  }
0x141: {  	v25 =	vmpcnt.ones.xlane vm3;
	vm3 =	vge.s32 v21, v28;
	vm14 =	vge.s32 v20, v28  }
0x142: {  	v55 =	vmpcnt.ones.xlane vm3;
	v56 =	vmpcnt.ones.xlane vm14;
	vm3 =	vge.s32 v18, v28  }
0x143: {  	v29 =	vmpcnt.ones.xlane vm9;
	v35 =	vmpcnt.ones.xlane vm3;
	vm3 =	vge.s32 v17, v28  }
0x144: {  	v32 =	vadd.s32 v55, v56;
	v58 =	vmpcnt.ones.xlane vm3;
	vm3 =	vge.s32 v15, v28  }
0x145: {  	v32 =	vadd.s32 v35, v32;
	v59 =	vmpcnt.ones.xlane vm3;
	vm3 =	vge.s32 v14, v28  }
0x146: {  	v32 =	vadd.s32 v58, v32;
	v60 =	vmpcnt.ones.xlane vm3;
	vm3 =	vge.s32 v19, v28  }
0x147: {  	v32 =	vadd.s32 v59, v32;
	v61 =	vmpcnt.ones.xlane vm3;
	vm3 =	vge.s32 v16, v28  }
0x148: {  	v31 =	vadd.s32 v31, v57;
	v32 =	vadd.s32 v60, v32;
	v62 =	vmpcnt.ones.xlane vm3  }
0x149: {  	v29 =	vadd.s32 v29, v31;
	v31 =	vmpcnt.ones.xlane vm2;
	v32 =	vadd.s32 v61, v32  }
0x14a: {  	v29 =	vadd.s32 v30, v29;
	v30 =	vmpcnt.ones.xlane vm1;
	v32 =	vadd.s32 v62, v32  }
0x14b: {  	v29 =	vadd.s32 v31, v29;
	v31 =	vmpcnt.ones.xlane vm0;
	vm0 =	vgt.s32 v32, v0  }
0x14c: {  	v29 =	vadd.s32 v30, v29;
	v22 =	vsel vm0, v28, v22;
	v23 =	vsel vm0, v23, v28  }
0x14d: {  	v28 =	vadd.s32 v31, v29;
	v29 =	vadd.s32 v23, v22  }
0x14e: {  	v25 =	vadd.s32 v25, v28;
	v28 =	vshrl.u32 v29, $0x1  }
0x14f: {  	vm0 =	vgt.s32 v25, v0;
	vm1 =	vge.s32 v21, v28;
	vm2 =	vge.s32 v20, v28  }
0x150: {  	v25 =	vmpcnt.ones.xlane vm1;
	v29 =	vmpcnt.ones.xlane vm2;
	vm1 =	vge.s32 v18, v28  }
0x151: {  	v26 =	vsel vm0, v27, v26;
	v30 =	vmpcnt.ones.xlane vm1;
	vm1 =	vge.s32 v17, v28  }
0x152: {  	v25 =	vadd.s32 v25, v29;
	v29 =	vmpcnt.ones.xlane vm1;
	vm1 =	vge.s32 v15, v28  }
0x153: {  	v25 =	vadd.s32 v30, v25;
	v30 =	vmpcnt.ones.xlane vm1;
	vm1 =	vge.s32 v14, v28  }
0x154: {  	v25 =	vadd.s32 v29, v25;
	v29 =	vmpcnt.ones.xlane vm1;
	vm1 =	vge.s32 v19, v28  }
0x155: {  	v25 =	vadd.s32 v30, v25;
	v30 =	vmpcnt.ones.xlane vm1;
	vm1 =	vge.s32 v16, v28  }
0x156: {  	v24 =	vsel vm0, v24, v27;
	v25 =	vadd.s32 v29, v25;
	v27 =	vmpcnt.ones.xlane vm1  }
0x157: {  	v29 =	vadd.s32 v24, v26;
	v25 =	vadd.s32 v30, v25  }
0x158: {  	v29 =	vshrl.u32 v29, $0x1;
	v25 =	vadd.s32 v27, v25  }
0x159: {  	vm1 =	vge.s32 v9, v29;
	vm0 =	vge.s32 v8, v29;
	vm2 =	vgt.s32 v25, v0  }
0x15a: {  	vm3 =	vge.s32 v6, v29;
	v22 =	vsel vm2, v28, v22;
	v23 =	vsel vm2, v23, v28  }
0x15b: {  	vm4 =	vge.s32 v10, v29;
	vm15 =	vge.s32 v11, v29;
	v25 =	vadd.s32 v23, v22  }
0x15c: {  	vm6 =	vge.s32 v12, v29;
	vm7 =	vge.s32 v13, v29;
	v25 =	vshrl.u32 v25, $0x1  }
0x15d: {  	v30 =	vmpcnt.ones.xlane vm15;
	vm12 =	vge.s32 v21, v25;
	vm13 =	vge.s32 v20, v25  }
0x15e: {  	vm14 =	vge.s32 v18, v25;
	v27 =	vmpcnt.ones.xlane vm12;
	v28 =	vmpcnt.ones.xlane vm13  }
0x15f: {  	v63 =	vmpcnt.ones.xlane vm7;
	vm15 =	vge.s32 v17, v25;
	v31 =	vmpcnt.ones.xlane vm14  }
0x160: {  	vm8 =	vge.s32 v15, v25;
	v27 =	vadd.s32 v27, v28;
	v28 =	vmpcnt.ones.xlane vm15  }
0x161: {  	vm9 =	vge.s32 v14, v25;
	v27 =	vadd.s32 v31, v27;
	v31 =	vmpcnt.ones.xlane vm8  }
0x162: {  	vm10 =	vge.s32 v19, v25;
	v27 =	vadd.s32 v28, v27;
	v28 =	vmpcnt.ones.xlane vm9  }
0x163: {  	vm11 =	vge.s32 v16, v25;
	v27 =	vadd.s32 v31, v27;
	v31 =	vmpcnt.ones.xlane vm10  }
0x164: {  	v36 =	vmpcnt.ones.xlane vm6;
	v27 =	vadd.s32 v28, v27;
	v28 =	vmpcnt.ones.xlane vm11  }
0x165: {  	v37 =	vmpcnt.ones.xlane vm3;
	vm2 =	vge.s32 v7, v29;
	v27 =	vadd.s32 v31, v27  }
0x166: {  	v30 =	vadd.s32 v30, v63;
	v31 =	vmpcnt.ones.xlane vm4;
	v27 =	vadd.s32 v28, v27  }
0x167: {  	v28 =	vadd.s32 v36, v30;
	v30 =	vmpcnt.ones.xlane vm2;
	vm2 =	vgt.s32 v27, v0  }
0x168: {  	v27 =	vadd.s32 v31, v28;
	v22 =	vsel vm2, v25, v22;
	v23 =	vsel vm2, v23, v25  }
0x169: {  	v25 =	vadd.s32 v30, v27;
	v27 =	vmpcnt.ones.xlane vm1;
	v28 =	vadd.s32 v23, v22  }
0x16a: {  	v30 =	vmpcnt.ones.xlane vm0;
	v25 =	vadd.s32 v37, v25;
	v28 =	vshrl.u32 v28, $0x1  }
0x16b: {  	v25 =	vadd.s32 v27, v25;
	vm0 =	vge.s32 v21, v28;
	vm1 =	vge.s32 v20, v28  }
0x16c: {  	v27 =	vmpcnt.ones.xlane vm0;
	v31 =	vmpcnt.ones.xlane vm1;
	vm0 =	vge.s32 v18, v28  }
0x16d: {  	v25 =	vadd.s32 v30, v25;
	v30 =	vmpcnt.ones.xlane vm0;
	vm0 =	vge.s32 v17, v28  }
0x16e: {  	v27 =	vadd.s32 v27, v31;
	v31 =	vmpcnt.ones.xlane vm0;
	vm0 =	vge.s32 v15, v28  }
0x16f: {  	v27 =	vadd.s32 v30, v27;
	v30 =	vmpcnt.ones.xlane vm0;
	vm0 =	vge.s32 v14, v28  }
0x170: {  	v27 =	vadd.s32 v31, v27;
	v31 =	vmpcnt.ones.xlane vm0;
	vm0 =	vge.s32 v19, v28  }
0x171: {  	v27 =	vadd.s32 v30, v27;
	v30 =	vmpcnt.ones.xlane vm0;
	vm0 =	vge.s32 v16, v28  }
0x172: {  	vm1 =	vgt.s32 v25, v0;
	v25 =	vadd.s32 v31, v27;
	v27 =	vmpcnt.ones.xlane vm0  }
0x173: {  	v26 =	vsel vm1, v29, v26;
	v24 =	vsel vm1, v24, v29;
	v25 =	vadd.s32 v30, v25  }
0x174: {  	v29 =	vadd.s32 v24, v26;
	v25 =	vadd.s32 v27, v25  }
0x175: {  	v27 =	vshrl.u32 v29, $0x1;
	vm0 =	vgt.s32 v25, v0  }
0x176: {  	vm2 =	vge.s32 v8, v27;
	v22 =	vsel vm0, v28, v22;
	v23 =	vsel vm0, v23, v28  }
0x177: {  	vm4 =	vge.s32 v9, v27;
	vm3 =	vge.s32 v10, v27;
	v25 =	vadd.s32 v23, v22  }
0x178: {  	vm1 =	vge.s32 v7, v27;
	vm5 =	vge.s32 v12, v27;
	v25 =	vshrl.u32 v25, $0x1  }
0x179: {  	vm15 =	vge.s32 v11, v27;
	vm12 =	vge.s32 v21, v25;
	vm13 =	vge.s32 v20, v25  }
0x17a: {  	vm14 =	vge.s32 v18, v25;
	v28 =	vmpcnt.ones.xlane vm12;
	v29 =	vmpcnt.ones.xlane vm13  }
0x17b: {  	vm0 =	vge.s32 v6, v27;
	vm9 =	vge.s32 v17, v25;
	v30 =	vmpcnt.ones.xlane vm14  }
0x17c: {  	vm10 =	vge.s32 v15, v25;
	v28 =	vadd.s32 v28, v29;
	v29 =	vmpcnt.ones.xlane vm9  }
0x17d: {  	vm11 =	vge.s32 v14, v25;
	v28 =	vadd.s32 v30, v28;
	v30 =	vmpcnt.ones.xlane vm10  }
0x17e: {  	vm12 =	vge.s32 v19, v25;
	v28 =	vadd.s32 v29, v28;
	v29 =	vmpcnt.ones.xlane vm11  }
0x17f: {  	vm13 =	vge.s32 v16, v25;
	v28 =	vadd.s32 v30, v28;
	v30 =	vmpcnt.ones.xlane vm12  }
0x180: {  	v31 =	vmpcnt.ones.xlane vm4;
	v28 =	vadd.s32 v29, v28;
	v29 =	vmpcnt.ones.xlane vm13  }
0x181: {  	v38 =	vmpcnt.ones.xlane vm2;
	vm14 =	vge.s32 v13, v27;
	v28 =	vadd.s32 v30, v28  }
0x182: {  	v39 =	vmpcnt.ones.xlane vm14;
	v30 =	vmpcnt.ones.xlane vm15;
	v28 =	vadd.s32 v29, v28  }
0x183: {  	v40 =	vmpcnt.ones.xlane vm3;
	v29 =	vmpcnt.ones.xlane vm5;
	vm2 =	vgt.s32 v28, v0  }
0x184: {  	v28 =	vadd.s32 v30, v39;
	v22 =	vsel vm2, v25, v22;
	v23 =	vsel vm2, v23, v25  }
0x185: {  	v25 =	vadd.s32 v29, v28;
	v28 =	vmpcnt.ones.xlane vm1;
	v29 =	vadd.s32 v23, v22  }
0x186: {  	v30 =	vmpcnt.ones.xlane vm0;
	v25 =	vadd.s32 v40, v25;
	v29 =	vshrl.u32 v29, $0x1  }
0x187: {  	v25 =	vadd.s32 v28, v25;
	vm0 =	vge.s32 v21, v29;
	vm1 =	vge.s32 v20, v29  }
0x188: {  	v28 =	vmpcnt.ones.xlane vm0;
	v41 =	vmpcnt.ones.xlane vm1;
	vm0 =	vge.s32 v18, v29  }
0x189: {  	v25 =	vadd.s32 v30, v25;
	v30 =	vmpcnt.ones.xlane vm0;
	vm0 =	vge.s32 v17, v29  }
0x18a: {  	v28 =	vadd.s32 v28, v41;
	v42 =	vmpcnt.ones.xlane vm0;
	vm0 =	vge.s32 v15, v29  }
0x18b: {  	v28 =	vadd.s32 v30, v28;
	v30 =	vmpcnt.ones.xlane vm0;
	vm0 =	vge.s32 v14, v29  }
0x18c: {  	v28 =	vadd.s32 v42, v28;
	v43 =	vmpcnt.ones.xlane vm0;
	vm0 =	vge.s32 v19, v29  }
0x18d: {  	v28 =	vadd.s32 v30, v28;
	v30 =	vmpcnt.ones.xlane vm0;
	vm0 =	vge.s32 v16, v29  }
0x18e: {  	v25 =	vadd.s32 v31, v25;
	v28 =	vadd.s32 v43, v28;
	v31 =	vmpcnt.ones.xlane vm0  }
0x18f: {  	v25 =	vadd.s32 v38, v25;
	v28 =	vadd.s32 v30, v28  }
0x190: {  	vm0 =	vgt.s32 v25, v0;
	v25 =	vadd.s32 v31, v28  }
0x191: {  	v26 =	vsel vm0, v27, v26;
	vm1 =	vgt.s32 v25, v0  }
0x192: {  	v24 =	vsel vm0, v24, v27;
	v22 =	vsel vm1, v29, v22;
	v23 =	vsel vm1, v23, v29  }
0x193: {  	v25 =	vadd.s32 v24, v26;
	v27 =	vadd.s32 v23, v22  }
0x194: {  	v25 =	vshrl.u32 v25, $0x1;
	v27 =	vshrl.u32 v27, $0x1  }
0x195: {  	vm0 =	vge.s32 v8, v25;
	vm1 =	vge.s32 v21, v27;
	vm2 =	vge.s32 v20, v27  }
0x196: {  	v28 =	vmpcnt.ones.xlane vm1;
	v29 =	vmpcnt.ones.xlane vm2;
	vm2 =	vge.s32 v18, v27  }
0x197: {  	vm3 =	vge.s32 v6, v25;
	v30 =	vmpcnt.ones.xlane vm2;
	vm2 =	vge.s32 v17, v27  }
0x198: {  	v28 =	vadd.s32 v28, v29;
	v29 =	vmpcnt.ones.xlane vm2;
	vm2 =	vge.s32 v15, v27  }
0x199: {  	v28 =	vadd.s32 v30, v28;
	v30 =	vmpcnt.ones.xlane vm2;
	vm2 =	vge.s32 v14, v27  }
0x19a: {  	v28 =	vadd.s32 v29, v28;
	v29 =	vmpcnt.ones.xlane vm2;
	vm2 =	vge.s32 v19, v27  }
0x19b: {  	v28 =	vadd.s32 v30, v28;
	v30 =	vmpcnt.ones.xlane vm2;
	vm2 =	vge.s32 v16, v27  }
0x19c: {  	vm15 =	vge.s32 v7, v25;
	v28 =	vadd.s32 v29, v28;
	v29 =	vmpcnt.ones.xlane vm2  }
0x19d: {  	vm9 =	vge.s32 v11, v25;
	vm10 =	vge.s32 v12, v25;
	v28 =	vadd.s32 v30, v28  }
0x19e: {  	vm11 =	vge.s32 v13, v25;
	v44 =	vmpcnt.ones.xlane vm10;
	v28 =	vadd.s32 v29, v28  }
0x19f: {  	vm1 =	vge.s32 v9, v25;
	v29 =	vmpcnt.ones.xlane vm3;
	vm3 =	vgt.s32 v28, v0  }
0x1a0: {  	vm2 =	vge.s32 v10, v25;
	v22 =	vsel vm3, v27, v22;
	v23 =	vsel vm3, v23, v27  }
0x1a1: {  	v30 =	vmpcnt.ones.xlane vm11;
	v27 =	vmpcnt.ones.xlane vm9;
	v31 =	vadd.s32 v23, v22  }
0x1a2: {  	v45 =	vmpcnt.ones.xlane vm2;
	v28 =	vmpcnt.ones.xlane vm15;
	v31 =	vshrl.u32 v31, $0x1  }
0x1a3: {  	v27 =	vadd.s32 v27, v30;
	vm2 =	vge.s32 v21, v31;
	vm3 =	vge.s32 v20, v31  }
0x1a4: {  	v30 =	vmpcnt.ones.xlane vm2;
	v46 =	vmpcnt.ones.xlane vm3;
	vm2 =	vge.s32 v18, v31  }
0x1a5: {  	v27 =	vadd.s32 v44, v27;
	v47 =	vmpcnt.ones.xlane vm2;
	vm2 =	vge.s32 v17, v31  }
0x1a6: {  	v30 =	vadd.s32 v30, v46;
	v48 =	vmpcnt.ones.xlane vm2;
	vm2 =	vge.s32 v15, v31  }
0x1a7: {  	v30 =	vadd.s32 v47, v30;
	v49 =	vmpcnt.ones.xlane vm2;
	vm2 =	vge.s32 v14, v31  }
0x1a8: {  	v30 =	vadd.s32 v48, v30;
	v50 =	vmpcnt.ones.xlane vm2;
	vm2 =	vge.s32 v19, v31  }
0x1a9: {  	v30 =	vadd.s32 v49, v30;
	v51 =	vmpcnt.ones.xlane vm2;
	vm2 =	vge.s32 v16, v31  }
0x1aa: {  	v27 =	vadd.s32 v45, v27;
	v30 =	vadd.s32 v50, v30;
	v52 =	vmpcnt.ones.xlane vm2  }
0x1ab: {  	v27 =	vadd.s32 v28, v27;
	v28 =	vmpcnt.ones.xlane vm1;
	v30 =	vadd.s32 v51, v30  }
0x1ac: {  	v27 =	vadd.s32 v29, v27;
	v29 =	vmpcnt.ones.xlane vm0;
	v30 =	vadd.s32 v52, v30  }
0x1ad: {  	v27 =	vadd.s32 v28, v27;
	vm0 =	vgt.s32 v30, v0  }
0x1ae: {  	v27 =	vadd.s32 v29, v27;
	v22 =	vsel vm0, v31, v22;
	v23 =	vsel vm0, v23, v31  }
0x1af: {  	vm0 =	vgt.s32 v27, v0;
	v23 =	vadd.s32 v23, v22  }
0x1b0: {  	v26 =	vsel vm0, v25, v26;
	v24 =	vsel vm0, v24, v25;
	v23 =	vshrl.u32 v23, $0x1  }
0x1b1: {  	v28 =	vadd.s32 v24, v26;
	vm0 =	vge.s32 v21, v23;
	vm1 =	vge.s32 v20, v23  }
0x1b2: {  	v28 =	vshrl.u32 v28, $0x1;
	v25 =	vmpcnt.ones.xlane vm0;
	v27 =	vmpcnt.ones.xlane vm1  }
0x1b3: {  	vm0 =	vge.s32 v18, v23;
	vm2 =	vge.s32 v13, v28;
	vm3 =	vge.s32 v12, v28  }
0x1b4: {  	v29 =	vmpcnt.ones.xlane vm0;
	vm0 =	vge.s32 v17, v23;
	v31 =	vmpcnt.ones.xlane vm2  }
0x1b5: {  	v25 =	vadd.s32 v25, v27;
	v27 =	vmpcnt.ones.xlane vm0;
	vm0 =	vge.s32 v15, v23  }
0x1b6: {  	v25 =	vadd.s32 v29, v25;
	v29 =	vmpcnt.ones.xlane vm0;
	vm0 =	vge.s32 v14, v23  }
0x1b7: {  	v25 =	vadd.s32 v27, v25;
	v27 =	vmpcnt.ones.xlane vm0;
	vm0 =	vge.s32 v19, v23  }
0x1b8: {  	v25 =	vadd.s32 v29, v25;
	v29 =	vmpcnt.ones.xlane vm0;
	vm0 =	vge.s32 v16, v23  }
0x1b9: {  	v25 =	vadd.s32 v27, v25;
	v27 =	vmpcnt.ones.xlane vm0;
	vm0 =	vge.s32 v11, v28  }
0x1ba: {  	v53 =	vmpcnt.ones.xlane vm3;
	vm3 =	vge.s32 v7, v28;
	v30 =	vmpcnt.ones.xlane vm0  }
0x1bb: {  	vm1 =	vge.s32 v8, v28;
	vm2 =	vge.s32 v10, v28;
	v54 =	vmpcnt.ones.xlane vm3  }
0x1bc: {  	v25 =	vadd.s32 v29, v25;
	v30 =	vadd.s32 v30, v31;
	v31 =	vmpcnt.ones.xlane vm2  }
0x1bd: {  	vm0 =	vge.s32 v6, v28;
	v25 =	vadd.s32 v27, v25;
	v30 =	vadd.s32 v53, v30  }
0x1be: {  	vm2 =	vge.s32 v9, v28;
	v29 =	vadd.s32 v31, v30;
	v30 =	vmpcnt.ones.xlane vm0  }
0x1bf: {  	vm0 =	vgt.s32 v25, v0;
	v27 =	vadd.s32 v54, v29;
	v29 =	vmpcnt.ones.xlane vm2  }
0x1c0: {  	v22 =	vsel vm0, v23, v22;
	v25 =	vadd.s32 v30, v27;
	v27 =	vmpcnt.ones.xlane vm1  }
0x1c1: {  	vm0 =	vgt.s32 v14, v22;
	v23 =	vadd.s32 v29, v25  }
0x1c2: {  	vm1 =	vgt.s32 v19, v22;
	vm14 =	vgt.s32 v16, v22;
	v23 =	vadd.s32 v27, v23  }
0x1c3: {  	vm3 =	vgt.s32 v18, v22;
	v25 =	vimm.s32 $0x0;
	vm2 =	vgt.s32 v23, v0  }
0x1c4: {  	v25 =	vsel vm1, $0xFFFFFFFF, v25;
	v23 =	vsel vm2, v28, v26;
	v24 =	vsel vm2, v24, v28  }
0x1c5: {  	vm4 =	vgt.s32 v17, v22;
	vm6 =	vgt.s32 v21, v22;
	[tilespmem:$0x1FFF0] =	vst v25;
	v25 =	vadd.s32 v24, v23  }
0x1c6: {  	vm5 =	vgt.s32 v20, v22;
	vm8 =	veq.s32 v21, v22;
	v25 =	vshrl.u32 v25, $0x1  }
0x1c7: {  	vm11 =	veq.s32 v20, v22;
	vm12 =	vge.s32 v11, v25;
	vm13 =	vge.s32 v13, v25  }
0x1c8: {  	vm15 =	vge.s32 v12, v25;
	v21 =	vmpcnt.ones.xlane vm12;
	v26 =	vmpcnt.ones.xlane vm13  }
0x1c9: {  	vm7 =	veq.s32 v19, v22;
	v20 =	vmpcnt.ones.xlane vm15;
	vm12 =	vge.s32 v10, v25  }
0x1ca: {  	vm13 =	vge.s32 v7, v25;
	v21 =	vadd.s32 v21, v26;
	v26 =	vmpcnt.ones.xlane vm12  }
0x1cb: {  	vm15 =	vge.s32 v6, v25;
	v20 =	vadd.s32 v20, v21;
	v21 =	vmpcnt.ones.xlane vm13  }
0x1cc: {  	vm9 =	vge.s32 v9, v25;
	v20 =	vadd.s32 v26, v20;
	v26 =	vmpcnt.ones.xlane vm15  }
0x1cd: {  	vm10 =	vge.s32 v8, v25;
	v20 =	vadd.s32 v21, v20;
	v21 =	vmpcnt.ones.xlane vm9  }
0x1ce: {  	vm12 =	veq.s32 v18, v22;
	v18 =	vadd.s32 v26, v20;
	v20 =	vmpcnt.ones.xlane vm10  }
0x1cf: {  	v19 =	vmpcnt.ones.xlane vm14;
	v37 =	vmpcnt.ones.xlane vm8;
	v18 =	vadd.s32 v21, v18  }
0x1d0: {  	v27 =	vmpcnt.ones.xlane vm6;
	vm2 =	vgt.s32 v15, v22;
	v18 =	vadd.s32 v20, v18  }
0x1d1: {  	v28 =	vmpcnt.ones.xlane vm5;
	vm15 =	veq.s32 v16, v22;
	vm9 =	vgt.s32 v18, v0  }
0x1d2: {  	vm10 =	veq.s32 v17, v22;
	v16 =	vsel vm9, v25, v23;
	v18 =	vsel vm9, v24, v25  }
0x1d3: {  	v17 =	vmpcnt.ones.xlane vm7;
	v26 =	vsel vm15, $0x1, v1;
	v25 =	vadd.s32 v18, v16  }
0x1d4: {  	v21 =	vmpcnt.ones.xlane vm1;
	(xrf0) =	vadd.scan.msk.s32 $0xffff, v26;
	v26 =	vmpcnt.ones.xlane vm11;
	v25 =	vshrl.u32 v25, $0x1  }
0x1d5: {  	v20 =	vmpcnt.ones.xlane vm0;
	vm9 =	vge.s32 v11, v25;
	vm13 =	vge.s32 v13, v25  }
0x1d6: {  	v29 =	vmpcnt.ones.xlane vm9;
	v30 =	vmpcnt.ones.xlane vm13;
	vm13 =	vge.s32 v12, v25  }
0x1d7: {  	vm9 =	vge.s32 v10, v25;
	v31 =	vmpcnt.ones.xlane vm13;
	vm13 =	vge.s32 v7, v25  }
0x1d8: {  	v55 =	vmpcnt.ones.xlane vm9;
	vm9 =	vge.s32 v6, v25;
	v56 =	vmpcnt.ones.xlane vm13  }
0x1d9: {  	vm13 =	veq.s32 v15, v22;
	v15 =	vmpcnt.ones.xlane vm9;
	vm9 =	vge.s32 v9, v25  }
0x1da: {  	v23 =	vmpcnt.ones.xlane vm3;
	v57 =	vmpcnt.ones.xlane vm9;
	vm9 =	vge.s32 v8, v25  }
0x1db: {  	v24 =	vmpcnt.ones.xlane vm2;
	v58 =	vmpcnt.ones.xlane vm9;
	vm9 =	veq.s32 v14, v22  }
0x1dc: {  	v14 =	vmpcnt.ones.xlane vm4;
	v22 =	vadd.s32 v28, v27;
	v27 =	vmpcnt.ones.xlane vm12  }
0x1dd: {  	v22 =	vadd.s32 v23, v22;
	v23 =	vadd.s32 v37, v26;
	v26 =	vmpcnt.ones.xlane vm10  }
0x1de: {  	v14 =	vadd.s32 v14, v22;
	v22 =	vadd.s32 v23, v27;
	v27 =	vmpcnt.ones.xlane vm13  }
0x1df: {  	v14 =	vadd.s32 v24, v14;
	v24 =	vadd.s32 v22, v26;
	v26 =	vmpcnt.ones.xlane vm9  }
0x1e0: {  	v14 =	vadd.s32 v20, v14;
	v20 =	vadd.s32 v24, v27;
	v27 =	vadd.s32 v29, v30  }
0x1e1: {  	v28 =	vsel vm15, $0xFFFFFFFF, v1;
	v29, _, _ =	vpop (xrf0);
	v14 =	vadd.s32 v21, v14;
	v21 =	vadd.s32 v31, v27  }
0x1e2: {  	v26 =	vadd.s32 v20, v26;
	v27 =	vadd.s32 v28, v29;
	v21 =	vadd.s32 v55, v21  }
0x1e3: {  	v14 =	vadd.s32 v19, v14;
	v19 =	vadd.s32 v26, v27;
	v21 =	vadd.s32 v56, v21  }
0x1e4: {  	v36 =	vsub.s32 $0x59, v14;
	v14 =	vadd.s32 v17, v19;
	v17 =	vld [tilespmem:s13+$0x70];
	v15 =	vadd.s32 v15, v21  }
0x1e5: {  	vm1 =	vlt.s32 v14, v36;
	v15 =	vadd.s32 v57, v15  }
0x1e6: {  	vm1 =	vmand vm15, vm1;
	v14 =	vadd.s32 v58, v15  }
0x1e7: {  	vm1 =	vmor vm14, vm1;
	vm14 =	vgt.s32 v14, v0  }
0x1e8: {  	v21 =	vsel vm1, $0x3F800000, v5;
	v14 =	vsel vm14, v25, v16;
	v15 =	vsel vm14, v18, v25  }
0x1e9: {  	v30 =	vsel vm9, $0x1, v1;
	v25 =	vmul.f32 v21, v17;
	v17 =	vadd.s32 v15, v14  }
0x1ea: {  	v27 =	vsel vm13, $0x1, v1;
	v19 =	vsel vm10, $0x1, v1;
	v17 =	vshrl.u32 v17, $0x1  }
0x1eb: {  	v16 =	vsel vm11, $0x1, v1;
	vm1 =	vge.s32 v11, v17;
	vm14 =	vge.s32 v13, v17  }
0x1ec: {  	v28 =	vmpcnt.ones.xlane vm1;
	v29 =	vmpcnt.ones.xlane vm14;
	vm1 =	vge.s32 v12, v17  }
0x1ed: {  	v18 =	vsel vm12, $0x1, v1;
	v31 =	vmpcnt.ones.xlane vm1;
	vm1 =	vge.s32 v10, v17  }
0x1ee: {  	(xrf0) =	vadd.scan.msk.s32 $0xffff, v16;
	v16 =	vadd.s32 v28, v29;
	v28 =	vmpcnt.ones.xlane vm1;
	vm1 =	vge.s32 v7, v17  }
0x1ef: {  	(xrf0) =	vadd.scan.msk.s32 $0xffff, v18;
	v16 =	vadd.s32 v31, v16;
	v18 =	vmpcnt.ones.xlane vm1;
	vm1 =	vge.s32 v6, v17  }
0x1f0: {  	(xrf0) =	vadd.scan.msk.s32 $0xffff, v19;
	v16 =	vadd.s32 v28, v16;
	v19 =	vmpcnt.ones.xlane vm1;
	vm1 =	vge.s32 v9, v17  }
0x1f1: {  	(xrf0) =	vadd.scan.msk.s32 $0xffff, v27;
	v16 =	vadd.s32 v18, v16;
	v18 =	vmpcnt.ones.xlane vm1;
	vm1 =	vge.s32 v8, v17  }
0x1f2: {  	v59 =	vsel vm9, $0xFFFFFFFF, v1;
	(xrf0) =	vadd.scan.msk.s32 $0xffff, v30;
	v16 =	vadd.s32 v19, v16;
	v19 =	vmpcnt.ones.xlane vm1  }
0x1f3: {  	v27 =	vsel vm7, $0x1, v1;
	v30 =	vsel vm10, $0xFFFFFFFF, v1;
	v16 =	vadd.s32 v18, v16  }
0x1f4: {  	v29 =	vsel vm11, $0xFFFFFFFF, v1;
	v28 =	vsel vm8, $0x1, v1;
	v31, _, _ =	vpop (xrf0);
	v16 =	vadd.s32 v19, v16  }
0x1f5: {  	v60, _, _ =	vpop (xrf0);
	v18 =	vsel vm12, $0xFFFFFFFF, v1;
	v19 =	vsel vm13, $0xFFFFFFFF, v1;
	vm1 =	vgt.s32 v16, v0  }
0x1f6: {  	v61, _, _ =	vpop (xrf0);
	v16 =	vsel vm7, $0xFFFFFFFF, v1;
	v38 =	vsel vm1, v17, v14;
	v39 =	vsel vm1, v15, v17  }
0x1f7: {  	v14, _, _ =	vpop (xrf0);
	v15 =	vadd.s32 v29, v31;
	v17 =	vadd.s32 v18, v60;
	v18 =	vadd.s32 v39, v38  }
0x1f8: {  	v29, _, _ =	vpop (xrf0);
	v19 =	vadd.s32 v19, v14;
	v37 =	vadd.s32 v37, v15;
	v18 =	vshrl.u32 v18, $0x1  }
0x1f9: {  	(xrf0) =	vadd.scan.msk.s32 $0xffff, v27;
	v27 =	vadd.s32 v59, v29;
	vm1 =	vge.s32 v11, v18;
	vm14 =	vge.s32 v13, v18  }
0x1fa: {  	(xrf0) =	vadd.scan.msk.s32 $0xffff, v28;
	v14 =	vmpcnt.ones.xlane vm1;
	v29 =	vmpcnt.ones.xlane vm14;
	vm1 =	vge.s32 v12, v18  }
0x1fb: {  	v23 =	vadd.s32 v23, v17;
	v15 =	vmpcnt.ones.xlane vm1;
	vm1 =	vge.s32 v10, v18  }
0x1fc: {  	v14 =	vadd.s32 v14, v29;
	v29 =	vmpcnt.ones.xlane vm1;
	vm1 =	vge.s32 v7, v18  }
0x1fd: {  	v14 =	vadd.s32 v15, v14;
	v15 =	vmpcnt.ones.xlane vm1;
	vm1 =	vge.s32 v6, v18  }
0x1fe: {  	v14 =	vadd.s32 v29, v14;
	v41 =	vmpcnt.ones.xlane vm1;
	vm1 =	vge.s32 v9, v18  }
0x1ff: {  	v42, _, _ =	vpop (xrf0);
	v14 =	vadd.s32 v15, v14;
	v15 =	vmpcnt.ones.xlane vm1;
	vm1 =	vge.s32 v8, v18  }
0x200: {  	v42 =	vadd.s32 v16, v42;
	v17, _, _ =	vpop (xrf0);
	v16 =	vadd.s32 v41, v14;
	v62 =	vmpcnt.ones.xlane vm1  }
0x201: {  	v63 =	vadd.s32 v20, v27;
	v20 =	vsub.s32 v17, v28;
	v16 =	vadd.s32 v15, v16  }
0x202: {  	v24 =	vadd.s32 v24, v19;
	vm14 =	vlt.s32 v20, v36;
	v19 =	vadd.s32 v62, v16  }
0x203: {  	v40 =	vadd.s32 v30, v61;
	v17 =	vld [tilespmem:s14+$0x30];
	vm14 =	vmand vm8, vm14;
	vm1 =	vgt.s32 v19, v0  }
0x204: {  	vm8 =	vlt.s32 v23, v36;
	v14 =	vld [tilespmem:s14+$0x0];
	v27 =	vsel vm1, v18, v38;
	v54 =	vsel vm1, v39, v18  }
0x205: {  	v22 =	vadd.s32 v22, v40;
	vm8 =	vmand vm12, vm8;
	v15 =	vld [tilespmem:s14+$0x10];
	v20 =	vadd.s32 v54, v27  }
0x206: {  	v41 =	vadd.s32 v26, v42;
	v16 =	vld [tilespmem:s14+$0x20];
	vm1 =	vlt.s32 v37, v36;
	v23 =	vshrl.u32 v20, $0x1  }
0x207: {  	v19 =	vld [tilespmem:s14+$0x50];
	vm15 =	vmand vm11, vm1;
	vm1 =	vge.s32 v11, v23;
	vm12 =	vge.s32 v13, v23  }
0x208: {  	v18 =	vld [tilespmem:s14+$0x40];
	v26 =	vmpcnt.ones.xlane vm1;
	v28 =	vmpcnt.ones.xlane vm12;
	vm1 =	vge.s32 v12, v23  }
0x209: {  	v20 =	vld [tilespmem:s14+$0x60];
	[tilespmem:s13+$0x6070] =	vst v25;
	vm12 =	vlt.s32 v22, v36;
	v25 =	vmpcnt.ones.xlane vm1;
	vm1 =	vge.s32 v10, v23  }
0x20a: {  	s15 =	simm.s32 $0x100;
	[tilespmem:s13+$0x4070] =	vst v21;
	v26 =	vadd.s32 v26, v28;
	v28 =	vmpcnt.ones.xlane vm1;
	vm1 =	vge.s32 v7, v23  }
0x20b: {  	v21 =	vld [tilespmem:s15+$0x2050];
	v25 =	vadd.s32 v25, v26;
	v26 =	vmpcnt.ones.xlane vm1;
	vm1 =	vge.s32 v6, v23  }
0x20c: {  	v22 =	vld [tilespmem:s15+$0x2040];
	v25 =	vadd.s32 v28, v25;
	v55 =	vmpcnt.ones.xlane vm1;
	vm1 =	vge.s32 v9, v23  }
0x20d: {  	v28 =	vld [tilespmem:s15+$0x2000];
	v25 =	vadd.s32 v26, v25;
	v56 =	vmpcnt.ones.xlane vm1;
	vm1 =	vge.s32 v8, v23  }
0x20e: {  	v26 =	vld [tilespmem:s15+$0x2010];
	v57 =	vmpcnt.ones.xlane vm1;
	vm1 =	vlt.s32 v24, v36;
	v24 =	vadd.s32 v55, v25  }
0x20f: {  	vm11 =	vmand vm10, vm12;
	v25 =	vld [tilespmem:s15+$0x2020];
	v24 =	vadd.s32 v56, v24  }
0x210: {  	vm10 =	vmand vm13, vm1;
	vm1 =	vgt.s32 v21, $0x1FFFFFFF;
	v24 =	vadd.s32 v57, v24  }
0x211: {  	vm12 =	vgt.s32 v22, $0x1FFFFFFF;
	v58 =	vmpcnt.ones.xlane vm1;
	vm1 =	vgt.s32 v24, v0  }
0x212: {  	v59 =	vmpcnt.ones.xlane vm12;
	vm12 =	vgt.s32 v28, $0x1FFFFFFF;
	v60 =	vsel vm1, v23, v27  }
0x213: {  	v24 =	vld [tilespmem:s15+$0x2030];
	v38 =	vsel vm1, v54, v23;
	vm1 =	vgt.s32 v26, $0x1FFFFFFF;
	v43 =	vmpcnt.ones.xlane vm12  }
0x214: {  	v23 =	vadd.s32 v38, v60;
	vm12 =	vgt.s32 v25, $0x1FFFFFFF;
	v44 =	vmpcnt.ones.xlane vm1  }
0x215: {  	v45 =	vshrl.u32 v23, $0x1;
	v46 =	vmpcnt.ones.xlane vm12  }
0x216: {  	vm1 =	vge.s32 v11, v45;
	vm12 =	vge.s32 v13, v45;
	v43 =	vadd.s32 v43, v44  }
0x217: {  	v23 =	vmpcnt.ones.xlane vm1;
	v47 =	vmpcnt.ones.xlane vm12;
	vm1 =	vge.s32 v12, v45  }
0x218: {  	vm12 =	vgt.s32 v24, $0x1FFFFFFF;
	v43 =	vadd.s32 v46, v43;
	v48 =	vmpcnt.ones.xlane vm1  }
0x219: {  	vm1 =	vge.s32 v10, v45;
	v49 =	vmpcnt.ones.xlane vm12;
	vm12 =	vge.s32 v9, v45  }
0x21a: {  	v27 =	vld [tilespmem:s15+$0x2060];
	v23 =	vadd.s32 v23, v47;
	v61 =	vmpcnt.ones.xlane vm1;
	vm1 =	vge.s32 v7, v45  }
0x21b: {  	v48 =	vadd.s32 v48, v23;
	v50 =	vmpcnt.ones.xlane vm1;
	v23 =	vld [tilespmem:s15+$0x2070];
	vm1 =	vge.s32 v6, v45  }
0x21c: {  	v51 =	vmpcnt.ones.xlane vm12;
	v47 =	vadd.s32 v61, v48;
	v62 =	vmpcnt.ones.xlane vm1  }
0x21d: {  	vm12 =	vlt.s32 v63, v36;
	vm1 =	vge.s32 v8, v45;
	v63 =	vadd.s32 v50, v47  }
0x21e: {  	v43 =	vadd.s32 v49, v43;
	v50 =	vmpcnt.ones.xlane vm1;
	v40 =	vadd.s32 v62, v63  }
0x21f: {  	v39 =	vadd.s32 v59, v43;
	vm1 =	vgt.s32 v27, $0x1FFFFFFF;
	v40 =	vadd.s32 v51, v40  }
0x220: {  	v52 =	vmpcnt.ones.xlane vm1;
	vm1 =	vgt.s32 v23, $0x1FFFFFFF;
	v40 =	vadd.s32 v50, v40  }
0x221: {  	v37 =	vadd.s32 v58, v39;
	v53 =	vmpcnt.ones.xlane vm1;
	vm1 =	vgt.s32 v40, v0  }
0x222: {  	v55 =	vadd.s32 v52, v37;
	v54 =	vsel vm1, v45, v60;
	v38 =	vsel vm1, v38, v45  }
0x223: {  	vm1 =	vlt.s32 v41, v36;
	v56 =	vadd.s32 v38, v54;
	v36 =	vadd.s32 v53, v55  }
0x224: {  	vm9 =	vmand vm9, vm12;
	v37 =	vshrl.u32 v56, $0x1;
	vm12 =	vgt.s32 v36, v0  }
0x225: {  	vm7 =	vmand vm7, vm1;
	vm1 =	vge.s32 v11, v37;
	v36 =	vsel vm12, $0x30000000, v3  }
0x226: {  	vm13 =	vge.s32 v12, v37;
	v57 =	vmpcnt.ones.xlane vm1;
	vm1 =	vge.s32 v13, v37  }
0x227: {  	v59 =	vmpcnt.ones.xlane vm13;
	v58 =	vmpcnt.ones.xlane vm1;
	vm1 =	vge.s32 v21, v36  }
0x228: {  	vm13 =	vge.s32 v8, v37;
	v42 =	vmpcnt.ones.xlane vm1;
	vm1 =	vge.s32 v10, v37  }
0x229: {  	v49 =	vmpcnt.ones.xlane vm13;
	v60 =	vmpcnt.ones.xlane vm1;
	vm1 =	vge.s32 v22, v36  }
0x22a: {  	v40 =	vadd.s32 v57, v58;
	v61 =	vmpcnt.ones.xlane vm1;
	vm1 =	vge.s32 v7, v37  }
0x22b: {  	v40 =	vadd.s32 v59, v40;
	v62 =	vmpcnt.ones.xlane vm1;
	vm1 =	vge.s32 v6, v37  }
0x22c: {  	v40 =	vadd.s32 v60, v40;
	v63 =	vmpcnt.ones.xlane vm1;
	vm1 =	vge.s32 v9, v37  }
0x22d: {  	vm13 =	vge.s32 v26, v36;
	v48 =	vmpcnt.ones.xlane vm1;
	v40 =	vadd.s32 v62, v40  }
0x22e: {  	vm6 =	vmor vm6, vm14;
	v51 =	vmpcnt.ones.xlane vm13;
	v40 =	vadd.s32 v63, v40  }
0x22f: {  	vm13 =	vge.s32 v25, v36;
	vm1 =	vge.s32 v28, v36;
	v40 =	vadd.s32 v48, v40  }
0x230: {  	v50 =	vmpcnt.ones.xlane vm1;
	vm1 =	vge.s32 v24, v36;
	v40 =	vadd.s32 v49, v40  }
0x231: {  	v52 =	vmpcnt.ones.xlane vm13;
	v53 =	vmpcnt.ones.xlane vm1;
	vm1 =	vgt.s32 v40, v0  }
0x232: {  	v39 =	vsel vm1, v37, v54;
	v37 =	vsel vm1, v38, v37;
	vm1 =	vge.s32 v27, v36  }
0x233: {  	v54 =	vadd.s32 v50, v51;
	v55 =	vmpcnt.ones.xlane vm1;
	v56 =	vadd.s32 v37, v39  }
0x234: {  	vm1 =	vge.s32 v23, v36;
	v38 =	vadd.s32 v52, v54;
	v57 =	vshrl.u32 v56, $0x1  }
0x235: {  	v38 =	vadd.s32 v53, v38;
	v58 =	vmpcnt.ones.xlane vm1;
	vm1 =	vge.s32 v11, v57  }
0x236: {  	v38 =	vadd.s32 v61, v38;
	v59 =	vmpcnt.ones.xlane vm1;
	vm1 =	vge.s32 v13, v57  }
0x237: {  	v38 =	vadd.s32 v42, v38;
	v60 =	vmpcnt.ones.xlane vm1;
	vm1 =	vge.s32 v12, v57  }
0x238: {  	v38 =	vadd.s32 v55, v38;
	v61 =	vmpcnt.ones.xlane vm1;
	vm1 =	vge.s32 v10, v57  }
0x239: {  	v41 =	vadd.s32 v59, v60;
	v62 =	vmpcnt.ones.xlane vm1;
	vm1 =	vge.s32 v7, v57  }
0x23a: {  	v40 =	vadd.s32 v61, v41;
	v63 =	vmpcnt.ones.xlane vm1;
	vm1 =	vge.s32 v6, v57  }
0x23b: {  	v40 =	vadd.s32 v62, v40;
	v45 =	vmpcnt.ones.xlane vm1;
	vm1 =	vge.s32 v9, v57  }
0x23c: {  	v40 =	vadd.s32 v63, v40;
	v46 =	vmpcnt.ones.xlane vm1;
	vm1 =	vge.s32 v8, v57  }
0x23d: {  	v38 =	vadd.s32 v58, v38;
	v40 =	vadd.s32 v45, v40;
	v47 =	vmpcnt.ones.xlane vm1  }
0x23e: {  	v48 =	vsel vm12, $0x40000000, v2;
	vm1 =	vgt.s32 v38, v0;
	v40 =	vadd.s32 v46, v40  }
0x23f: {  	v49 =	vsel vm12, $0x20000000, v1;
	v38 =	vsel vm1, v48, v36;
	v40 =	vadd.s32 v47, v40  }
0x240: {  	v36 =	vsel vm1, v36, v49;
	v50 =	vadd.s32 v4, v38;
	vm1 =	vgt.s32 v40, v0  }
0x241: {  	v51 =	vxor.u32 v50, v36;
	v39 =	vsel vm1, v57, v39;
	v37 =	vsel vm1, v37, v57  }
0x242: {  	v41 =	vor.u32 v50, v36;
	v40 =	vshrl.u32 v51, $0x1;
	v52 =	vadd.s32 v37, v39  }
0x243: {  	vm8 =	vmor vm3, vm8;
	v40 =	vsub.s32 v41, v40;
	v53 =	vshrl.u32 v52, $0x1  }
0x244: {  	vm5 =	vmor vm5, vm15;
	vm1 =	vge.s32 v28, v40;
	vm12 =	vge.s32 v11, v53  }
0x245: {  	v42 =	vmpcnt.ones.xlane vm1;
	vm1 =	vge.s32 v13, v53;
	v54 =	vmpcnt.ones.xlane vm12  }
0x246: {  	vm12 =	vge.s32 v26, v40;
	v55 =	vmpcnt.ones.xlane vm1;
	vm1 =	vge.s32 v12, v53  }
0x247: {  	vm3 =	vmor vm4, vm11;
	v45 =	vmpcnt.ones.xlane vm12;
	v56 =	vmpcnt.ones.xlane vm1  }
0x248: {  	vm1 =	vge.s32 v10, v53;
	vm12 =	vge.s32 v25, v40;
	v43 =	vadd.s32 v54, v55  }
0x249: {  	v57 =	vmpcnt.ones.xlane vm1;
	vm1 =	vge.s32 v7, v53;
	v62 =	vmpcnt.ones.xlane vm12  }
0x24a: {  	v43 =	vadd.s32 v56, v43;
	v58 =	vmpcnt.ones.xlane vm1;
	vm1 =	vge.s32 v6, v53  }
0x24b: {  	v43 =	vadd.s32 v57, v43;
	v59 =	vmpcnt.ones.xlane vm1;
	vm1 =	vge.s32 v9, v53  }
0x24c: {  	v43 =	vadd.s32 v58, v43;
	v60 =	vmpcnt.ones.xlane vm1;
	vm1 =	vge.s32 v8, v53  }
0x24d: {  	vm12 =	vge.s32 v24, v40;
	v43 =	vadd.s32 v59, v43;
	v61 =	vmpcnt.ones.xlane vm1  }
0x24e: {  	vm2 =	vmor vm2, vm10;
	v52 =	vmpcnt.ones.xlane vm12;
	v43 =	vadd.s32 v60, v43  }
0x24f: {  	v42 =	vadd.s32 v42, v45;
	vm1 =	vge.s32 v21, v40;
	v43 =	vadd.s32 v61, v43  }
0x250: {  	v42 =	vadd.s32 v62, v42;
	v63 =	vmpcnt.ones.xlane vm1;
	vm12 =	vgt.s32 v43, v0  }
0x251: {  	vm1 =	vge.s32 v27, v40;
	v39 =	vsel vm12, v53, v39;
	v37 =	vsel vm12, v37, v53  }
0x252: {  	v54 =	vmpcnt.ones.xlane vm1;
	vm12 =	vge.s32 v22, v40;
	v55 =	vadd.s32 v37, v39  }
0x253: {  	vm1 =	vge.s32 v23, v40;
	v53 =	vmpcnt.ones.xlane vm12;
	v56 =	vshrl.u32 v55, $0x1  }
0x254: {  	v42 =	vadd.s32 v52, v42;
	v57 =	vmpcnt.ones.xlane vm1;
	vm1 =	vge.s32 v11, v56  }
0x255: {  	v41 =	vadd.s32 v53, v42;
	v58 =	vmpcnt.ones.xlane vm1;
	vm1 =	vge.s32 v13, v56  }
0x256: {  	v41 =	vadd.s32 v63, v41;
	v59 =	vmpcnt.ones.xlane vm1;
	vm1 =	vge.s32 v12, v56  }
0x257: {  	v41 =	vadd.s32 v54, v41;
	v60 =	vmpcnt.ones.xlane vm1;
	vm1 =	vge.s32 v10, v56  }
0x258: {  	v42 =	vadd.s32 v58, v59;
	v61 =	vmpcnt.ones.xlane vm1;
	vm1 =	vge.s32 v7, v56  }
0x259: {  	v42 =	vadd.s32 v60, v42;
	v62 =	vmpcnt.ones.xlane vm1;
	vm1 =	vge.s32 v6, v56  }
0x25a: {  	v42 =	vadd.s32 v61, v42;
	v63 =	vmpcnt.ones.xlane vm1;
	vm1 =	vge.s32 v9, v56  }
0x25b: {  	v42 =	vadd.s32 v62, v42;
	v52 =	vmpcnt.ones.xlane vm1;
	vm1 =	vge.s32 v8, v56  }
0x25c: {  	v41 =	vadd.s32 v57, v41;
	v53 =	vmpcnt.ones.xlane vm1;
	v42 =	vadd.s32 v63, v42  }
0x25d: {  	vm0 =	vmor vm0, vm9;
	vm1 =	vgt.s32 v41, v0;
	v42 =	vadd.s32 v52, v42  }
0x25e: {  	v46 =	vsel vm3, $0x3F800000, v5;
	v38 =	vsel vm1, v38, v40;
	v54 =	vadd.s32 v53, v42  }
0x25f: {  	v36 =	vsel vm1, v40, v36;
	v55 =	vadd.s32 v4, v38;
	vm1 =	vgt.s32 v54, v0  }
0x260: {  	v39 =	vsel vm1, v56, v39;
	v37 =	vsel vm1, v37, v56;
	v56 =	vxor.u32 v55, v36  }
0x261: {  	v40 =	vor.u32 v55, v36;
	v57 =	vadd.s32 v37, v39;
	v41 =	vshrl.u32 v56, $0x1  }
0x262: {  	v47 =	vsel vm6, $0x3F800000, v5;
	v42 =	vshrl.u32 v57, $0x1;
	v40 =	vsub.s32 v40, v41  }
0x263: {  	vm1 =	vge.s32 v11, v42;
	vm13 =	vge.s32 v27, v40;
	vm14 =	vge.s32 v13, v42  }
0x264: {  	vm15 =	vge.s32 v12, v42;
	vm11 =	vge.s32 v10, v42;
	v58 =	vmpcnt.ones.xlane vm1  }
0x265: {  	vm12 =	vge.s32 v7, v42;
	v59 =	vmpcnt.ones.xlane vm14;
	v44 =	vmpcnt.ones.xlane vm13  }
0x266: {  	vm1 =	vge.s32 v21, v40;
	v60 =	vmpcnt.ones.xlane vm15;
	v61 =	vmpcnt.ones.xlane vm11  }
0x267: {  	v62 =	vmpcnt.ones.xlane vm12;
	vm13 =	vge.s32 v6, v42;
	v41 =	vadd.s32 v58, v59  }
0x268: {  	vm14 =	vge.s32 v9, v42;
	vm15 =	vge.s32 v8, v42;
	v41 =	vadd.s32 v60, v41  }
0x269: {  	vm12 =	vge.s32 v28, v40;
	v63 =	vmpcnt.ones.xlane vm13;
	v41 =	vadd.s32 v61, v41  }
0x26a: {  	v48 =	vmpcnt.ones.xlane vm14;
	v49 =	vmpcnt.ones.xlane vm15;
	v41 =	vadd.s32 v62, v41  }
0x26b: {  	vm13 =	vge.s32 v24, v40;
	v50 =	vmpcnt.ones.xlane vm12;
	v41 =	vadd.s32 v63, v41  }
0x26c: {  	vm14 =	vge.s32 v26, v40;
	v51 =	vmpcnt.ones.xlane vm1;
	v41 =	vadd.s32 v48, v41  }
0x26d: {  	vm1 =	vge.s32 v25, v40;
	v52 =	vmpcnt.ones.xlane vm14;
	v41 =	vadd.s32 v49, v41  }
0x26e: {  	v53 =	vmpcnt.ones.xlane vm1;
	v54 =	vmpcnt.ones.xlane vm13;
	vm15 =	vgt.s32 v41, v0  }
0x26f: {  	vm1 =	vge.s32 v22, v40;
	v39 =	vsel vm15, v42, v39;
	v37 =	vsel vm15, v37, v42  }
0x270: {  	v56 =	vmpcnt.ones.xlane vm1;
	v55 =	vadd.s32 v50, v52;
	v57 =	vadd.s32 v37, v39  }
0x271: {  	vm1 =	vge.s32 v23, v40;
	v41 =	vadd.s32 v53, v55;
	v42 =	vshrl.u32 v57, $0x1  }
0x272: {  	v58 =	vmpcnt.ones.xlane vm1;
	v41 =	vadd.s32 v54, v41;
	vm1 =	vge.s32 v11, v42  }
0x273: {  	v41 =	vadd.s32 v56, v41;
	v59 =	vmpcnt.ones.xlane vm1;
	vm1 =	vge.s32 v13, v42  }
0x274: {  	v41 =	vadd.s32 v51, v41;
	v60 =	vmpcnt.ones.xlane vm1;
	vm1 =	vge.s32 v12, v42  }
0x275: {  	v41 =	vadd.s32 v44, v41;
	v61 =	vmpcnt.ones.xlane vm1;
	vm1 =	vge.s32 v10, v42  }
0x276: {  	v41 =	vadd.s32 v58, v41;
	v62 =	vmpcnt.ones.xlane vm1;
	vm1 =	vge.s32 v7, v42  }
0x277: {  	v44 =	vadd.s32 v59, v60;
	v63 =	vmpcnt.ones.xlane vm1;
	vm1 =	vge.s32 v6, v42  }
0x278: {  	v43 =	vadd.s32 v61, v44;
	v48 =	vmpcnt.ones.xlane vm1;
	vm1 =	vge.s32 v9, v42  }
0x279: {  	v53 =	vld [tilespmem:$0x1FFF0];
	v43 =	vadd.s32 v62, v43;
	v49 =	vmpcnt.ones.xlane vm1;
	vm1 =	vge.s32 v8, v42  }
0x27a: {  	v43 =	vadd.s32 v63, v43;
	v50 =	vmpcnt.ones.xlane vm1;
	vm1 =	vgt.s32 v41, v0  }
0x27b: {  	v51 =	vadd.s32 v48, v43;
	v36 =	vsel vm1, v40, v36;
	v43 =	vsel vm1, v38, v40  }
0x27c: {  	v45 =	vsel vm8, $0x3F800000, v5;
	v52 =	vadd.s32 v49, v51;
	v54 =	vxor.u32 v43, v36  }
0x27d: {  	v38 =	vadd.s32 v50, v52;
	v55 =	vand.u32 v43, v36;
	v40 =	vshrl.u32 v54, $0x1  }
0x27e: {  	vm1 =	vnez.u8 v53;
	vm10 =	vgt.s32 v38, v0;
	v48 =	vadd.s32 v40, v55  }
0x27f: {  	v38 =	vsel vm10, v42, v39;
	v37 =	vsel vm10, v37, v42;
	vm11 =	vge.s32 v25, v48  }
0x280: {  	v39 =	vadd.s32 v37, v38;
	vm12 =	vge.s32 v24, v48;
	vm13 =	vge.s32 v28, v48  }
0x281: {  	vm9 =	vge.s32 v26, v48;
	v40 =	vmpcnt.ones.xlane vm11;
	v41 =	vmpcnt.ones.xlane vm12  }
0x282: {  	v39 =	vshrl.u32 v39, $0x1;
	v42 =	vmpcnt.ones.xlane vm13;
	v58 =	vmpcnt.ones.xlane vm9  }
0x283: {  	vm9 =	vge.s32 v22, v48;
	vm14 =	vge.s32 v11, v39;
	vm15 =	vge.s32 v13, v39  }
0x284: {  	vm10 =	vge.s32 v12, v39;
	vm11 =	vge.s32 v10, v39;
	v55 =	vmpcnt.ones.xlane vm9  }
0x285: {  	vm12 =	vge.s32 v7, v39;
	v56 =	vmpcnt.ones.xlane vm14;
	v57 =	vmpcnt.ones.xlane vm15  }
0x286: {  	vm13 =	vge.s32 v6, v39;
	v59 =	vmpcnt.ones.xlane vm10;
	v60 =	vmpcnt.ones.xlane vm11  }
0x287: {  	v61 =	vmpcnt.ones.xlane vm12;
	v62 =	vmpcnt.ones.xlane vm13;
	v44 =	vadd.s32 v56, v57  }
0x288: {  	vm14 =	vge.s32 v9, v39;
	vm15 =	vge.s32 v8, v39;
	v44 =	vadd.s32 v59, v44  }
0x289: {  	vm10 =	vge.s32 v27, v48;
	vm11 =	vge.s32 v21, v48;
	v44 =	vadd.s32 v60, v44  }
0x28a: {  	v34 =	vld [tilespmem:s13+$0x0];
	v42 =	vadd.s32 v42, v58;
	v63 =	vmpcnt.ones.xlane vm14;
	v44 =	vadd.s32 v61, v44  }
0x28b: {  	v33 =	vld [tilespmem:s13+$0x30];
	vm13 =	vge.s32 v23, v48;
	v54 =	vmpcnt.ones.xlane vm15;
	v44 =	vadd.s32 v62, v44  }
0x28c: {  	v35 =	vld [tilespmem:s13+$0x10];
	v40 =	vadd.s32 v40, v42;
	v56 =	vmpcnt.ones.xlane vm11;
	v44 =	vadd.s32 v63, v44  }
0x28d: {  	v32 =	vld [tilespmem:s13+$0x20];
	v57 =	vmpcnt.ones.xlane vm10;
	v40 =	vadd.s32 v41, v40;
	v44 =	vadd.s32 v54, v44  }
0x28e: {  	v30 =	vld [tilespmem:s13+$0x40];
	v58 =	vadd.s32 v55, v40;
	v59 =	vmpcnt.ones.xlane vm13;
	vm12 =	vgt.s32 v44, v0  }
0x28f: {  	v31 =	vld [tilespmem:s13+$0x50];
	v50 =	vsel vm12, v39, v38;
	v49 =	vsel vm12, v37, v39;
	v37 =	vadd.s32 v56, v58  }
0x290: {  	v29 =	vld [tilespmem:s13+$0x60];
	vm1 =	vmor vm1, vm7;
	v38 =	vadd.s32 v49, v50;
	v37 =	vadd.s32 v57, v37  }
0x291: {  	v42 =	vld [tilespmem:s15+$0x0];
	v44 =	vsel vm5, $0x3F800000, v5;
	v52 =	vshrl.u32 v38, $0x1;
	v60 =	vadd.s32 v59, v37  }
0x292: {  	v41 =	vld [tilespmem:s15+$0x50];
	vm14 =	vge.s32 v11, v52;
	vm3 =	vge.s32 v13, v52;
	vm15 =	vgt.s32 v60, v0  }
0x293: {  	v40 =	vld [tilespmem:s15+$0x40];
	v53 =	vmpcnt.ones.xlane vm14;
	v54 =	vmpcnt.ones.xlane vm3;
	vm3 =	vge.s32 v12, v52  }
0x294: {  	v39 =	vld [tilespmem:s15+$0x30];
	v51 =	vsel vm15, v48, v36;
	v55 =	vmpcnt.ones.xlane vm3;
	vm3 =	vge.s32 v10, v52  }
0x295: {  	v38 =	vld [tilespmem:s15+$0x10];
	v53 =	vadd.s32 v53, v54;
	v61 =	vmpcnt.ones.xlane vm3;
	vm3 =	vge.s32 v7, v52  }
0x296: {  	v37 =	vld [tilespmem:s15+$0x20];
	v53 =	vadd.s32 v55, v53;
	v62 =	vmpcnt.ones.xlane vm3;
	vm3 =	vge.s32 v6, v52  }
0x297: {  	v36 =	vld [tilespmem:s15+$0x60];
	[tilespmem:s13+$0x4000] =	vst v47;
	v53 =	vadd.s32 v61, v53;
	v63 =	vmpcnt.ones.xlane vm3;
	vm3 =	vge.s32 v9, v52  }
0x298: {  	[tilespmem:s13+$0x4010] =	vst v44;
	v55 =	vadd.s32 v62, v53;
	v56 =	vmpcnt.ones.xlane vm3;
	vm3 =	vge.s32 v8, v52  }
0x299: {  	[tilespmem:s13+$0x4020] =	vst v45;
	v53 =	vsel vm15, v43, v48;
	v43 =	vsel vm2, $0x3F800000, v5;
	v54 =	vadd.s32 v63, v55  }
0x29a: {  	s16 =	simm.s32 $0x600;
	[tilespmem:s13+$0x4030] =	vst v46;
	v48 =	vmpcnt.ones.xlane vm3;
	v55 =	vadd.s32 v53, v51;
	v54 =	vadd.s32 v56, v54  }
.LBB2_2:
0x29b: {  	v55 =	vshrl.u32 v55, $0x1;
	v47 =	vmul.f32 v47, v34;
	v44 =	vmul.f32 v44, v35  }
0x29c: {  	v32 =	vmul.f32 v45, v32;
	v54 =	vadd.s32 v48, v54;
	v48 =	vsel vm0, $0x3F800000, v5  }
0x29d: {  	vm2 =	vge.s32 v27, v55;
	vm0 =	vge.s32 v23, v55;
	vm3 =	vgt.s32 v54, v0  }
0x29e: {  	vm5 =	vge.s32 v21, v55;
	v50 =	vsel vm3, v52, v50;
	v49 =	vsel vm3, v49, v52  }
0x29f: {  	vm4 =	vge.s32 v24, v55;
	vm7 =	vge.s32 v28, v55;
	v52 =	vadd.s32 v49, v50  }
0x2a0: {  	vm6 =	vge.s32 v25, v55;
	vm8 =	vge.s32 v26, v55;
	v52 =	vshrl.u32 v52, $0x1  }
0x2a1: {  	v57 =	vmpcnt.ones.xlane vm7;
	vm9 =	vge.s32 v11, v52;
	vm10 =	vge.s32 v13, v52  }
0x2a2: {  	vm15 =	vge.s32 v12, v52;
	v63 =	vmpcnt.ones.xlane vm9;
	v56 =	vmpcnt.ones.xlane vm10  }
0x2a3: {  	v59 =	vmpcnt.ones.xlane vm8;
	v58 =	vmpcnt.ones.xlane vm15;
	vm9 =	vge.s32 v10, v52  }
0x2a4: {  	vm10 =	vge.s32 v7, v52;
	v60 =	vmpcnt.ones.xlane vm9;
	v54 =	vadd.s32 v63, v56  }
0x2a5: {  	vm11 =	vge.s32 v6, v52;
	v61 =	vmpcnt.ones.xlane vm10;
	v54 =	vadd.s32 v58, v54  }
0x2a6: {  	vm12 =	vge.s32 v9, v52;
	v62 =	vmpcnt.ones.xlane vm11;
	v54 =	vadd.s32 v60, v54  }
0x2a7: {  	vm13 =	vge.s32 v8, v52;
	v58 =	vmpcnt.ones.xlane vm12;
	v54 =	vadd.s32 v61, v54  }
0x2a8: {  	vm3 =	vge.s32 v22, v55;
	v56 =	vmpcnt.ones.xlane vm13;
	v54 =	vadd.s32 v62, v54  }
0x2a9: {  	v57 =	vadd.s32 v57, v59;
	v60 =	vmpcnt.ones.xlane vm6;
	v54 =	vadd.s32 v58, v54  }
0x2aa: {  	v63 =	vmpcnt.ones.xlane vm4;
	v61 =	vmpcnt.ones.xlane vm5;
	v54 =	vadd.s32 v56, v54  }
0x2ab: {  	v60 =	vadd.s32 v60, v57;
	v62 =	vmpcnt.ones.xlane vm3;
	vm3 =	vgt.s32 v54, v0  }
0x2ac: {  	v63 =	vadd.s32 v63, v60;
	v56 =	vsel vm3, v52, v50;
	v52 =	vsel vm3, v49, v52  }
0x2ad: {  	v60 =	vmpcnt.ones.xlane vm2;
	v59 =	vadd.s32 v62, v63;
	v62 =	vadd.s32 v52, v56  }
0x2ae: {  	v63 =	vmpcnt.ones.xlane vm0;
	v49 =	vadd.s32 v61, v59;
	v54 =	vshrl.u32 v62, $0x1  }
0x2af: {  	v49 =	vadd.s32 v60, v49;
	vm0 =	vge.s32 v11, v54;
	vm2 =	vge.s32 v13, v54  }
0x2b0: {  	v60 =	vmpcnt.ones.xlane vm0;
	v61 =	vmpcnt.ones.xlane vm2;
	vm0 =	vge.s32 v12, v54  }
0x2b1: {  	v49 =	vadd.s32 v63, v49;
	v62 =	vmpcnt.ones.xlane vm0;
	vm0 =	vge.s32 v10, v54  }
0x2b2: {  	v50 =	vadd.s32 v60, v61;
	v63 =	vmpcnt.ones.xlane vm0;
	vm0 =	vge.s32 v7, v54  }
0x2b3: {  	v50 =	vadd.s32 v62, v50;
	v60 =	vmpcnt.ones.xlane vm0;
	vm0 =	vge.s32 v6, v54  }
0x2b4: {  	v50 =	vadd.s32 v63, v50;
	v61 =	vmpcnt.ones.xlane vm0;
	vm0 =	vge.s32 v9, v54  }
0x2b5: {  	v50 =	vadd.s32 v60, v50;
	v62 =	vmpcnt.ones.xlane vm0;
	vm0 =	vge.s32 v8, v54  }
0x2b6: {  	vm2 =	vgt.s32 v49, v0;
	v63 =	vadd.s32 v61, v50;
	v60 =	vmpcnt.ones.xlane vm0  }
0x2b7: {  	v51 =	vsel vm2, v55, v51;
	v50 =	vsel vm2, v53, v55;
	v49 =	vadd.s32 v62, v63  }
0x2b8: {  	v33 =	vmul.f32 v46, v33;
	v53 =	vadd.s32 v50, v51;
	v61 =	vadd.s32 v60, v49  }
0x2b9: {  	v49 =	vsel vm1, $0x3F800000, v5;
	v53 =	vshrl.u32 v53, $0x1;
	vm0 =	vgt.s32 v61, v0  }
0x2ba: {  	vm2 =	vge.s32 v23, v53;
	v55 =	vsel vm0, v54, v56;
	v52 =	vsel vm0, v52, v54  }
0x2bb: {  	vm5 =	vge.s32 v27, v53;
	vm3 =	vge.s32 v24, v53;
	v62 =	vadd.s32 v52, v55  }
0x2bc: {  	v34 =	vmovc v14;
	v14 =	vmovc v42;
	vm1 =	vge.s32 v22, v53;
	vm4 =	vge.s32 v25, v53;
	v42 =	vshrl.u32 v62, $0x1  }
0x2bd: {  	vm7 =	vge.s32 v28, v53;
	vm14 =	vge.s32 v11, v42;
	vm15 =	vge.s32 v13, v42  }
0x2be: {  	vm9 =	vge.s32 v12, v42;
	v63 =	vmpcnt.ones.xlane vm14;
	v60 =	vmpcnt.ones.xlane vm15  }
0x2bf: {  	vm0 =	vge.s32 v21, v53;
	vm10 =	vge.s32 v10, v42;
	v61 =	vmpcnt.ones.xlane vm9  }
0x2c0: {  	[tilespmem:s13+$0x6000] =	vst v47;
	vm11 =	vge.s32 v7, v42;
	v62 =	vmpcnt.ones.xlane vm10;
	v47 =	vadd.s32 v63, v60  }
0x2c1: {  	vm12 =	vge.s32 v6, v42;
	v63 =	vmpcnt.ones.xlane vm11;
	v47 =	vadd.s32 v61, v47  }
0x2c2: {  	vm13 =	vge.s32 v9, v42;
	v60 =	vmpcnt.ones.xlane vm12;
	v47 =	vadd.s32 v62, v47  }
0x2c3: {  	vm14 =	vge.s32 v8, v42;
	v61 =	vmpcnt.ones.xlane vm13;
	v47 =	vadd.s32 v63, v47  }
0x2c4: {  	vm15 =	vge.s32 v26, v53;
	v62 =	vmpcnt.ones.xlane vm14;
	v47 =	vadd.s32 v60, v47  }
0x2c5: {  	v56 =	vmpcnt.ones.xlane vm7;
	v59 =	vmpcnt.ones.xlane vm15;
	v47 =	vadd.s32 v61, v47  }
0x2c6: {  	v57 =	vmpcnt.ones.xlane vm5;
	v58 =	vmpcnt.ones.xlane vm2;
	v47 =	vadd.s32 v62, v47  }
0x2c7: {  	v54 =	vmpcnt.ones.xlane vm4;
	v63 =	vadd.s32 v56, v59;
	vm2 =	vgt.s32 v47, v0  }
0x2c8: {  	v60 =	vmpcnt.ones.xlane vm3;
	v55 =	vsel vm2, v42, v55;
	v52 =	vsel vm2, v52, v42  }
0x2c9: {  	v59 =	vadd.s32 v54, v63;
	v61 =	vmpcnt.ones.xlane vm1;
	v62 =	vadd.s32 v52, v55  }
0x2ca: {  	v63 =	vmpcnt.ones.xlane vm0;
	v42 =	vadd.s32 v60, v59;
	v54 =	vshrl.u32 v62, $0x1  }
0x2cb: {  	v42 =	vadd.s32 v61, v42;
	vm0 =	vge.s32 v11, v54;
	vm1 =	vge.s32 v13, v54  }
0x2cc: {  	v60 =	vmpcnt.ones.xlane vm0;
	v61 =	vmpcnt.ones.xlane vm1;
	vm0 =	vge.s32 v12, v54  }
0x2cd: {  	v42 =	vadd.s32 v63, v42;
	v62 =	vmpcnt.ones.xlane vm0;
	vm0 =	vge.s32 v10, v54  }
0x2ce: {  	v47 =	vadd.s32 v60, v61;
	v63 =	vmpcnt.ones.xlane vm0;
	vm0 =	vge.s32 v7, v54  }
0x2cf: {  	v47 =	vadd.s32 v62, v47;
	v60 =	vmpcnt.ones.xlane vm0;
	vm0 =	vge.s32 v6, v54  }
0x2d0: {  	v47 =	vadd.s32 v63, v47;
	v61 =	vmpcnt.ones.xlane vm0;
	vm0 =	vge.s32 v9, v54  }
0x2d1: {  	v47 =	vadd.s32 v60, v47;
	v62 =	vmpcnt.ones.xlane vm0;
	vm0 =	vge.s32 v8, v54  }
0x2d2: {  	v42 =	vadd.s32 v57, v42;
	v47 =	vadd.s32 v61, v47;
	v63 =	vmpcnt.ones.xlane vm0  }
0x2d3: {  	v30 =	vmul.f32 v43, v30;
	v42 =	vadd.s32 v58, v42;
	v47 =	vadd.s32 v62, v47  }
0x2d4: {  	v35 =	vmovc v15;
	v31 =	vmul.f32 v48, v31;
	vm0 =	vgt.s32 v42, v0;
	v47 =	vadd.s32 v63, v47  }
0x2d5: {  	v15 =	vmovc v38;
	v38 =	vsel vm0, v53, v51;
	v42 =	vsel vm0, v50, v53;
	vm1 =	vgt.s32 v47, v0  }
0x2d6: {  	[tilespmem:s13+$0x4040] =	vst v43;
	v53 =	vadd.s32 v42, v38;
	v51 =	vsel vm1, v54, v55;
	v52 =	vsel vm1, v52, v54  }
0x2d7: {  	[tilespmem:s13+$0x4050] =	vst v48;
	v48 =	vimm.s32 $0x0;
	v43 =	vshrl.u32 v53, $0x1;
	v54 =	vadd.s32 v52, v51  }
0x2d8: {  	vm0 =	vge.s32 v23, v43;
	vm3 =	vge.s32 v21, v43;
	v46 =	vshrl.u32 v54, $0x1  }
0x2d9: {  	vm10 =	vge.s32 v22, v43;
	vm1 =	vge.s32 v11, v46;
	vm2 =	vge.s32 v13, v46  }
0x2da: {  	v55 =	vmpcnt.ones.xlane vm1;
	v56 =	vmpcnt.ones.xlane vm2;
	vm2 =	vge.s32 v12, v46  }
0x2db: {  	[tilespmem:s13+$0x6020] =	vst v32;
	vm11 =	vge.s32 v28, v43;
	v57 =	vmpcnt.ones.xlane vm2;
	vm2 =	vge.s32 v10, v46  }
0x2dc: {  	v32 =	vmovc v16;
	v16 =	vmovc v37;
	v37 =	vadd.s32 v55, v56;
	v58 =	vmpcnt.ones.xlane vm2;
	vm2 =	vge.s32 v7, v46  }
0x2dd: {  	v37 =	vadd.s32 v57, v37;
	v59 =	vmpcnt.ones.xlane vm2;
	vm2 =	vge.s32 v6, v46  }
0x2de: {  	v37 =	vadd.s32 v58, v37;
	v60 =	vmpcnt.ones.xlane vm2;
	vm2 =	vge.s32 v9, v46  }
0x2df: {  	[tilespmem:s13+$0x6030] =	vst v33;
	v37 =	vadd.s32 v59, v37;
	v61 =	vmpcnt.ones.xlane vm2;
	vm2 =	vge.s32 v8, v46  }
0x2e0: {  	[tilespmem:s13+$0x6040] =	vst v30;
	vm12 =	vge.s32 v25, v43;
	v37 =	vadd.s32 v60, v37;
	v62 =	vmpcnt.ones.xlane vm2  }
0x2e1: {  	v33 =	vmovc v17;
	v17 =	vmovc v39;
	vm13 =	vge.s32 v26, v43;
	v39 =	vmpcnt.ones.xlane vm3;
	v37 =	vadd.s32 v61, v37  }
0x2e2: {  	[tilespmem:s13+$0x6050] =	vst v31;
	v30 =	vmovc v18;
	v63 =	vmpcnt.ones.xlane vm11;
	v53 =	vmpcnt.ones.xlane vm12;
	v37 =	vadd.s32 v62, v37  }
0x2e3: {  	v18 =	vmovc v40;
	v31 =	vmovc v19;
	v50 =	vmpcnt.ones.xlane vm0;
	vm1 =	vge.s32 v27, v43;
	vm3 =	vgt.s32 v37, v0  }
0x2e4: {  	v19 =	vmovc v41;
	vm2 =	vge.s32 v24, v43;
	v40 =	vsel vm3, v46, v51;
	v41 =	vsel vm3, v52, v46  }
0x2e5: {  	v54 =	vmpcnt.ones.xlane vm2;
	v52 =	vmpcnt.ones.xlane vm13;
	v46 =	vadd.s32 v41, v40  }
0x2e6: {  	v37 =	vmpcnt.ones.xlane vm10;
	v51 =	vmul.f32 v49, v29;
	v46 =	vshrl.u32 v46, $0x1  }
0x2e7: {  	[tilespmem:s13+$0x6010] =	vst v44;
	v44 =	vadd.s32 v63, v52;
	v63 =	vmpcnt.ones.xlane vm1;
	vm2 =	vge.s32 v11, v46  }
0x2e8: {  	vm3 =	vge.s32 v13, v46;
	v44 =	vadd.s32 v53, v44;
	v55 =	vmpcnt.ones.xlane vm2  }
0x2e9: {  	v56 =	vmpcnt.ones.xlane vm3;
	vm2 =	vge.s32 v12, v46;
	v44 =	vadd.s32 v54, v44  }
0x2ea: {  	v57 =	vmpcnt.ones.xlane vm2;
	vm2 =	vge.s32 v10, v46;
	v37 =	vadd.s32 v37, v44  }
0x2eb: {  	v45 =	vadd.s32 v55, v56;
	v58 =	vmpcnt.ones.xlane vm2;
	vm2 =	vge.s32 v7, v46  }
0x2ec: {  	v45 =	vadd.s32 v57, v45;
	v59 =	vmpcnt.ones.xlane vm2;
	vm2 =	vge.s32 v6, v46  }
0x2ed: {  	v45 =	vadd.s32 v58, v45;
	v60 =	vmpcnt.ones.xlane vm2;
	vm2 =	vge.s32 v9, v46  }
0x2ee: {  	v45 =	vadd.s32 v59, v45;
	v61 =	vmpcnt.ones.xlane vm2;
	vm2 =	vge.s32 v8, v46  }
0x2ef: {  	v37 =	vadd.s32 v39, v37;
	v45 =	vadd.s32 v60, v45;
	v62 =	vmpcnt.ones.xlane vm2  }
0x2f0: {  	[tilespmem:s13+$0x4060] =	vst v49;
	v49 =	vimm.s32 $0x0;
	v37 =	vadd.s32 v63, v37;
	v45 =	vadd.s32 v61, v45  }
0x2f1: {  	v63 =	vimm.s32 $0x0;
	v37 =	vadd.s32 v50, v37;
	v45 =	vadd.s32 v62, v45  }
0x2f2: {  	v50 =	vimm.s32 $0x0;
	v61 =	vimm.s32 $0x0;
	vm0 =	vgt.s32 v45, v0  }
0x2f3: {  	v29 =	vmovc v20;
	v52 =	vsel vm0, v46, v40;
	v53 =	vsel vm0, v41, v46;
	vm0 =	vgt.s32 v37, v0  }
0x2f4: {  	v20 =	vmovc v36;
	v40 =	vadd.s32 v53, v52;
	v36 =	vsel vm0, v43, v38;
	v37 =	vsel vm0, v42, v43  }
0x2f5: {  	v53 =	vimm.s32 $0x0;
	v40 =	vshrl.u32 v40, $0x1;
	v38 =	vadd.s32 v37, v36  }
0x2f6: {  	vm0 =	vge.s32 v11, v40;
	vm1 =	vge.s32 v13, v40;
	v38 =	vshrl.u32 v38, $0x1  }
0x2f7: {  	v54 =	vmpcnt.ones.xlane vm0;
	v55 =	vmpcnt.ones.xlane vm1;
	vm0 =	vge.s32 v12, v40  }
0x2f8: {  	vm1 =	vge.s32 v23, v38;
	vm14 =	vge.s32 v25, v38;
	vm8 =	vge.s32 v26, v38  }
0x2f9: {  	v56 =	vmpcnt.ones.xlane vm0;
	vm0 =	vge.s32 v10, v40;
	v44 =	vsel vm1, $0xFFFFFFFF, v61  }
0x2fa: {  	v41 =	vadd.s32 v54, v55;
	v57 =	vmpcnt.ones.xlane vm0;
	vm0 =	vge.s32 v7, v40  }
0x2fb: {  	v54 =	vimm.s32 $0x0;
	v55 =	vimm.s32 $0x0;
	v41 =	vadd.s32 v56, v41  }
0x2fc: {  	v58 =	vmpcnt.ones.xlane vm0;
	vm0 =	vge.s32 v6, v40;
	v56 =	vimm.s32 $0x0  }
0x2fd: {  	v41 =	vadd.s32 v57, v41;
	v59 =	vmpcnt.ones.xlane vm0;
	vm0 =	vge.s32 v9, v40  }
0x2fe: {  	v57 =	vimm.s32 $0x0;
	v60 =	vmpcnt.ones.xlane vm0;
	vm0 =	vge.s32 v8, v40  }
0x2ff: {  	v41 =	vadd.s32 v58, v41;
	v62 =	vmpcnt.ones.xlane vm0;
	vm0 =	vge.s32 v21, v38  }
0x300: {  	[tilespmem:$0x1FF50] =	vst v44;
	v41 =	vadd.s32 v59, v41;
	v44 =	vsel vm0, $0xFFFFFFFF, v63;
	vm0 =	vge.s32 v27, v38  }
0x301: {  	v41 =	vadd.s32 v60, v41;
	[tilespmem:$0x1FF30] =	vst v44;
	v44 =	vsel vm0, $0xFFFFFFFF, v48;
	vm0 =	vge.s32 v24, v38  }
0x302: {  	v58 =	vimm.s32 $0x0;
	v41 =	vadd.s32 v62, v41;
	v43 =	vsel vm0, $0xFFFFFFFF, v49  }
0x303: {  	vm0 =	vge.s32 v22, v38;
	vm1 =	vgt.s32 v41, v0;
	v49 =	vmpcnt.ones.xlane vm8  }
0x304: {  	[tilespmem:$0x1FF10] =	vst v43;
	v43 =	vsel vm0, $0xFFFFFFFF, v50;
	vm0 =	vge.s32 v28, v38;
	v39 =	vsel vm1, v40, v52  }
0x305: {  	[tilespmem:s13+$0x6060] =	vst v51;
	v52 =	vimm.s32 $0x0;
	v50 =	vmpcnt.ones.xlane vm14;
	v51 =	vmpcnt.ones.xlane vm0  }
0x306: {  	vm12 =	vgt.s32 v6, v39;
	vm1 =	vgt.s32 v9, v39;
	vm7 =	vgt.s32 v8, v39  }
0x307: {  	vm4 =	vgt.s32 v12, v39;
	vm5 =	vgt.s32 v10, v39;
	vm13 =	vgt.s32 v7, v39  }
0x308: {  	vm3 =	vgt.s32 v11, v39;
	vm2 =	vgt.s32 v13, v39;
	vm6 =	veq.s32 v11, v39  }
0x309: {  	vm9 =	veq.s32 v13, v39;
	vm11 =	veq.s32 v12, v39;
	vm15 =	veq.s32 v9, v39  }
0x30a: {  	v11 =	vmovc v28;
	v9 =	vmovc v27;
	vm10 =	veq.s32 v10, v39;
	v27 =	vmpcnt.ones.xlane vm7;
	v28 =	vmpcnt.ones.xlane vm15  }
0x30b: {  	vm0 =	veq.s32 v8, v39;
	v59 =	vmpcnt.ones.xlane vm12;
	v60 =	vmpcnt.ones.xlane vm1  }
0x30c: {  	v12 =	vmovc v25;
	v8 =	vmovc v23;
	v40 =	vsel vm12, $0xFFFFFFFF, v52;
	v23 =	vmpcnt.ones.xlane vm4;
	v25 =	vmpcnt.ones.xlane vm13  }
0x30d: {  	v10 =	vmovc v24;
	v13 =	vmovc v26;
	v24 =	vsel vm0, $0x1, v1;
	v26 =	vmpcnt.ones.xlane vm3;
	v61 =	vmpcnt.ones.xlane vm2  }
0x30e: {  	[tilespmem:$0x1FF40] =	vst v44;
	vm12 =	veq.s32 v7, v39;
	v7 =	vmovc v22;
	v22 =	vmpcnt.ones.xlane vm6;
	v62 =	vmpcnt.ones.xlane vm11  }
0x30f: {  	[tilespmem:$0x1FF20] =	vst v43;
	v63 =	vmpcnt.ones.xlane vm10;
	v47 =	vsel vm0, $0xFFFFFFFF, v1;
	vm14 =	vmmov vm6  }
0x310: {  	[tilespmem:$0x1FFB0] =	vst v40;
	v40 =	vsel vm1, $0xFFFFFFFF, v53;
	(xrf0) =	vadd.scan.msk.s32 $0xffff, v24;
	v24 =	vmpcnt.ones.xlane vm9  }
0x311: {  	v52 =	vld [tilespmem:$0x1FF20];
	v44 =	vsel vm11, $0xFFFFFFFF, v1;
	[tilespmem:$0x1FFD0] =	vst v40;
	v40 =	vsel vm4, $0xFFFFFFFF, v54;
	v26 =	vadd.s32 v61, v26  }
0x312: {  	[tilespmem:$0x1FF80] =	vst v40;
	v40 =	vsel vm5, $0xFFFFFFFF, v55;
	v26 =	vadd.s32 v23, v26;
	v23 =	vadd.s32 v22, v24  }
0x313: {  	[tilespmem:$0x1FF90] =	vst v40;
	v40 =	vsel vm13, $0xFFFFFFFF, v56;
	vm13 =	veq.s32 v6, v39;
	v6 =	vmovc v21;
	v21 =	vmpcnt.ones.xlane vm5  }
0x314: {  	v41 =	vadd.s32 v51, v49;
	v24 =	vadd.s32 v23, v62;
	[tilespmem:$0x1FFA0] =	vst v40;
	v40 =	vsel vm3, $0xFFFFFFFF, v57  }
0x315: {  	v51 =	vld [tilespmem:$0x1FF10];
	v46 =	vmpcnt.ones.xlane vm13;
	v21 =	vadd.s32 v21, v26;
	v26 =	vmpcnt.ones.xlane vm12  }
0x316: {  	vm3 =	vnez.u8 v52;
	v21 =	vadd.s32 v25, v21;
	v25 =	vadd.s32 v24, v63  }
0x317: {  	v53 =	vld [tilespmem:$0x1FF30];
	[tilespmem:$0x1FF60] =	vst v40;
	v40 =	vsel vm2, $0xFFFFFFFF, v58;
	v48, _, _ =	vpop (xrf0);
	v21 =	vadd.s32 v59, v21;
	v26 =	vadd.s32 v25, v26  }
0x318: {  	[tilespmem:$0x1FF70] =	vst v40;
	v40 =	vadd.s32 v47, v48;
	v21 =	vadd.s32 v60, v21;
	v39 =	vadd.s32 v26, v46  }
0x319: {  	v54 =	vld [tilespmem:$0x1FF40];
	v57 =	vsel vm9, $0x1, v1;
	v21 =	vadd.s32 v27, v21;
	v27 =	vadd.s32 v39, v40  }
0x31a: {  	v56 =	vld [tilespmem:$0x1FF50];
	vm2 =	vnez.u8 v51;
	v21 =	vsub.s32 $0x59, v21;
	v27 =	vadd.s32 v28, v27  }
0x31b: {  	v42 =	vmpcnt.ones.xlane vm2;
	v40 =	vmpcnt.ones.xlane vm3;
	vm2 =	vlt.s32 v27, v21  }
0x31c: {  	(xrf0) =	vadd.scan.msk.s32 $0xffff, v57;
	v27 =	vadd.s32 v50, v41;
	vm0 =	vmand vm0, vm2;
	vm2 =	vnez.u8 v53  }
0x31d: {  	v45 =	vsel vm12, $0xFFFFFFFF, v1;
	v27 =	vadd.s32 v42, v27;
	v41 =	vmpcnt.ones.xlane vm2  }
0x31e: {  	s13 =	smov.u32 s14;
	vm0 =	vmor vm7, vm0;
	v27 =	vadd.s32 v40, v27;
	vm2 =	vnez.u8 v54  }
0x31f: {  	v28 =	vld [tilespmem:s13+$0x70];
	v40 =	vmpcnt.ones.xlane vm2;
	v55 =	vsel vm0, $0x3F800000, v5;
	vm0 =	vnez.u8 v56  }
0x320: {  	vm5 =	vmmov vm15;
	v27 =	vadd.s32 v41, v27;
	v41 =	vmpcnt.ones.xlane vm0  }
0x321: {  	v43 =	vsel vm13, $0xFFFFFFFF, v1;
	v58 =	vsel vm11, $0x1, v1;
	v27 =	vadd.s32 v40, v27  }
0x322: {  	v59 =	vsel vm10, $0x1, v1;
	v42 =	vsel vm9, $0xFFFFFFFF, v1;
	v63, _, _ =	vpop (xrf0);
	v27 =	vadd.s32 v41, v27  }
0x323: {  	v47 =	vsel vm15, $0xFFFFFFFF, v1;
	v42 =	vadd.s32 v42, v63;
	vm0 =	vgt.s32 v27, v0  }
0x324: {  	(xrf0) =	vadd.scan.msk.s32 $0xffff, v58;
	v28 =	vmul.f32 v55, v28;
	v36 =	vsel vm0, v38, v36;
	v37 =	vsel vm0, v37, v38  }
0x325: {  	v60 =	vsel vm12, $0x1, v1;
	(xrf0) =	vadd.scan.msk.s32 $0xffff, v59;
	v22 =	vadd.s32 v22, v42;
	v61 =	vadd.s32 v37, v36  }
0x326: {  	[tilespmem:s13+$0x6070] =	vst v28;
	v28 =	vsel vm15, $0x1, v1;
	v41 =	vsel vm10, $0xFFFFFFFF, v1;
	v40 =	vshrl.u32 v61, $0x1  }
0x327: {  	(xrf0) =	vadd.scan.msk.s32 $0xffff, v60;
	v27 =	vsel vm13, $0x1, v1;
	vm0 =	vge.s32 v11, v40;
	vm1 =	vge.s32 v13, v40  }
0x328: {  	(xrf0) =	vadd.scan.msk.s32 $0xffff, v27;
	v27 =	vmpcnt.ones.xlane vm0;
	v62 =	vmpcnt.ones.xlane vm1;
	vm0 =	vge.s32 v12, v40  }
0x329: {  	v38 =	vsel vm6, $0x1, v1;
	(xrf0) =	vadd.scan.msk.s32 $0xffff, v28;
	v28 =	vmpcnt.ones.xlane vm0;
	vm0 =	vge.s32 v10, v40  }
0x32a: {  	[tilespmem:s13+$0x4070] =	vst v55;
	v27 =	vadd.s32 v27, v62;
	v55 =	vmpcnt.ones.xlane vm0;
	vm0 =	vge.s32 v7, v40  }
0x32b: {  	v27 =	vadd.s32 v28, v27;
	v28 =	vmpcnt.ones.xlane vm0;
	vm0 =	vge.s32 v6, v40  }
0x32c: {  	v56, _, _ =	vpop (xrf0);
	v27 =	vadd.s32 v55, v27;
	v58 =	vmpcnt.ones.xlane vm0;
	vm0 =	vge.s32 v9, v40  }
0x32d: {  	v57, _, _ =	vpop (xrf0);
	(xrf0) =	vadd.scan.msk.s32 $0xffff, v38;
	v27 =	vadd.s32 v28, v27;
	v28 =	vmpcnt.ones.xlane vm0;
	vm0 =	vge.s32 v8, v40  }
0x32e: {  	v59, _, _ =	vpop (xrf0);
	v41 =	vadd.s32 v41, v57;
	v27 =	vadd.s32 v58, v27;
	v61 =	vmpcnt.ones.xlane vm0  }
0x32f: {  	v45 =	vadd.s32 v45, v59;
	v24 =	vadd.s32 v24, v41;
	v27 =	vadd.s32 v28, v27  }
0x330: {  	v25 =	vadd.s32 v25, v45;
	vm3 =	vlt.s32 v24, v21;
	v27 =	vadd.s32 v61, v27  }
0x331: {  	vm4 =	vlt.s32 v25, v21;
	vm10 =	vmand vm10, vm3;
	v60, _, _ =	vpop (xrf0);
	vm0 =	vgt.s32 v27, v0  }
0x332: {  	v62, _, _ =	vpop (xrf0);
	v28 =	vadd.s32 v44, v56;
	v36 =	vsel vm0, v40, v36;
	v37 =	vsel vm0, v37, v40  }
0x333: {  	v43 =	vadd.s32 v43, v60;
	v63, _, _ =	vpop (xrf0);
	v23 =	vadd.s32 v23, v28;
	v28 =	vadd.s32 v37, v36  }
0x334: {  	v26 =	vadd.s32 v26, v43;
	v38 =	vsub.s32 v63, v38;
	v28 =	vshrl.u32 v28, $0x1  }
0x335: {  	v27 =	vadd.s32 v47, v62;
	vm0 =	vge.s32 v11, v28;
	vm1 =	vge.s32 v13, v28  }
0x336: {  	v45 =	vmpcnt.ones.xlane vm0;
	v46 =	vmpcnt.ones.xlane vm1;
	vm0 =	vge.s32 v12, v28  }
0x337: {  	vm1 =	vge.s32 v10, v28;
	v47 =	vmpcnt.ones.xlane vm0;
	vm0 =	vlt.s32 v38, v21  }
0x338: {  	v49 =	vmpcnt.ones.xlane vm1;
	vm1 =	vge.s32 v7, v28;
	v48 =	vadd.s32 v45, v46  }
0x339: {  	v50 =	vmpcnt.ones.xlane vm1;
	vm1 =	vge.s32 v6, v28;
	v38 =	vadd.s32 v47, v48  }
0x33a: {  	v51 =	vmpcnt.ones.xlane vm1;
	vm1 =	vge.s32 v9, v28;
	v38 =	vadd.s32 v49, v38  }
0x33b: {  	v52 =	vmpcnt.ones.xlane vm1;
	vm1 =	vge.s32 v8, v28;
	v38 =	vadd.s32 v50, v38  }
0x33c: {  	s14 =	smov.u32 s15;
	s15 =	sshra.s32 s16, $0x2;
	vm6 =	vlt.s32 v26, v21;
	v53 =	vmpcnt.ones.xlane vm1;
	v38 =	vadd.s32 v51, v38  }
0x33d: {  	vm2 =	vlt.s32 v23, v21;
	v23 =	vld [tilespmem:s15+$0x2070];
	vm1 =	vlt.s32 v22, v21;
	v22 =	vadd.s32 v52, v38  }
0x33e: {  	v27 =	vadd.s32 v39, v27;
	vm11 =	vmand vm11, vm2;
	v22 =	vadd.s32 v53, v22  }
0x33f: {  	vm14 =	vmand vm14, vm0;
	vm0 =	vlt.s32 v27, v21;
	vm7 =	vgt.s32 v22, v0  }
0x340: {  	v25 =	vld [tilespmem:s15+$0x2020];
	vm15 =	vmand vm9, vm1;
	v54 =	vsel vm7, v28, v36;
	v55 =	vsel vm7, v37, v28  }
0x341: {  	vm9 =	vmand vm12, vm4;
	vm1 =	vmand vm13, vm6;
	v21 =	vadd.s32 v55, v54  }
0x342: {  	vm12 =	vgt.s32 v23, $0x1FFFFFFF;
	v56 =	vshrl.u32 v21, $0x1;
	v21 =	vimm.s32 $0x0  }
0x343: {  	v21 =	vsel vm1, $0xFFFFFFFF, v21;
	vm1 =	vge.s32 v11, v56;
	vm2 =	vge.s32 v13, v56  }
0x344: {  	v27 =	vld [tilespmem:s15+$0x2060];
	v26 =	vmpcnt.ones.xlane vm1;
	v28 =	vmpcnt.ones.xlane vm2;
	vm2 =	vge.s32 v12, v56  }
0x345: {  	v22 =	vld [tilespmem:s15+$0x2040];
	vm7 =	vgt.s32 v25, $0x1FFFFFFF;
	v57 =	vmpcnt.ones.xlane vm2;
	vm2 =	vge.s32 v10, v56  }
0x346: {  	[tilespmem:$0x1FFC0] =	vst v21;
	v21 =	vld [tilespmem:s15+$0x2050];
	v26 =	vadd.s32 v26, v28;
	v58 =	vmpcnt.ones.xlane vm2;
	vm2 =	vge.s32 v7, v56  }
0x347: {  	v24 =	vld [tilespmem:s15+$0x2030];
	v36 =	vadd.s32 v57, v26;
	v59 =	vmpcnt.ones.xlane vm2;
	vm2 =	vge.s32 v6, v56  }
0x348: {  	v28 =	vld [tilespmem:s15+$0x2000];
	v36 =	vadd.s32 v58, v36;
	v60 =	vmpcnt.ones.xlane vm2;
	vm2 =	vge.s32 v9, v56  }
0x349: {  	v26 =	vld [tilespmem:s15+$0x2010];
	v36 =	vadd.s32 v59, v36;
	v61 =	vmpcnt.ones.xlane vm2;
	vm2 =	vge.s32 v8, v56  }
0x34a: {  	vm1 =	vgt.s32 v27, $0x1FFFFFFF;
	v36 =	vadd.s32 v60, v36;
	v62 =	vmpcnt.ones.xlane vm2  }
0x34b: {  	vm4 =	vgt.s32 v22, $0x1FFFFFFF;
	vm3 =	vgt.s32 v21, $0x1FFFFFFF;
	v46 =	vadd.s32 v61, v36  }
0x34c: {  	vm2 =	vgt.s32 v24, $0x1FFFFFFF;
	v47 =	vmpcnt.ones.xlane vm3;
	v46 =	vadd.s32 v62, v46  }
0x34d: {  	vm6 =	vgt.s32 v28, $0x1FFFFFFF;
	v57 =	vmpcnt.ones.xlane vm2;
	vm3 =	vgt.s32 v46, v0  }
0x34e: {  	vm8 =	vgt.s32 v26, $0x1FFFFFFF;
	v43 =	vsel vm3, v56, v54;
	v44 =	vsel vm3, v55, v56  }
0x34f: {  	v63 =	vmpcnt.ones.xlane vm6;
	v54 =	vmpcnt.ones.xlane vm8;
	v55 =	vadd.s32 v44, v43  }
0x350: {  	v46 =	vmpcnt.ones.xlane vm4;
	v56 =	vmpcnt.ones.xlane vm7;
	v49 =	vshrl.u32 v55, $0x1  }
0x351: {  	v45 =	vadd.s32 v63, v54;
	vm2 =	vge.s32 v11, v49;
	vm3 =	vge.s32 v13, v49  }
0x352: {  	v58 =	vmpcnt.ones.xlane vm2;
	v59 =	vmpcnt.ones.xlane vm3;
	vm2 =	vge.s32 v12, v49  }
0x353: {  	v45 =	vadd.s32 v56, v45;
	v60 =	vmpcnt.ones.xlane vm2;
	vm2 =	vge.s32 v10, v49  }
0x354: {  	v48 =	vadd.s32 v58, v59;
	v61 =	vmpcnt.ones.xlane vm2;
	vm2 =	vge.s32 v7, v49  }
0x355: {  	v48 =	vadd.s32 v60, v48;
	v62 =	vmpcnt.ones.xlane vm2;
	vm2 =	vge.s32 v6, v49  }
0x356: {  	v48 =	vadd.s32 v61, v48;
	v63 =	vmpcnt.ones.xlane vm2;
	vm2 =	vge.s32 v9, v49  }
0x357: {  	v48 =	vadd.s32 v62, v48;
	v54 =	vmpcnt.ones.xlane vm2;
	vm2 =	vge.s32 v8, v49  }
0x358: {  	v45 =	vadd.s32 v57, v45;
	v48 =	vadd.s32 v63, v48;
	v55 =	vmpcnt.ones.xlane vm2  }
0x359: {  	v56 =	vmpcnt.ones.xlane vm1;
	v45 =	vadd.s32 v46, v45;
	v48 =	vadd.s32 v54, v48  }
0x35a: {  	v57 =	vmpcnt.ones.xlane vm12;
	v45 =	vadd.s32 v47, v45;
	v48 =	vadd.s32 v55, v48  }
0x35b: {  	v45 =	vadd.s32 v56, v45;
	vm1 =	vgt.s32 v48, v0  }
0x35c: {  	v45 =	vadd.s32 v57, v45;
	v43 =	vsel vm1, v49, v43;
	v44 =	vsel vm1, v44, v49  }
0x35d: {  	vm7 =	vmand vm5, vm0;
	vm0 =	vgt.s32 v45, v0;
	v58 =	vadd.s32 v44, v43  }
0x35e: {  	v46 =	vsel vm0, $0x30000000, v3;
	v45 =	vshrl.u32 v58, $0x1  }
0x35f: {  	vm4 =	vge.s32 v21, v46;
	vm2 =	vge.s32 v11, v45;
	vm3 =	vge.s32 v13, v45  }
0x360: {  	v61 =	vmpcnt.ones.xlane vm2;
	v62 =	vmpcnt.ones.xlane vm3;
	vm3 =	vge.s32 v12, v45  }
0x361: {  	vm13 =	vge.s32 v28, v46;
	v63 =	vmpcnt.ones.xlane vm3;
	vm3 =	vge.s32 v10, v45  }
0x362: {  	v59 =	vld [tilespmem:$0x1FF60];
	v47 =	vadd.s32 v61, v62;
	v52 =	vmpcnt.ones.xlane vm3;
	vm3 =	vge.s32 v7, v45  }
0x363: {  	v60 =	vld [tilespmem:$0x1FF70];
	v47 =	vadd.s32 v63, v47;
	v53 =	vmpcnt.ones.xlane vm3;
	vm3 =	vge.s32 v6, v45  }
0x364: {  	v47 =	vadd.s32 v52, v47;
	v54 =	vmpcnt.ones.xlane vm3;
	vm3 =	vge.s32 v9, v45  }
0x365: {  	v47 =	vadd.s32 v53, v47;
	v55 =	vmpcnt.ones.xlane vm3;
	vm3 =	vge.s32 v8, v45  }
0x366: {  	v57 =	vmpcnt.ones.xlane vm13;
	v47 =	vadd.s32 v54, v47;
	v56 =	vmpcnt.ones.xlane vm3  }
0x367: {  	v48 =	vmpcnt.ones.xlane vm4;
	vm1 =	vnez.u8 v59;
	v47 =	vadd.s32 v55, v47  }
0x368: {  	vm8 =	vmor vm1, vm14;
	vm1 =	vnez.u8 v60;
	v47 =	vadd.s32 v56, v47  }
0x369: {  	vm14 =	vge.s32 v25, v46;
	vm6 =	vmor vm1, vm15;
	vm4 =	vgt.s32 v47, v0  }
0x36a: {  	vm15 =	vge.s32 v26, v46;
	v43 =	vsel vm4, v45, v43;
	v44 =	vsel vm4, v44, v45  }
0x36b: {  	v58 =	vmpcnt.ones.xlane vm15;
	vm3 =	vge.s32 v24, v46;
	v59 =	vadd.s32 v44, v43  }
0x36c: {  	v60 =	vmpcnt.ones.xlane vm14;
	v61 =	vmpcnt.ones.xlane vm3;
	v50 =	vshrl.u32 v59, $0x1  }
0x36d: {  	v45 =	vadd.s32 v57, v58;
	vm3 =	vge.s32 v11, v50;
	vm15 =	vge.s32 v13, v50  }
0x36e: {  	v62 =	vmpcnt.ones.xlane vm3;
	v63 =	vmpcnt.ones.xlane vm15;
	vm3 =	vge.s32 v12, v50  }
0x36f: {  	v45 =	vadd.s32 v60, v45;
	v56 =	vmpcnt.ones.xlane vm3;
	vm3 =	vge.s32 v10, v50  }
0x370: {  	v49 =	vadd.s32 v62, v63;
	v57 =	vmpcnt.ones.xlane vm3;
	vm3 =	vge.s32 v7, v50  }
0x371: {  	v49 =	vadd.s32 v56, v49;
	v58 =	vmpcnt.ones.xlane vm3;
	vm3 =	vge.s32 v6, v50  }
0x372: {  	v49 =	vadd.s32 v57, v49;
	v59 =	vmpcnt.ones.xlane vm3;
	vm3 =	vge.s32 v9, v50  }
0x373: {  	v49 =	vadd.s32 v58, v49;
	v60 =	vmpcnt.ones.xlane vm3;
	vm3 =	vge.s32 v8, v50  }
0x374: {  	v45 =	vadd.s32 v61, v45;
	v49 =	vadd.s32 v59, v49;
	v61 =	vmpcnt.ones.xlane vm3  }
0x375: {  	v49 =	vadd.s32 v60, v49  }
0x376: {  	vm1 =	vge.s32 v23, v46;
	v49 =	vadd.s32 v61, v49  }
0x377: {  	v63 =	vmpcnt.ones.xlane vm1;
	vm1 =	vgt.s32 v49, v0;
	v49 =	vld [tilespmem:$0x1FF80];
	_ =	sdelay $0x2  }
0x378: {  	vm12 =	vge.s32 v22, v46  }
0x379: {  	vm2 =	vge.s32 v27, v46;
	v47 =	vmpcnt.ones.xlane vm12  }
0x37a: {  	v62 =	vmpcnt.ones.xlane vm2;
	vm2 =	vnez.u8 v49  }
0x37b: {  	v51 =	vimm.s32 $0x0;
	v45 =	vadd.s32 v47, v45;
	vm2 =	vmor vm2, vm11  }
0x37c: {  	v45 =	vadd.s32 v48, v45;
	v47 =	vsel vm2, $0xFFFFFFFF, v51  }
0x37d: {  	v45 =	vadd.s32 v62, v45;
	v48 =	vsel vm1, v44, v50;
	[tilespmem:$0x1FFE0] =	vst v47;
	v47 =	vsel vm1, v50, v43  }
0x37e: {  	v52 =	vsel vm0, $0x20000000, v1;
	v45 =	vadd.s32 v63, v45;
	v44 =	vadd.s32 v48, v47  }
0x37f: {  	v53 =	vsel vm0, $0x40000000, v2;
	vm1 =	vgt.s32 v45, v0;
	v49 =	vshrl.u32 v44, $0x1  }
0x380: {  	v43 =	vsel vm1, v46, v52;
	v44 =	vsel vm1, v53, v46;
	vm0 =	vge.s32 v11, v49  }
0x381: {  	vm1 =	vge.s32 v13, v49;
	v56 =	vadd.s32 v4, v44;
	v54 =	vmpcnt.ones.xlane vm0  }
0x382: {  	v55 =	vmpcnt.ones.xlane vm1;
	vm0 =	vge.s32 v12, v49;
	v62 =	vxor.u32 v56, v43  }
0x383: {  	v50 =	vor.u32 v56, v43;
	v57 =	vmpcnt.ones.xlane vm0;
	vm0 =	vge.s32 v10, v49  }
0x384: {  	v45 =	vadd.s32 v54, v55;
	v58 =	vmpcnt.ones.xlane vm0;
	vm0 =	vge.s32 v7, v49  }
0x385: {  	v45 =	vadd.s32 v57, v45;
	v59 =	vmpcnt.ones.xlane vm0;
	vm0 =	vge.s32 v6, v49  }
0x386: {  	v45 =	vadd.s32 v58, v45;
	v60 =	vmpcnt.ones.xlane vm0;
	vm0 =	vge.s32 v9, v49  }
0x387: {  	v45 =	vadd.s32 v59, v45;
	v61 =	vmpcnt.ones.xlane vm0;
	vm0 =	vge.s32 v8, v49  }
0x388: {  	v56 =	vld [tilespmem:$0x1FF90];
	v52 =	vshrl.u32 v62, $0x1;
	v45 =	vadd.s32 v60, v45;
	v63 =	vmpcnt.ones.xlane vm0  }
0x389: {  	v50 =	vsub.s32 v50, v52;
	v45 =	vadd.s32 v61, v45  }
0x38a: {  	vm1 =	vge.s32 v27, v50;
	vm3 =	vge.s32 v23, v50;
	v45 =	vadd.s32 v63, v45  }
0x38b: {  	vm11 =	vge.s32 v21, v50;
	vm13 =	vge.s32 v28, v50;
	vm2 =	vgt.s32 v45, v0  }
0x38c: {  	vm12 =	vge.s32 v25, v50;
	v45 =	vsel vm2, v49, v47;
	v46 =	vsel vm2, v48, v49  }
0x38d: {  	vm14 =	vge.s32 v26, v50;
	vm0 =	vnez.u8 v56;
	v47 =	vadd.s32 v46, v45  }
0x38e: {  	v51 =	vmpcnt.ones.xlane vm13;
	vm4 =	vmor vm0, vm10;
	v47 =	vshrl.u32 v47, $0x1  }
0x38f: {  	vm10 =	vge.s32 v24, v50;
	vm5 =	vge.s32 v11, v47;
	vm0 =	vge.s32 v13, v47  }
0x390: {  	v57 =	vmpcnt.ones.xlane vm5;
	v58 =	vmpcnt.ones.xlane vm0;
	vm0 =	vge.s32 v12, v47  }
0x391: {  	vm2 =	vge.s32 v22, v50;
	v59 =	vmpcnt.ones.xlane vm0;
	vm0 =	vge.s32 v10, v47  }
0x392: {  	v48 =	vadd.s32 v57, v58;
	v60 =	vmpcnt.ones.xlane vm0;
	vm0 =	vge.s32 v7, v47  }
0x393: {  	v48 =	vadd.s32 v59, v48;
	v61 =	vmpcnt.ones.xlane vm0;
	vm0 =	vge.s32 v6, v47  }
0x394: {  	v48 =	vadd.s32 v60, v48;
	v62 =	vmpcnt.ones.xlane vm0;
	vm0 =	vge.s32 v9, v47  }
0x395: {  	v48 =	vadd.s32 v61, v48;
	v63 =	vmpcnt.ones.xlane vm0;
	vm0 =	vge.s32 v8, v47  }
0x396: {  	v57 =	vmpcnt.ones.xlane vm14;
	v48 =	vadd.s32 v62, v48;
	v58 =	vmpcnt.ones.xlane vm0  }
0x397: {  	v59 =	vmpcnt.ones.xlane vm12;
	v60 =	vmpcnt.ones.xlane vm11;
	v48 =	vadd.s32 v63, v48  }
0x398: {  	v51 =	vadd.s32 v51, v57;
	v61 =	vmpcnt.ones.xlane vm10;
	v48 =	vadd.s32 v58, v48  }
0x399: {  	v62 =	vadd.s32 v59, v51;
	v63 =	vmpcnt.ones.xlane vm2;
	vm0 =	vgt.s32 v48, v0  }
0x39a: {  	v54 =	vadd.s32 v61, v62;
	v45 =	vsel vm0, v47, v45;
	v46 =	vsel vm0, v46, v47  }
0x39b: {  	v57 =	vmpcnt.ones.xlane vm1;
	v56 =	vadd.s32 v63, v54;
	v58 =	vadd.s32 v46, v45  }
0x39c: {  	v59 =	vmpcnt.ones.xlane vm3;
	v47 =	vadd.s32 v60, v56;
	v49 =	vshrl.u32 v58, $0x1  }
0x39d: {  	v47 =	vadd.s32 v57, v47;
	vm0 =	vge.s32 v11, v49  }
0x39e: {  	v47 =	vadd.s32 v59, v47;
	vm1 =	vge.s32 v13, v49;
	v60 =	vmpcnt.ones.xlane vm0  }
0x39f: {  	v61 =	vmpcnt.ones.xlane vm1;
	vm0 =	vge.s32 v12, v49;
	vm1 =	vgt.s32 v47, v0  }
0x3a0: {  	v62 =	vmpcnt.ones.xlane vm0;
	vm0 =	vge.s32 v10, v49;
	v44 =	vsel vm1, v44, v50  }
0x3a1: {  	v54 =	vld [tilespmem:$0x1FFC0];
	v48 =	vadd.s32 v60, v61;
	v63 =	vmpcnt.ones.xlane vm0;
	vm0 =	vge.s32 v7, v49  }
0x3a2: {  	v61 =	vld [tilespmem:$0x1FFA0];
	v48 =	vadd.s32 v62, v48;
	v56 =	vmpcnt.ones.xlane vm0;
	vm0 =	vge.s32 v6, v49  }
0x3a3: {  	v48 =	vadd.s32 v63, v48;
	v57 =	vmpcnt.ones.xlane vm0;
	vm0 =	vge.s32 v9, v49  }
0x3a4: {  	v48 =	vadd.s32 v56, v48;
	v58 =	vmpcnt.ones.xlane vm0;
	vm0 =	vge.s32 v8, v49  }
0x3a5: {  	v53 =	vld [tilespmem:$0x1FFB0];
	v43 =	vsel vm1, v50, v43;
	v59 =	vadd.s32 v57, v48;
	v60 =	vmpcnt.ones.xlane vm0  }
0x3a6: {  	vm1 =	vnez.u8 v54;
	v62 =	vadd.s32 v4, v44;
	v47 =	vadd.s32 v58, v59  }
0x3a7: {  	v63 =	vor.u32 v62, v43;
	vm0 =	vnez.u8 v61;
	v47 =	vadd.s32 v60, v47  }
0x3a8: {  	v50 =	vxor.u32 v62, v43;
	vm2 =	vmor vm0, vm9;
	vm0 =	vgt.s32 v47, v0  }
0x3a9: {  	v51 =	vshrl.u32 v50, $0x1;
	v45 =	vsel vm0, v49, v45;
	v46 =	vsel vm0, v46, v49  }
0x3aa: {  	v49 =	vsub.s32 v63, v51;
	vm0 =	vnez.u8 v53;
	v52 =	vadd.s32 v46, v45  }
0x3ab: {  	vm0 =	vmor vm0, vm1;
	vm10 =	vge.s32 v27, v49;
	vm1 =	vge.s32 v23, v49  }
0x3ac: {  	vm9 =	vge.s32 v21, v49;
	vm5 =	vge.s32 v22, v49;
	v47 =	vshrl.u32 v52, $0x1  }
0x3ad: {  	vm12 =	vge.s32 v25, v49;
	vm3 =	vge.s32 v11, v47;
	vm11 =	vge.s32 v13, v47  }
0x3ae: {  	v55 =	vmpcnt.ones.xlane vm3;
	v56 =	vmpcnt.ones.xlane vm11;
	vm3 =	vge.s32 v12, v47  }
0x3af: {  	vm13 =	vge.s32 v26, v49;
	v57 =	vmpcnt.ones.xlane vm3;
	vm3 =	vge.s32 v10, v47  }
0x3b0: {  	v48 =	vadd.s32 v55, v56;
	v58 =	vmpcnt.ones.xlane vm3;
	vm3 =	vge.s32 v7, v47  }
0x3b1: {  	v48 =	vadd.s32 v57, v48;
	v59 =	vmpcnt.ones.xlane vm3;
	vm3 =	vge.s32 v6, v47  }
0x3b2: {  	v48 =	vadd.s32 v58, v48;
	v60 =	vmpcnt.ones.xlane vm3;
	vm3 =	vge.s32 v9, v47  }
0x3b3: {  	v48 =	vadd.s32 v59, v48;
	v61 =	vmpcnt.ones.xlane vm3;
	vm3 =	vge.s32 v8, v47  }
0x3b4: {  	v51 =	vmpcnt.ones.xlane vm10;
	v48 =	vadd.s32 v60, v48;
	v62 =	vmpcnt.ones.xlane vm3  }
0x3b5: {  	vm11 =	vge.s32 v24, v49;
	vm3 =	vge.s32 v28, v49;
	v48 =	vadd.s32 v61, v48  }
0x3b6: {  	v57 =	vmpcnt.ones.xlane vm13;
	v63 =	vmpcnt.ones.xlane vm3;
	v48 =	vadd.s32 v62, v48  }
0x3b7: {  	v58 =	vmpcnt.ones.xlane vm12;
	v60 =	vmpcnt.ones.xlane vm11;
	vm3 =	vgt.s32 v48, v0  }
0x3b8: {  	v48 =	vadd.s32 v63, v57;
	v45 =	vsel vm3, v47, v45;
	v46 =	vsel vm3, v46, v47  }
0x3b9: {  	v53 =	vmpcnt.ones.xlane vm5;
	v47 =	vadd.s32 v58, v48;
	v59 =	vadd.s32 v46, v45  }
0x3ba: {  	v52 =	vmpcnt.ones.xlane vm9;
	v47 =	vadd.s32 v60, v47;
	v54 =	vshrl.u32 v59, $0x1  }
0x3bb: {  	v47 =	vadd.s32 v53, v47;
	vm3 =	vge.s32 v11, v54;
	vm12 =	vge.s32 v13, v54  }
0x3bc: {  	v61 =	vmpcnt.ones.xlane vm3;
	v62 =	vmpcnt.ones.xlane vm12;
	vm3 =	vge.s32 v12, v54  }
0x3bd: {  	v47 =	vadd.s32 v52, v47;
	v63 =	vmpcnt.ones.xlane vm3;
	vm3 =	vge.s32 v10, v54  }
0x3be: {  	v48 =	vadd.s32 v61, v62;
	v57 =	vmpcnt.ones.xlane vm3;
	vm3 =	vge.s32 v7, v54  }
0x3bf: {  	v48 =	vadd.s32 v63, v48;
	v58 =	vmpcnt.ones.xlane vm3;
	vm3 =	vge.s32 v6, v54  }
0x3c0: {  	v48 =	vadd.s32 v57, v48;
	v59 =	vmpcnt.ones.xlane vm3;
	vm3 =	vge.s32 v9, v54  }
0x3c1: {  	v63 =	vld [tilespmem:$0x1FFD0];
	v48 =	vadd.s32 v58, v48;
	v60 =	vmpcnt.ones.xlane vm3;
	vm3 =	vge.s32 v8, v54  }
0x3c2: {  	v62 =	vmpcnt.ones.xlane vm1;
	v48 =	vadd.s32 v59, v48;
	v61 =	vmpcnt.ones.xlane vm3  }
0x3c3: {  	v47 =	vadd.s32 v51, v47;
	v48 =	vadd.s32 v60, v48  }
0x3c4: {  	v53 =	vadd.s32 v62, v47;
	v48 =	vadd.s32 v61, v48  }
0x3c5: {  	v47 =	vsel vm8, $0x3F800000, v5;
	vm13 =	vgt.s32 v53, v0;
	vm3 =	vgt.s32 v48, v0  }
0x3c6: {  	vm1 =	vnez.u8 v63;
	v45 =	vsel vm3, v54, v45;
	v46 =	vsel vm3, v46, v54  }
0x3c7: {  	v48 =	vsel vm13, v49, v43;
	v43 =	vsel vm13, v44, v49;
	v55 =	vadd.s32 v46, v45  }
0x3c8: {  	vm1 =	vmor vm1, vm7;
	v49 =	vand.u32 v43, v48;
	v50 =	vshrl.u32 v55, $0x1  }
0x3c9: {  	v56 =	vxor.u32 v43, v48;
	vm3 =	vge.s32 v11, v50;
	vm14 =	vge.s32 v13, v50  }
0x3ca: {  	v57 =	vmpcnt.ones.xlane vm3;
	v58 =	vmpcnt.ones.xlane vm14;
	vm3 =	vge.s32 v12, v50  }
0x3cb: {  	v51 =	vshrl.u32 v56, $0x1;
	v59 =	vmpcnt.ones.xlane vm3;
	vm3 =	vge.s32 v10, v50  }
0x3cc: {  	v52 =	vadd.s32 v57, v58;
	v60 =	vmpcnt.ones.xlane vm3;
	vm3 =	vge.s32 v7, v50  }
0x3cd: {  	v52 =	vadd.s32 v59, v52;
	v61 =	vmpcnt.ones.xlane vm3;
	vm3 =	vge.s32 v6, v50  }
0x3ce: {  	v52 =	vadd.s32 v60, v52;
	v62 =	vmpcnt.ones.xlane vm3;
	vm3 =	vge.s32 v9, v50  }
0x3cf: {  	v52 =	vadd.s32 v61, v52;
	v63 =	vmpcnt.ones.xlane vm3;
	vm3 =	vge.s32 v8, v50  }
0x3d0: {  	v55 =	vadd.s32 v51, v49;
	v57 =	vadd.s32 v62, v52;
	v58 =	vmpcnt.ones.xlane vm3  }
0x3d1: {  	v44 =	vsel vm6, $0x3F800000, v5;
	vm7 =	vge.s32 v22, v55;
	v49 =	vadd.s32 v63, v57  }
0x3d2: {  	vm6 =	vge.s32 v21, v55;
	vm8 =	vge.s32 v25, v55;
	v49 =	vadd.s32 v58, v49  }
0x3d3: {  	vm15 =	vge.s32 v24, v55;
	vm13 =	vge.s32 v28, v55;
	vm12 =	vgt.s32 v49, v0  }
0x3d4: {  	vm14 =	vge.s32 v26, v55;
	v45 =	vsel vm12, v50, v45;
	v46 =	vsel vm12, v46, v50  }
0x3d5: {  	v53 =	vmpcnt.ones.xlane vm13;
	vm3 =	vge.s32 v23, v55;
	v59 =	vadd.s32 v46, v45  }
0x3d6: {  	v52 =	vmpcnt.ones.xlane vm15;
	v51 =	vmpcnt.ones.xlane vm3;
	v49 =	vshrl.u32 v59, $0x1  }
0x3d7: {  	v57 =	vmpcnt.ones.xlane vm14;
	vm3 =	vge.s32 v11, v49;
	vm15 =	vge.s32 v13, v49  }
0x3d8: {  	v60 =	vmpcnt.ones.xlane vm3;
	v61 =	vmpcnt.ones.xlane vm15;
	vm3 =	vge.s32 v12, v49  }
0x3d9: {  	v53 =	vadd.s32 v53, v57;
	v62 =	vmpcnt.ones.xlane vm3;
	vm3 =	vge.s32 v10, v49  }
0x3da: {  	v54 =	vadd.s32 v60, v61;
	v63 =	vmpcnt.ones.xlane vm3;
	vm3 =	vge.s32 v7, v49  }
0x3db: {  	v54 =	vadd.s32 v62, v54;
	v60 =	vmpcnt.ones.xlane vm3;
	vm3 =	vge.s32 v6, v49  }
0x3dc: {  	v54 =	vadd.s32 v63, v54;
	v61 =	vmpcnt.ones.xlane vm3;
	vm3 =	vge.s32 v9, v49  }
0x3dd: {  	v50 =	vmpcnt.ones.xlane vm8;
	v54 =	vadd.s32 v60, v54;
	v62 =	vmpcnt.ones.xlane vm3  }
0x3de: {  	v57 =	vmpcnt.ones.xlane vm7;
	vm3 =	vge.s32 v8, v49;
	v54 =	vadd.s32 v61, v54  }
0x3df: {  	v50 =	vadd.s32 v50, v53;
	v63 =	vmpcnt.ones.xlane vm3;
	v54 =	vadd.s32 v62, v54;
	v62 =	vld [tilespmem:$0x1FFE0]  }
0x3e0: {  	vm5 =	vge.s32 v27, v55;
	v58 =	vmpcnt.ones.xlane vm6;
	v50 =	vadd.s32 v52, v50  }
0x3e1: {  	v59 =	vmpcnt.ones.xlane vm5;
	v50 =	vadd.s32 v57, v50;
	v54 =	vadd.s32 v63, v54  }
0x3e2: {  	v52 =	vadd.s32 v58, v50;
	vm3 =	vgt.s32 v54, v0  }
0x3e3: {  	v60 =	vadd.s32 v59, v52;
	v50 =	vsel vm3, v49, v45;
	v49 =	vsel vm3, v46, v49  }
0x3e4: {  	v51 =	vadd.s32 v51, v60;
	v61 =	vadd.s32 v49, v50;
	vm3 =	vnez.u8 v62  }
0x3e5: {  	v42 =	vld [tilespmem:s15+$0x0];
	v46 =	vsel vm4, $0x3F800000, v5;
	v52 =	vshrl.u32 v61, $0x1;
	v45 =	vsel vm3, $0x3F800000, v5  }
0x3e6: {  	v41 =	vld [tilespmem:s15+$0x50];
	vm3 =	vgt.s32 v51, v0;
	vm8 =	vge.s32 v11, v52;
	vm9 =	vge.s32 v13, v52  }
0x3e7: {  	v39 =	vld [tilespmem:s15+$0x30];
	vm10 =	vge.s32 v12, v52;
	v63 =	vmpcnt.ones.xlane vm8;
	v57 =	vmpcnt.ones.xlane vm9  }
0x3e8: {  	v40 =	vld [tilespmem:s15+$0x40];
	vm11 =	vge.s32 v10, v52;
	vm12 =	vge.s32 v7, v52;
	v58 =	vmpcnt.ones.xlane vm10  }
0x3e9: {  	p0 =	sne.s32 s16, $0x7E00;
	v38 =	vld [tilespmem:s15+$0x10];
	vm13 =	vge.s32 v6, v52;
	v59 =	vmpcnt.ones.xlane vm11;
	v53 =	vadd.s32 v63, v57  }
.Ltmp0:
0x3ea: {  	v37 =	vld [tilespmem:s15+$0x20];
	v51 =	vsel vm3, v55, v48;
	v60 =	vmpcnt.ones.xlane vm12;
	v48 =	vadd.s32 v58, v53;
	(pc) =	sbr.rel @p0 .LBB2_2-.Ltmp0, $4  }
0x3eb: {  	v36 =	vld [tilespmem:s15+$0x60];
	[tilespmem:s13+$0x4000] =	vst v47;
	vm14 =	vge.s32 v9, v52;
	v61 =	vmpcnt.ones.xlane vm13;
	v48 =	vadd.s32 v59, v48  }
0x3ec: {  	[tilespmem:s13+$0x4010] =	vst v44;
	vm15 =	vge.s32 v8, v52;
	v62 =	vmpcnt.ones.xlane vm14;
	v48 =	vadd.s32 v60, v48  }
0x3ed: {  	[tilespmem:s13+$0x4030] =	vst v46;
	v53 =	vsel vm3, v43, v55;
	v43 =	vsel vm2, $0x3F800000, v5;
	v63 =	vadd.s32 v61, v48  }
0x3ee: {  	s16 =	sadd.s32 $0x200, s16;
	[tilespmem:s13+$0x4020] =	vst v45;
	v55 =	vadd.s32 v53, v51;
	v48 =	vmpcnt.ones.xlane vm15;
	v54 =	vadd.s32 v62, v63  }
0x3ef: {  	v55 =	vshrl.u32 v55, $0x1  }
0x3f0: {  	vm2 =	vge.s32 v28, v55;
	vm3 =	vge.s32 v26, v55  }
0x3f1: {  	vm4 =	vge.s32 v25, v55;
	v56 =	vmpcnt.ones.xlane vm2;
	v57 =	vmpcnt.ones.xlane vm3  }
0x3f2: {  	vm7 =	vge.s32 v24, v55;
	v58 =	vmpcnt.ones.xlane vm4  }
0x3f3: {  	vm8 =	vge.s32 v22, v55;
	v60 =	vmpcnt.ones.xlane vm7;
	v56 =	vadd.s32 v56, v57  }
0x3f4: {  	vm9 =	vge.s32 v21, v55;
	v61 =	vmpcnt.ones.xlane vm8;
	v56 =	vadd.s32 v58, v56  }
0x3f5: {  	vm10 =	vge.s32 v27, v55;
	v59 =	vmpcnt.ones.xlane vm9;
	v56 =	vadd.s32 v60, v56  }
0x3f6: {  	vm11 =	vge.s32 v23, v55;
	v62 =	vmpcnt.ones.xlane vm10;
	v56 =	vadd.s32 v61, v56  }
0x3f7: {  	v63 =	vmpcnt.ones.xlane vm11;
	v56 =	vadd.s32 v59, v56  }
0x3f8: {  	v56 =	vadd.s32 v62, v56  }
0x3f9: {  	v56 =	vadd.s32 v63, v56  }
0x3fa: {  	vm12 =	vgt.s32 v56, v0  }
0x3fb: {  	v51 =	vsel vm12, v55, v51;
	v53 =	vsel vm12, v53, v55  }
0x3fc: {  	v55 =	vadd.s32 v53, v51  }
0x3fd: {  	v55 =	vshrl.u32 v55, $0x1  }
0x3fe: {  	vm13 =	vge.s32 v28, v55;
	vm14 =	vge.s32 v26, v55  }
0x3ff: {  	vm15 =	vge.s32 v25, v55;
	v60 =	vmpcnt.ones.xlane vm13;
	v61 =	vmpcnt.ones.xlane vm14  }
0x400: {  	vm7 =	vge.s32 v24, v55;
	v62 =	vmpcnt.ones.xlane vm15  }
0x401: {  	vm8 =	vge.s32 v22, v55;
	v63 =	vmpcnt.ones.xlane vm7;
	v56 =	vadd.s32 v60, v61  }
0x402: {  	vm9 =	vge.s32 v21, v55;
	v60 =	vmpcnt.ones.xlane vm8;
	v56 =	vadd.s32 v62, v56  }
0x403: {  	vm10 =	vge.s32 v27, v55;
	v61 =	vmpcnt.ones.xlane vm9;
	v56 =	vadd.s32 v63, v56  }
0x404: {  	vm11 =	vge.s32 v23, v55;
	v62 =	vmpcnt.ones.xlane vm10;
	v56 =	vadd.s32 v60, v56  }
0x405: {  	v63 =	vmpcnt.ones.xlane vm11;
	v56 =	vadd.s32 v61, v56  }
0x406: {  	v56 =	vadd.s32 v62, v56  }
0x407: {  	v56 =	vadd.s32 v63, v56  }
0x408: {  	vm12 =	vgt.s32 v56, v0  }
0x409: {  	v51 =	vsel vm12, v55, v51;
	v53 =	vsel vm12, v53, v55  }
0x40a: {  	v55 =	vadd.s32 v53, v51  }
0x40b: {  	v55 =	vshrl.u32 v55, $0x1  }
0x40c: {  	vm13 =	vge.s32 v28, v55;
	vm14 =	vge.s32 v26, v55  }
0x40d: {  	vm15 =	vge.s32 v25, v55;
	v60 =	vmpcnt.ones.xlane vm13;
	v61 =	vmpcnt.ones.xlane vm14  }
0x40e: {  	vm7 =	vge.s32 v24, v55;
	v62 =	vmpcnt.ones.xlane vm15  }
0x40f: {  	vm8 =	vge.s32 v22, v55;
	v63 =	vmpcnt.ones.xlane vm7;
	v56 =	vadd.s32 v60, v61  }
0x410: {  	vm9 =	vge.s32 v21, v55;
	v60 =	vmpcnt.ones.xlane vm8;
	v56 =	vadd.s32 v62, v56  }
0x411: {  	vm10 =	vge.s32 v27, v55;
	v61 =	vmpcnt.ones.xlane vm9;
	v56 =	vadd.s32 v63, v56  }
0x412: {  	vm11 =	vge.s32 v23, v55;
	v62 =	vmpcnt.ones.xlane vm10;
	v56 =	vadd.s32 v60, v56  }
0x413: {  	v63 =	vmpcnt.ones.xlane vm11;
	v56 =	vadd.s32 v61, v56  }
0x414: {  	v56 =	vadd.s32 v62, v56  }
0x415: {  	v56 =	vadd.s32 v63, v56  }
0x416: {  	vm12 =	vgt.s32 v56, v0  }
0x417: {  	v48 =	vadd.s32 v48, v54;
	v51 =	vsel vm12, v55, v51;
	v53 =	vsel vm12, v53, v55  }
0x418: {  	vm13 =	vgt.s32 v48, v0;
	v60 =	vadd.s32 v53, v51  }
0x419: {  	v50 =	vsel vm13, v52, v50;
	v48 =	vshrl.u32 v60, $0x1  }
0x41a: {  	v49 =	vsel vm13, v49, v52;
	vm14 =	vge.s32 v28, v48;
	vm15 =	vge.s32 v26, v48  }
0x41b: {  	vm8 =	vge.s32 v25, v48;
	v61 =	vmpcnt.ones.xlane vm14;
	v62 =	vmpcnt.ones.xlane vm15  }
0x41c: {  	v55 =	vadd.s32 v49, v50;
	vm9 =	vge.s32 v24, v48;
	v63 =	vmpcnt.ones.xlane vm8  }
0x41d: {  	vm10 =	vge.s32 v22, v48;
	v60 =	vmpcnt.ones.xlane vm9;
	v52 =	vadd.s32 v61, v62  }
0x41e: {  	vm11 =	vge.s32 v21, v48;
	v61 =	vmpcnt.ones.xlane vm10;
	v52 =	vadd.s32 v63, v52  }
0x41f: {  	vm12 =	vge.s32 v27, v48;
	v62 =	vmpcnt.ones.xlane vm11;
	v52 =	vadd.s32 v60, v52  }
0x420: {  	vm13 =	vge.s32 v23, v48;
	v63 =	vmpcnt.ones.xlane vm12;
	v52 =	vadd.s32 v61, v52  }
0x421: {  	v55 =	vshrl.u32 v55, $0x1;
	v60 =	vmpcnt.ones.xlane vm13;
	v52 =	vadd.s32 v62, v52  }
0x422: {  	vm5 =	vge.s32 v12, v55;
	vm7 =	vge.s32 v10, v55;
	v52 =	vadd.s32 v63, v52  }
0x423: {  	vm14 =	vge.s32 v11, v55;
	vm15 =	vge.s32 v13, v55;
	v52 =	vadd.s32 v60, v52  }
0x424: {  	v61 =	vmpcnt.ones.xlane vm14;
	v62 =	vmpcnt.ones.xlane vm15;
	vm6 =	vgt.s32 v52, v0  }
0x425: {  	vm8 =	vge.s32 v7, v55;
	v51 =	vsel vm6, v48, v51;
	v48 =	vsel vm6, v53, v48  }
0x426: {  	v63 =	vmpcnt.ones.xlane vm5;
	v60 =	vadd.s32 v61, v62;
	v61 =	vadd.s32 v48, v51  }
0x427: {  	v56 =	vmpcnt.ones.xlane vm8;
	vm12 =	vge.s32 v6, v55;
	v54 =	vshrl.u32 v61, $0x1  }
0x428: {  	v52 =	vadd.s32 v63, v60;
	vm9 =	vge.s32 v28, v54;
	vm10 =	vge.s32 v26, v54  }
0x429: {  	vm11 =	vge.s32 v25, v54;
	v62 =	vmpcnt.ones.xlane vm9;
	v63 =	vmpcnt.ones.xlane vm10  }
0x42a: {  	v53 =	vmpcnt.ones.xlane vm7;
	vm13 =	vge.s32 v24, v54;
	v60 =	vmpcnt.ones.xlane vm11  }
0x42b: {  	vm14 =	vge.s32 v22, v54;
	v61 =	vmpcnt.ones.xlane vm13;
	v57 =	vadd.s32 v62, v63  }
0x42c: {  	vm15 =	vge.s32 v21, v54;
	v62 =	vmpcnt.ones.xlane vm14;
	v57 =	vadd.s32 v60, v57  }
0x42d: {  	vm4 =	vge.s32 v27, v54;
	v63 =	vmpcnt.ones.xlane vm15;
	v57 =	vadd.s32 v61, v57  }
0x42e: {  	vm5 =	vge.s32 v23, v54;
	v60 =	vmpcnt.ones.xlane vm4;
	v57 =	vadd.s32 v62, v57  }
0x42f: {  	vm6 =	vge.s32 v9, v55;
	v62 =	vmpcnt.ones.xlane vm5;
	v61 =	vadd.s32 v63, v57  }
0x430: {  	vm7 =	vge.s32 v8, v55;
	v52 =	vadd.s32 v53, v52;
	v53 =	vadd.s32 v60, v61  }
0x431: {  	v52 =	vadd.s32 v56, v52;
	v63 =	vmpcnt.ones.xlane vm12;
	v53 =	vadd.s32 v62, v53  }
0x432: {  	v60 =	vmpcnt.ones.xlane vm6;
	v61 =	vmpcnt.ones.xlane vm7;
	vm8 =	vgt.s32 v53, v0  }
0x433: {  	v52 =	vadd.s32 v63, v52;
	v51 =	vsel vm8, v54, v51;
	v48 =	vsel vm8, v48, v54  }
0x434: {  	v52 =	vadd.s32 v60, v52;
	v54 =	vadd.s32 v48, v51  }
0x435: {  	v52 =	vadd.s32 v61, v52;
	v53 =	vshrl.u32 v54, $0x1  }
0x436: {  	vm9 =	vgt.s32 v52, v0;
	vm10 =	vge.s32 v28, v53;
	vm11 =	vge.s32 v26, v53  }
0x437: {  	vm12 =	vge.s32 v25, v53;
	v62 =	vmpcnt.ones.xlane vm10;
	v63 =	vmpcnt.ones.xlane vm11  }
0x438: {  	v50 =	vsel vm9, v55, v50;
	vm13 =	vge.s32 v24, v53;
	v60 =	vmpcnt.ones.xlane vm12  }
0x439: {  	vm14 =	vge.s32 v22, v53;
	v61 =	vmpcnt.ones.xlane vm13;
	v52 =	vadd.s32 v62, v63  }
0x43a: {  	vm15 =	vge.s32 v21, v53;
	v62 =	vmpcnt.ones.xlane vm14;
	v52 =	vadd.s32 v60, v52  }
0x43b: {  	vm6 =	vge.s32 v27, v53;
	v63 =	vmpcnt.ones.xlane vm15;
	v52 =	vadd.s32 v61, v52  }
0x43c: {  	vm7 =	vge.s32 v23, v53;
	v60 =	vmpcnt.ones.xlane vm6;
	v52 =	vadd.s32 v62, v52  }
0x43d: {  	v49 =	vsel vm9, v49, v55;
	v61 =	vmpcnt.ones.xlane vm7;
	v52 =	vadd.s32 v63, v52  }
0x43e: {  	v55 =	vadd.s32 v49, v50;
	v52 =	vadd.s32 v60, v52  }
0x43f: {  	v55 =	vshrl.u32 v55, $0x1;
	v52 =	vadd.s32 v61, v52  }
0x440: {  	vm8 =	vge.s32 v11, v55;
	vm9 =	vge.s32 v13, v55;
	vm10 =	vgt.s32 v52, v0  }
0x441: {  	vm11 =	vge.s32 v12, v55;
	v51 =	vsel vm10, v53, v51;
	v48 =	vsel vm10, v48, v53  }
0x442: {  	v62 =	vmpcnt.ones.xlane vm8;
	v63 =	vmpcnt.ones.xlane vm9;
	v60 =	vadd.s32 v48, v51  }
0x443: {  	vm12 =	vge.s32 v10, v55;
	v56 =	vmpcnt.ones.xlane vm11;
	v54 =	vshrl.u32 v60, $0x1  }
0x444: {  	v52 =	vadd.s32 v62, v63;
	vm13 =	vge.s32 v28, v54;
	vm14 =	vge.s32 v26, v54  }
0x445: {  	vm15 =	vge.s32 v25, v54;
	v61 =	vmpcnt.ones.xlane vm13;
	v62 =	vmpcnt.ones.xlane vm14  }
0x446: {  	v58 =	vmpcnt.ones.xlane vm12;
	vm5 =	vge.s32 v24, v54;
	v63 =	vmpcnt.ones.xlane vm15  }
0x447: {  	vm6 =	vge.s32 v22, v54;
	v60 =	vmpcnt.ones.xlane vm5;
	v53 =	vadd.s32 v61, v62  }
0x448: {  	vm7 =	vge.s32 v21, v54;
	v61 =	vmpcnt.ones.xlane vm6;
	v53 =	vadd.s32 v63, v53  }
0x449: {  	vm8 =	vge.s32 v27, v54;
	v62 =	vmpcnt.ones.xlane vm7;
	v53 =	vadd.s32 v60, v53  }
0x44a: {  	vm9 =	vge.s32 v23, v54;
	v63 =	vmpcnt.ones.xlane vm8;
	v53 =	vadd.s32 v61, v53  }
0x44b: {  	vm11 =	vge.s32 v6, v55;
	v60 =	vmpcnt.ones.xlane vm9;
	v53 =	vadd.s32 v62, v53  }
0x44c: {  	vm12 =	vge.s32 v9, v55;
	v52 =	vadd.s32 v56, v52;
	v53 =	vadd.s32 v63, v53  }
0x44d: {  	vm10 =	vge.s32 v7, v55;
	v52 =	vadd.s32 v58, v52;
	v53 =	vadd.s32 v60, v53  }
0x44e: {  	vm14 =	vge.s32 v8, v55;
	v61 =	vmpcnt.ones.xlane vm10;
	vm13 =	vgt.s32 v53, v0  }
0x44f: {  	v62 =	vmpcnt.ones.xlane vm11;
	v51 =	vsel vm13, v54, v51;
	v48 =	vsel vm13, v48, v54  }
0x450: {  	v52 =	vadd.s32 v61, v52;
	v63 =	vmpcnt.ones.xlane vm12;
	v54 =	vadd.s32 v48, v51  }
0x451: {  	v52 =	vadd.s32 v62, v52;
	v60 =	vmpcnt.ones.xlane vm14;
	v54 =	vshrl.u32 v54, $0x1  }
0x452: {  	v52 =	vadd.s32 v63, v52;
	vm15 =	vge.s32 v28, v54;
	vm6 =	vge.s32 v26, v54  }
0x453: {  	vm7 =	vge.s32 v25, v54;
	v61 =	vmpcnt.ones.xlane vm15;
	v62 =	vmpcnt.ones.xlane vm6  }
0x454: {  	v52 =	vadd.s32 v60, v52;
	vm8 =	vge.s32 v24, v54;
	v63 =	vmpcnt.ones.xlane vm7  }
0x455: {  	vm9 =	vge.s32 v22, v54;
	v60 =	vmpcnt.ones.xlane vm8;
	v53 =	vadd.s32 v61, v62  }
0x456: {  	vm10 =	vge.s32 v21, v54;
	v61 =	vmpcnt.ones.xlane vm9;
	v53 =	vadd.s32 v63, v53  }
0x457: {  	vm11 =	vge.s32 v27, v54;
	v62 =	vmpcnt.ones.xlane vm10;
	v53 =	vadd.s32 v60, v53  }
0x458: {  	vm12 =	vge.s32 v23, v54;
	v63 =	vmpcnt.ones.xlane vm11;
	v53 =	vadd.s32 v61, v53  }
0x459: {  	vm13 =	vgt.s32 v52, v0;
	v59 =	vmpcnt.ones.xlane vm12;
	v58 =	vadd.s32 v62, v53  }
0x45a: {  	v50 =	vsel vm13, v55, v50;
	v49 =	vsel vm13, v49, v55;
	v52 =	vadd.s32 v63, v58  }
0x45b: {  	v55 =	vadd.s32 v49, v50;
	v52 =	vadd.s32 v59, v52  }
0x45c: {  	v53 =	vshrl.u32 v55, $0x1;
	vm14 =	vgt.s32 v52, v0  }
0x45d: {  	vm15 =	vge.s32 v11, v53;
	v51 =	vsel vm14, v54, v51;
	v48 =	vsel vm14, v48, v54  }
0x45e: {  	vm6 =	vge.s32 v13, v53;
	vm7 =	vge.s32 v12, v53;
	v54 =	vadd.s32 v48, v51  }
0x45f: {  	vm11 =	vge.s32 v10, v53;
	vm5 =	vge.s32 v7, v53;
	v54 =	vshrl.u32 v54, $0x1  }
0x460: {  	v55 =	vmpcnt.ones.xlane vm6;
	vm8 =	vge.s32 v28, v54;
	vm9 =	vge.s32 v26, v54  }
0x461: {  	vm10 =	vge.s32 v25, v54;
	v60 =	vmpcnt.ones.xlane vm8;
	v61 =	vmpcnt.ones.xlane vm9  }
0x462: {  	v52 =	vmpcnt.ones.xlane vm15;
	vm12 =	vge.s32 v24, v54;
	v62 =	vmpcnt.ones.xlane vm10  }
0x463: {  	vm13 =	vge.s32 v22, v54;
	v63 =	vmpcnt.ones.xlane vm12;
	v57 =	vadd.s32 v60, v61  }
0x464: {  	vm14 =	vge.s32 v21, v54;
	v60 =	vmpcnt.ones.xlane vm13;
	v57 =	vadd.s32 v62, v57  }
0x465: {  	vm15 =	vge.s32 v27, v54;
	v61 =	vmpcnt.ones.xlane vm14;
	v57 =	vadd.s32 v63, v57  }
0x466: {  	vm4 =	vge.s32 v23, v54;
	v62 =	vmpcnt.ones.xlane vm15;
	v57 =	vadd.s32 v60, v57  }
0x467: {  	v56 =	vmpcnt.ones.xlane vm7;
	v60 =	vmpcnt.ones.xlane vm4;
	v63 =	vadd.s32 v61, v57  }
0x468: {  	vm6 =	vge.s32 v6, v53;
	v52 =	vadd.s32 v52, v55;
	v55 =	vadd.s32 v62, v63  }
0x469: {  	v52 =	vadd.s32 v56, v52;
	vm8 =	vge.s32 v9, v53;
	v55 =	vadd.s32 v60, v55  }
0x46a: {  	vm9 =	vge.s32 v8, v53;
	v56 =	vmpcnt.ones.xlane vm8;
	vm7 =	vgt.s32 v55, v0  }
0x46b: {  	v61 =	vmpcnt.ones.xlane vm11;
	v51 =	vsel vm7, v54, v51;
	v48 =	vsel vm7, v48, v54  }
0x46c: {  	v58 =	vmpcnt.ones.xlane vm9;
	v62 =	vmpcnt.ones.xlane vm5;
	v54 =	vadd.s32 v48, v51  }
0x46d: {  	v63 =	vmpcnt.ones.xlane vm6;
	v52 =	vadd.s32 v61, v52;
	v54 =	vshrl.u32 v54, $0x1  }
0x46e: {  	v52 =	vadd.s32 v62, v52;
	vm10 =	vge.s32 v28, v54;
	vm11 =	vge.s32 v26, v54  }
0x46f: {  	vm12 =	vge.s32 v25, v54;
	v60 =	vmpcnt.ones.xlane vm10;
	v61 =	vmpcnt.ones.xlane vm11  }
0x470: {  	v52 =	vadd.s32 v63, v52;
	vm13 =	vge.s32 v24, v54;
	v62 =	vmpcnt.ones.xlane vm12  }
0x471: {  	vm14 =	vge.s32 v22, v54;
	v63 =	vmpcnt.ones.xlane vm13;
	v55 =	vadd.s32 v60, v61  }
0x472: {  	vm15 =	vge.s32 v21, v54;
	v60 =	vmpcnt.ones.xlane vm14;
	v55 =	vadd.s32 v62, v55  }
0x473: {  	vm4 =	vge.s32 v27, v54;
	v61 =	vmpcnt.ones.xlane vm15;
	v55 =	vadd.s32 v63, v55  }
0x474: {  	vm5 =	vge.s32 v23, v54;
	v62 =	vmpcnt.ones.xlane vm4;
	v55 =	vadd.s32 v60, v55  }
0x475: {  	v52 =	vadd.s32 v56, v52;
	v63 =	vmpcnt.ones.xlane vm5;
	v55 =	vadd.s32 v61, v55  }
0x476: {  	v52 =	vadd.s32 v58, v52;
	v55 =	vadd.s32 v62, v55  }
0x477: {  	vm6 =	vgt.s32 v52, v0;
	v60 =	vadd.s32 v63, v55  }
0x478: {  	v50 =	vsel vm6, v53, v50;
	vm7 =	vgt.s32 v60, v0  }
0x479: {  	v49 =	vsel vm6, v49, v53;
	v51 =	vsel vm7, v54, v51;
	v48 =	vsel vm7, v48, v54  }
0x47a: {  	v61 =	vadd.s32 v49, v50;
	v62 =	vadd.s32 v48, v51  }
0x47b: {  	v52 =	vshrl.u32 v61, $0x1;
	v53 =	vshrl.u32 v62, $0x1  }
0x47c: {  	vm2 =	vge.s32 v11, v52;
	vm8 =	vge.s32 v28, v53;
	vm9 =	vge.s32 v26, v53  }
0x47d: {  	vm10 =	vge.s32 v25, v53;
	v63 =	vmpcnt.ones.xlane vm8;
	v60 =	vmpcnt.ones.xlane vm9  }
0x47e: {  	vm11 =	vge.s32 v13, v52;
	vm12 =	vge.s32 v24, v53;
	v61 =	vmpcnt.ones.xlane vm10  }
0x47f: {  	vm13 =	vge.s32 v22, v53;
	v62 =	vmpcnt.ones.xlane vm12;
	v54 =	vadd.s32 v63, v60  }
0x480: {  	vm14 =	vge.s32 v21, v53;
	v63 =	vmpcnt.ones.xlane vm13;
	v54 =	vadd.s32 v61, v54  }
0x481: {  	vm15 =	vge.s32 v27, v53;
	v60 =	vmpcnt.ones.xlane vm14;
	v54 =	vadd.s32 v62, v54  }
0x482: {  	vm6 =	vge.s32 v23, v53;
	v61 =	vmpcnt.ones.xlane vm15;
	v54 =	vadd.s32 v63, v54  }
0x483: {  	vm7 =	vge.s32 v12, v52;
	v63 =	vmpcnt.ones.xlane vm6;
	v54 =	vadd.s32 v60, v54  }
0x484: {  	vm8 =	vge.s32 v10, v52;
	vm10 =	vge.s32 v7, v52;
	v54 =	vadd.s32 v61, v54  }
0x485: {  	v62 =	vmpcnt.ones.xlane vm2;
	v60 =	vmpcnt.ones.xlane vm11;
	v54 =	vadd.s32 v63, v54  }
0x486: {  	vm11 =	vge.s32 v6, v52;
	v61 =	vmpcnt.ones.xlane vm7;
	vm9 =	vgt.s32 v54, v0  }
0x487: {  	v62 =	vadd.s32 v62, v60;
	v51 =	vsel vm9, v53, v51;
	v48 =	vsel vm9, v48, v53  }
0x488: {  	v63 =	vmpcnt.ones.xlane vm8;
	v60 =	vadd.s32 v61, v62;
	v61 =	vadd.s32 v48, v51  }
0x489: {  	vm15 =	vge.s32 v9, v52;
	v56 =	vmpcnt.ones.xlane vm11;
	v55 =	vshrl.u32 v61, $0x1  }
0x48a: {  	v53 =	vadd.s32 v63, v60;
	vm12 =	vge.s32 v28, v55;
	vm13 =	vge.s32 v26, v55  }
0x48b: {  	vm14 =	vge.s32 v25, v55;
	v62 =	vmpcnt.ones.xlane vm12;
	v63 =	vmpcnt.ones.xlane vm13  }
0x48c: {  	v54 =	vmpcnt.ones.xlane vm10;
	vm4 =	vge.s32 v24, v55;
	v60 =	vmpcnt.ones.xlane vm14  }
0x48d: {  	vm5 =	vge.s32 v22, v55;
	v61 =	vmpcnt.ones.xlane vm4;
	v57 =	vadd.s32 v62, v63  }
0x48e: {  	vm6 =	vge.s32 v21, v55;
	v62 =	vmpcnt.ones.xlane vm5;
	v57 =	vadd.s32 v60, v57  }
0x48f: {  	vm7 =	vge.s32 v27, v55;
	v63 =	vmpcnt.ones.xlane vm6;
	v57 =	vadd.s32 v61, v57  }
0x490: {  	vm8 =	vge.s32 v23, v55;
	v60 =	vmpcnt.ones.xlane vm7;
	v57 =	vadd.s32 v62, v57  }
0x491: {  	vm9 =	vge.s32 v8, v52;
	v62 =	vmpcnt.ones.xlane vm8;
	v61 =	vadd.s32 v63, v57  }
0x492: {  	v53 =	vadd.s32 v54, v53;
	v63 =	vmpcnt.ones.xlane vm15;
	v54 =	vadd.s32 v60, v61  }
0x493: {  	v53 =	vadd.s32 v56, v53;
	v60 =	vmpcnt.ones.xlane vm9;
	v54 =	vadd.s32 v62, v54  }
0x494: {  	v53 =	vadd.s32 v63, v53;
	vm10 =	vgt.s32 v54, v0  }
0x495: {  	v53 =	vadd.s32 v60, v53;
	v51 =	vsel vm10, v55, v51;
	v48 =	vsel vm10, v48, v55  }
0x496: {  	vm11 =	vgt.s32 v53, v0;
	v61 =	vadd.s32 v48, v51  }
0x497: {  	v50 =	vsel vm11, v52, v50;
	v52 =	vsel vm11, v49, v52;
	v53 =	vshrl.u32 v61, $0x1  }
0x498: {  	v55 =	vadd.s32 v52, v50;
	vm12 =	vge.s32 v28, v53  }
0x499: {  	vm13 =	vge.s32 v26, v53;
	vm14 =	vge.s32 v25, v53;
	vm15 =	vge.s32 v24, v53  }
0x49a: {  	vm4 =	vge.s32 v22, v53;
	v62 =	vmpcnt.ones.xlane vm12;
	v63 =	vmpcnt.ones.xlane vm13  }
0x49b: {  	vm5 =	vge.s32 v21, v53;
	vm6 =	vge.s32 v27, v53;
	v60 =	vmpcnt.ones.xlane vm14  }
0x49c: {  	vm7 =	vge.s32 v23, v53;
	v61 =	vmpcnt.ones.xlane vm15;
	v49 =	vadd.s32 v62, v63  }
0x49d: {  	v55 =	vshrl.u32 v55, $0x1;
	v62 =	vmpcnt.ones.xlane vm4;
	v49 =	vadd.s32 v60, v49  }
0x49e: {  	vm8 =	vge.s32 v11, v55;
	v63 =	vmpcnt.ones.xlane vm5;
	v49 =	vadd.s32 v61, v49  }
0x49f: {  	vm9 =	vge.s32 v13, v55;
	v60 =	vmpcnt.ones.xlane vm6;
	v49 =	vadd.s32 v62, v49  }
0x4a0: {  	vm10 =	vge.s32 v12, v55;
	v61 =	vmpcnt.ones.xlane vm7;
	v49 =	vadd.s32 v63, v49  }
0x4a1: {  	vm12 =	vge.s32 v10, v55;
	vm13 =	vge.s32 v7, v55;
	v49 =	vadd.s32 v60, v49  }
0x4a2: {  	v56 =	vmpcnt.ones.xlane vm13;
	vm13 =	vge.s32 v9, v55;
	v49 =	vadd.s32 v61, v49  }
0x4a3: {  	v62 =	vmpcnt.ones.xlane vm8;
	v63 =	vmpcnt.ones.xlane vm9;
	vm11 =	vgt.s32 v49, v0  }
0x4a4: {  	v60 =	vmpcnt.ones.xlane vm10;
	v49 =	vsel vm11, v53, v51;
	v48 =	vsel vm11, v48, v53  }
0x4a5: {  	v61 =	vadd.s32 v62, v63;
	v53 =	vmpcnt.ones.xlane vm12;
	v62 =	vadd.s32 v48, v49  }
0x4a6: {  	vm7 =	vge.s32 v6, v55;
	v51 =	vadd.s32 v60, v61;
	v54 =	vshrl.u32 v62, $0x1  }
0x4a7: {  	v51 =	vadd.s32 v53, v51;
	vm14 =	vge.s32 v28, v54;
	vm15 =	vge.s32 v26, v54  }
0x4a8: {  	vm6 =	vge.s32 v25, v54;
	v63 =	vmpcnt.ones.xlane vm14;
	v60 =	vmpcnt.ones.xlane vm15  }
0x4a9: {  	vm8 =	vge.s32 v24, v54;
	vm9 =	vge.s32 v22, v54;
	v61 =	vmpcnt.ones.xlane vm6  }
0x4aa: {  	vm10 =	vge.s32 v21, v54;
	v62 =	vmpcnt.ones.xlane vm8;
	v57 =	vadd.s32 v63, v60  }
0x4ab: {  	vm11 =	vge.s32 v27, v54;
	v63 =	vmpcnt.ones.xlane vm9;
	v57 =	vadd.s32 v61, v57  }
0x4ac: {  	vm12 =	vge.s32 v23, v54;
	v60 =	vmpcnt.ones.xlane vm10;
	v57 =	vadd.s32 v62, v57  }
0x4ad: {  	v51 =	vadd.s32 v56, v51;
	v61 =	vmpcnt.ones.xlane vm11;
	v57 =	vadd.s32 v63, v57  }
0x4ae: {  	v63 =	vmpcnt.ones.xlane vm12;
	v62 =	vadd.s32 v60, v57;
	v60 =	vmpcnt.ones.xlane vm7  }
0x4af: {  	vm14 =	vge.s32 v8, v55;
	v53 =	vadd.s32 v61, v62;
	v61 =	vmpcnt.ones.xlane vm13  }
0x4b0: {  	v62 =	vmpcnt.ones.xlane vm14;
	v53 =	vadd.s32 v63, v53;
	v51 =	vadd.s32 v60, v51  }
0x4b1: {  	v47 =	vmul.f32 v47, v34;
	vm15 =	vgt.s32 v53, v0;
	v51 =	vadd.s32 v61, v51  }
0x4b2: {  	v57 =	vsel vm15, v54, v49;
	v54 =	vsel vm15, v48, v54;
	v51 =	vadd.s32 v62, v51  }
0x4b3: {  	v34 =	vmul.f32 v44, v35;
	v63 =	vadd.s32 v54, v57;
	vm6 =	vgt.s32 v51, v0  }
0x4b4: {  	v30 =	vmul.f32 v43, v30;
	v53 =	vshrl.u32 v63, $0x1;
	v50 =	vsel vm6, v55, v50  }
0x4b5: {  	v52 =	vsel vm6, v52, v55;
	vm7 =	vge.s32 v28, v53;
	vm8 =	vge.s32 v26, v53  }
0x4b6: {  	vm9 =	vge.s32 v25, v53;
	v60 =	vmpcnt.ones.xlane vm7;
	v61 =	vmpcnt.ones.xlane vm8  }
0x4b7: {  	vm10 =	vge.s32 v24, v53;
	vm11 =	vge.s32 v22, v53;
	v62 =	vmpcnt.ones.xlane vm9  }
0x4b8: {  	vm12 =	vge.s32 v21, v53;
	v63 =	vmpcnt.ones.xlane vm10;
	v51 =	vadd.s32 v60, v61  }
0x4b9: {  	vm13 =	vge.s32 v27, v53;
	v60 =	vmpcnt.ones.xlane vm11;
	v51 =	vadd.s32 v62, v51  }
0x4ba: {  	vm14 =	vge.s32 v23, v53;
	v61 =	vmpcnt.ones.xlane vm12;
	v51 =	vadd.s32 v63, v51  }
0x4bb: {  	v62 =	vmpcnt.ones.xlane vm13;
	v51 =	vadd.s32 v60, v51;
	v60 =	vadd.s32 v52, v50  }
0x4bc: {  	v63 =	vmpcnt.ones.xlane vm14;
	v51 =	vadd.s32 v61, v51;
	v35 =	vshrl.u32 v60, $0x1  }
0x4bd: {  	v51 =	vadd.s32 v62, v51;
	vm15 =	vge.s32 v11, v35;
	vm4 =	vge.s32 v13, v35  }
0x4be: {  	vm6 =	vge.s32 v12, v35;
	vm7 =	vge.s32 v10, v35;
	v62 =	vmpcnt.ones.xlane vm15  }
0x4bf: {  	v61 =	vadd.s32 v63, v51;
	v63 =	vmpcnt.ones.xlane vm4;
	v56 =	vmpcnt.ones.xlane vm6  }
0x4c0: {  	v58 =	vmpcnt.ones.xlane vm7;
	vm4 =	vge.s32 v7, v35;
	vm5 =	vgt.s32 v61, v0  }
0x4c1: {  	v51 =	vsel vm5, v53, v57;
	v53 =	vsel vm5, v54, v53;
	v44 =	vadd.s32 v62, v63  }
0x4c2: {  	vm6 =	vge.s32 v9, v35;
	v60 =	vadd.s32 v53, v51;
	v44 =	vadd.s32 v56, v44  }
0x4c3: {  	vm5 =	vge.s32 v6, v35;
	v55 =	vshrl.u32 v60, $0x1;
	v44 =	vadd.s32 v58, v44  }
0x4c4: {  	vm8 =	vge.s32 v28, v55;
	vm9 =	vge.s32 v26, v55;
	vm10 =	vge.s32 v25, v55  }
0x4c5: {  	vm11 =	vge.s32 v24, v55;
	v61 =	vmpcnt.ones.xlane vm8;
	v62 =	vmpcnt.ones.xlane vm9  }
0x4c6: {  	vm12 =	vge.s32 v22, v55;
	vm13 =	vge.s32 v21, v55;
	v63 =	vmpcnt.ones.xlane vm10  }
0x4c7: {  	vm14 =	vge.s32 v27, v55;
	v60 =	vmpcnt.ones.xlane vm11;
	v54 =	vadd.s32 v61, v62  }
0x4c8: {  	vm15 =	vge.s32 v23, v55;
	v61 =	vmpcnt.ones.xlane vm12;
	v54 =	vadd.s32 v63, v54  }
0x4c9: {  	vm8 =	vge.s32 v8, v35;
	v62 =	vmpcnt.ones.xlane vm13;
	v54 =	vadd.s32 v60, v54  }
0x4ca: {  	v63 =	vmpcnt.ones.xlane vm14;
	v54 =	vadd.s32 v61, v54;
	v61 =	vmpcnt.ones.xlane vm4  }
0x4cb: {  	v60 =	vmpcnt.ones.xlane vm15;
	v54 =	vadd.s32 v62, v54;
	v62 =	vmpcnt.ones.xlane vm5  }
0x4cc: {  	v54 =	vadd.s32 v63, v54;
	v44 =	vadd.s32 v61, v44;
	v63 =	vmpcnt.ones.xlane vm6  }
0x4cd: {  	v54 =	vadd.s32 v60, v54;
	v44 =	vadd.s32 v62, v44;
	v60 =	vmpcnt.ones.xlane vm8  }
0x4ce: {  	v49 =	vsel vm0, $0x3F800000, v5;
	vm7 =	vgt.s32 v54, v0;
	v44 =	vadd.s32 v63, v44  }
0x4cf: {  	v51 =	vsel vm7, v55, v51;
	v53 =	vsel vm7, v53, v55;
	v44 =	vadd.s32 v60, v44  }
0x4d0: {  	v48 =	vsel vm1, $0x3F800000, v5;
	v55 =	vadd.s32 v53, v51;
	vm5 =	vgt.s32 v44, v0  }
0x4d1: {  	v31 =	vmul.f32 v49, v31;
	v55 =	vshrl.u32 v55, $0x1;
	v50 =	vsel vm5, v35, v50  }
0x4d2: {  	v52 =	vsel vm5, v52, v35;
	vm9 =	vge.s32 v28, v55;
	vm10 =	vge.s32 v26, v55  }
0x4d3: {  	vm11 =	vge.s32 v25, v55;
	v61 =	vmpcnt.ones.xlane vm9;
	v62 =	vmpcnt.ones.xlane vm10  }
0x4d4: {  	v35 =	vmul.f32 v45, v32;
	vm12 =	vge.s32 v24, v55;
	v63 =	vmpcnt.ones.xlane vm11  }
0x4d5: {  	vm13 =	vge.s32 v22, v55;
	v60 =	vmpcnt.ones.xlane vm12;
	v54 =	vadd.s32 v61, v62  }
0x4d6: {  	vm14 =	vge.s32 v21, v55;
	v61 =	vmpcnt.ones.xlane vm13;
	v54 =	vadd.s32 v63, v54  }
0x4d7: {  	vm15 =	vge.s32 v27, v55;
	v62 =	vmpcnt.ones.xlane vm14;
	v54 =	vadd.s32 v60, v54  }
0x4d8: {  	vm4 =	vge.s32 v23, v55;
	v63 =	vmpcnt.ones.xlane vm15;
	v54 =	vadd.s32 v61, v54  }
0x4d9: {  	v61 =	vmpcnt.ones.xlane vm4;
	v60 =	vadd.s32 v62, v54;
	v62 =	vadd.s32 v52, v50  }
0x4da: {  	v32 =	vmul.f32 v46, v33;
	v44 =	vadd.s32 v63, v60;
	v33 =	vshrl.u32 v62, $0x1  }
0x4db: {  	v44 =	vadd.s32 v61, v44;
	vm7 =	vge.s32 v11, v33;
	vm8 =	vge.s32 v13, v33  }
0x4dc: {  	vm9 =	vge.s32 v12, v33;
	vm13 =	vge.s32 v10, v33;
	vm6 =	vgt.s32 v44, v0  }
0x4dd: {  	v46 =	vmpcnt.ones.xlane vm7;
	v44 =	vsel vm6, v55, v51;
	v45 =	vsel vm6, v53, v55  }
0x4de: {  	v52 =	vmpcnt.ones.xlane vm8;
	v57 =	vmpcnt.ones.xlane vm13;
	v51 =	vadd.s32 v45, v44  }
0x4df: {  	vm7 =	vge.s32 v7, v33;
	vm8 =	vge.s32 v6, v33;
	v51 =	vshrl.u32 v51, $0x1  }
0x4e0: {  	v53 =	vmpcnt.ones.xlane vm9;
	vm10 =	vge.s32 v28, v51;
	vm11 =	vge.s32 v26, v51  }
0x4e1: {  	vm12 =	vge.s32 v25, v51;
	v63 =	vmpcnt.ones.xlane vm10;
	v60 =	vmpcnt.ones.xlane vm11  }
0x4e2: {  	v58 =	vmpcnt.ones.xlane vm7;
	vm14 =	vge.s32 v24, v51;
	v61 =	vmpcnt.ones.xlane vm12  }
0x4e3: {  	vm15 =	vge.s32 v22, v51;
	v62 =	vmpcnt.ones.xlane vm14;
	v54 =	vadd.s32 v63, v60  }
0x4e4: {  	vm4 =	vge.s32 v21, v51;
	v63 =	vmpcnt.ones.xlane vm15;
	v54 =	vadd.s32 v61, v54  }
0x4e5: {  	vm5 =	vge.s32 v27, v51;
	v60 =	vmpcnt.ones.xlane vm4;
	v54 =	vadd.s32 v62, v54  }
0x4e6: {  	vm6 =	vge.s32 v23, v51;
	v61 =	vmpcnt.ones.xlane vm5;
	v54 =	vadd.s32 v63, v54  }
0x4e7: {  	v46 =	vadd.s32 v46, v52;
	v63 =	vmpcnt.ones.xlane vm6;
	v62 =	vadd.s32 v60, v54  }
0x4e8: {  	v59 =	vmpcnt.ones.xlane vm8;
	v46 =	vadd.s32 v53, v46;
	v52 =	vadd.s32 v61, v62  }
0x4e9: {  	v46 =	vadd.s32 v57, v46;
	vm10 =	vge.s32 v9, v33;
	v52 =	vadd.s32 v63, v52  }
0x4ea: {  	v46 =	vadd.s32 v58, v46;
	vm11 =	vge.s32 v8, v33;
	vm9 =	vgt.s32 v52, v0  }
0x4eb: {  	v53 =	vmpcnt.ones.xlane vm10;
	v44 =	vsel vm9, v51, v44;
	v45 =	vsel vm9, v45, v51  }
0x4ec: {  	v46 =	vadd.s32 v59, v46;
	v55 =	vmpcnt.ones.xlane vm11;
	v51 =	vadd.s32 v45, v44  }
0x4ed: {  	v29 =	vmul.f32 v48, v29;
	v46 =	vadd.s32 v53, v46;
	v51 =	vshrl.u32 v51, $0x1  }
0x4ee: {  	v46 =	vadd.s32 v55, v46;
	vm12 =	vge.s32 v28, v51;
	vm13 =	vge.s32 v26, v51  }
0x4ef: {  	vm14 =	vge.s32 v25, v51;
	v60 =	vmpcnt.ones.xlane vm12;
	v61 =	vmpcnt.ones.xlane vm13  }
0x4f0: {  	vm8 =	vgt.s32 v46, v0;
	vm15 =	vge.s32 v24, v51;
	v62 =	vmpcnt.ones.xlane vm14  }
0x4f1: {  	vm4 =	vge.s32 v22, v51;
	v63 =	vmpcnt.ones.xlane vm15;
	v52 =	vadd.s32 v60, v61  }
0x4f2: {  	vm5 =	vge.s32 v21, v51;
	v60 =	vmpcnt.ones.xlane vm4;
	v52 =	vadd.s32 v62, v52  }
0x4f3: {  	vm6 =	vge.s32 v27, v51;
	v61 =	vmpcnt.ones.xlane vm5;
	v52 =	vadd.s32 v63, v52  }
0x4f4: {  	vm7 =	vge.s32 v23, v51;
	v62 =	vmpcnt.ones.xlane vm6;
	v52 =	vadd.s32 v60, v52  }
0x4f5: {  	v33 =	vsel vm8, v33, v50;
	v63 =	vmpcnt.ones.xlane vm7;
	v52 =	vadd.s32 v61, v52  }
0x4f6: {  	v57 =	vimm.s32 $0x0;
	vm0 =	vgt.s32 v6, v33;
	v52 =	vadd.s32 v62, v52  }
0x4f7: {  	vm1 =	vgt.s32 v9, v33;
	vm3 =	vgt.s32 v10, v33;
	v56 =	vadd.s32 v63, v52  }
0x4f8: {  	vm2 =	vgt.s32 v7, v33;
	vm8 =	veq.s32 v12, v33;
	vm9 =	vgt.s32 v56, v0  }
0x4f9: {  	v46 =	vsel vm0, $0xFFFFFFFF, v57;
	v44 =	vsel vm9, v51, v44;
	v45 =	vsel vm9, v45, v51  }
0x4fa: {  	[tilespmem:s13+$0x4050] =	vst v49;
	v49 =	vmpcnt.ones.xlane vm8;
	vm14 =	vgt.s32 v8, v33;
	v58 =	vadd.s32 v45, v44  }
0x4fb: {  	[tilespmem:$0x1FEF0] =	vst v46;
	vm4 =	vgt.s32 v12, v33;
	vm9 =	veq.s32 v13, v33;
	v46 =	vshrl.u32 v58, $0x1  }
0x4fc: {  	vm5 =	vge.s32 v28, v46;
	vm6 =	vge.s32 v26, v46;
	vm10 =	vge.s32 v25, v46  }
0x4fd: {  	vm11 =	vge.s32 v24, v46;
	vm12 =	vge.s32 v22, v46;
	vm13 =	vge.s32 v21, v46  }
0x4fe: {  	vm15 =	vge.s32 v27, v46;
	v59 =	vmpcnt.ones.xlane vm5;
	v60 =	vmpcnt.ones.xlane vm6  }
0x4ff: {  	vm7 =	vge.s32 v23, v46;
	vm5 =	vgt.s32 v11, v33;
	v61 =	vmpcnt.ones.xlane vm10  }
0x500: {  	v62 =	vmpcnt.ones.xlane vm11;
	v63 =	vmpcnt.ones.xlane vm12;
	v50 =	vadd.s32 v59, v60  }
0x501: {  	v56 =	vmpcnt.ones.xlane vm13;
	v57 =	vmpcnt.ones.xlane vm15;
	v50 =	vadd.s32 v61, v50  }
0x502: {  	vm6 =	vgt.s32 v13, v33;
	v58 =	vmpcnt.ones.xlane vm7;
	v50 =	vadd.s32 v62, v50  }
0x503: {  	vm11 =	veq.s32 v11, v33;
	vm7 =	veq.s32 v9, v33;
	v50 =	vadd.s32 v63, v50  }
0x504: {  	v11 =	vmpcnt.ones.xlane vm14;
	vm10 =	veq.s32 v10, v33;
	v50 =	vadd.s32 v56, v50  }
0x505: {  	v13 =	vmpcnt.ones.xlane vm0;
	vm15 =	veq.s32 v8, v33;
	v59 =	vadd.s32 v57, v50  }
0x506: {  	v62 =	vmpcnt.ones.xlane vm5;
	v63 =	vmpcnt.ones.xlane vm6;
	v60 =	vadd.s32 v58, v59  }
0x507: {  	v9 =	vmpcnt.ones.xlane vm7;
	v51 =	vsel vm10, $0x1, v1;
	vm12 =	vgt.s32 v60, v0  }
0x508: {  	v8 =	vadd.s32 v63, v62;
	v10 =	vsel vm12, v46, v44;
	v12 =	vsel vm12, v45, v46  }
0x509: {  	v62 =	vmpcnt.ones.xlane vm3;
	v63 =	vmpcnt.ones.xlane vm2;
	v61 =	vadd.s32 v12, v10  }
0x50a: {  	v50 =	vmpcnt.ones.xlane vm10;
	v58 =	vmpcnt.ones.xlane vm1;
	v46 =	vshrl.u32 v61, $0x1  }
0x50b: {  	v44 =	vmpcnt.ones.xlane vm4;
	v45 =	vsel vm15, $0x1, v1;
	vm0 =	vge.s32 v28, v46  }
0x50c: {  	vm13 =	vge.s32 v26, v46;
	vm12 =	vge.s32 v22, v46;
	v60 =	vmpcnt.ones.xlane vm0  }
0x50d: {  	vm0 =	vge.s32 v25, v46;
	v61 =	vmpcnt.ones.xlane vm13;
	v55 =	vmpcnt.ones.xlane vm12  }
0x50e: {  	vm13 =	veq.s32 v7, v33;
	vm12 =	veq.s32 v6, v33;
	v33 =	vmpcnt.ones.xlane vm11  }
0x50f: {  	(xrf0) =	vadd.scan.msk.s32 $0xffff, v45;
	v8 =	vadd.s32 v44, v8;
	v6 =	vmpcnt.ones.xlane vm9;
	v53 =	vmpcnt.ones.xlane vm0  }
0x510: {  	vm0 =	vge.s32 v24, v46;
	v57 =	vmpcnt.ones.xlane vm13;
	v59 =	vmpcnt.ones.xlane vm12  }
0x511: {  	[tilespmem:s13+$0x6000] =	vst v47;
	v54 =	vmpcnt.ones.xlane vm0;
	vm0 =	vge.s32 v21, v46;
	v47 =	vadd.s32 v33, v6  }
0x512: {  	[tilespmem:s13+$0x4040] =	vst v43;
	v6 =	vadd.s32 v62, v8;
	v60 =	vadd.s32 v60, v61;
	v61 =	vsel vm15, $0xFFFFFFFF, v1  }
0x513: {  	[tilespmem:s13+$0x6010] =	vst v34;
	v56 =	vmpcnt.ones.xlane vm0;
	vm0 =	vge.s32 v27, v46;
	v34 =	vadd.s32 v47, v49  }
0x514: {  	[tilespmem:s13+$0x6040] =	vst v30;
	v6 =	vadd.s32 v63, v6;
	v63 =	vadd.s32 v53, v60;
	v7 =	vmpcnt.ones.xlane vm0  }
0x515: {  	[tilespmem:s13+$0x6020] =	vst v35;
	v62, _, _ =	vpop (xrf0);
	vm0 =	vge.s32 v23, v46;
	v6 =	vadd.s32 v13, v6;
	v35 =	vadd.s32 v34, v50  }
0x516: {  	[tilespmem:s13+$0x6030] =	vst v32;
	v30 =	vadd.s32 v61, v62;
	v13 =	vadd.s32 v54, v63;
	v32 =	vadd.s32 v35, v57  }
0x517: {  	[tilespmem:s13+$0x6050] =	vst v31;
	v43 =	vmpcnt.ones.xlane vm0;
	v6 =	vadd.s32 v58, v6;
	v31 =	vadd.s32 v32, v59  }
0x518: {  	v13 =	vadd.s32 v55, v13;
	v6 =	vadd.s32 v11, v6;
	v44 =	vadd.s32 v31, v30  }
0x519: {  	[tilespmem:s13+$0x4060] =	vst v48;
	v48 =	vadd.s32 v56, v13;
	v8 =	vsub.s32 $0x59, v6;
	v6 =	vadd.s32 v9, v44  }
0x51a: {  	v49 =	vsel vm9, $0x1, v1;
	v7 =	vadd.s32 v7, v48;
	vm0 =	vlt.s32 v6, v8  }
0x51b: {  	v50 =	vsel vm8, $0x1, v1;
	(xrf0) =	vadd.scan.msk.s32 $0xffff, v49;
	v6 =	vadd.s32 v43, v7;
	vm0 =	vmand vm15, vm0  }
0x51c: {  	v52 =	vsel vm13, $0x1, v1;
	(xrf0) =	vadd.scan.msk.s32 $0xffff, v50;
	vm0 =	vmor vm14, vm0;
	vm14 =	vgt.s32 v6, v0  }
0x51d: {  	v63 =	vsel vm9, $0xFFFFFFFF, v1;
	(xrf0) =	vadd.scan.msk.s32 $0xffff, v51;
	v10 =	vsel vm14, v46, v10;
	v11 =	vsel vm14, v12, v46  }
0x51e: {  	v55 =	vsel vm12, $0x1, v1;
	(xrf0) =	vadd.scan.msk.s32 $0xffff, v52;
	v30 =	vsel vm7, $0x1, v1;
	v12 =	vadd.s32 v11, v10  }
0x51f: {  	v52 =	vsel vm8, $0xFFFFFFFF, v1;
	(xrf0) =	vadd.scan.msk.s32 $0xffff, v55;
	v55 =	vsel vm13, $0xFFFFFFFF, v1;
	v12 =	vshrl.u32 v12, $0x1  }
0x520: {  	v7 =	vsel vm0, $0x3F800000, v5;
	vm0 =	vge.s32 v28, v12;
	vm14 =	vge.s32 v26, v12  }
0x521: {  	[tilespmem:s13+$0x6060] =	vst v29;
	vm15 =	vge.s32 v25, v12;
	v53 =	vmpcnt.ones.xlane vm0;
	v54 =	vmpcnt.ones.xlane vm14  }
0x522: {  	v45 =	vld [tilespmem:s14+$0x70];
	v43 =	vsel vm11, $0x1, v1;
	v56 =	vmpcnt.ones.xlane vm15;
	vm14 =	vge.s32 v24, v12  }
0x523: {  	vm15 =	vge.s32 v22, v12;
	v58 =	vmpcnt.ones.xlane vm14;
	v57 =	vadd.s32 v53, v54  }
0x524: {  	v59 =	vmpcnt.ones.xlane vm15;
	vm14 =	vge.s32 v21, v12;
	v9 =	vadd.s32 v56, v57  }
0x525: {  	vm15 =	vge.s32 v27, v12;
	v60 =	vmpcnt.ones.xlane vm14;
	v9 =	vadd.s32 v58, v9  }
0x526: {  	v61 =	vmpcnt.ones.xlane vm15;
	vm14 =	vge.s32 v23, v12;
	v9 =	vadd.s32 v59, v9  }
0x527: {  	v6 =	vmul.f32 v7, v45;
	v62 =	vmpcnt.ones.xlane vm14;
	v54, _, _ =	vpop (xrf0);
	v9 =	vadd.s32 v60, v9  }
0x528: {  	v53 =	vsel vm10, $0xFFFFFFFF, v1;
	v56 =	vsel vm12, $0xFFFFFFFF, v1;
	v57, _, _ =	vpop (xrf0);
	v9 =	vadd.s32 v61, v9  }
0x529: {  	v44 =	vadd.s32 v63, v54;
	v58, _, _ =	vpop (xrf0);
	v13 =	vadd.s32 v52, v57;
	v9 =	vadd.s32 v62, v9  }
0x52a: {  	v33 =	vadd.s32 v33, v44;
	v45 =	vadd.s32 v53, v58;
	vm15 =	vgt.s32 v9, v0  }
0x52b: {  	v59, _, _ =	vpop (xrf0);
	v13 =	vadd.s32 v47, v13;
	v10 =	vsel vm15, v12, v10;
	v11 =	vsel vm15, v11, v12  }
0x52c: {  	v61, _, _ =	vpop (xrf0);
	v34 =	vadd.s32 v34, v45;
	v9 =	vsel vm7, $0xFFFFFFFF, v1;
	v60 =	vadd.s32 v11, v10  }
0x52d: {  	(xrf0) =	vadd.scan.msk.s32 $0xffff, v30;
	v62 =	vadd.s32 v56, v61;
	v12 =	vadd.s32 v55, v59;
	v29 =	vshrl.u32 v60, $0x1  }
0x52e: {  	(xrf0) =	vadd.scan.msk.s32 $0xffff, v43;
	v30 =	vadd.s32 v32, v62;
	vm0 =	vge.s32 v28, v29;
	vm14 =	vge.s32 v26, v29  }
0x52f: {  	v63 =	vmpcnt.ones.xlane vm0;
	v52 =	vmpcnt.ones.xlane vm14;
	vm14 =	vge.s32 v25, v29  }
0x530: {  	v12 =	vadd.s32 v35, v12;
	vm15 =	vge.s32 v24, v29;
	v53 =	vmpcnt.ones.xlane vm14  }
0x531: {  	v54 =	vmpcnt.ones.xlane vm15;
	vm14 =	vge.s32 v22, v29;
	v46 =	vadd.s32 v63, v52  }
0x532: {  	vm15 =	vge.s32 v21, v29;
	v55 =	vmpcnt.ones.xlane vm14;
	v44 =	vadd.s32 v53, v46  }
0x533: {  	v57, _, _ =	vpop (xrf0);
	v56 =	vmpcnt.ones.xlane vm15;
	vm14 =	vge.s32 v27, v29;
	v44 =	vadd.s32 v54, v44  }
0x534: {  	vm15 =	vge.s32 v23, v29;
	v60, _, _ =	vpop (xrf0);
	v58 =	vmpcnt.ones.xlane vm14;
	v44 =	vadd.s32 v55, v44  }
0x535: {  	v59 =	vmpcnt.ones.xlane vm15;
	v62 =	vsub.s32 v60, v43;
	v44 =	vadd.s32 v56, v44  }
0x536: {  	v9 =	vadd.s32 v9, v57;
	vm14 =	vlt.s32 v62, v8;
	v44 =	vadd.s32 v58, v44  }
0x537: {  	vm11 =	vmand vm11, vm14;
	vm14 =	vlt.s32 v13, v8;
	v61 =	vadd.s32 v59, v44  }
0x538: {  	v9 =	vadd.s32 v31, v9;
	vm8 =	vmand vm8, vm14;
	vm0 =	vgt.s32 v61, v0  }
0x539: {  	vm5 =	vmor vm5, vm11;
	v10 =	vsel vm0, v29, v10;
	v11 =	vsel vm0, v11, v29  }
0x53a: {  	vm4 =	vmor vm4, vm8;
	v51 =	vsel vm5, $0x3F800000, v5;
	v29 =	vadd.s32 v11, v10  }
0x53b: {  	v55 =	vsel vm4, $0x3F800000, v5;
	vm0 =	vlt.s32 v33, v8;
	v63 =	vshrl.u32 v29, $0x1  }
0x53c: {  	vm9 =	vmand vm9, vm0;
	vm0 =	vlt.s32 v34, v8;
	vm14 =	vge.s32 v28, v63  }
0x53d: {  	vm10 =	vmand vm10, vm0;
	vm0 =	vge.s32 v26, v63;
	v33 =	vmpcnt.ones.xlane vm14  }
0x53e: {  	vm14 =	vlt.s32 v12, v8;
	v34 =	vmpcnt.ones.xlane vm0;
	vm0 =	vge.s32 v25, v63  }
0x53f: {  	vm13 =	vmand vm13, vm14;
	v35 =	vmpcnt.ones.xlane vm0;
	vm14 =	vge.s32 v24, v63  }
0x540: {  	vm15 =	vge.s32 v22, v63;
	v12 =	vadd.s32 v33, v34;
	v43 =	vmpcnt.ones.xlane vm14  }
0x541: {  	v44 =	vmpcnt.ones.xlane vm15;
	vm14 =	vge.s32 v21, v63;
	v12 =	vadd.s32 v35, v12  }
0x542: {  	vm15 =	vge.s32 v27, v63;
	v45 =	vmpcnt.ones.xlane vm14;
	v12 =	vadd.s32 v43, v12  }
0x543: {  	v46 =	vmpcnt.ones.xlane vm15;
	vm0 =	vge.s32 v23, v63;
	v12 =	vadd.s32 v44, v12  }
0x544: {  	v50 =	vld [tilespmem:$0x1FEF0];
	v14 =	vmul.f32 v51, v14;
	v47 =	vmpcnt.ones.xlane vm0;
	v12 =	vadd.s32 v45, v12  }
0x545: {  	vm6 =	vmor vm6, vm9;
	vm3 =	vmor vm3, vm10;
	v48 =	vadd.s32 v46, v12  }
0x546: {  	vm0 =	vlt.s32 v9, v8;
	vm14 =	vlt.s32 v30, v8;
	v8 =	vadd.s32 v47, v48  }
0x547: {  	v52 =	vsel vm6, $0x3F800000, v5;
	v61 =	vsel vm3, $0x3F800000, v5;
	vm11 =	vgt.s32 v8, v0  }
0x548: {  	[tilespmem:s14+$0x6070] =	vst v6;
	v6 =	vmul.f32 v52, v15;
	v8 =	vsel vm11, v63, v10;
	v49 =	vsel vm11, v11, v63  }
0x549: {  	vm2 =	vmor vm2, vm13;
	vm13 =	vnez.u8 v50;
	v9 =	vadd.s32 v49, v8  }
0x54a: {  	vm0 =	vmand vm7, vm0;
	vm12 =	vmand vm12, vm14;
	v9 =	vshrl.u32 v9, $0x1  }
0x54b: {  	vm0 =	vmor vm1, vm0;
	vm14 =	vge.s32 v28, v9;
	vm15 =	vge.s32 v26, v9  }
0x54c: {  	vm8 =	vge.s32 v25, v9;
	v53 =	vmpcnt.ones.xlane vm14;
	v54 =	vmpcnt.ones.xlane vm15  }
0x54d: {  	vm7 =	vmor vm13, vm12;
	vm9 =	vge.s32 v24, v9;
	v56 =	vmpcnt.ones.xlane vm8  }
0x54e: {  	vm10 =	vge.s32 v22, v9;
	v57 =	vmpcnt.ones.xlane vm9;
	v12 =	vadd.s32 v53, v54  }
0x54f: {  	vm11 =	vge.s32 v21, v9;
	v58 =	vmpcnt.ones.xlane vm10;
	v12 =	vadd.s32 v56, v12  }
0x550: {  	vm12 =	vge.s32 v27, v9;
	v59 =	vmpcnt.ones.xlane vm11;
	v12 =	vadd.s32 v57, v12  }
0x551: {  	vm13 =	vge.s32 v23, v9;
	v60 =	vmpcnt.ones.xlane vm12;
	v12 =	vadd.s32 v58, v12  }
0x552: {  	[tilespmem:s14+$0x4070] =	vst v7;
	v7 =	vsel vm0, $0x3F800000, v5;
	v62 =	vmpcnt.ones.xlane vm13;
	v12 =	vadd.s32 v59, v12  }
0x553: {  	v44 =	vmul.f32 v55, v16;
	v43 =	vsel vm7, $0x3F800000, v5;
	v12 =	vadd.s32 v60, v12  }
0x554: {  	v45 =	vmul.f32 v61, v17;
	v47 =	vmul.f32 v43, v19;
	v12 =	vadd.s32 v62, v12  }
0x555: {  	v48 =	vmul.f32 v7, v20;
	v63 =	vsel vm2, $0x3F800000, v5;
	vm14 =	vgt.s32 v12, v0  }
0x556: {  	[tilespmem:s14+$0x4000] =	vst v51;
	v46 =	vmul.f32 v63, v18;
	v49 =	vimm.s32 $0x0;
	v8 =	vsel vm14, v9, v8  }
0x557: {  	[tilespmem:s14+$0x4020] =	vst v55;
	vm1 =	vgt.s32 v21, v8;
	vm0 =	vgt.s32 v27, v8;
	vm14 =	vgt.s32 v23, v8  }
0x558: {  	[tilespmem:s14+$0x6000] =	vst v14;
	vm5 =	vgt.s32 v25, v8;
	vm4 =	vgt.s32 v24, v8;
	vm2 =	vgt.s32 v22, v8  }
0x559: {  	[tilespmem:s14+$0x4010] =	vst v52;
	vm6 =	vgt.s32 v28, v8;
	vm7 =	vgt.s32 v26, v8;
	vm8 =	veq.s32 v28, v8  }
0x55a: {  	[tilespmem:s14+$0x4030] =	vst v61;
	vm3 =	veq.s32 v27, v8;
	vm9 =	veq.s32 v26, v8;
	v50 =	vmpcnt.ones.xlane vm14  }
0x55b: {  	[tilespmem:s14+$0x4060] =	vst v7;
	vm10 =	veq.s32 v25, v8;
	v51 =	vmpcnt.ones.xlane vm3;
	v7 =	vmpcnt.ones.xlane vm1  }
0x55c: {  	[tilespmem:s14+$0x6010] =	vst v6;
	vm11 =	veq.s32 v24, v8;
	v52 =	vmpcnt.ones.xlane vm0;
	v53 =	vmpcnt.ones.xlane vm5  }
0x55d: {  	[tilespmem:s14+$0x4050] =	vst v43;
	vm15 =	veq.s32 v23, v8;
	v54 =	vmpcnt.ones.xlane vm2;
	v6 =	vmpcnt.ones.xlane vm6  }
0x55e: {  	[tilespmem:s14+$0x6020] =	vst v44;
	vm12 =	veq.s32 v22, v8;
	v55 =	vmpcnt.ones.xlane vm7;
	v20 =	vmpcnt.ones.xlane vm8  }
0x55f: {  	[tilespmem:s14+$0x6030] =	vst v45;
	vm13 =	veq.s32 v21, v8;
	v57 =	vmpcnt.ones.xlane vm9;
	v58 =	vmpcnt.ones.xlane vm4  }
0x560: {  	[tilespmem:s14+$0x6050] =	vst v47;
	v15 =	vsel vm0, $0xFFFFFFFF, v49;
	v59 =	vmpcnt.ones.xlane vm10;
	v61 =	vmpcnt.ones.xlane vm11  }
0x561: {  	[tilespmem:s14+$0x6060] =	vst v48;
	v56 =	vsel vm15, $0x1, v1;
	v62 =	vmpcnt.ones.xlane vm12;
	v24 =	vmpcnt.ones.xlane vm13  }
0x562: {  	v25 =	vsel vm9, $0x1, v1;
	v26 =	vsel vm10, $0x1, v1;
	v27 =	vsel vm15, $0xFFFFFFFF, v1;
	(xrf0) =	vadd.scan.msk.s32 $0xffff, v56  }
0x563: {  	[tilespmem:s14+$0x4040] =	vst v63;
	v29 =	vsel vm11, $0x1, v1;
	v32 =	vsel vm12, $0x1, v1;
	v6 =	vadd.s32 v55, v6  }
0x564: {  	v33 =	vsel vm13, $0x1, v1;
	v35 =	vsel vm3, $0x1, v1;
	(xrf0) =	vadd.scan.msk.s32 $0xffff, v25;
	v6 =	vadd.s32 v53, v6  }
0x565: {  	v43 =	vsel vm8, $0x1, v1;
	v60 =	vadd.s32 v20, v57;
	(xrf0) =	vadd.scan.msk.s32 $0xffff, v26;
	v6 =	vadd.s32 v58, v6  }
0x566: {  	v47 =	vsel vm9, $0xFFFFFFFF, v1;
	v8 =	vadd.s32 v60, v59;
	(xrf0) =	vadd.scan.msk.s32 $0xffff, v29;
	v6 =	vadd.s32 v54, v6  }
0x567: {  	v48 =	vsel vm10, $0xFFFFFFFF, v1;
	v63 =	vadd.s32 v8, v61;
	(xrf0) =	vadd.scan.msk.s32 $0xffff, v32;
	v6 =	vadd.s32 v7, v6  }
0x568: {  	v57 =	vsel vm3, $0xFFFFFFFF, v1;
	v7 =	vadd.s32 v63, v62;
	(xrf0) =	vadd.scan.msk.s32 $0xffff, v33;
	v28, _, _ =	vpop (xrf0);
	v6 =	vadd.s32 v52, v6  }
0x569: {  	[tilespmem:s14+$0x6040] =	vst v46;
	v30 =	vadd.s32 v7, v24;
	v52 =	vsel vm13, $0xFFFFFFFF, v1;
	v31 =	vadd.s32 v27, v28  }
0x56a: {  	(xrf0) =	vadd.scan.msk.s32 $0xffff, v35;
	v6 =	vadd.s32 v50, v6;
	v44, _, _ =	vpop (xrf0);
	v50 =	vsel vm11, $0xFFFFFFFF, v1;
	v12 =	vadd.s32 v30, v31  }
0x56b: {  	(xrf0) =	vadd.scan.msk.s32 $0xffff, v43;
	v6 =	vsub.s32 $0x59, v6;
	v45, _, _ =	vpop (xrf0);
	v12 =	vadd.s32 v51, v12;
	v51 =	vsel vm12, $0xFFFFFFFF, v1  }
0x56c: {  	[tilespmem:$0x1FF00] =	vst v15;
	v17, _, _ =	vpop (xrf0);
	v15 =	vadd.s32 v48, v45;
	vm0 =	vlt.s32 v12, v6;
	v12 =	vadd.s32 v47, v44  }
0x56d: {  	v34 =	vld [tilespmem:s15+$0x70];
	v49, _, _ =	vpop (xrf0);
	v17 =	vadd.s32 v50, v17;
	v10 =	vadd.s32 v60, v15;
	vm0 =	vmand vm15, vm0  }
0x56e: {  	v53, _, _ =	vpop (xrf0);
	v21 =	vadd.s32 v51, v49;
	v12 =	vadd.s32 v20, v12;
	v8 =	vadd.s32 v8, v17  }
0x56f: {  	vm0 =	vmor vm14, vm0;
	v56 =	vadd.s32 v52, v53;
	v11 =	vadd.s32 v63, v21  }
0x570: {  	v54, _, _ =	vpop (xrf0);
	vm14 =	vlt.s32 v12, v6;
	v46 =	vsel vm0, $0x3F800000, v5;
	v7 =	vadd.s32 v7, v56  }
0x571: {  	v55, _, _ =	vpop (xrf0);
	vm9 =	vmand vm9, vm14;
	vm14 =	vlt.s32 v8, v6;
	v8 =	vadd.s32 v57, v54  }
0x572: {  	v13 =	vmul.f32 v46, v34;
	v14 =	vsub.s32 v55, v43;
	vm11 =	vmand vm11, vm14  }
0x573: {  	v61 =	vld [tilespmem:$0x1FF00];
	vm14 =	vlt.s32 v7, v6;
	[tilespmem:s15+$0x4070] =	vst v46;
	vm15 =	vmor vm7, vm9;
	vm0 =	vlt.s32 v14, v6  }
0x574: {  	v58 =	vsel vm15, $0x3F800000, v5;
	vm4 =	vmor vm4, vm11;
	vm0 =	vmand vm8, vm0;
	[tilespmem:s15+$0x6070] =	vst v13  }
0x575: {  	vm8 =	vlt.s32 v10, v6;
	[tilespmem:s15+$0x4010] =	vst v58;
	v60 =	vsel vm4, $0x3F800000, v5;
	v10 =	vmul.f32 v58, v38  }
0x576: {  	v8 =	vadd.s32 v30, v8;
	vm8 =	vmand vm10, vm8;
	vm0 =	vmor vm6, vm0;
	[tilespmem:s15+$0x4030] =	vst v60  }
0x577: {  	vm10 =	vlt.s32 v11, v6;
	v9 =	vmul.f32 v60, v39;
	v7 =	vsel vm0, $0x3F800000, v5;
	[tilespmem:s15+$0x6010] =	vst v10  }
0x578: {  	vm15 =	vnez.u8 v61;
	vm10 =	vmand vm12, vm10;
	vm9 =	vmor vm5, vm8;
	[tilespmem:s15+$0x4000] =	vst v7  }
0x579: {  	vm12 =	vmand vm13, vm14;
	v59 =	vsel vm9, $0x3F800000, v5;
	vm13 =	vmor vm2, vm10;
	[tilespmem:s15+$0x6030] =	vst v9  }
0x57a: {  	vm14 =	vlt.s32 v8, v6;
	vm1 =	vmor vm1, vm12;
	[tilespmem:s15+$0x4020] =	vst v59;
	v6 =	vsel vm13, $0x3F800000, v5  }
0x57b: {  	vm2 =	vmand vm3, vm14;
	v7 =	vmul.f32 v7, v42;
	v62 =	vsel vm1, $0x3F800000, v5;
	[tilespmem:s15+$0x4040] =	vst v6  }
0x57c: {  	vm0 =	vmor vm15, vm2;
	[tilespmem:s15+$0x4050] =	vst v62  }
0x57d: {  	v63 =	vsel vm0, $0x3F800000, v5;
	[tilespmem:s15+$0x6000] =	vst v7;
	v7 =	vmul.f32 v59, v37  }
0x57e: {  	v6 =	vmul.f32 v6, v40;
	[tilespmem:s15+$0x4060] =	vst v63  }
0x57f: {  	[tilespmem:s15+$0x6020] =	vst v7;
	v7 =	vmul.f32 v62, v41  }
0x580: {  	[tilespmem:s15+$0x6040] =	vst v6;
	v6 =	vmul.f32 v63, v36  }
0x581: {  	[tilespmem:s15+$0x6050] =	vst v7  }
0x582: {  	[tilespmem:s15+$0x6060] =	vst v6  }
0x583: {  	[hbm4b:s5+s2] =	stream.linear.scatter [tilespmem:s10], [sflag:$0x1], $0x2000, $0x38;
	[tilespmem:$0x8000] =	vst v63  }
0x584: {  	s12 =	sadd.s32 $0x1, s12;
	_ =	swait.ge [sflag:s9], $0x2000  }
0x585: {  	p0 =	sne.s32 s12, s7;
	[sflag:s9] =	ssyncset.done $0x0  }
.Ltmp1:
0x586: {  	[sflag:s9] =	ssyncadd.s32 $0xFFFFE000;
	(pc) =	sbr.rel @p0 .LBB2_1-.Ltmp1, $4  }
0x587: {  	[hbm4b:s6+s2] =	stream.linear.scatter [tilespmem:s11], [sflag:$0x1], $0x2000, $0x38;
	[tilespmem:$0x8000] =	vst v63  }
0x588: {  	_ =	swait.ge [sflag:s9], $0x2000  }
0x589: {  	[sflag:s9] =	ssyncset.done $0x0  }
0x58a: {  	[sflag:s9] =	ssyncadd.s32 $0xFFFFE000  }
0x58b: {  	_ =	sfence.sel $0x180000  }
0x58c: {  	[bflag:$0x0] =	sbarrier.arrive $0xFFFF  }
0x58d: {  	p0 =	sne.s32 s1, $0x0;
	_ =	strace $0x90000047  }
0x58e: {  	s0 =	sadd.s32 @!p0 $0x100000, s0;
	[bflag:$0x2] =	sbarrier.arrive $0xFFFF  }
0x58f: {  	[sflag:s0] =	ssyncadd.tile.s32 @!p0 $0x1;
	_ =	shalt  }
.Lfunc_end2:
_tile_overlayer_lowered:
.L_overlay_start_2:
0x590: {  	(tag) =	ssettag $0x2  }
0x591: {  	s0 =	rddreg [dreg:$0x0];
	s2 =	stileid.u32  }
0x592: {  	s1 =	rddreg [dreg:$0x1];
	p0 =	sne.s32 s2, $0x0  }
0x593: {  	s3 =	rddreg [dreg:$0x2];
	[bflag:$0x3] =	sbarrier.arrive $0xFFFF;
	s2 =	simm.s32 @!p0 $0x1C01  }
0x594: {  	[timem:s3], [sflag:s2] =	dma.local @!p0 [hbm:s0], s1  }
0x595: {  	s0 =	simm.s32 @!p0 $0x1  }
0x596: {  	_ =	swait.ge @!p0 [sflag:s0], s1  }
0x597: {  	s1 =	ssub.s32 @!p0 $0x0, s1;
	[sflag:s0] =	ssyncset.done @!p0 $0x0  }
0x598: {  	[sflag:s0] =	ssyncadd.s32 @!p0 s1  }
0x599: {  	[bflag:$0x3] =	sbarrier.arrive $0xFFFF  }
0x59a: {  	_ =	shalt  }

</sc_bundles>
